<compile_context>
chip_gen: v7x
topology: tpu7x:2x2x1
jax: 0.10.2.dev20260603
libtpu: 0.0.44.dev20260713+nightly
codegen_flags: <defaults>
</compile_context>

<pallas_src>
import functools

import jax
import jax.numpy as jnp
from jax import lax
from jax.experimental import pallas as pl
from jax.experimental.pallas import tpu as pltpu
from jax.experimental.pallas import tpu_sc as plsc

_D = 32
_LANES = 16
_KB = 512


def kernel(x, table):
    B0, S = x.shape
    V, D = table.shape
    xP = x.T.reshape(S // 8, 8, B0 // 128, 128).transpose(0, 2, 1, 3)

    info = plsc.get_sparse_core_info()
    NC, NS = info.num_cores, info.num_subcores
    NW = NC * NS
    CH = B0 // NW
    NA = S // 8
    assert CH % 128 == 0 and S % 8 == 0

    mesh = plsc.VectorSubcoreMesh(core_axis_name="c", subcore_axis_name="s")

    @functools.partial(
        pl.kernel,
        mesh=mesh,
        out_type=jax.ShapeDtypeStruct((S, D, B0), jnp.float32),
        scratch_types=[
            pltpu.VMEM((4, 8, 128), jnp.int32),
            pltpu.VMEM((CH,), jnp.int32),
            pltpu.VMEM((CH,), jnp.int32),
            pltpu.VMEM((CH, _D), jnp.float32),
            pltpu.VMEM((CH, _D), jnp.float32),
            pltpu.VMEM((_D, CH + 1), jnp.float32),
            pltpu.VMEM((_D, CH + 1), jnp.float32),
            pltpu.SemaphoreType.DMA,
            pltpu.SemaphoreType.DMA,
            pltpu.SemaphoreType.DMA,
            pltpu.SemaphoreType.DMA,
        ],
        compiler_params=pltpu.CompilerParams(
            use_tc_tiling_on_sc=False, needs_layout_passes=False),
    )
    def emb(xp_hbm, st_hbm, out_hbm, xa_v, idx_v0, idx_v1,
            rows_v0, rows_v1, tr_v0, tr_v1,
            gsem0, gsem1, wsem0, wsem1):
        idxs = (idx_v0, idx_v1)
        rows = (rows_v0, rows_v1)
        trs = (tr_v0, tr_v1)
        gsems = (gsem0, gsem1)
        wsems = (wsem0, wsem1)
        sid = lax.axis_index("s")
        wid = sid * NC + lax.axis_index("c")
        ioff = wid * CH
        b0 = wid * (CH // 128)
        lane = lax.iota(jnp.int32, _LANES)
        hi = lane + _LANES

        def load_xa(a):
            pltpu.sync_copy(xp_hbm.at[a, pl.ds(b0, CH // 128)], xa_v)

        def prep(s8, b):
            @plsc.parallel_loop(0, CH // _LANES, unroll=4)
            def one(i):
                k = i // 8
                j = i % 8
                v = xa_v[k, s8, pl.ds(j * _LANES, _LANES)]
                ok = (v >= 0) & (v < V)
                idxs[b][pl.ds(i * _LANES, _LANES)] = jnp.where(ok, v, 0)

        def gather_start(b):
            pltpu.async_copy(st_hbm.at[idxs[b]], rows[b], gsems[b])

        def gather_wait(b):
            pltpu.make_async_copy(st_hbm.at[idxs[b]], rows[b],
                                  gsems[b]).wait()

        def transpose(b):
            @plsc.parallel_loop(0, CH, unroll=8)
            def one(j):
                col = jnp.full((_LANES,), j, jnp.int32)
                va = rows[b][j, pl.ds(0, _LANES)]
                vb = rows[b][j, pl.ds(_LANES, _LANES)]
                plsc.store_scatter(trs[b], [lane, col], va)
                plsc.store_scatter(trs[b], [hi, col], vb)

        def write_start(s, b):
            pltpu.async_copy(trs[b].at[:, pl.ds(0, CH)],
                             out_hbm.at[s, :, pl.ds(ioff, CH)], wsems[b])

        def write_wait(b):
            pltpu.make_async_copy(trs[b].at[:, pl.ds(0, CH)],
                                  out_hbm.at[0, :, pl.ds(ioff, CH)],
                                  wsems[b]).wait()

        def chunk(a, s8, b, w_ok):
            s = a * 8 + s8
            prep(s8, b)
            gather_start(b)
            gather_wait(1 - b)
            if w_ok:
                write_wait(1 - b)
            transpose(1 - b)
            write_start(s - 1, 1 - b)

        load_xa(0)
        prep(0, 0)
        gather_start(0)
        prep(1, 1)
        gather_start(1)
        gather_wait(0)
        transpose(0)
        write_start(0, 0)
        for s8 in range(2, 8):
            chunk(0, s8, s8 % 2, s8 >= 3)

        def ablock(a, carry):
            load_xa(a)
            for s8 in range(8):
                chunk(a, s8, s8 % 2, True)
            return carry

        lax.fori_loop(1, NA, ablock, 0)

        gather_wait(1)
        write_wait(1)
        transpose(1)
        write_start(S - 1, 1)
        write_wait(0)
        write_wait(1)

    out = emb(xP, table)
    return out.transpose(2, 0, 1)

# --- scband reference (transcript-rebuilt; emitter-appended) ---
"""Pipeline reference for scband-embedding-table-30958124269683 (READ-ONLY COPY).

The authoritative reference and input builder live on the scoring server;
editing this copy changes nothing except your own understanding.
"""

import jax, jax.numpy as jnp
import numpy as np

VOCAB = 1000000
D_MODEL = 32
UNK_IDX = 0


def setup_inputs(seed: int = 0) -> dict:
    key = jax.random.key(seed)
    k1, k2 = jax.random.split(key)
    x = jax.random.randint(k1, (16384, 200), 0, VOCAB, dtype=jnp.int64 if jax.config.jax_enable_x64 else jnp.int32)
    table = jax.random.normal(k2, (VOCAB, D_MODEL), dtype=jnp.float32)
    return {"x": x, "table": table}


def reference(x, table):
    # Replicate: invalid indices (out of range) are remapped to unk_idx=0
    invalid_mask = (x < 0) | (x >= table.shape[0])
    x_safe = jnp.where(invalid_mask, UNK_IDX, x)
    emb = jnp.take(table, x_safe, axis=0)
    return emb

if __name__ == "__main__":
    import jax
    _d = setup_inputs()
    print(jax.jit(kernel)(*tuple(_d.values())))

</pallas_src>

<mosaic_0001>
#map = affine_map<(d0, d1) -> (0, 0, 0, 0)>
#map1 = affine_map<(d0, d1) -> (0, 0)>
#map2 = affine_map<(d0, d1) -> (0, 0, 0)>
module attributes {stable_mosaic.version = 14 : i64} {
  func.func @emb(%arg0: i32, %arg1: i32, %arg2: memref<25x128x8x128xi32, #tpu.memory_space<hbm>>, %arg3: memref<1000000x32xf32, #tpu.memory_space<hbm>>, %arg4: memref<200x32x16384xf32, #tpu.memory_space<hbm>>, %arg5: memref<4x8x128xi32, #tpu.memory_space<vmem>>, %arg6: memref<512xi32, #tpu.memory_space<vmem>>, %arg7: memref<512xi32, #tpu.memory_space<vmem>>, %arg8: memref<512x32xf32, #tpu.memory_space<vmem>>, %arg9: memref<512x32xf32, #tpu.memory_space<vmem>>, %arg10: memref<32x513xf32, #tpu.memory_space<vmem>>, %arg11: memref<32x513xf32, #tpu.memory_space<vmem>>, %arg12: memref<!tpu.dma_semaphore, #tpu.memory_space<semaphore_mem>>, %arg13: memref<!tpu.dma_semaphore, #tpu.memory_space<semaphore_mem>>, %arg14: memref<!tpu.dma_semaphore, #tpu.memory_space<semaphore_mem>>, %arg15: memref<!tpu.dma_semaphore, #tpu.memory_space<semaphore_mem>>) attributes {dimension_semantics = [#tpu.dimension_semantics<core_parallel>, #tpu.dimension_semantics<subcore_parallel>], iteration_bounds = array<i64: 2, 16>, scalar_prefetch = 0 : i64, scratch_operands = 11 : i64, tpu.core_type = #tpu.core_type<sc_vector_subcore>, window_params = [{transform_indices = #map}, {transform_indices = #map1}, {transform_indices = #map2}]} {
    %mul3A = arith.constant 2 : i32
    %mul3A_0 = arith.muli %arg1, %mul3A : i32
    %add3A = arith.addi %mul3A_0, %arg0 : i32
    %mul3A_1 = arith.constant 512 : i32
    %mul3A_2 = arith.muli %add3A, %mul3A_1 : i32
    %mul3A_3 = arith.constant 4 : i32
    %mul3A_4 = arith.muli %add3A, %mul3A_3 : i32
    %iota3A = tpu.iota {dimensions = array<i32: 0>} : vector<16xi32>
    %add3A_5 = arith.constant 16 : i32
    %add3A_6 = vector.broadcast %add3A_5 : i32 to vector<16xi32>
    %add3A_7 = arith.addi %iota3A, %add3A_6 : vector<16xi32>
    %run_scoped3A = arith.constant 0 : i32
    "tpu.region"() ({
      %run_scoped3A_314 = tpu.sem_alloc : memref<!tpu.dma_semaphore, #tpu.memory_space<semaphore_mem>>
      %dma_start3A_315 = arith.constant 0 : i32
      %dma_start3A_316 = arith.constant 0 : i32
      %dma_start3A_317 = tpu.memref_slice %arg2[%run_scoped3A, %mul3A_4, %dma_start3A_315, %dma_start3A_316] : memref<25x128x8x128xi32, #tpu.memory_space<hbm>> -> memref<1x4x8x128xi32, #tpu.memory_space<hbm>>
      %dma_start3A_318 = tpu.memref_squeeze %dma_start3A_317 : memref<1x4x8x128xi32, #tpu.memory_space<hbm>> -> memref<4x8x128xi32, #tpu.memory_space<hbm>>
      %dma_start3A_319 = arith.constant 0 : i32
      %dma_start3A_320 = arith.constant 0 : i32
      %dma_start3A_321 = tpu.memref_slice %arg2[%run_scoped3A, %mul3A_4, %dma_start3A_319, %dma_start3A_320] : memref<25x128x8x128xi32, #tpu.memory_space<hbm>> -> memref<1x4x8x128xi32, #tpu.memory_space<hbm>>
      %dma_start3A_322 = tpu.memref_squeeze %dma_start3A_321 : memref<1x4x8x128xi32, #tpu.memory_space<hbm>> -> memref<4x8x128xi32, #tpu.memory_space<hbm>>
      tpu.enqueue_dma source(%dma_start3A_322 : memref<4x8x128xi32, #tpu.memory_space<hbm>>) target(%arg5 : memref<4x8x128xi32, #tpu.memory_space<vmem>>) target_semaphore(%run_scoped3A_314 : memref<!tpu.dma_semaphore, #tpu.memory_space<semaphore_mem>>)
      %dma_wait3A_323 = arith.constant 0 : i32
      %dma_wait3A_324 = arith.constant 0 : i32
      %dma_wait3A_325 = tpu.memref_slice %arg2[%run_scoped3A, %mul3A_4, %dma_wait3A_323, %dma_wait3A_324] : memref<25x128x8x128xi32, #tpu.memory_space<hbm>> -> memref<1x4x8x128xi32, #tpu.memory_space<hbm>>
      %dma_wait3A_326 = tpu.memref_squeeze %dma_wait3A_325 : memref<1x4x8x128xi32, #tpu.memory_space<hbm>> -> memref<4x8x128xi32, #tpu.memory_space<hbm>>
      %dma_wait3A_327 = arith.constant 0 : i32
      %dma_wait3A_328 = arith.constant 0 : i32
      %dma_wait3A_329 = tpu.memref_slice %arg2[%run_scoped3A, %mul3A_4, %dma_wait3A_327, %dma_wait3A_328] : memref<25x128x8x128xi32, #tpu.memory_space<hbm>> -> memref<1x4x8x128xi32, #tpu.memory_space<hbm>>
      %dma_wait3A_330 = tpu.memref_squeeze %dma_wait3A_329 : memref<1x4x8x128xi32, #tpu.memory_space<hbm>> -> memref<4x8x128xi32, #tpu.memory_space<hbm>>
      tpu.wait_dma2 semaphore(%run_scoped3A_314 : memref<!tpu.dma_semaphore, #tpu.memory_space<semaphore_mem>>) src(%dma_wait3A_330 : memref<4x8x128xi32, #tpu.memory_space<hbm>>) dst(%arg5 : memref<4x8x128xi32, #tpu.memory_space<vmem>>)
      tpu.yield
    }) : () -> ()
    %parallel_loop3A = arith.constant 0 : i32
    %parallel_loop3A_8 = arith.constant 32 : i32
    %parallel_loop3A_9 = arith.constant 1 : i32
    scf.for %parallel_loop3A_314 = %parallel_loop3A to %parallel_loop3A_8 step %parallel_loop3A_9  : i32 {
      %parallel_loop3A_315 = arith.constant 8 : i32
      %parallel_loop3A_316 = arith.divsi %parallel_loop3A_314, %parallel_loop3A_315 : i32
      %parallel_loop3A_317 = arith.constant 0 : i32
      %parallel_loop3A_318 = arith.cmpi sgt, %parallel_loop3A_314, %parallel_loop3A_317 : i32
      %parallel_loop3A_319 = arith.extui %parallel_loop3A_318 : i1 to i32
      %parallel_loop3A_320 = arith.constant 0 : i32
      %parallel_loop3A_321 = arith.cmpi slt, %parallel_loop3A_314, %parallel_loop3A_320 : i32
      %parallel_loop3A_322 = arith.extui %parallel_loop3A_321 : i1 to i32
      %parallel_loop3A_323 = arith.subi %parallel_loop3A_319, %parallel_loop3A_322 : i32
      %parallel_loop3A_324 = arith.constant 0 : i32
      %parallel_loop3A_325 = arith.cmpi sgt, %parallel_loop3A_315, %parallel_loop3A_324 : i32
      %parallel_loop3A_326 = arith.extui %parallel_loop3A_325 : i1 to i32
      %parallel_loop3A_327 = arith.constant 0 : i32
      %parallel_loop3A_328 = arith.cmpi slt, %parallel_loop3A_315, %parallel_loop3A_327 : i32
      %parallel_loop3A_329 = arith.extui %parallel_loop3A_328 : i1 to i32
      %parallel_loop3A_330 = arith.subi %parallel_loop3A_326, %parallel_loop3A_329 : i32
      %parallel_loop3A_331 = arith.cmpi ne, %parallel_loop3A_323, %parallel_loop3A_330 : i32
      %parallel_loop3A_332 = arith.remsi %parallel_loop3A_314, %parallel_loop3A_315 : i32
      %parallel_loop3A_333 = arith.constant 0 : i32
      %parallel_loop3A_334 = arith.cmpi ne, %parallel_loop3A_332, %parallel_loop3A_333 : i32
      %parallel_loop3A_335 = arith.andi %parallel_loop3A_331, %parallel_loop3A_334 : i1
      %parallel_loop3A_336 = arith.constant 1 : i32
      %parallel_loop3A_337 = arith.subi %parallel_loop3A_316, %parallel_loop3A_336 : i32
      %parallel_loop3A_338 = arith.select %parallel_loop3A_335, %parallel_loop3A_337, %parallel_loop3A_316 : i32
      %parallel_loop3A_339 = arith.constant 8 : i32
      %parallel_loop3A_340 = arith.constant 0 : i32
      %parallel_loop3A_341 = arith.cmpi eq, %parallel_loop3A_339, %parallel_loop3A_340 : i32
      %parallel_loop3A_342 = arith.constant 1 : i32
      %parallel_loop3A_343 = arith.select %parallel_loop3A_341, %parallel_loop3A_342, %parallel_loop3A_339 : i32
      %parallel_loop3A_344 = arith.remsi %parallel_loop3A_314, %parallel_loop3A_343 : i32
      %parallel_loop3A_345 = arith.constant 0 : i32
      %parallel_loop3A_346 = arith.cmpi ne, %parallel_loop3A_344, %parallel_loop3A_345 : i32
      %parallel_loop3A_347 = arith.constant 0 : i32
      %parallel_loop3A_348 = arith.cmpi slt, %parallel_loop3A_344, %parallel_loop3A_347 : i32
      %parallel_loop3A_349 = arith.constant 0 : i32
      %parallel_loop3A_350 = arith.cmpi slt, %parallel_loop3A_343, %parallel_loop3A_349 : i32
      %parallel_loop3A_351 = arith.xori %parallel_loop3A_348, %parallel_loop3A_350 : i1
      %parallel_loop3A_352 = arith.andi %parallel_loop3A_351, %parallel_loop3A_346 : i1
      %parallel_loop3A_353 = arith.addi %parallel_loop3A_344, %parallel_loop3A_343 : i32
      %parallel_loop3A_354 = arith.select %parallel_loop3A_352, %parallel_loop3A_353, %parallel_loop3A_344 : i32
      %parallel_loop3A_355 = arith.constant 16 : i32
      %parallel_loop3A_356 = arith.muli %parallel_loop3A_354, %parallel_loop3A_355 : i32
      %parallel_loop3A_357 = arith.constant 0 : i32
      %parallel_loop3A_358 = arith.index_cast %parallel_loop3A_338 : i32 to index
      %parallel_loop3A_359 = arith.index_cast %parallel_loop3A_357 : i32 to index
      %parallel_loop3A_360 = arith.index_cast %parallel_loop3A_356 : i32 to index
      %parallel_loop3A_361 = tpu.vector_load %arg5[%parallel_loop3A_358, %parallel_loop3A_359, %parallel_loop3A_360] {strides = array<i32>} : memref<4x8x128xi32, #tpu.memory_space<vmem>>, vector<16xi32>,
      %parallel_loop3A_362 = arith.constant 0 : i32
      %parallel_loop3A_363 = vector.broadcast %parallel_loop3A_362 : i32 to vector<16xi32>
      %parallel_loop3A_364 = arith.cmpi sge, %parallel_loop3A_361, %parallel_loop3A_363 : vector<16xi32>
      %parallel_loop3A_365 = arith.constant 1000000 : i32
      %parallel_loop3A_366 = vector.broadcast %parallel_loop3A_365 : i32 to vector<16xi32>
      %parallel_loop3A_367 = arith.cmpi slt, %parallel_loop3A_361, %parallel_loop3A_366 : vector<16xi32>
      %parallel_loop3A_368 = arith.andi %parallel_loop3A_364, %parallel_loop3A_367 : vector<16xi1>
      %parallel_loop3A_369 = arith.constant 0 : i32
      %parallel_loop3A_370 = vector.broadcast %parallel_loop3A_369 : i32 to vector<16xi32>
      %parallel_loop3A_371 = arith.select %parallel_loop3A_368, %parallel_loop3A_361, %parallel_loop3A_370 : vector<16xi1>, vector<16xi32>
      %parallel_loop3A_372 = arith.constant 16 : i32
      %parallel_loop3A_373 = arith.muli %parallel_loop3A_314, %parallel_loop3A_372 : i32
      %parallel_loop3A_374 = arith.index_cast %parallel_loop3A_373 : i32 to index
      %parallel_loop3A_375 = tpu.vector_load %arg6[%parallel_loop3A_374] {strides = array<i32>} : memref<512xi32, #tpu.memory_space<vmem>>, vector<16xi32>,
      tpu.vector_store %arg6[%parallel_loop3A_374], %parallel_loop3A_371 {strides = array<i32>} : memref<512xi32, #tpu.memory_space<vmem>>, vector<16xi32>,
    } {sc.loop_unroll_factor = 4 : i64, sc.parallel_access}
    %dma_start3A = arith.constant 0 : i32
    %dma_start3A_10 = arith.constant 0 : i32
    %dma_start3A_11 = tpu.memref_slice %arg3[%dma_start3A, %dma_start3A_10] : memref<1000000x32xf32, #tpu.memory_space<hbm>> -> memref<1000000x32xf32, #tpu.memory_space<hbm>>
    tpu.enqueue_indirect_dma source(%dma_start3A_11 : memref<1000000x32xf32, #tpu.memory_space<hbm>>) target(%arg8 : memref<512x32xf32, #tpu.memory_space<vmem>>) offsets(%arg6 : memref<512xi32, #tpu.memory_space<vmem>>) semaphore(%arg12 : memref<!tpu.dma_semaphore, #tpu.memory_space<semaphore_mem>>)
    %parallel_loop3A_12 = arith.constant 0 : i32
    %parallel_loop3A_13 = arith.constant 32 : i32
    %parallel_loop3A_14 = arith.constant 1 : i32
    scf.for %parallel_loop3A_314 = %parallel_loop3A_12 to %parallel_loop3A_13 step %parallel_loop3A_14  : i32 {
      %parallel_loop3A_315 = arith.constant 8 : i32
      %parallel_loop3A_316 = arith.divsi %parallel_loop3A_314, %parallel_loop3A_315 : i32
      %parallel_loop3A_317 = arith.constant 0 : i32
      %parallel_loop3A_318 = arith.cmpi sgt, %parallel_loop3A_314, %parallel_loop3A_317 : i32
      %parallel_loop3A_319 = arith.extui %parallel_loop3A_318 : i1 to i32
      %parallel_loop3A_320 = arith.constant 0 : i32
      %parallel_loop3A_321 = arith.cmpi slt, %parallel_loop3A_314, %parallel_loop3A_320 : i32
      %parallel_loop3A_322 = arith.extui %parallel_loop3A_321 : i1 to i32
      %parallel_loop3A_323 = arith.subi %parallel_loop3A_319, %parallel_loop3A_322 : i32
      %parallel_loop3A_324 = arith.constant 0 : i32
      %parallel_loop3A_325 = arith.cmpi sgt, %parallel_loop3A_315, %parallel_loop3A_324 : i32
      %parallel_loop3A_326 = arith.extui %parallel_loop3A_325 : i1 to i32
      %parallel_loop3A_327 = arith.constant 0 : i32
      %parallel_loop3A_328 = arith.cmpi slt, %parallel_loop3A_315, %parallel_loop3A_327 : i32
      %parallel_loop3A_329 = arith.extui %parallel_loop3A_328 : i1 to i32
      %parallel_loop3A_330 = arith.subi %parallel_loop3A_326, %parallel_loop3A_329 : i32
      %parallel_loop3A_331 = arith.cmpi ne, %parallel_loop3A_323, %parallel_loop3A_330 : i32
      %parallel_loop3A_332 = arith.remsi %parallel_loop3A_314, %parallel_loop3A_315 : i32
      %parallel_loop3A_333 = arith.constant 0 : i32
      %parallel_loop3A_334 = arith.cmpi ne, %parallel_loop3A_332, %parallel_loop3A_333 : i32
      %parallel_loop3A_335 = arith.andi %parallel_loop3A_331, %parallel_loop3A_334 : i1
      %parallel_loop3A_336 = arith.constant 1 : i32
      %parallel_loop3A_337 = arith.subi %parallel_loop3A_316, %parallel_loop3A_336 : i32
      %parallel_loop3A_338 = arith.select %parallel_loop3A_335, %parallel_loop3A_337, %parallel_loop3A_316 : i32
      %parallel_loop3A_339 = arith.constant 8 : i32
      %parallel_loop3A_340 = arith.constant 0 : i32
      %parallel_loop3A_341 = arith.cmpi eq, %parallel_loop3A_339, %parallel_loop3A_340 : i32
      %parallel_loop3A_342 = arith.constant 1 : i32
      %parallel_loop3A_343 = arith.select %parallel_loop3A_341, %parallel_loop3A_342, %parallel_loop3A_339 : i32
      %parallel_loop3A_344 = arith.remsi %parallel_loop3A_314, %parallel_loop3A_343 : i32
      %parallel_loop3A_345 = arith.constant 0 : i32
      %parallel_loop3A_346 = arith.cmpi ne, %parallel_loop3A_344, %parallel_loop3A_345 : i32
      %parallel_loop3A_347 = arith.constant 0 : i32
      %parallel_loop3A_348 = arith.cmpi slt, %parallel_loop3A_344, %parallel_loop3A_347 : i32
      %parallel_loop3A_349 = arith.constant 0 : i32
      %parallel_loop3A_350 = arith.cmpi slt, %parallel_loop3A_343, %parallel_loop3A_349 : i32
      %parallel_loop3A_351 = arith.xori %parallel_loop3A_348, %parallel_loop3A_350 : i1
      %parallel_loop3A_352 = arith.andi %parallel_loop3A_351, %parallel_loop3A_346 : i1
      %parallel_loop3A_353 = arith.addi %parallel_loop3A_344, %parallel_loop3A_343 : i32
      %parallel_loop3A_354 = arith.select %parallel_loop3A_352, %parallel_loop3A_353, %parallel_loop3A_344 : i32
      %parallel_loop3A_355 = arith.constant 16 : i32
      %parallel_loop3A_356 = arith.muli %parallel_loop3A_354, %parallel_loop3A_355 : i32
      %parallel_loop3A_357 = arith.constant 1 : i32
      %parallel_loop3A_358 = arith.index_cast %parallel_loop3A_338 : i32 to index
      %parallel_loop3A_359 = arith.index_cast %parallel_loop3A_357 : i32 to index
      %parallel_loop3A_360 = arith.index_cast %parallel_loop3A_356 : i32 to index
      %parallel_loop3A_361 = tpu.vector_load %arg5[%parallel_loop3A_358, %parallel_loop3A_359, %parallel_loop3A_360] {strides = array<i32>} : memref<4x8x128xi32, #tpu.memory_space<vmem>>, vector<16xi32>,
      %parallel_loop3A_362 = arith.constant 0 : i32
      %parallel_loop3A_363 = vector.broadcast %parallel_loop3A_362 : i32 to vector<16xi32>
      %parallel_loop3A_364 = arith.cmpi sge, %parallel_loop3A_361, %parallel_loop3A_363 : vector<16xi32>
      %parallel_loop3A_365 = arith.constant 1000000 : i32
      %parallel_loop3A_366 = vector.broadcast %parallel_loop3A_365 : i32 to vector<16xi32>
      %parallel_loop3A_367 = arith.cmpi slt, %parallel_loop3A_361, %parallel_loop3A_366 : vector<16xi32>
      %parallel_loop3A_368 = arith.andi %parallel_loop3A_364, %parallel_loop3A_367 : vector<16xi1>
      %parallel_loop3A_369 = arith.constant 0 : i32
      %parallel_loop3A_370 = vector.broadcast %parallel_loop3A_369 : i32 to vector<16xi32>
      %parallel_loop3A_371 = arith.select %parallel_loop3A_368, %parallel_loop3A_361, %parallel_loop3A_370 : vector<16xi1>, vector<16xi32>
      %parallel_loop3A_372 = arith.constant 16 : i32
      %parallel_loop3A_373 = arith.muli %parallel_loop3A_314, %parallel_loop3A_372 : i32
      %parallel_loop3A_374 = arith.index_cast %parallel_loop3A_373 : i32 to index
      %parallel_loop3A_375 = tpu.vector_load %arg7[%parallel_loop3A_374] {strides = array<i32>} : memref<512xi32, #tpu.memory_space<vmem>>, vector<16xi32>,
      tpu.vector_store %arg7[%parallel_loop3A_374], %parallel_loop3A_371 {strides = array<i32>} : memref<512xi32, #tpu.memory_space<vmem>>, vector<16xi32>,
    } {sc.loop_unroll_factor = 4 : i64, sc.parallel_access}
    %dma_start3A_15 = arith.constant 0 : i32
    %dma_start3A_16 = arith.constant 0 : i32
    %dma_start3A_17 = tpu.memref_slice %arg3[%dma_start3A_15, %dma_start3A_16] : memref<1000000x32xf32, #tpu.memory_space<hbm>> -> memref<1000000x32xf32, #tpu.memory_space<hbm>>
    tpu.enqueue_indirect_dma source(%dma_start3A_17 : memref<1000000x32xf32, #tpu.memory_space<hbm>>) target(%arg9 : memref<512x32xf32, #tpu.memory_space<vmem>>) offsets(%arg7 : memref<512xi32, #tpu.memory_space<vmem>>) semaphore(%arg13 : memref<!tpu.dma_semaphore, #tpu.memory_space<semaphore_mem>>)
    %dma_wait3A = arith.constant 0 : i32
    %dma_wait3A_18 = arith.constant 0 : i32
    %dma_wait3A_19 = tpu.memref_slice %arg3[%dma_wait3A, %dma_wait3A_18] : memref<1000000x32xf32, #tpu.memory_space<hbm>> -> memref<1000000x32xf32, #tpu.memory_space<hbm>>
    tpu.wait_indirect_dma semaphore(%arg12 : memref<!tpu.dma_semaphore, #tpu.memory_space<semaphore_mem>>) src(%dma_wait3A_19 : memref<1000000x32xf32, #tpu.memory_space<hbm>>) dst(%arg8 : memref<512x32xf32, #tpu.memory_space<vmem>>)
    %parallel_loop3A_20 = arith.constant 0 : i32
    %parallel_loop3A_21 = arith.constant 512 : i32
    %parallel_loop3A_22 = arith.constant 1 : i32
    scf.for %parallel_loop3A_314 = %parallel_loop3A_20 to %parallel_loop3A_21 step %parallel_loop3A_22  : i32 {
      %parallel_loop3A_315 = vector.broadcast %parallel_loop3A_314 : i32 to vector<16xi32>
      %parallel_loop3A_316 = arith.index_cast %parallel_loop3A_314 : i32 to index
      %parallel_loop3A_317 = arith.constant 0 : index
      %parallel_loop3A_318 = tpu.vector_load %arg8[%parallel_loop3A_316, %parallel_loop3A_317] {strides = array<i32>} : memref<512x32xf32, #tpu.memory_space<vmem>>, vector<16xf32>,
      %parallel_loop3A_319 = arith.index_cast %parallel_loop3A_314 : i32 to index
      %parallel_loop3A_320 = arith.constant 16 : index
      %parallel_loop3A_321 = tpu.vector_load %arg8[%parallel_loop3A_319, %parallel_loop3A_320] {strides = array<i32>} : memref<512x32xf32, #tpu.memory_space<vmem>>, vector<16xf32>,
      tpu.vector_store_idx %arg10[%iota3A, %parallel_loop3A_315], %parallel_loop3A_318 : memref<32x513xf32, #tpu.memory_space<vmem>>[vector<16xi32>, vector<16xi32>], vector<16xf32>,
      tpu.vector_store_idx %arg10[%add3A_7, %parallel_loop3A_315], %parallel_loop3A_321 : memref<32x513xf32, #tpu.memory_space<vmem>>[vector<16xi32>, vector<16xi32>], vector<16xf32>,
    } {sc.loop_unroll_factor = 8 : i64, sc.parallel_access}
    %dma_start3A_23 = arith.constant 0 : i32
    %dma_start3A_24 = arith.constant 0 : i32
    %dma_start3A_25 = arith.constant 0 : i32
    %dma_start3A_26 = tpu.memref_slice %arg10[%dma_start3A_24, %dma_start3A_25] : memref<32x513xf32, #tpu.memory_space<vmem>> -> memref<32x512xf32, #tpu.memory_space<vmem>>
    %dma_start3A_27 = arith.constant 0 : i32
    %dma_start3A_28 = tpu.memref_slice %arg4[%dma_start3A_23, %dma_start3A_27, %mul3A_2] : memref<200x32x16384xf32, #tpu.memory_space<hbm>> -> memref<1x32x512xf32, #tpu.memory_space<hbm>>
    %dma_start3A_29 = tpu.memref_squeeze %dma_start3A_28 : memref<1x32x512xf32, #tpu.memory_space<hbm>> -> memref<32x512xf32, #tpu.memory_space<hbm>>
    %dma_start3A_30 = arith.constant 0 : i32
    %dma_start3A_31 = tpu.memref_slice %arg4[%dma_start3A_23, %dma_start3A_30, %mul3A_2] : memref<200x32x16384xf32, #tpu.memory_space<hbm>> -> memref<1x32x512xf32, #tpu.memory_space<hbm>>
    %dma_start3A_32 = tpu.memref_squeeze %dma_start3A_31 : memref<1x32x512xf32, #tpu.memory_space<hbm>> -> memref<32x512xf32, #tpu.memory_space<hbm>>
    %dma_start3A_33 = arith.constant 0 : i32
    %dma_start3A_34 = arith.constant 0 : i32
    %dma_start3A_35 = tpu.memref_slice %arg10[%dma_start3A_33, %dma_start3A_34] : memref<32x513xf32, #tpu.memory_space<vmem>> -> memref<32x512xf32, #tpu.memory_space<vmem>>
    tpu.enqueue_dma source(%dma_start3A_35 : memref<32x512xf32, #tpu.memory_space<vmem>>) target(%dma_start3A_32 : memref<32x512xf32, #tpu.memory_space<hbm>>) target_semaphore(%arg14 : memref<!tpu.dma_semaphore, #tpu.memory_space<semaphore_mem>>)
    %parallel_loop3A_36 = arith.constant 0 : i32
    %parallel_loop3A_37 = arith.constant 32 : i32
    %parallel_loop3A_38 = arith.constant 1 : i32
    scf.for %parallel_loop3A_314 = %parallel_loop3A_36 to %parallel_loop3A_37 step %parallel_loop3A_38  : i32 {
      %parallel_loop3A_315 = arith.constant 8 : i32
      %parallel_loop3A_316 = arith.divsi %parallel_loop3A_314, %parallel_loop3A_315 : i32
      %parallel_loop3A_317 = arith.constant 0 : i32
      %parallel_loop3A_318 = arith.cmpi sgt, %parallel_loop3A_314, %parallel_loop3A_317 : i32
      %parallel_loop3A_319 = arith.extui %parallel_loop3A_318 : i1 to i32
      %parallel_loop3A_320 = arith.constant 0 : i32
      %parallel_loop3A_321 = arith.cmpi slt, %parallel_loop3A_314, %parallel_loop3A_320 : i32
      %parallel_loop3A_322 = arith.extui %parallel_loop3A_321 : i1 to i32
      %parallel_loop3A_323 = arith.subi %parallel_loop3A_319, %parallel_loop3A_322 : i32
      %parallel_loop3A_324 = arith.constant 0 : i32
      %parallel_loop3A_325 = arith.cmpi sgt, %parallel_loop3A_315, %parallel_loop3A_324 : i32
      %parallel_loop3A_326 = arith.extui %parallel_loop3A_325 : i1 to i32
      %parallel_loop3A_327 = arith.constant 0 : i32
      %parallel_loop3A_328 = arith.cmpi slt, %parallel_loop3A_315, %parallel_loop3A_327 : i32
      %parallel_loop3A_329 = arith.extui %parallel_loop3A_328 : i1 to i32
      %parallel_loop3A_330 = arith.subi %parallel_loop3A_326, %parallel_loop3A_329 : i32
      %parallel_loop3A_331 = arith.cmpi ne, %parallel_loop3A_323, %parallel_loop3A_330 : i32
      %parallel_loop3A_332 = arith.remsi %parallel_loop3A_314, %parallel_loop3A_315 : i32
      %parallel_loop3A_333 = arith.constant 0 : i32
      %parallel_loop3A_334 = arith.cmpi ne, %parallel_loop3A_332, %parallel_loop3A_333 : i32
      %parallel_loop3A_335 = arith.andi %parallel_loop3A_331, %parallel_loop3A_334 : i1
      %parallel_loop3A_336 = arith.constant 1 : i32
      %parallel_loop3A_337 = arith.subi %parallel_loop3A_316, %parallel_loop3A_336 : i32
      %parallel_loop3A_338 = arith.select %parallel_loop3A_335, %parallel_loop3A_337, %parallel_loop3A_316 : i32
      %parallel_loop3A_339 = arith.constant 8 : i32
      %parallel_loop3A_340 = arith.constant 0 : i32
      %parallel_loop3A_341 = arith.cmpi eq, %parallel_loop3A_339, %parallel_loop3A_340 : i32
      %parallel_loop3A_342 = arith.constant 1 : i32
      %parallel_loop3A_343 = arith.select %parallel_loop3A_341, %parallel_loop3A_342, %parallel_loop3A_339 : i32
      %parallel_loop3A_344 = arith.remsi %parallel_loop3A_314, %parallel_loop3A_343 : i32
      %parallel_loop3A_345 = arith.constant 0 : i32
      %parallel_loop3A_346 = arith.cmpi ne, %parallel_loop3A_344, %parallel_loop3A_345 : i32
      %parallel_loop3A_347 = arith.constant 0 : i32
      %parallel_loop3A_348 = arith.cmpi slt, %parallel_loop3A_344, %parallel_loop3A_347 : i32
      %parallel_loop3A_349 = arith.constant 0 : i32
      %parallel_loop3A_350 = arith.cmpi slt, %parallel_loop3A_343, %parallel_loop3A_349 : i32
      %parallel_loop3A_351 = arith.xori %parallel_loop3A_348, %parallel_loop3A_350 : i1
      %parallel_loop3A_352 = arith.andi %parallel_loop3A_351, %parallel_loop3A_346 : i1
      %parallel_loop3A_353 = arith.addi %parallel_loop3A_344, %parallel_loop3A_343 : i32
      %parallel_loop3A_354 = arith.select %parallel_loop3A_352, %parallel_loop3A_353, %parallel_loop3A_344 : i32
      %parallel_loop3A_355 = arith.constant 16 : i32
      %parallel_loop3A_356 = arith.muli %parallel_loop3A_354, %parallel_loop3A_355 : i32
      %parallel_loop3A_357 = arith.constant 2 : i32
      %parallel_loop3A_358 = arith.index_cast %parallel_loop3A_338 : i32 to index
      %parallel_loop3A_359 = arith.index_cast %parallel_loop3A_357 : i32 to index
      %parallel_loop3A_360 = arith.index_cast %parallel_loop3A_356 : i32 to index
      %parallel_loop3A_361 = tpu.vector_load %arg5[%parallel_loop3A_358, %parallel_loop3A_359, %parallel_loop3A_360] {strides = array<i32>} : memref<4x8x128xi32, #tpu.memory_space<vmem>>, vector<16xi32>,
      %parallel_loop3A_362 = arith.constant 0 : i32
      %parallel_loop3A_363 = vector.broadcast %parallel_loop3A_362 : i32 to vector<16xi32>
      %parallel_loop3A_364 = arith.cmpi sge, %parallel_loop3A_361, %parallel_loop3A_363 : vector<16xi32>
      %parallel_loop3A_365 = arith.constant 1000000 : i32
      %parallel_loop3A_366 = vector.broadcast %parallel_loop3A_365 : i32 to vector<16xi32>
      %parallel_loop3A_367 = arith.cmpi slt, %parallel_loop3A_361, %parallel_loop3A_366 : vector<16xi32>
      %parallel_loop3A_368 = arith.andi %parallel_loop3A_364, %parallel_loop3A_367 : vector<16xi1>
      %parallel_loop3A_369 = arith.constant 0 : i32
      %parallel_loop3A_370 = vector.broadcast %parallel_loop3A_369 : i32 to vector<16xi32>
      %parallel_loop3A_371 = arith.select %parallel_loop3A_368, %parallel_loop3A_361, %parallel_loop3A_370 : vector<16xi1>, vector<16xi32>
      %parallel_loop3A_372 = arith.constant 16 : i32
      %parallel_loop3A_373 = arith.muli %parallel_loop3A_314, %parallel_loop3A_372 : i32
      %parallel_loop3A_374 = arith.index_cast %parallel_loop3A_373 : i32 to index
      %parallel_loop3A_375 = tpu.vector_load %arg6[%parallel_loop3A_374] {strides = array<i32>} : memref<512xi32, #tpu.memory_space<vmem>>, vector<16xi32>,
      tpu.vector_store %arg6[%parallel_loop3A_374], %parallel_loop3A_371 {strides = array<i32>} : memref<512xi32, #tpu.memory_space<vmem>>, vector<16xi32>,
    } {sc.loop_unroll_factor = 4 : i64, sc.parallel_access}
    %dma_start3A_39 = arith.constant 0 : i32
    %dma_start3A_40 = arith.constant 0 : i32
    %dma_start3A_41 = tpu.memref_slice %arg3[%dma_start3A_39, %dma_start3A_40] : memref<1000000x32xf32, #tpu.memory_space<hbm>> -> memref<1000000x32xf32, #tpu.memory_space<hbm>>
    tpu.enqueue_indirect_dma source(%dma_start3A_41 : memref<1000000x32xf32, #tpu.memory_space<hbm>>) target(%arg8 : memref<512x32xf32, #tpu.memory_space<vmem>>) offsets(%arg6 : memref<512xi32, #tpu.memory_space<vmem>>) semaphore(%arg12 : memref<!tpu.dma_semaphore, #tpu.memory_space<semaphore_mem>>)
    %dma_wait3A_42 = arith.constant 0 : i32
    %dma_wait3A_43 = arith.constant 0 : i32
    %dma_wait3A_44 = tpu.memref_slice %arg3[%dma_wait3A_42, %dma_wait3A_43] : memref<1000000x32xf32, #tpu.memory_space<hbm>> -> memref<1000000x32xf32, #tpu.memory_space<hbm>>
    tpu.wait_indirect_dma semaphore(%arg13 : memref<!tpu.dma_semaphore, #tpu.memory_space<semaphore_mem>>) src(%dma_wait3A_44 : memref<1000000x32xf32, #tpu.memory_space<hbm>>) dst(%arg9 : memref<512x32xf32, #tpu.memory_space<vmem>>)
    %parallel_loop3A_45 = arith.constant 0 : i32
    %parallel_loop3A_46 = arith.constant 512 : i32
    %parallel_loop3A_47 = arith.constant 1 : i32
    scf.for %parallel_loop3A_314 = %parallel_loop3A_45 to %parallel_loop3A_46 step %parallel_loop3A_47  : i32 {
      %parallel_loop3A_315 = vector.broadcast %parallel_loop3A_314 : i32 to vector<16xi32>
      %parallel_loop3A_316 = arith.index_cast %parallel_loop3A_314 : i32 to index
      %parallel_loop3A_317 = arith.constant 0 : index
      %parallel_loop3A_318 = tpu.vector_load %arg9[%parallel_loop3A_316, %parallel_loop3A_317] {strides = array<i32>} : memref<512x32xf32, #tpu.memory_space<vmem>>, vector<16xf32>,
      %parallel_loop3A_319 = arith.index_cast %parallel_loop3A_314 : i32 to index
      %parallel_loop3A_320 = arith.constant 16 : index
      %parallel_loop3A_321 = tpu.vector_load %arg9[%parallel_loop3A_319, %parallel_loop3A_320] {strides = array<i32>} : memref<512x32xf32, #tpu.memory_space<vmem>>, vector<16xf32>,
      tpu.vector_store_idx %arg11[%iota3A, %parallel_loop3A_315], %parallel_loop3A_318 : memref<32x513xf32, #tpu.memory_space<vmem>>[vector<16xi32>, vector<16xi32>], vector<16xf32>,
      tpu.vector_store_idx %arg11[%add3A_7, %parallel_loop3A_315], %parallel_loop3A_321 : memref<32x513xf32, #tpu.memory_space<vmem>>[vector<16xi32>, vector<16xi32>], vector<16xf32>,
    } {sc.loop_unroll_factor = 8 : i64, sc.parallel_access}
    %dma_start3A_48 = arith.constant 1 : i32
    %dma_start3A_49 = arith.constant 0 : i32
    %dma_start3A_50 = arith.constant 0 : i32
    %dma_start3A_51 = tpu.memref_slice %arg11[%dma_start3A_49, %dma_start3A_50] : memref<32x513xf32, #tpu.memory_space<vmem>> -> memref<32x512xf32, #tpu.memory_space<vmem>>
    %dma_start3A_52 = arith.constant 0 : i32
    %dma_start3A_53 = tpu.memref_slice %arg4[%dma_start3A_48, %dma_start3A_52, %mul3A_2] : memref<200x32x16384xf32, #tpu.memory_space<hbm>> -> memref<1x32x512xf32, #tpu.memory_space<hbm>>
    %dma_start3A_54 = tpu.memref_squeeze %dma_start3A_53 : memref<1x32x512xf32, #tpu.memory_space<hbm>> -> memref<32x512xf32, #tpu.memory_space<hbm>>
    %dma_start3A_55 = arith.constant 0 : i32
    %dma_start3A_56 = tpu.memref_slice %arg4[%dma_start3A_48, %dma_start3A_55, %mul3A_2] : memref<200x32x16384xf32, #tpu.memory_space<hbm>> -> memref<1x32x512xf32, #tpu.memory_space<hbm>>
    %dma_start3A_57 = tpu.memref_squeeze %dma_start3A_56 : memref<1x32x512xf32, #tpu.memory_space<hbm>> -> memref<32x512xf32, #tpu.memory_space<hbm>>
    %dma_start3A_58 = arith.constant 0 : i32
    %dma_start3A_59 = arith.constant 0 : i32
    %dma_start3A_60 = tpu.memref_slice %arg11[%dma_start3A_58, %dma_start3A_59] : memref<32x513xf32, #tpu.memory_space<vmem>> -> memref<32x512xf32, #tpu.memory_space<vmem>>
    tpu.enqueue_dma source(%dma_start3A_60 : memref<32x512xf32, #tpu.memory_space<vmem>>) target(%dma_start3A_57 : memref<32x512xf32, #tpu.memory_space<hbm>>) target_semaphore(%arg15 : memref<!tpu.dma_semaphore, #tpu.memory_space<semaphore_mem>>)
    %parallel_loop3A_61 = arith.constant 0 : i32
    %parallel_loop3A_62 = arith.constant 32 : i32
    %parallel_loop3A_63 = arith.constant 1 : i32
    scf.for %parallel_loop3A_314 = %parallel_loop3A_61 to %parallel_loop3A_62 step %parallel_loop3A_63  : i32 {
      %parallel_loop3A_315 = arith.constant 8 : i32
      %parallel_loop3A_316 = arith.divsi %parallel_loop3A_314, %parallel_loop3A_315 : i32
      %parallel_loop3A_317 = arith.constant 0 : i32
      %parallel_loop3A_318 = arith.cmpi sgt, %parallel_loop3A_314, %parallel_loop3A_317 : i32
      %parallel_loop3A_319 = arith.extui %parallel_loop3A_318 : i1 to i32
      %parallel_loop3A_320 = arith.constant 0 : i32
      %parallel_loop3A_321 = arith.cmpi slt, %parallel_loop3A_314, %parallel_loop3A_320 : i32
      %parallel_loop3A_322 = arith.extui %parallel_loop3A_321 : i1 to i32
      %parallel_loop3A_323 = arith.subi %parallel_loop3A_319, %parallel_loop3A_322 : i32
      %parallel_loop3A_324 = arith.constant 0 : i32
      %parallel_loop3A_325 = arith.cmpi sgt, %parallel_loop3A_315, %parallel_loop3A_324 : i32
      %parallel_loop3A_326 = arith.extui %parallel_loop3A_325 : i1 to i32
      %parallel_loop3A_327 = arith.constant 0 : i32
      %parallel_loop3A_328 = arith.cmpi slt, %parallel_loop3A_315, %parallel_loop3A_327 : i32
      %parallel_loop3A_329 = arith.extui %parallel_loop3A_328 : i1 to i32
      %parallel_loop3A_330 = arith.subi %parallel_loop3A_326, %parallel_loop3A_329 : i32
      %parallel_loop3A_331 = arith.cmpi ne, %parallel_loop3A_323, %parallel_loop3A_330 : i32
      %parallel_loop3A_332 = arith.remsi %parallel_loop3A_314, %parallel_loop3A_315 : i32
      %parallel_loop3A_333 = arith.constant 0 : i32
      %parallel_loop3A_334 = arith.cmpi ne, %parallel_loop3A_332, %parallel_loop3A_333 : i32
      %parallel_loop3A_335 = arith.andi %parallel_loop3A_331, %parallel_loop3A_334 : i1
      %parallel_loop3A_336 = arith.constant 1 : i32
      %parallel_loop3A_337 = arith.subi %parallel_loop3A_316, %parallel_loop3A_336 : i32
      %parallel_loop3A_338 = arith.select %parallel_loop3A_335, %parallel_loop3A_337, %parallel_loop3A_316 : i32
      %parallel_loop3A_339 = arith.constant 8 : i32
      %parallel_loop3A_340 = arith.constant 0 : i32
      %parallel_loop3A_341 = arith.cmpi eq, %parallel_loop3A_339, %parallel_loop3A_340 : i32
      %parallel_loop3A_342 = arith.constant 1 : i32
      %parallel_loop3A_343 = arith.select %parallel_loop3A_341, %parallel_loop3A_342, %parallel_loop3A_339 : i32
      %parallel_loop3A_344 = arith.remsi %parallel_loop3A_314, %parallel_loop3A_343 : i32
      %parallel_loop3A_345 = arith.constant 0 : i32
      %parallel_loop3A_346 = arith.cmpi ne, %parallel_loop3A_344, %parallel_loop3A_345 : i32
      %parallel_loop3A_347 = arith.constant 0 : i32
      %parallel_loop3A_348 = arith.cmpi slt, %parallel_loop3A_344, %parallel_loop3A_347 : i32
      %parallel_loop3A_349 = arith.constant 0 : i32
      %parallel_loop3A_350 = arith.cmpi slt, %parallel_loop3A_343, %parallel_loop3A_349 : i32
      %parallel_loop3A_351 = arith.xori %parallel_loop3A_348, %parallel_loop3A_350 : i1
      %parallel_loop3A_352 = arith.andi %parallel_loop3A_351, %parallel_loop3A_346 : i1
      %parallel_loop3A_353 = arith.addi %parallel_loop3A_344, %parallel_loop3A_343 : i32
      %parallel_loop3A_354 = arith.select %parallel_loop3A_352, %parallel_loop3A_353, %parallel_loop3A_344 : i32
      %parallel_loop3A_355 = arith.constant 16 : i32
      %parallel_loop3A_356 = arith.muli %parallel_loop3A_354, %parallel_loop3A_355 : i32
      %parallel_loop3A_357 = arith.constant 3 : i32
      %parallel_loop3A_358 = arith.index_cast %parallel_loop3A_338 : i32 to index
      %parallel_loop3A_359 = arith.index_cast %parallel_loop3A_357 : i32 to index
      %parallel_loop3A_360 = arith.index_cast %parallel_loop3A_356 : i32 to index
      %parallel_loop3A_361 = tpu.vector_load %arg5[%parallel_loop3A_358, %parallel_loop3A_359, %parallel_loop3A_360] {strides = array<i32>} : memref<4x8x128xi32, #tpu.memory_space<vmem>>, vector<16xi32>,
      %parallel_loop3A_362 = arith.constant 0 : i32
      %parallel_loop3A_363 = vector.broadcast %parallel_loop3A_362 : i32 to vector<16xi32>
      %parallel_loop3A_364 = arith.cmpi sge, %parallel_loop3A_361, %parallel_loop3A_363 : vector<16xi32>
      %parallel_loop3A_365 = arith.constant 1000000 : i32
      %parallel_loop3A_366 = vector.broadcast %parallel_loop3A_365 : i32 to vector<16xi32>
      %parallel_loop3A_367 = arith.cmpi slt, %parallel_loop3A_361, %parallel_loop3A_366 : vector<16xi32>
      %parallel_loop3A_368 = arith.andi %parallel_loop3A_364, %parallel_loop3A_367 : vector<16xi1>
      %parallel_loop3A_369 = arith.constant 0 : i32
      %parallel_loop3A_370 = vector.broadcast %parallel_loop3A_369 : i32 to vector<16xi32>
      %parallel_loop3A_371 = arith.select %parallel_loop3A_368, %parallel_loop3A_361, %parallel_loop3A_370 : vector<16xi1>, vector<16xi32>
      %parallel_loop3A_372 = arith.constant 16 : i32
      %parallel_loop3A_373 = arith.muli %parallel_loop3A_314, %parallel_loop3A_372 : i32
      %parallel_loop3A_374 = arith.index_cast %parallel_loop3A_373 : i32 to index
      %parallel_loop3A_375 = tpu.vector_load %arg7[%parallel_loop3A_374] {strides = array<i32>} : memref<512xi32, #tpu.memory_space<vmem>>, vector<16xi32>,
      tpu.vector_store %arg7[%parallel_loop3A_374], %parallel_loop3A_371 {strides = array<i32>} : memref<512xi32, #tpu.memory_space<vmem>>, vector<16xi32>,
    } {sc.loop_unroll_factor = 4 : i64, sc.parallel_access}
    %dma_start3A_64 = arith.constant 0 : i32
    %dma_start3A_65 = arith.constant 0 : i32
    %dma_start3A_66 = tpu.memref_slice %arg3[%dma_start3A_64, %dma_start3A_65] : memref<1000000x32xf32, #tpu.memory_space<hbm>> -> memref<1000000x32xf32, #tpu.memory_space<hbm>>
    tpu.enqueue_indirect_dma source(%dma_start3A_66 : memref<1000000x32xf32, #tpu.memory_space<hbm>>) target(%arg9 : memref<512x32xf32, #tpu.memory_space<vmem>>) offsets(%arg7 : memref<512xi32, #tpu.memory_space<vmem>>) semaphore(%arg13 : memref<!tpu.dma_semaphore, #tpu.memory_space<semaphore_mem>>)
    %dma_wait3A_67 = arith.constant 0 : i32
    %dma_wait3A_68 = arith.constant 0 : i32
    %dma_wait3A_69 = tpu.memref_slice %arg3[%dma_wait3A_67, %dma_wait3A_68] : memref<1000000x32xf32, #tpu.memory_space<hbm>> -> memref<1000000x32xf32, #tpu.memory_space<hbm>>
    tpu.wait_indirect_dma semaphore(%arg12 : memref<!tpu.dma_semaphore, #tpu.memory_space<semaphore_mem>>) src(%dma_wait3A_69 : memref<1000000x32xf32, #tpu.memory_space<hbm>>) dst(%arg8 : memref<512x32xf32, #tpu.memory_space<vmem>>)
    %dma_wait3A_70 = arith.constant 0 : i32
    %dma_wait3A_71 = arith.constant 0 : i32
    %dma_wait3A_72 = arith.constant 0 : i32
    %dma_wait3A_73 = tpu.memref_slice %arg10[%dma_wait3A_71, %dma_wait3A_72] : memref<32x513xf32, #tpu.memory_space<vmem>> -> memref<32x512xf32, #tpu.memory_space<vmem>>
    %dma_wait3A_74 = arith.constant 0 : i32
    %dma_wait3A_75 = tpu.memref_slice %arg4[%dma_wait3A_70, %dma_wait3A_74, %mul3A_2] : memref<200x32x16384xf32, #tpu.memory_space<hbm>> -> memref<1x32x512xf32, #tpu.memory_space<hbm>>
    %dma_wait3A_76 = tpu.memref_squeeze %dma_wait3A_75 : memref<1x32x512xf32, #tpu.memory_space<hbm>> -> memref<32x512xf32, #tpu.memory_space<hbm>>
    %dma_wait3A_77 = arith.constant 0 : i32
    %dma_wait3A_78 = tpu.memref_slice %arg4[%dma_wait3A_70, %dma_wait3A_77, %mul3A_2] : memref<200x32x16384xf32, #tpu.memory_space<hbm>> -> memref<1x32x512xf32, #tpu.memory_space<hbm>>
    %dma_wait3A_79 = tpu.memref_squeeze %dma_wait3A_78 : memref<1x32x512xf32, #tpu.memory_space<hbm>> -> memref<32x512xf32, #tpu.memory_space<hbm>>
    %dma_wait3A_80 = arith.constant 0 : i32
    %dma_wait3A_81 = arith.constant 0 : i32
    %dma_wait3A_82 = tpu.memref_slice %arg10[%dma_wait3A_80, %dma_wait3A_81] : memref<32x513xf32, #tpu.memory_space<vmem>> -> memref<32x512xf32, #tpu.memory_space<vmem>>
    tpu.wait_dma2 semaphore(%arg14 : memref<!tpu.dma_semaphore, #tpu.memory_space<semaphore_mem>>) src(%dma_wait3A_82 : memref<32x512xf32, #tpu.memory_space<vmem>>) dst(%dma_wait3A_79 : memref<32x512xf32, #tpu.memory_space<hbm>>)
    %parallel_loop3A_83 = arith.constant 0 : i32
    %parallel_loop3A_84 = arith.constant 512 : i32
    %parallel_loop3A_85 = arith.constant 1 : i32
    scf.for %parallel_loop3A_314 = %parallel_loop3A_83 to %parallel_loop3A_84 step %parallel_loop3A_85  : i32 {
      %parallel_loop3A_315 = vector.broadcast %parallel_loop3A_314 : i32 to vector<16xi32>
      %parallel_loop3A_316 = arith.index_cast %parallel_loop3A_314 : i32 to index
      %parallel_loop3A_317 = arith.constant 0 : index
      %parallel_loop3A_318 = tpu.vector_load %arg8[%parallel_loop3A_316, %parallel_loop3A_317] {strides = array<i32>} : memref<512x32xf32, #tpu.memory_space<vmem>>, vector<16xf32>,
      %parallel_loop3A_319 = arith.index_cast %parallel_loop3A_314 : i32 to index
      %parallel_loop3A_320 = arith.constant 16 : index
      %parallel_loop3A_321 = tpu.vector_load %arg8[%parallel_loop3A_319, %parallel_loop3A_320] {strides = array<i32>} : memref<512x32xf32, #tpu.memory_space<vmem>>, vector<16xf32>,
      tpu.vector_store_idx %arg10[%iota3A, %parallel_loop3A_315], %parallel_loop3A_318 : memref<32x513xf32, #tpu.memory_space<vmem>>[vector<16xi32>, vector<16xi32>], vector<16xf32>,
      tpu.vector_store_idx %arg10[%add3A_7, %parallel_loop3A_315], %parallel_loop3A_321 : memref<32x513xf32, #tpu.memory_space<vmem>>[vector<16xi32>, vector<16xi32>], vector<16xf32>,
    } {sc.loop_unroll_factor = 8 : i64, sc.parallel_access}
    %dma_start3A_86 = arith.constant 2 : i32
    %dma_start3A_87 = arith.constant 0 : i32
    %dma_start3A_88 = arith.constant 0 : i32
    %dma_start3A_89 = tpu.memref_slice %arg10[%dma_start3A_87, %dma_start3A_88] : memref<32x513xf32, #tpu.memory_space<vmem>> -> memref<32x512xf32, #tpu.memory_space<vmem>>
    %dma_start3A_90 = arith.constant 0 : i32
    %dma_start3A_91 = tpu.memref_slice %arg4[%dma_start3A_86, %dma_start3A_90, %mul3A_2] : memref<200x32x16384xf32, #tpu.memory_space<hbm>> -> memref<1x32x512xf32, #tpu.memory_space<hbm>>
    %dma_start3A_92 = tpu.memref_squeeze %dma_start3A_91 : memref<1x32x512xf32, #tpu.memory_space<hbm>> -> memref<32x512xf32, #tpu.memory_space<hbm>>
    %dma_start3A_93 = arith.constant 0 : i32
    %dma_start3A_94 = tpu.memref_slice %arg4[%dma_start3A_86, %dma_start3A_93, %mul3A_2] : memref<200x32x16384xf32, #tpu.memory_space<hbm>> -> memref<1x32x512xf32, #tpu.memory_space<hbm>>
    %dma_start3A_95 = tpu.memref_squeeze %dma_start3A_94 : memref<1x32x512xf32, #tpu.memory_space<hbm>> -> memref<32x512xf32, #tpu.memory_space<hbm>>
    %dma_start3A_96 = arith.constant 0 : i32
    %dma_start3A_97 = arith.constant 0 : i32
    %dma_start3A_98 = tpu.memref_slice %arg10[%dma_start3A_96, %dma_start3A_97] : memref<32x513xf32, #tpu.memory_space<vmem>> -> memref<32x512xf32, #tpu.memory_space<vmem>>
    tpu.enqueue_dma source(%dma_start3A_98 : memref<32x512xf32, #tpu.memory_space<vmem>>) target(%dma_start3A_95 : memref<32x512xf32, #tpu.memory_space<hbm>>) target_semaphore(%arg14 : memref<!tpu.dma_semaphore, #tpu.memory_space<semaphore_mem>>)
    %parallel_loop3A_99 = arith.constant 0 : i32
    %parallel_loop3A_100 = arith.constant 32 : i32
    %parallel_loop3A_101 = arith.constant 1 : i32
    scf.for %parallel_loop3A_314 = %parallel_loop3A_99 to %parallel_loop3A_100 step %parallel_loop3A_101  : i32 {
      %parallel_loop3A_315 = arith.constant 8 : i32
      %parallel_loop3A_316 = arith.divsi %parallel_loop3A_314, %parallel_loop3A_315 : i32
      %parallel_loop3A_317 = arith.constant 0 : i32
      %parallel_loop3A_318 = arith.cmpi sgt, %parallel_loop3A_314, %parallel_loop3A_317 : i32
      %parallel_loop3A_319 = arith.extui %parallel_loop3A_318 : i1 to i32
      %parallel_loop3A_320 = arith.constant 0 : i32
      %parallel_loop3A_321 = arith.cmpi slt, %parallel_loop3A_314, %parallel_loop3A_320 : i32
      %parallel_loop3A_322 = arith.extui %parallel_loop3A_321 : i1 to i32
      %parallel_loop3A_323 = arith.subi %parallel_loop3A_319, %parallel_loop3A_322 : i32
      %parallel_loop3A_324 = arith.constant 0 : i32
      %parallel_loop3A_325 = arith.cmpi sgt, %parallel_loop3A_315, %parallel_loop3A_324 : i32
      %parallel_loop3A_326 = arith.extui %parallel_loop3A_325 : i1 to i32
      %parallel_loop3A_327 = arith.constant 0 : i32
      %parallel_loop3A_328 = arith.cmpi slt, %parallel_loop3A_315, %parallel_loop3A_327 : i32
      %parallel_loop3A_329 = arith.extui %parallel_loop3A_328 : i1 to i32
      %parallel_loop3A_330 = arith.subi %parallel_loop3A_326, %parallel_loop3A_329 : i32
      %parallel_loop3A_331 = arith.cmpi ne, %parallel_loop3A_323, %parallel_loop3A_330 : i32
      %parallel_loop3A_332 = arith.remsi %parallel_loop3A_314, %parallel_loop3A_315 : i32
      %parallel_loop3A_333 = arith.constant 0 : i32
      %parallel_loop3A_334 = arith.cmpi ne, %parallel_loop3A_332, %parallel_loop3A_333 : i32
      %parallel_loop3A_335 = arith.andi %parallel_loop3A_331, %parallel_loop3A_334 : i1
      %parallel_loop3A_336 = arith.constant 1 : i32
      %parallel_loop3A_337 = arith.subi %parallel_loop3A_316, %parallel_loop3A_336 : i32
      %parallel_loop3A_338 = arith.select %parallel_loop3A_335, %parallel_loop3A_337, %parallel_loop3A_316 : i32
      %parallel_loop3A_339 = arith.constant 8 : i32
      %parallel_loop3A_340 = arith.constant 0 : i32
      %parallel_loop3A_341 = arith.cmpi eq, %parallel_loop3A_339, %parallel_loop3A_340 : i32
      %parallel_loop3A_342 = arith.constant 1 : i32
      %parallel_loop3A_343 = arith.select %parallel_loop3A_341, %parallel_loop3A_342, %parallel_loop3A_339 : i32
      %parallel_loop3A_344 = arith.remsi %parallel_loop3A_314, %parallel_loop3A_343 : i32
      %parallel_loop3A_345 = arith.constant 0 : i32
      %parallel_loop3A_346 = arith.cmpi ne, %parallel_loop3A_344, %parallel_loop3A_345 : i32
      %parallel_loop3A_347 = arith.constant 0 : i32
      %parallel_loop3A_348 = arith.cmpi slt, %parallel_loop3A_344, %parallel_loop3A_347 : i32
      %parallel_loop3A_349 = arith.constant 0 : i32
      %parallel_loop3A_350 = arith.cmpi slt, %parallel_loop3A_343, %parallel_loop3A_349 : i32
      %parallel_loop3A_351 = arith.xori %parallel_loop3A_348, %parallel_loop3A_350 : i1
      %parallel_loop3A_352 = arith.andi %parallel_loop3A_351, %parallel_loop3A_346 : i1
      %parallel_loop3A_353 = arith.addi %parallel_loop3A_344, %parallel_loop3A_343 : i32
      %parallel_loop3A_354 = arith.select %parallel_loop3A_352, %parallel_loop3A_353, %parallel_loop3A_344 : i32
      %parallel_loop3A_355 = arith.constant 16 : i32
      %parallel_loop3A_356 = arith.muli %parallel_loop3A_354, %parallel_loop3A_355 : i32
      %parallel_loop3A_357 = arith.constant 4 : i32
      %parallel_loop3A_358 = arith.index_cast %parallel_loop3A_338 : i32 to index
      %parallel_loop3A_359 = arith.index_cast %parallel_loop3A_357 : i32 to index
      %parallel_loop3A_360 = arith.index_cast %parallel_loop3A_356 : i32 to index
      %parallel_loop3A_361 = tpu.vector_load %arg5[%parallel_loop3A_358, %parallel_loop3A_359, %parallel_loop3A_360] {strides = array<i32>} : memref<4x8x128xi32, #tpu.memory_space<vmem>>, vector<16xi32>,
      %parallel_loop3A_362 = arith.constant 0 : i32
      %parallel_loop3A_363 = vector.broadcast %parallel_loop3A_362 : i32 to vector<16xi32>
      %parallel_loop3A_364 = arith.cmpi sge, %parallel_loop3A_361, %parallel_loop3A_363 : vector<16xi32>
      %parallel_loop3A_365 = arith.constant 1000000 : i32
      %parallel_loop3A_366 = vector.broadcast %parallel_loop3A_365 : i32 to vector<16xi32>
      %parallel_loop3A_367 = arith.cmpi slt, %parallel_loop3A_361, %parallel_loop3A_366 : vector<16xi32>
      %parallel_loop3A_368 = arith.andi %parallel_loop3A_364, %parallel_loop3A_367 : vector<16xi1>
      %parallel_loop3A_369 = arith.constant 0 : i32
      %parallel_loop3A_370 = vector.broadcast %parallel_loop3A_369 : i32 to vector<16xi32>
      %parallel_loop3A_371 = arith.select %parallel_loop3A_368, %parallel_loop3A_361, %parallel_loop3A_370 : vector<16xi1>, vector<16xi32>
      %parallel_loop3A_372 = arith.constant 16 : i32
      %parallel_loop3A_373 = arith.muli %parallel_loop3A_314, %parallel_loop3A_372 : i32
      %parallel_loop3A_374 = arith.index_cast %parallel_loop3A_373 : i32 to index
      %parallel_loop3A_375 = tpu.vector_load %arg6[%parallel_loop3A_374] {strides = array<i32>} : memref<512xi32, #tpu.memory_space<vmem>>, vector<16xi32>,
      tpu.vector_store %arg6[%parallel_loop3A_374], %parallel_loop3A_371 {strides = array<i32>} : memref<512xi32, #tpu.memory_space<vmem>>, vector<16xi32>,
    } {sc.loop_unroll_factor = 4 : i64, sc.parallel_access}
    %dma_start3A_102 = arith.constant 0 : i32
    %dma_start3A_103 = arith.constant 0 : i32
    %dma_start3A_104 = tpu.memref_slice %arg3[%dma_start3A_102, %dma_start3A_103] : memref<1000000x32xf32, #tpu.memory_space<hbm>> -> memref<1000000x32xf32, #tpu.memory_space<hbm>>
    tpu.enqueue_indirect_dma source(%dma_start3A_104 : memref<1000000x32xf32, #tpu.memory_space<hbm>>) target(%arg8 : memref<512x32xf32, #tpu.memory_space<vmem>>) offsets(%arg6 : memref<512xi32, #tpu.memory_space<vmem>>) semaphore(%arg12 : memref<!tpu.dma_semaphore, #tpu.memory_space<semaphore_mem>>)
    %dma_wait3A_105 = arith.constant 0 : i32
    %dma_wait3A_106 = arith.constant 0 : i32
    %dma_wait3A_107 = tpu.memref_slice %arg3[%dma_wait3A_105, %dma_wait3A_106] : memref<1000000x32xf32, #tpu.memory_space<hbm>> -> memref<1000000x32xf32, #tpu.memory_space<hbm>>
    tpu.wait_indirect_dma semaphore(%arg13 : memref<!tpu.dma_semaphore, #tpu.memory_space<semaphore_mem>>) src(%dma_wait3A_107 : memref<1000000x32xf32, #tpu.memory_space<hbm>>) dst(%arg9 : memref<512x32xf32, #tpu.memory_space<vmem>>)
    %dma_wait3A_108 = arith.constant 0 : i32
    %dma_wait3A_109 = arith.constant 0 : i32
    %dma_wait3A_110 = arith.constant 0 : i32
    %dma_wait3A_111 = tpu.memref_slice %arg11[%dma_wait3A_109, %dma_wait3A_110] : memref<32x513xf32, #tpu.memory_space<vmem>> -> memref<32x512xf32, #tpu.memory_space<vmem>>
    %dma_wait3A_112 = arith.constant 0 : i32
    %dma_wait3A_113 = tpu.memref_slice %arg4[%dma_wait3A_108, %dma_wait3A_112, %mul3A_2] : memref<200x32x16384xf32, #tpu.memory_space<hbm>> -> memref<1x32x512xf32, #tpu.memory_space<hbm>>
    %dma_wait3A_114 = tpu.memref_squeeze %dma_wait3A_113 : memref<1x32x512xf32, #tpu.memory_space<hbm>> -> memref<32x512xf32, #tpu.memory_space<hbm>>
    %dma_wait3A_115 = arith.constant 0 : i32
    %dma_wait3A_116 = tpu.memref_slice %arg4[%dma_wait3A_108, %dma_wait3A_115, %mul3A_2] : memref<200x32x16384xf32, #tpu.memory_space<hbm>> -> memref<1x32x512xf32, #tpu.memory_space<hbm>>
    %dma_wait3A_117 = tpu.memref_squeeze %dma_wait3A_116 : memref<1x32x512xf32, #tpu.memory_space<hbm>> -> memref<32x512xf32, #tpu.memory_space<hbm>>
    %dma_wait3A_118 = arith.constant 0 : i32
    %dma_wait3A_119 = arith.constant 0 : i32
    %dma_wait3A_120 = tpu.memref_slice %arg11[%dma_wait3A_118, %dma_wait3A_119] : memref<32x513xf32, #tpu.memory_space<vmem>> -> memref<32x512xf32, #tpu.memory_space<vmem>>
    tpu.wait_dma2 semaphore(%arg15 : memref<!tpu.dma_semaphore, #tpu.memory_space<semaphore_mem>>) src(%dma_wait3A_120 : memref<32x512xf32, #tpu.memory_space<vmem>>) dst(%dma_wait3A_117 : memref<32x512xf32, #tpu.memory_space<hbm>>)
    %parallel_loop3A_121 = arith.constant 0 : i32
    %parallel_loop3A_122 = arith.constant 512 : i32
    %parallel_loop3A_123 = arith.constant 1 : i32
    scf.for %parallel_loop3A_314 = %parallel_loop3A_121 to %parallel_loop3A_122 step %parallel_loop3A_123  : i32 {
      %parallel_loop3A_315 = vector.broadcast %parallel_loop3A_314 : i32 to vector<16xi32>
      %parallel_loop3A_316 = arith.index_cast %parallel_loop3A_314 : i32 to index
      %parallel_loop3A_317 = arith.constant 0 : index
      %parallel_loop3A_318 = tpu.vector_load %arg9[%parallel_loop3A_316, %parallel_loop3A_317] {strides = array<i32>} : memref<512x32xf32, #tpu.memory_space<vmem>>, vector<16xf32>,
      %parallel_loop3A_319 = arith.index_cast %parallel_loop3A_314 : i32 to index
      %parallel_loop3A_320 = arith.constant 16 : index
      %parallel_loop3A_321 = tpu.vector_load %arg9[%parallel_loop3A_319, %parallel_loop3A_320] {strides = array<i32>} : memref<512x32xf32, #tpu.memory_space<vmem>>, vector<16xf32>,
      tpu.vector_store_idx %arg11[%iota3A, %parallel_loop3A_315], %parallel_loop3A_318 : memref<32x513xf32, #tpu.memory_space<vmem>>[vector<16xi32>, vector<16xi32>], vector<16xf32>,
      tpu.vector_store_idx %arg11[%add3A_7, %parallel_loop3A_315], %parallel_loop3A_321 : memref<32x513xf32, #tpu.memory_space<vmem>>[vector<16xi32>, vector<16xi32>], vector<16xf32>,
    } {sc.loop_unroll_factor = 8 : i64, sc.parallel_access}
    %dma_start3A_124 = arith.constant 3 : i32
    %dma_start3A_125 = arith.constant 0 : i32
    %dma_start3A_126 = arith.constant 0 : i32
    %dma_start3A_127 = tpu.memref_slice %arg11[%dma_start3A_125, %dma_start3A_126] : memref<32x513xf32, #tpu.memory_space<vmem>> -> memref<32x512xf32, #tpu.memory_space<vmem>>
    %dma_start3A_128 = arith.constant 0 : i32
    %dma_start3A_129 = tpu.memref_slice %arg4[%dma_start3A_124, %dma_start3A_128, %mul3A_2] : memref<200x32x16384xf32, #tpu.memory_space<hbm>> -> memref<1x32x512xf32, #tpu.memory_space<hbm>>
    %dma_start3A_130 = tpu.memref_squeeze %dma_start3A_129 : memref<1x32x512xf32, #tpu.memory_space<hbm>> -> memref<32x512xf32, #tpu.memory_space<hbm>>
    %dma_start3A_131 = arith.constant 0 : i32
    %dma_start3A_132 = tpu.memref_slice %arg4[%dma_start3A_124, %dma_start3A_131, %mul3A_2] : memref<200x32x16384xf32, #tpu.memory_space<hbm>> -> memref<1x32x512xf32, #tpu.memory_space<hbm>>
    %dma_start3A_133 = tpu.memref_squeeze %dma_start3A_132 : memref<1x32x512xf32, #tpu.memory_space<hbm>> -> memref<32x512xf32, #tpu.memory_space<hbm>>
    %dma_start3A_134 = arith.constant 0 : i32
    %dma_start3A_135 = arith.constant 0 : i32
    %dma_start3A_136 = tpu.memref_slice %arg11[%dma_start3A_134, %dma_start3A_135] : memref<32x513xf32, #tpu.memory_space<vmem>> -> memref<32x512xf32, #tpu.memory_space<vmem>>
    tpu.enqueue_dma source(%dma_start3A_136 : memref<32x512xf32, #tpu.memory_space<vmem>>) target(%dma_start3A_133 : memref<32x512xf32, #tpu.memory_space<hbm>>) target_semaphore(%arg15 : memref<!tpu.dma_semaphore, #tpu.memory_space<semaphore_mem>>)
    %parallel_loop3A_137 = arith.constant 0 : i32
    %parallel_loop3A_138 = arith.constant 32 : i32
    %parallel_loop3A_139 = arith.constant 1 : i32
    scf.for %parallel_loop3A_314 = %parallel_loop3A_137 to %parallel_loop3A_138 step %parallel_loop3A_139  : i32 {
      %parallel_loop3A_315 = arith.constant 8 : i32
      %parallel_loop3A_316 = arith.divsi %parallel_loop3A_314, %parallel_loop3A_315 : i32
      %parallel_loop3A_317 = arith.constant 0 : i32
      %parallel_loop3A_318 = arith.cmpi sgt, %parallel_loop3A_314, %parallel_loop3A_317 : i32
      %parallel_loop3A_319 = arith.extui %parallel_loop3A_318 : i1 to i32
      %parallel_loop3A_320 = arith.constant 0 : i32
      %parallel_loop3A_321 = arith.cmpi slt, %parallel_loop3A_314, %parallel_loop3A_320 : i32
      %parallel_loop3A_322 = arith.extui %parallel_loop3A_321 : i1 to i32
      %parallel_loop3A_323 = arith.subi %parallel_loop3A_319, %parallel_loop3A_322 : i32
      %parallel_loop3A_324 = arith.constant 0 : i32
      %parallel_loop3A_325 = arith.cmpi sgt, %parallel_loop3A_315, %parallel_loop3A_324 : i32
      %parallel_loop3A_326 = arith.extui %parallel_loop3A_325 : i1 to i32
      %parallel_loop3A_327 = arith.constant 0 : i32
      %parallel_loop3A_328 = arith.cmpi slt, %parallel_loop3A_315, %parallel_loop3A_327 : i32
      %parallel_loop3A_329 = arith.extui %parallel_loop3A_328 : i1 to i32
      %parallel_loop3A_330 = arith.subi %parallel_loop3A_326, %parallel_loop3A_329 : i32
      %parallel_loop3A_331 = arith.cmpi ne, %parallel_loop3A_323, %parallel_loop3A_330 : i32
      %parallel_loop3A_332 = arith.remsi %parallel_loop3A_314, %parallel_loop3A_315 : i32
      %parallel_loop3A_333 = arith.constant 0 : i32
      %parallel_loop3A_334 = arith.cmpi ne, %parallel_loop3A_332, %parallel_loop3A_333 : i32
      %parallel_loop3A_335 = arith.andi %parallel_loop3A_331, %parallel_loop3A_334 : i1
      %parallel_loop3A_336 = arith.constant 1 : i32
      %parallel_loop3A_337 = arith.subi %parallel_loop3A_316, %parallel_loop3A_336 : i32
      %parallel_loop3A_338 = arith.select %parallel_loop3A_335, %parallel_loop3A_337, %parallel_loop3A_316 : i32
      %parallel_loop3A_339 = arith.constant 8 : i32
      %parallel_loop3A_340 = arith.constant 0 : i32
      %parallel_loop3A_341 = arith.cmpi eq, %parallel_loop3A_339, %parallel_loop3A_340 : i32
      %parallel_loop3A_342 = arith.constant 1 : i32
      %parallel_loop3A_343 = arith.select %parallel_loop3A_341, %parallel_loop3A_342, %parallel_loop3A_339 : i32
      %parallel_loop3A_344 = arith.remsi %parallel_loop3A_314, %parallel_loop3A_343 : i32
      %parallel_loop3A_345 = arith.constant 0 : i32
      %parallel_loop3A_346 = arith.cmpi ne, %parallel_loop3A_344, %parallel_loop3A_345 : i32
      %parallel_loop3A_347 = arith.constant 0 : i32
      %parallel_loop3A_348 = arith.cmpi slt, %parallel_loop3A_344, %parallel_loop3A_347 : i32
      %parallel_loop3A_349 = arith.constant 0 : i32
      %parallel_loop3A_350 = arith.cmpi slt, %parallel_loop3A_343, %parallel_loop3A_349 : i32
      %parallel_loop3A_351 = arith.xori %parallel_loop3A_348, %parallel_loop3A_350 : i1
      %parallel_loop3A_352 = arith.andi %parallel_loop3A_351, %parallel_loop3A_346 : i1
      %parallel_loop3A_353 = arith.addi %parallel_loop3A_344, %parallel_loop3A_343 : i32
      %parallel_loop3A_354 = arith.select %parallel_loop3A_352, %parallel_loop3A_353, %parallel_loop3A_344 : i32
      %parallel_loop3A_355 = arith.constant 16 : i32
      %parallel_loop3A_356 = arith.muli %parallel_loop3A_354, %parallel_loop3A_355 : i32
      %parallel_loop3A_357 = arith.constant 5 : i32
      %parallel_loop3A_358 = arith.index_cast %parallel_loop3A_338 : i32 to index
      %parallel_loop3A_359 = arith.index_cast %parallel_loop3A_357 : i32 to index
      %parallel_loop3A_360 = arith.index_cast %parallel_loop3A_356 : i32 to index
      %parallel_loop3A_361 = tpu.vector_load %arg5[%parallel_loop3A_358, %parallel_loop3A_359, %parallel_loop3A_360] {strides = array<i32>} : memref<4x8x128xi32, #tpu.memory_space<vmem>>, vector<16xi32>,
      %parallel_loop3A_362 = arith.constant 0 : i32
      %parallel_loop3A_363 = vector.broadcast %parallel_loop3A_362 : i32 to vector<16xi32>
      %parallel_loop3A_364 = arith.cmpi sge, %parallel_loop3A_361, %parallel_loop3A_363 : vector<16xi32>
      %parallel_loop3A_365 = arith.constant 1000000 : i32
      %parallel_loop3A_366 = vector.broadcast %parallel_loop3A_365 : i32 to vector<16xi32>
      %parallel_loop3A_367 = arith.cmpi slt, %parallel_loop3A_361, %parallel_loop3A_366 : vector<16xi32>
      %parallel_loop3A_368 = arith.andi %parallel_loop3A_364, %parallel_loop3A_367 : vector<16xi1>
      %parallel_loop3A_369 = arith.constant 0 : i32
      %parallel_loop3A_370 = vector.broadcast %parallel_loop3A_369 : i32 to vector<16xi32>
      %parallel_loop3A_371 = arith.select %parallel_loop3A_368, %parallel_loop3A_361, %parallel_loop3A_370 : vector<16xi1>, vector<16xi32>
      %parallel_loop3A_372 = arith.constant 16 : i32
      %parallel_loop3A_373 = arith.muli %parallel_loop3A_314, %parallel_loop3A_372 : i32
      %parallel_loop3A_374 = arith.index_cast %parallel_loop3A_373 : i32 to index
      %parallel_loop3A_375 = tpu.vector_load %arg7[%parallel_loop3A_374] {strides = array<i32>} : memref<512xi32, #tpu.memory_space<vmem>>, vector<16xi32>,
      tpu.vector_store %arg7[%parallel_loop3A_374], %parallel_loop3A_371 {strides = array<i32>} : memref<512xi32, #tpu.memory_space<vmem>>, vector<16xi32>,
    } {sc.loop_unroll_factor = 4 : i64, sc.parallel_access}
    %dma_start3A_140 = arith.constant 0 : i32
    %dma_start3A_141 = arith.constant 0 : i32
    %dma_start3A_142 = tpu.memref_slice %arg3[%dma_start3A_140, %dma_start3A_141] : memref<1000000x32xf32, #tpu.memory_space<hbm>> -> memref<1000000x32xf32, #tpu.memory_space<hbm>>
    tpu.enqueue_indirect_dma source(%dma_start3A_142 : memref<1000000x32xf32, #tpu.memory_space<hbm>>) target(%arg9 : memref<512x32xf32, #tpu.memory_space<vmem>>) offsets(%arg7 : memref<512xi32, #tpu.memory_space<vmem>>) semaphore(%arg13 : memref<!tpu.dma_semaphore, #tpu.memory_space<semaphore_mem>>)
    %dma_wait3A_143 = arith.constant 0 : i32
    %dma_wait3A_144 = arith.constant 0 : i32
    %dma_wait3A_145 = tpu.memref_slice %arg3[%dma_wait3A_143, %dma_wait3A_144] : memref<1000000x32xf32, #tpu.memory_space<hbm>> -> memref<1000000x32xf32, #tpu.memory_space<hbm>>
    tpu.wait_indirect_dma semaphore(%arg12 : memref<!tpu.dma_semaphore, #tpu.memory_space<semaphore_mem>>) src(%dma_wait3A_145 : memref<1000000x32xf32, #tpu.memory_space<hbm>>) dst(%arg8 : memref<512x32xf32, #tpu.memory_space<vmem>>)
    %dma_wait3A_146 = arith.constant 0 : i32
    %dma_wait3A_147 = arith.constant 0 : i32
    %dma_wait3A_148 = arith.constant 0 : i32
    %dma_wait3A_149 = tpu.memref_slice %arg10[%dma_wait3A_147, %dma_wait3A_148] : memref<32x513xf32, #tpu.memory_space<vmem>> -> memref<32x512xf32, #tpu.memory_space<vmem>>
    %dma_wait3A_150 = arith.constant 0 : i32
    %dma_wait3A_151 = tpu.memref_slice %arg4[%dma_wait3A_146, %dma_wait3A_150, %mul3A_2] : memref<200x32x16384xf32, #tpu.memory_space<hbm>> -> memref<1x32x512xf32, #tpu.memory_space<hbm>>
    %dma_wait3A_152 = tpu.memref_squeeze %dma_wait3A_151 : memref<1x32x512xf32, #tpu.memory_space<hbm>> -> memref<32x512xf32, #tpu.memory_space<hbm>>
    %dma_wait3A_153 = arith.constant 0 : i32
    %dma_wait3A_154 = tpu.memref_slice %arg4[%dma_wait3A_146, %dma_wait3A_153, %mul3A_2] : memref<200x32x16384xf32, #tpu.memory_space<hbm>> -> memref<1x32x512xf32, #tpu.memory_space<hbm>>
    %dma_wait3A_155 = tpu.memref_squeeze %dma_wait3A_154 : memref<1x32x512xf32, #tpu.memory_space<hbm>> -> memref<32x512xf32, #tpu.memory_space<hbm>>
    %dma_wait3A_156 = arith.constant 0 : i32
    %dma_wait3A_157 = arith.constant 0 : i32
    %dma_wait3A_158 = tpu.memref_slice %arg10[%dma_wait3A_156, %dma_wait3A_157] : memref<32x513xf32, #tpu.memory_space<vmem>> -> memref<32x512xf32, #tpu.memory_space<vmem>>
    tpu.wait_dma2 semaphore(%arg14 : memref<!tpu.dma_semaphore, #tpu.memory_space<semaphore_mem>>) src(%dma_wait3A_158 : memref<32x512xf32, #tpu.memory_space<vmem>>) dst(%dma_wait3A_155 : memref<32x512xf32, #tpu.memory_space<hbm>>)
    %parallel_loop3A_159 = arith.constant 0 : i32
    %parallel_loop3A_160 = arith.constant 512 : i32
    %parallel_loop3A_161 = arith.constant 1 : i32
    scf.for %parallel_loop3A_314 = %parallel_loop3A_159 to %parallel_loop3A_160 step %parallel_loop3A_161  : i32 {
      %parallel_loop3A_315 = vector.broadcast %parallel_loop3A_314 : i32 to vector<16xi32>
      %parallel_loop3A_316 = arith.index_cast %parallel_loop3A_314 : i32 to index
      %parallel_loop3A_317 = arith.constant 0 : index
      %parallel_loop3A_318 = tpu.vector_load %arg8[%parallel_loop3A_316, %parallel_loop3A_317] {strides = array<i32>} : memref<512x32xf32, #tpu.memory_space<vmem>>, vector<16xf32>,
      %parallel_loop3A_319 = arith.index_cast %parallel_loop3A_314 : i32 to index
      %parallel_loop3A_320 = arith.constant 16 : index
      %parallel_loop3A_321 = tpu.vector_load %arg8[%parallel_loop3A_319, %parallel_loop3A_320] {strides = array<i32>} : memref<512x32xf32, #tpu.memory_space<vmem>>, vector<16xf32>,
      tpu.vector_store_idx %arg10[%iota3A, %parallel_loop3A_315], %parallel_loop3A_318 : memref<32x513xf32, #tpu.memory_space<vmem>>[vector<16xi32>, vector<16xi32>], vector<16xf32>,
      tpu.vector_store_idx %arg10[%add3A_7, %parallel_loop3A_315], %parallel_loop3A_321 : memref<32x513xf32, #tpu.memory_space<vmem>>[vector<16xi32>, vector<16xi32>], vector<16xf32>,
    } {sc.loop_unroll_factor = 8 : i64, sc.parallel_access}
    %dma_start3A_162 = arith.constant 4 : i32
    %dma_start3A_163 = arith.constant 0 : i32
    %dma_start3A_164 = arith.constant 0 : i32
    %dma_start3A_165 = tpu.memref_slice %arg10[%dma_start3A_163, %dma_start3A_164] : memref<32x513xf32, #tpu.memory_space<vmem>> -> memref<32x512xf32, #tpu.memory_space<vmem>>
    %dma_start3A_166 = arith.constant 0 : i32
    %dma_start3A_167 = tpu.memref_slice %arg4[%dma_start3A_162, %dma_start3A_166, %mul3A_2] : memref<200x32x16384xf32, #tpu.memory_space<hbm>> -> memref<1x32x512xf32, #tpu.memory_space<hbm>>
    %dma_start3A_168 = tpu.memref_squeeze %dma_start3A_167 : memref<1x32x512xf32, #tpu.memory_space<hbm>> -> memref<32x512xf32, #tpu.memory_space<hbm>>
    %dma_start3A_169 = arith.constant 0 : i32
    %dma_start3A_170 = tpu.memref_slice %arg4[%dma_start3A_162, %dma_start3A_169, %mul3A_2] : memref<200x32x16384xf32, #tpu.memory_space<hbm>> -> memref<1x32x512xf32, #tpu.memory_space<hbm>>
    %dma_start3A_171 = tpu.memref_squeeze %dma_start3A_170 : memref<1x32x512xf32, #tpu.memory_space<hbm>> -> memref<32x512xf32, #tpu.memory_space<hbm>>
    %dma_start3A_172 = arith.constant 0 : i32
    %dma_start3A_173 = arith.constant 0 : i32
    %dma_start3A_174 = tpu.memref_slice %arg10[%dma_start3A_172, %dma_start3A_173] : memref<32x513xf32, #tpu.memory_space<vmem>> -> memref<32x512xf32, #tpu.memory_space<vmem>>
    tpu.enqueue_dma source(%dma_start3A_174 : memref<32x512xf32, #tpu.memory_space<vmem>>) target(%dma_start3A_171 : memref<32x512xf32, #tpu.memory_space<hbm>>) target_semaphore(%arg14 : memref<!tpu.dma_semaphore, #tpu.memory_space<semaphore_mem>>)
    %parallel_loop3A_175 = arith.constant 0 : i32
    %parallel_loop3A_176 = arith.constant 32 : i32
    %parallel_loop3A_177 = arith.constant 1 : i32
    scf.for %parallel_loop3A_314 = %parallel_loop3A_175 to %parallel_loop3A_176 step %parallel_loop3A_177  : i32 {
      %parallel_loop3A_315 = arith.constant 8 : i32
      %parallel_loop3A_316 = arith.divsi %parallel_loop3A_314, %parallel_loop3A_315 : i32
      %parallel_loop3A_317 = arith.constant 0 : i32
      %parallel_loop3A_318 = arith.cmpi sgt, %parallel_loop3A_314, %parallel_loop3A_317 : i32
      %parallel_loop3A_319 = arith.extui %parallel_loop3A_318 : i1 to i32
      %parallel_loop3A_320 = arith.constant 0 : i32
      %parallel_loop3A_321 = arith.cmpi slt, %parallel_loop3A_314, %parallel_loop3A_320 : i32
      %parallel_loop3A_322 = arith.extui %parallel_loop3A_321 : i1 to i32
      %parallel_loop3A_323 = arith.subi %parallel_loop3A_319, %parallel_loop3A_322 : i32
      %parallel_loop3A_324 = arith.constant 0 : i32
      %parallel_loop3A_325 = arith.cmpi sgt, %parallel_loop3A_315, %parallel_loop3A_324 : i32
      %parallel_loop3A_326 = arith.extui %parallel_loop3A_325 : i1 to i32
      %parallel_loop3A_327 = arith.constant 0 : i32
      %parallel_loop3A_328 = arith.cmpi slt, %parallel_loop3A_315, %parallel_loop3A_327 : i32
      %parallel_loop3A_329 = arith.extui %parallel_loop3A_328 : i1 to i32
      %parallel_loop3A_330 = arith.subi %parallel_loop3A_326, %parallel_loop3A_329 : i32
      %parallel_loop3A_331 = arith.cmpi ne, %parallel_loop3A_323, %parallel_loop3A_330 : i32
      %parallel_loop3A_332 = arith.remsi %parallel_loop3A_314, %parallel_loop3A_315 : i32
      %parallel_loop3A_333 = arith.constant 0 : i32
      %parallel_loop3A_334 = arith.cmpi ne, %parallel_loop3A_332, %parallel_loop3A_333 : i32
      %parallel_loop3A_335 = arith.andi %parallel_loop3A_331, %parallel_loop3A_334 : i1
      %parallel_loop3A_336 = arith.constant 1 : i32
      %parallel_loop3A_337 = arith.subi %parallel_loop3A_316, %parallel_loop3A_336 : i32
      %parallel_loop3A_338 = arith.select %parallel_loop3A_335, %parallel_loop3A_337, %parallel_loop3A_316 : i32
      %parallel_loop3A_339 = arith.constant 8 : i32
      %parallel_loop3A_340 = arith.constant 0 : i32
      %parallel_loop3A_341 = arith.cmpi eq, %parallel_loop3A_339, %parallel_loop3A_340 : i32
      %parallel_loop3A_342 = arith.constant 1 : i32
      %parallel_loop3A_343 = arith.select %parallel_loop3A_341, %parallel_loop3A_342, %parallel_loop3A_339 : i32
      %parallel_loop3A_344 = arith.remsi %parallel_loop3A_314, %parallel_loop3A_343 : i32
      %parallel_loop3A_345 = arith.constant 0 : i32
      %parallel_loop3A_346 = arith.cmpi ne, %parallel_loop3A_344, %parallel_loop3A_345 : i32
      %parallel_loop3A_347 = arith.constant 0 : i32
      %parallel_loop3A_348 = arith.cmpi slt, %parallel_loop3A_344, %parallel_loop3A_347 : i32
      %parallel_loop3A_349 = arith.constant 0 : i32
      %parallel_loop3A_350 = arith.cmpi slt, %parallel_loop3A_343, %parallel_loop3A_349 : i32
      %parallel_loop3A_351 = arith.xori %parallel_loop3A_348, %parallel_loop3A_350 : i1
      %parallel_loop3A_352 = arith.andi %parallel_loop3A_351, %parallel_loop3A_346 : i1
      %parallel_loop3A_353 = arith.addi %parallel_loop3A_344, %parallel_loop3A_343 : i32
      %parallel_loop3A_354 = arith.select %parallel_loop3A_352, %parallel_loop3A_353, %parallel_loop3A_344 : i32
      %parallel_loop3A_355 = arith.constant 16 : i32
      %parallel_loop3A_356 = arith.muli %parallel_loop3A_354, %parallel_loop3A_355 : i32
      %parallel_loop3A_357 = arith.constant 6 : i32
      %parallel_loop3A_358 = arith.index_cast %parallel_loop3A_338 : i32 to index
      %parallel_loop3A_359 = arith.index_cast %parallel_loop3A_357 : i32 to index
      %parallel_loop3A_360 = arith.index_cast %parallel_loop3A_356 : i32 to index
      %parallel_loop3A_361 = tpu.vector_load %arg5[%parallel_loop3A_358, %parallel_loop3A_359, %parallel_loop3A_360] {strides = array<i32>} : memref<4x8x128xi32, #tpu.memory_space<vmem>>, vector<16xi32>,
      %parallel_loop3A_362 = arith.constant 0 : i32
      %parallel_loop3A_363 = vector.broadcast %parallel_loop3A_362 : i32 to vector<16xi32>
      %parallel_loop3A_364 = arith.cmpi sge, %parallel_loop3A_361, %parallel_loop3A_363 : vector<16xi32>
      %parallel_loop3A_365 = arith.constant 1000000 : i32
      %parallel_loop3A_366 = vector.broadcast %parallel_loop3A_365 : i32 to vector<16xi32>
      %parallel_loop3A_367 = arith.cmpi slt, %parallel_loop3A_361, %parallel_loop3A_366 : vector<16xi32>
      %parallel_loop3A_368 = arith.andi %parallel_loop3A_364, %parallel_loop3A_367 : vector<16xi1>
      %parallel_loop3A_369 = arith.constant 0 : i32
      %parallel_loop3A_370 = vector.broadcast %parallel_loop3A_369 : i32 to vector<16xi32>
      %parallel_loop3A_371 = arith.select %parallel_loop3A_368, %parallel_loop3A_361, %parallel_loop3A_370 : vector<16xi1>, vector<16xi32>
      %parallel_loop3A_372 = arith.constant 16 : i32
      %parallel_loop3A_373 = arith.muli %parallel_loop3A_314, %parallel_loop3A_372 : i32
      %parallel_loop3A_374 = arith.index_cast %parallel_loop3A_373 : i32 to index
      %parallel_loop3A_375 = tpu.vector_load %arg6[%parallel_loop3A_374] {strides = array<i32>} : memref<512xi32, #tpu.memory_space<vmem>>, vector<16xi32>,
      tpu.vector_store %arg6[%parallel_loop3A_374], %parallel_loop3A_371 {strides = array<i32>} : memref<512xi32, #tpu.memory_space<vmem>>, vector<16xi32>,
    } {sc.loop_unroll_factor = 4 : i64, sc.parallel_access}
    %dma_start3A_178 = arith.constant 0 : i32
    %dma_start3A_179 = arith.constant 0 : i32
    %dma_start3A_180 = tpu.memref_slice %arg3[%dma_start3A_178, %dma_start3A_179] : memref<1000000x32xf32, #tpu.memory_space<hbm>> -> memref<1000000x32xf32, #tpu.memory_space<hbm>>
    tpu.enqueue_indirect_dma source(%dma_start3A_180 : memref<1000000x32xf32, #tpu.memory_space<hbm>>) target(%arg8 : memref<512x32xf32, #tpu.memory_space<vmem>>) offsets(%arg6 : memref<512xi32, #tpu.memory_space<vmem>>) semaphore(%arg12 : memref<!tpu.dma_semaphore, #tpu.memory_space<semaphore_mem>>)
    %dma_wait3A_181 = arith.constant 0 : i32
    %dma_wait3A_182 = arith.constant 0 : i32
    %dma_wait3A_183 = tpu.memref_slice %arg3[%dma_wait3A_181, %dma_wait3A_182] : memref<1000000x32xf32, #tpu.memory_space<hbm>> -> memref<1000000x32xf32, #tpu.memory_space<hbm>>
    tpu.wait_indirect_dma semaphore(%arg13 : memref<!tpu.dma_semaphore, #tpu.memory_space<semaphore_mem>>) src(%dma_wait3A_183 : memref<1000000x32xf32, #tpu.memory_space<hbm>>) dst(%arg9 : memref<512x32xf32, #tpu.memory_space<vmem>>)
    %dma_wait3A_184 = arith.constant 0 : i32
    %dma_wait3A_185 = arith.constant 0 : i32
    %dma_wait3A_186 = arith.constant 0 : i32
    %dma_wait3A_187 = tpu.memref_slice %arg11[%dma_wait3A_185, %dma_wait3A_186] : memref<32x513xf32, #tpu.memory_space<vmem>> -> memref<32x512xf32, #tpu.memory_space<vmem>>
    %dma_wait3A_188 = arith.constant 0 : i32
    %dma_wait3A_189 = tpu.memref_slice %arg4[%dma_wait3A_184, %dma_wait3A_188, %mul3A_2] : memref<200x32x16384xf32, #tpu.memory_space<hbm>> -> memref<1x32x512xf32, #tpu.memory_space<hbm>>
    %dma_wait3A_190 = tpu.memref_squeeze %dma_wait3A_189 : memref<1x32x512xf32, #tpu.memory_space<hbm>> -> memref<32x512xf32, #tpu.memory_space<hbm>>
    %dma_wait3A_191 = arith.constant 0 : i32
    %dma_wait3A_192 = tpu.memref_slice %arg4[%dma_wait3A_184, %dma_wait3A_191, %mul3A_2] : memref<200x32x16384xf32, #tpu.memory_space<hbm>> -> memref<1x32x512xf32, #tpu.memory_space<hbm>>
    %dma_wait3A_193 = tpu.memref_squeeze %dma_wait3A_192 : memref<1x32x512xf32, #tpu.memory_space<hbm>> -> memref<32x512xf32, #tpu.memory_space<hbm>>
    %dma_wait3A_194 = arith.constant 0 : i32
    %dma_wait3A_195 = arith.constant 0 : i32
    %dma_wait3A_196 = tpu.memref_slice %arg11[%dma_wait3A_194, %dma_wait3A_195] : memref<32x513xf32, #tpu.memory_space<vmem>> -> memref<32x512xf32, #tpu.memory_space<vmem>>
    tpu.wait_dma2 semaphore(%arg15 : memref<!tpu.dma_semaphore, #tpu.memory_space<semaphore_mem>>) src(%dma_wait3A_196 : memref<32x512xf32, #tpu.memory_space<vmem>>) dst(%dma_wait3A_193 : memref<32x512xf32, #tpu.memory_space<hbm>>)
    %parallel_loop3A_197 = arith.constant 0 : i32
    %parallel_loop3A_198 = arith.constant 512 : i32
    %parallel_loop3A_199 = arith.constant 1 : i32
    scf.for %parallel_loop3A_314 = %parallel_loop3A_197 to %parallel_loop3A_198 step %parallel_loop3A_199  : i32 {
      %parallel_loop3A_315 = vector.broadcast %parallel_loop3A_314 : i32 to vector<16xi32>
      %parallel_loop3A_316 = arith.index_cast %parallel_loop3A_314 : i32 to index
      %parallel_loop3A_317 = arith.constant 0 : index
      %parallel_loop3A_318 = tpu.vector_load %arg9[%parallel_loop3A_316, %parallel_loop3A_317] {strides = array<i32>} : memref<512x32xf32, #tpu.memory_space<vmem>>, vector<16xf32>,
      %parallel_loop3A_319 = arith.index_cast %parallel_loop3A_314 : i32 to index
      %parallel_loop3A_320 = arith.constant 16 : index
      %parallel_loop3A_321 = tpu.vector_load %arg9[%parallel_loop3A_319, %parallel_loop3A_320] {strides = array<i32>} : memref<512x32xf32, #tpu.memory_space<vmem>>, vector<16xf32>,
      tpu.vector_store_idx %arg11[%iota3A, %parallel_loop3A_315], %parallel_loop3A_318 : memref<32x513xf32, #tpu.memory_space<vmem>>[vector<16xi32>, vector<16xi32>], vector<16xf32>,
      tpu.vector_store_idx %arg11[%add3A_7, %parallel_loop3A_315], %parallel_loop3A_321 : memref<32x513xf32, #tpu.memory_space<vmem>>[vector<16xi32>, vector<16xi32>], vector<16xf32>,
    } {sc.loop_unroll_factor = 8 : i64, sc.parallel_access}
    %dma_start3A_200 = arith.constant 5 : i32
    %dma_start3A_201 = arith.constant 0 : i32
    %dma_start3A_202 = arith.constant 0 : i32
    %dma_start3A_203 = tpu.memref_slice %arg11[%dma_start3A_201, %dma_start3A_202] : memref<32x513xf32, #tpu.memory_space<vmem>> -> memref<32x512xf32, #tpu.memory_space<vmem>>
    %dma_start3A_204 = arith.constant 0 : i32
    %dma_start3A_205 = tpu.memref_slice %arg4[%dma_start3A_200, %dma_start3A_204, %mul3A_2] : memref<200x32x16384xf32, #tpu.memory_space<hbm>> -> memref<1x32x512xf32, #tpu.memory_space<hbm>>
    %dma_start3A_206 = tpu.memref_squeeze %dma_start3A_205 : memref<1x32x512xf32, #tpu.memory_space<hbm>> -> memref<32x512xf32, #tpu.memory_space<hbm>>
    %dma_start3A_207 = arith.constant 0 : i32
    %dma_start3A_208 = tpu.memref_slice %arg4[%dma_start3A_200, %dma_start3A_207, %mul3A_2] : memref<200x32x16384xf32, #tpu.memory_space<hbm>> -> memref<1x32x512xf32, #tpu.memory_space<hbm>>
    %dma_start3A_209 = tpu.memref_squeeze %dma_start3A_208 : memref<1x32x512xf32, #tpu.memory_space<hbm>> -> memref<32x512xf32, #tpu.memory_space<hbm>>
    %dma_start3A_210 = arith.constant 0 : i32
    %dma_start3A_211 = arith.constant 0 : i32
    %dma_start3A_212 = tpu.memref_slice %arg11[%dma_start3A_210, %dma_start3A_211] : memref<32x513xf32, #tpu.memory_space<vmem>> -> memref<32x512xf32, #tpu.memory_space<vmem>>
    tpu.enqueue_dma source(%dma_start3A_212 : memref<32x512xf32, #tpu.memory_space<vmem>>) target(%dma_start3A_209 : memref<32x512xf32, #tpu.memory_space<hbm>>) target_semaphore(%arg15 : memref<!tpu.dma_semaphore, #tpu.memory_space<semaphore_mem>>)
    %parallel_loop3A_213 = arith.constant 0 : i32
    %parallel_loop3A_214 = arith.constant 32 : i32
    %parallel_loop3A_215 = arith.constant 1 : i32
    scf.for %parallel_loop3A_314 = %parallel_loop3A_213 to %parallel_loop3A_214 step %parallel_loop3A_215  : i32 {
      %parallel_loop3A_315 = arith.constant 8 : i32
      %parallel_loop3A_316 = arith.divsi %parallel_loop3A_314, %parallel_loop3A_315 : i32
      %parallel_loop3A_317 = arith.constant 0 : i32
      %parallel_loop3A_318 = arith.cmpi sgt, %parallel_loop3A_314, %parallel_loop3A_317 : i32
      %parallel_loop3A_319 = arith.extui %parallel_loop3A_318 : i1 to i32
      %parallel_loop3A_320 = arith.constant 0 : i32
      %parallel_loop3A_321 = arith.cmpi slt, %parallel_loop3A_314, %parallel_loop3A_320 : i32
      %parallel_loop3A_322 = arith.extui %parallel_loop3A_321 : i1 to i32
      %parallel_loop3A_323 = arith.subi %parallel_loop3A_319, %parallel_loop3A_322 : i32
      %parallel_loop3A_324 = arith.constant 0 : i32
      %parallel_loop3A_325 = arith.cmpi sgt, %parallel_loop3A_315, %parallel_loop3A_324 : i32
      %parallel_loop3A_326 = arith.extui %parallel_loop3A_325 : i1 to i32
      %parallel_loop3A_327 = arith.constant 0 : i32
      %parallel_loop3A_328 = arith.cmpi slt, %parallel_loop3A_315, %parallel_loop3A_327 : i32
      %parallel_loop3A_329 = arith.extui %parallel_loop3A_328 : i1 to i32
      %parallel_loop3A_330 = arith.subi %parallel_loop3A_326, %parallel_loop3A_329 : i32
      %parallel_loop3A_331 = arith.cmpi ne, %parallel_loop3A_323, %parallel_loop3A_330 : i32
      %parallel_loop3A_332 = arith.remsi %parallel_loop3A_314, %parallel_loop3A_315 : i32
      %parallel_loop3A_333 = arith.constant 0 : i32
      %parallel_loop3A_334 = arith.cmpi ne, %parallel_loop3A_332, %parallel_loop3A_333 : i32
      %parallel_loop3A_335 = arith.andi %parallel_loop3A_331, %parallel_loop3A_334 : i1
      %parallel_loop3A_336 = arith.constant 1 : i32
      %parallel_loop3A_337 = arith.subi %parallel_loop3A_316, %parallel_loop3A_336 : i32
      %parallel_loop3A_338 = arith.select %parallel_loop3A_335, %parallel_loop3A_337, %parallel_loop3A_316 : i32
      %parallel_loop3A_339 = arith.constant 8 : i32
      %parallel_loop3A_340 = arith.constant 0 : i32
      %parallel_loop3A_341 = arith.cmpi eq, %parallel_loop3A_339, %parallel_loop3A_340 : i32
      %parallel_loop3A_342 = arith.constant 1 : i32
      %parallel_loop3A_343 = arith.select %parallel_loop3A_341, %parallel_loop3A_342, %parallel_loop3A_339 : i32
      %parallel_loop3A_344 = arith.remsi %parallel_loop3A_314, %parallel_loop3A_343 : i32
      %parallel_loop3A_345 = arith.constant 0 : i32
      %parallel_loop3A_346 = arith.cmpi ne, %parallel_loop3A_344, %parallel_loop3A_345 : i32
      %parallel_loop3A_347 = arith.constant 0 : i32
      %parallel_loop3A_348 = arith.cmpi slt, %parallel_loop3A_344, %parallel_loop3A_347 : i32
      %parallel_loop3A_349 = arith.constant 0 : i32
      %parallel_loop3A_350 = arith.cmpi slt, %parallel_loop3A_343, %parallel_loop3A_349 : i32
      %parallel_loop3A_351 = arith.xori %parallel_loop3A_348, %parallel_loop3A_350 : i1
      %parallel_loop3A_352 = arith.andi %parallel_loop3A_351, %parallel_loop3A_346 : i1
      %parallel_loop3A_353 = arith.addi %parallel_loop3A_344, %parallel_loop3A_343 : i32
      %parallel_loop3A_354 = arith.select %parallel_loop3A_352, %parallel_loop3A_353, %parallel_loop3A_344 : i32
      %parallel_loop3A_355 = arith.constant 16 : i32
      %parallel_loop3A_356 = arith.muli %parallel_loop3A_354, %parallel_loop3A_355 : i32
      %parallel_loop3A_357 = arith.constant 7 : i32
      %parallel_loop3A_358 = arith.index_cast %parallel_loop3A_338 : i32 to index
      %parallel_loop3A_359 = arith.index_cast %parallel_loop3A_357 : i32 to index
      %parallel_loop3A_360 = arith.index_cast %parallel_loop3A_356 : i32 to index
      %parallel_loop3A_361 = tpu.vector_load %arg5[%parallel_loop3A_358, %parallel_loop3A_359, %parallel_loop3A_360] {strides = array<i32>} : memref<4x8x128xi32, #tpu.memory_space<vmem>>, vector<16xi32>,
      %parallel_loop3A_362 = arith.constant 0 : i32
      %parallel_loop3A_363 = vector.broadcast %parallel_loop3A_362 : i32 to vector<16xi32>
      %parallel_loop3A_364 = arith.cmpi sge, %parallel_loop3A_361, %parallel_loop3A_363 : vector<16xi32>
      %parallel_loop3A_365 = arith.constant 1000000 : i32
      %parallel_loop3A_366 = vector.broadcast %parallel_loop3A_365 : i32 to vector<16xi32>
      %parallel_loop3A_367 = arith.cmpi slt, %parallel_loop3A_361, %parallel_loop3A_366 : vector<16xi32>
      %parallel_loop3A_368 = arith.andi %parallel_loop3A_364, %parallel_loop3A_367 : vector<16xi1>
      %parallel_loop3A_369 = arith.constant 0 : i32
      %parallel_loop3A_370 = vector.broadcast %parallel_loop3A_369 : i32 to vector<16xi32>
      %parallel_loop3A_371 = arith.select %parallel_loop3A_368, %parallel_loop3A_361, %parallel_loop3A_370 : vector<16xi1>, vector<16xi32>
      %parallel_loop3A_372 = arith.constant 16 : i32
      %parallel_loop3A_373 = arith.muli %parallel_loop3A_314, %parallel_loop3A_372 : i32
      %parallel_loop3A_374 = arith.index_cast %parallel_loop3A_373 : i32 to index
      %parallel_loop3A_375 = tpu.vector_load %arg7[%parallel_loop3A_374] {strides = array<i32>} : memref<512xi32, #tpu.memory_space<vmem>>, vector<16xi32>,
      tpu.vector_store %arg7[%parallel_loop3A_374], %parallel_loop3A_371 {strides = array<i32>} : memref<512xi32, #tpu.memory_space<vmem>>, vector<16xi32>,
    } {sc.loop_unroll_factor = 4 : i64, sc.parallel_access}
    %dma_start3A_216 = arith.constant 0 : i32
    %dma_start3A_217 = arith.constant 0 : i32
    %dma_start3A_218 = tpu.memref_slice %arg3[%dma_start3A_216, %dma_start3A_217] : memref<1000000x32xf32, #tpu.memory_space<hbm>> -> memref<1000000x32xf32, #tpu.memory_space<hbm>>
    tpu.enqueue_indirect_dma source(%dma_start3A_218 : memref<1000000x32xf32, #tpu.memory_space<hbm>>) target(%arg9 : memref<512x32xf32, #tpu.memory_space<vmem>>) offsets(%arg7 : memref<512xi32, #tpu.memory_space<vmem>>) semaphore(%arg13 : memref<!tpu.dma_semaphore, #tpu.memory_space<semaphore_mem>>)
    %dma_wait3A_219 = arith.constant 0 : i32
    %dma_wait3A_220 = arith.constant 0 : i32
    %dma_wait3A_221 = tpu.memref_slice %arg3[%dma_wait3A_219, %dma_wait3A_220] : memref<1000000x32xf32, #tpu.memory_space<hbm>> -> memref<1000000x32xf32, #tpu.memory_space<hbm>>
    tpu.wait_indirect_dma semaphore(%arg12 : memref<!tpu.dma_semaphore, #tpu.memory_space<semaphore_mem>>) src(%dma_wait3A_221 : memref<1000000x32xf32, #tpu.memory_space<hbm>>) dst(%arg8 : memref<512x32xf32, #tpu.memory_space<vmem>>)
    %dma_wait3A_222 = arith.constant 0 : i32
    %dma_wait3A_223 = arith.constant 0 : i32
    %dma_wait3A_224 = arith.constant 0 : i32
    %dma_wait3A_225 = tpu.memref_slice %arg10[%dma_wait3A_223, %dma_wait3A_224] : memref<32x513xf32, #tpu.memory_space<vmem>> -> memref<32x512xf32, #tpu.memory_space<vmem>>
    %dma_wait3A_226 = arith.constant 0 : i32
    %dma_wait3A_227 = tpu.memref_slice %arg4[%dma_wait3A_222, %dma_wait3A_226, %mul3A_2] : memref<200x32x16384xf32, #tpu.memory_space<hbm>> -> memref<1x32x512xf32, #tpu.memory_space<hbm>>
    %dma_wait3A_228 = tpu.memref_squeeze %dma_wait3A_227 : memref<1x32x512xf32, #tpu.memory_space<hbm>> -> memref<32x512xf32, #tpu.memory_space<hbm>>
    %dma_wait3A_229 = arith.constant 0 : i32
    %dma_wait3A_230 = tpu.memref_slice %arg4[%dma_wait3A_222, %dma_wait3A_229, %mul3A_2] : memref<200x32x16384xf32, #tpu.memory_space<hbm>> -> memref<1x32x512xf32, #tpu.memory_space<hbm>>
    %dma_wait3A_231 = tpu.memref_squeeze %dma_wait3A_230 : memref<1x32x512xf32, #tpu.memory_space<hbm>> -> memref<32x512xf32, #tpu.memory_space<hbm>>
    %dma_wait3A_232 = arith.constant 0 : i32
    %dma_wait3A_233 = arith.constant 0 : i32
    %dma_wait3A_234 = tpu.memref_slice %arg10[%dma_wait3A_232, %dma_wait3A_233] : memref<32x513xf32, #tpu.memory_space<vmem>> -> memref<32x512xf32, #tpu.memory_space<vmem>>
    tpu.wait_dma2 semaphore(%arg14 : memref<!tpu.dma_semaphore, #tpu.memory_space<semaphore_mem>>) src(%dma_wait3A_234 : memref<32x512xf32, #tpu.memory_space<vmem>>) dst(%dma_wait3A_231 : memref<32x512xf32, #tpu.memory_space<hbm>>)
    %parallel_loop3A_235 = arith.constant 0 : i32
    %parallel_loop3A_236 = arith.constant 512 : i32
    %parallel_loop3A_237 = arith.constant 1 : i32
    scf.for %parallel_loop3A_314 = %parallel_loop3A_235 to %parallel_loop3A_236 step %parallel_loop3A_237  : i32 {
      %parallel_loop3A_315 = vector.broadcast %parallel_loop3A_314 : i32 to vector<16xi32>
      %parallel_loop3A_316 = arith.index_cast %parallel_loop3A_314 : i32 to index
      %parallel_loop3A_317 = arith.constant 0 : index
      %parallel_loop3A_318 = tpu.vector_load %arg8[%parallel_loop3A_316, %parallel_loop3A_317] {strides = array<i32>} : memref<512x32xf32, #tpu.memory_space<vmem>>, vector<16xf32>,
      %parallel_loop3A_319 = arith.index_cast %parallel_loop3A_314 : i32 to index
      %parallel_loop3A_320 = arith.constant 16 : index
      %parallel_loop3A_321 = tpu.vector_load %arg8[%parallel_loop3A_319, %parallel_loop3A_320] {strides = array<i32>} : memref<512x32xf32, #tpu.memory_space<vmem>>, vector<16xf32>,
      tpu.vector_store_idx %arg10[%iota3A, %parallel_loop3A_315], %parallel_loop3A_318 : memref<32x513xf32, #tpu.memory_space<vmem>>[vector<16xi32>, vector<16xi32>], vector<16xf32>,
      tpu.vector_store_idx %arg10[%add3A_7, %parallel_loop3A_315], %parallel_loop3A_321 : memref<32x513xf32, #tpu.memory_space<vmem>>[vector<16xi32>, vector<16xi32>], vector<16xf32>,
    } {sc.loop_unroll_factor = 8 : i64, sc.parallel_access}
    %dma_start3A_238 = arith.constant 6 : i32
    %dma_start3A_239 = arith.constant 0 : i32
    %dma_start3A_240 = arith.constant 0 : i32
    %dma_start3A_241 = tpu.memref_slice %arg10[%dma_start3A_239, %dma_start3A_240] : memref<32x513xf32, #tpu.memory_space<vmem>> -> memref<32x512xf32, #tpu.memory_space<vmem>>
    %dma_start3A_242 = arith.constant 0 : i32
    %dma_start3A_243 = tpu.memref_slice %arg4[%dma_start3A_238, %dma_start3A_242, %mul3A_2] : memref<200x32x16384xf32, #tpu.memory_space<hbm>> -> memref<1x32x512xf32, #tpu.memory_space<hbm>>
    %dma_start3A_244 = tpu.memref_squeeze %dma_start3A_243 : memref<1x32x512xf32, #tpu.memory_space<hbm>> -> memref<32x512xf32, #tpu.memory_space<hbm>>
    %dma_start3A_245 = arith.constant 0 : i32
    %dma_start3A_246 = tpu.memref_slice %arg4[%dma_start3A_238, %dma_start3A_245, %mul3A_2] : memref<200x32x16384xf32, #tpu.memory_space<hbm>> -> memref<1x32x512xf32, #tpu.memory_space<hbm>>
    %dma_start3A_247 = tpu.memref_squeeze %dma_start3A_246 : memref<1x32x512xf32, #tpu.memory_space<hbm>> -> memref<32x512xf32, #tpu.memory_space<hbm>>
    %dma_start3A_248 = arith.constant 0 : i32
    %dma_start3A_249 = arith.constant 0 : i32
    %dma_start3A_250 = tpu.memref_slice %arg10[%dma_start3A_248, %dma_start3A_249] : memref<32x513xf32, #tpu.memory_space<vmem>> -> memref<32x512xf32, #tpu.memory_space<vmem>>
    tpu.enqueue_dma source(%dma_start3A_250 : memref<32x512xf32, #tpu.memory_space<vmem>>) target(%dma_start3A_247 : memref<32x512xf32, #tpu.memory_space<hbm>>) target_semaphore(%arg14 : memref<!tpu.dma_semaphore, #tpu.memory_space<semaphore_mem>>)
    %scan3A = arith.constant 0 : i32
    %scan3A_251 = arith.constant 1 : i32
    %scan3A_252 = arith.constant 24 : i32
    %scan3A_253 = arith.addi %scan3A_251, %scan3A_252 : i32
    %scan3A_254 = arith.constant 1 : i32
    scf.for %scan3A_314 = %scan3A_251 to %scan3A_253 step %scan3A_254  : i32 {
      "tpu.region"() ({
        %run_scoped3A_658 = tpu.sem_alloc : memref<!tpu.dma_semaphore, #tpu.memory_space<semaphore_mem>>
        %dma_start3A_659 = arith.constant 0 : i32
        %dma_start3A_660 = arith.constant 0 : i32
        %dma_start3A_661 = tpu.memref_slice %arg2[%scan3A_314, %mul3A_4, %dma_start3A_659, %dma_start3A_660] : memref<25x128x8x128xi32, #tpu.memory_space<hbm>> -> memref<1x4x8x128xi32, #tpu.memory_space<hbm>>
        %dma_start3A_662 = tpu.memref_squeeze %dma_start3A_661 : memref<1x4x8x128xi32, #tpu.memory_space<hbm>> -> memref<4x8x128xi32, #tpu.memory_space<hbm>>
        %dma_start3A_663 = arith.constant 0 : i32
        %dma_start3A_664 = arith.constant 0 : i32
        %dma_start3A_665 = tpu.memref_slice %arg2[%scan3A_314, %mul3A_4, %dma_start3A_663, %dma_start3A_664] : memref<25x128x8x128xi32, #tpu.memory_space<hbm>> -> memref<1x4x8x128xi32, #tpu.memory_space<hbm>>
        %dma_start3A_666 = tpu.memref_squeeze %dma_start3A_665 : memref<1x4x8x128xi32, #tpu.memory_space<hbm>> -> memref<4x8x128xi32, #tpu.memory_space<hbm>>
        tpu.enqueue_dma source(%dma_start3A_666 : memref<4x8x128xi32, #tpu.memory_space<hbm>>) target(%arg5 : memref<4x8x128xi32, #tpu.memory_space<vmem>>) target_semaphore(%run_scoped3A_658 : memref<!tpu.dma_semaphore, #tpu.memory_space<semaphore_mem>>)
        %dma_wait3A_667 = arith.constant 0 : i32
        %dma_wait3A_668 = arith.constant 0 : i32
        %dma_wait3A_669 = tpu.memref_slice %arg2[%scan3A_314, %mul3A_4, %dma_wait3A_667, %dma_wait3A_668] : memref<25x128x8x128xi32, #tpu.memory_space<hbm>> -> memref<1x4x8x128xi32, #tpu.memory_space<hbm>>
        %dma_wait3A_670 = tpu.memref_squeeze %dma_wait3A_669 : memref<1x4x8x128xi32, #tpu.memory_space<hbm>> -> memref<4x8x128xi32, #tpu.memory_space<hbm>>
        %dma_wait3A_671 = arith.constant 0 : i32
        %dma_wait3A_672 = arith.constant 0 : i32
        %dma_wait3A_673 = tpu.memref_slice %arg2[%scan3A_314, %mul3A_4, %dma_wait3A_671, %dma_wait3A_672] : memref<25x128x8x128xi32, #tpu.memory_space<hbm>> -> memref<1x4x8x128xi32, #tpu.memory_space<hbm>>
        %dma_wait3A_674 = tpu.memref_squeeze %dma_wait3A_673 : memref<1x4x8x128xi32, #tpu.memory_space<hbm>> -> memref<4x8x128xi32, #tpu.memory_space<hbm>>
        tpu.wait_dma2 semaphore(%run_scoped3A_658 : memref<!tpu.dma_semaphore, #tpu.memory_space<semaphore_mem>>) src(%dma_wait3A_674 : memref<4x8x128xi32, #tpu.memory_space<hbm>>) dst(%arg5 : memref<4x8x128xi32, #tpu.memory_space<vmem>>)
        tpu.yield
      }) : () -> ()
      %mul3A_315 = arith.constant 8 : i32
      %mul3A_316 = arith.muli %scan3A_314, %mul3A_315 : i32
      %add3A_317 = arith.constant 0 : i32
      %add3A_318 = arith.addi %mul3A_316, %add3A_317 : i32
      %parallel_loop3A_319 = arith.constant 0 : i32
      %parallel_loop3A_320 = arith.constant 32 : i32
      %parallel_loop3A_321 = arith.constant 1 : i32
      scf.for %parallel_loop3A_658 = %parallel_loop3A_319 to %parallel_loop3A_320 step %parallel_loop3A_321  : i32 {
        %parallel_loop3A_659 = arith.constant 8 : i32
        %parallel_loop3A_660 = arith.divsi %parallel_loop3A_658, %parallel_loop3A_659 : i32
        %parallel_loop3A_661 = arith.constant 0 : i32
        %parallel_loop3A_662 = arith.cmpi sgt, %parallel_loop3A_658, %parallel_loop3A_661 : i32
        %parallel_loop3A_663 = arith.extui %parallel_loop3A_662 : i1 to i32
        %parallel_loop3A_664 = arith.constant 0 : i32
        %parallel_loop3A_665 = arith.cmpi slt, %parallel_loop3A_658, %parallel_loop3A_664 : i32
        %parallel_loop3A_666 = arith.extui %parallel_loop3A_665 : i1 to i32
        %parallel_loop3A_667 = arith.subi %parallel_loop3A_663, %parallel_loop3A_666 : i32
        %parallel_loop3A_668 = arith.constant 0 : i32
        %parallel_loop3A_669 = arith.cmpi sgt, %parallel_loop3A_659, %parallel_loop3A_668 : i32
        %parallel_loop3A_670 = arith.extui %parallel_loop3A_669 : i1 to i32
        %parallel_loop3A_671 = arith.constant 0 : i32
        %parallel_loop3A_672 = arith.cmpi slt, %parallel_loop3A_659, %parallel_loop3A_671 : i32
        %parallel_loop3A_673 = arith.extui %parallel_loop3A_672 : i1 to i32
        %parallel_loop3A_674 = arith.subi %parallel_loop3A_670, %parallel_loop3A_673 : i32
        %parallel_loop3A_675 = arith.cmpi ne, %parallel_loop3A_667, %parallel_loop3A_674 : i32
        %parallel_loop3A_676 = arith.remsi %parallel_loop3A_658, %parallel_loop3A_659 : i32
        %parallel_loop3A_677 = arith.constant 0 : i32
        %parallel_loop3A_678 = arith.cmpi ne, %parallel_loop3A_676, %parallel_loop3A_677 : i32
        %parallel_loop3A_679 = arith.andi %parallel_loop3A_675, %parallel_loop3A_678 : i1
        %parallel_loop3A_680 = arith.constant 1 : i32
        %parallel_loop3A_681 = arith.subi %parallel_loop3A_660, %parallel_loop3A_680 : i32
        %parallel_loop3A_682 = arith.select %parallel_loop3A_679, %parallel_loop3A_681, %parallel_loop3A_660 : i32
        %parallel_loop3A_683 = arith.constant 8 : i32
        %parallel_loop3A_684 = arith.constant 0 : i32
        %parallel_loop3A_685 = arith.cmpi eq, %parallel_loop3A_683, %parallel_loop3A_684 : i32
        %parallel_loop3A_686 = arith.constant 1 : i32
        %parallel_loop3A_687 = arith.select %parallel_loop3A_685, %parallel_loop3A_686, %parallel_loop3A_683 : i32
        %parallel_loop3A_688 = arith.remsi %parallel_loop3A_658, %parallel_loop3A_687 : i32
        %parallel_loop3A_689 = arith.constant 0 : i32
        %parallel_loop3A_690 = arith.cmpi ne, %parallel_loop3A_688, %parallel_loop3A_689 : i32
        %parallel_loop3A_691 = arith.constant 0 : i32
        %parallel_loop3A_692 = arith.cmpi slt, %parallel_loop3A_688, %parallel_loop3A_691 : i32
        %parallel_loop3A_693 = arith.constant 0 : i32
        %parallel_loop3A_694 = arith.cmpi slt, %parallel_loop3A_687, %parallel_loop3A_693 : i32
        %parallel_loop3A_695 = arith.xori %parallel_loop3A_692, %parallel_loop3A_694 : i1
        %parallel_loop3A_696 = arith.andi %parallel_loop3A_695, %parallel_loop3A_690 : i1
        %parallel_loop3A_697 = arith.addi %parallel_loop3A_688, %parallel_loop3A_687 : i32
        %parallel_loop3A_698 = arith.select %parallel_loop3A_696, %parallel_loop3A_697, %parallel_loop3A_688 : i32
        %parallel_loop3A_699 = arith.constant 16 : i32
        %parallel_loop3A_700 = arith.muli %parallel_loop3A_698, %parallel_loop3A_699 : i32
        %parallel_loop3A_701 = arith.constant 0 : i32
        %parallel_loop3A_702 = arith.index_cast %parallel_loop3A_682 : i32 to index
        %parallel_loop3A_703 = arith.index_cast %parallel_loop3A_701 : i32 to index
        %parallel_loop3A_704 = arith.index_cast %parallel_loop3A_700 : i32 to index
        %parallel_loop3A_705 = tpu.vector_load %arg5[%parallel_loop3A_702, %parallel_loop3A_703, %parallel_loop3A_704] {strides = array<i32>} : memref<4x8x128xi32, #tpu.memory_space<vmem>>, vector<16xi32>,
        %parallel_loop3A_706 = arith.constant 0 : i32
        %parallel_loop3A_707 = vector.broadcast %parallel_loop3A_706 : i32 to vector<16xi32>
        %parallel_loop3A_708 = arith.cmpi sge, %parallel_loop3A_705, %parallel_loop3A_707 : vector<16xi32>
        %parallel_loop3A_709 = arith.constant 1000000 : i32
        %parallel_loop3A_710 = vector.broadcast %parallel_loop3A_709 : i32 to vector<16xi32>
        %parallel_loop3A_711 = arith.cmpi slt, %parallel_loop3A_705, %parallel_loop3A_710 : vector<16xi32>
        %parallel_loop3A_712 = arith.andi %parallel_loop3A_708, %parallel_loop3A_711 : vector<16xi1>
        %parallel_loop3A_713 = arith.constant 0 : i32
        %parallel_loop3A_714 = vector.broadcast %parallel_loop3A_713 : i32 to vector<16xi32>
        %parallel_loop3A_715 = arith.select %parallel_loop3A_712, %parallel_loop3A_705, %parallel_loop3A_714 : vector<16xi1>, vector<16xi32>
        %parallel_loop3A_716 = arith.constant 16 : i32
        %parallel_loop3A_717 = arith.muli %parallel_loop3A_658, %parallel_loop3A_716 : i32
        %parallel_loop3A_718 = arith.index_cast %parallel_loop3A_717 : i32 to index
        %parallel_loop3A_719 = tpu.vector_load %arg6[%parallel_loop3A_718] {strides = array<i32>} : memref<512xi32, #tpu.memory_space<vmem>>, vector<16xi32>,
        tpu.vector_store %arg6[%parallel_loop3A_718], %parallel_loop3A_715 {strides = array<i32>} : memref<512xi32, #tpu.memory_space<vmem>>, vector<16xi32>,
      } {sc.loop_unroll_factor = 4 : i64, sc.parallel_access}
      %dma_start3A_322 = arith.constant 0 : i32
      %dma_start3A_323 = arith.constant 0 : i32
      %dma_start3A_324 = tpu.memref_slice %arg3[%dma_start3A_322, %dma_start3A_323] : memref<1000000x32xf32, #tpu.memory_space<hbm>> -> memref<1000000x32xf32, #tpu.memory_space<hbm>>
      tpu.enqueue_indirect_dma source(%dma_start3A_324 : memref<1000000x32xf32, #tpu.memory_space<hbm>>) target(%arg8 : memref<512x32xf32, #tpu.memory_space<vmem>>) offsets(%arg6 : memref<512xi32, #tpu.memory_space<vmem>>) semaphore(%arg12 : memref<!tpu.dma_semaphore, #tpu.memory_space<semaphore_mem>>)
      %dma_wait3A_325 = arith.constant 0 : i32
      %dma_wait3A_326 = arith.constant 0 : i32
      %dma_wait3A_327 = tpu.memref_slice %arg3[%dma_wait3A_325, %dma_wait3A_326] : memref<1000000x32xf32, #tpu.memory_space<hbm>> -> memref<1000000x32xf32, #tpu.memory_space<hbm>>
      tpu.wait_indirect_dma semaphore(%arg13 : memref<!tpu.dma_semaphore, #tpu.memory_space<semaphore_mem>>) src(%dma_wait3A_327 : memref<1000000x32xf32, #tpu.memory_space<hbm>>) dst(%arg9 : memref<512x32xf32, #tpu.memory_space<vmem>>)
      %dma_wait3A_328 = arith.constant 0 : i32
      %dma_wait3A_329 = arith.constant 0 : i32
      %dma_wait3A_330 = arith.constant 0 : i32
      %dma_wait3A_331 = tpu.memref_slice %arg11[%dma_wait3A_329, %dma_wait3A_330] : memref<32x513xf32, #tpu.memory_space<vmem>> -> memref<32x512xf32, #tpu.memory_space<vmem>>
      %dma_wait3A_332 = arith.constant 0 : i32
      %dma_wait3A_333 = tpu.memref_slice %arg4[%dma_wait3A_328, %dma_wait3A_332, %mul3A_2] : memref<200x32x16384xf32, #tpu.memory_space<hbm>> -> memref<1x32x512xf32, #tpu.memory_space<hbm>>
      %dma_wait3A_334 = tpu.memref_squeeze %dma_wait3A_333 : memref<1x32x512xf32, #tpu.memory_space<hbm>> -> memref<32x512xf32, #tpu.memory_space<hbm>>
      %dma_wait3A_335 = arith.constant 0 : i32
      %dma_wait3A_336 = tpu.memref_slice %arg4[%dma_wait3A_328, %dma_wait3A_335, %mul3A_2] : memref<200x32x16384xf32, #tpu.memory_space<hbm>> -> memref<1x32x512xf32, #tpu.memory_space<hbm>>
      %dma_wait3A_337 = tpu.memref_squeeze %dma_wait3A_336 : memref<1x32x512xf32, #tpu.memory_space<hbm>> -> memref<32x512xf32, #tpu.memory_space<hbm>>
      %dma_wait3A_338 = arith.constant 0 : i32
      %dma_wait3A_339 = arith.constant 0 : i32
      %dma_wait3A_340 = tpu.memref_slice %arg11[%dma_wait3A_338, %dma_wait3A_339] : memref<32x513xf32, #tpu.memory_space<vmem>> -> memref<32x512xf32, #tpu.memory_space<vmem>>
      tpu.wait_dma2 semaphore(%arg15 : memref<!tpu.dma_semaphore, #tpu.memory_space<semaphore_mem>>) src(%dma_wait3A_340 : memref<32x512xf32, #tpu.memory_space<vmem>>) dst(%dma_wait3A_337 : memref<32x512xf32, #tpu.memory_space<hbm>>)
      %parallel_loop3A_341 = arith.constant 0 : i32
      %parallel_loop3A_342 = arith.constant 512 : i32
      %parallel_loop3A_343 = arith.constant 1 : i32
      scf.for %parallel_loop3A_658 = %parallel_loop3A_341 to %parallel_loop3A_342 step %parallel_loop3A_343  : i32 {
        %parallel_loop3A_659 = vector.broadcast %parallel_loop3A_658 : i32 to vector<16xi32>
        %parallel_loop3A_660 = arith.index_cast %parallel_loop3A_658 : i32 to index
        %parallel_loop3A_661 = arith.constant 0 : index
        %parallel_loop3A_662 = tpu.vector_load %arg9[%parallel_loop3A_660, %parallel_loop3A_661] {strides = array<i32>} : memref<512x32xf32, #tpu.memory_space<vmem>>, vector<16xf32>,
        %parallel_loop3A_663 = arith.index_cast %parallel_loop3A_658 : i32 to index
        %parallel_loop3A_664 = arith.constant 16 : index
        %parallel_loop3A_665 = tpu.vector_load %arg9[%parallel_loop3A_663, %parallel_loop3A_664] {strides = array<i32>} : memref<512x32xf32, #tpu.memory_space<vmem>>, vector<16xf32>,
        tpu.vector_store_idx %arg11[%iota3A, %parallel_loop3A_659], %parallel_loop3A_662 : memref<32x513xf32, #tpu.memory_space<vmem>>[vector<16xi32>, vector<16xi32>], vector<16xf32>,
        tpu.vector_store_idx %arg11[%add3A_7, %parallel_loop3A_659], %parallel_loop3A_665 : memref<32x513xf32, #tpu.memory_space<vmem>>[vector<16xi32>, vector<16xi32>], vector<16xf32>,
      } {sc.loop_unroll_factor = 8 : i64, sc.parallel_access}
      %sub3A = arith.constant 1 : i32
      %sub3A_344 = arith.subi %add3A_318, %sub3A : i32
      %dma_start3A_345 = arith.constant 0 : i32
      %dma_start3A_346 = arith.constant 0 : i32
      %dma_start3A_347 = tpu.memref_slice %arg11[%dma_start3A_345, %dma_start3A_346] : memref<32x513xf32, #tpu.memory_space<vmem>> -> memref<32x512xf32, #tpu.memory_space<vmem>>
      %dma_start3A_348 = arith.constant 0 : i32
      %dma_start3A_349 = tpu.memref_slice %arg4[%sub3A_344, %dma_start3A_348, %mul3A_2] : memref<200x32x16384xf32, #tpu.memory_space<hbm>> -> memref<1x32x512xf32, #tpu.memory_space<hbm>>
      %dma_start3A_350 = tpu.memref_squeeze %dma_start3A_349 : memref<1x32x512xf32, #tpu.memory_space<hbm>> -> memref<32x512xf32, #tpu.memory_space<hbm>>
      %dma_start3A_351 = arith.constant 0 : i32
      %dma_start3A_352 = tpu.memref_slice %arg4[%sub3A_344, %dma_start3A_351, %mul3A_2] : memref<200x32x16384xf32, #tpu.memory_space<hbm>> -> memref<1x32x512xf32, #tpu.memory_space<hbm>>
      %dma_start3A_353 = tpu.memref_squeeze %dma_start3A_352 : memref<1x32x512xf32, #tpu.memory_space<hbm>> -> memref<32x512xf32, #tpu.memory_space<hbm>>
      %dma_start3A_354 = arith.constant 0 : i32
      %dma_start3A_355 = arith.constant 0 : i32
      %dma_start3A_356 = tpu.memref_slice %arg11[%dma_start3A_354, %dma_start3A_355] : memref<32x513xf32, #tpu.memory_space<vmem>> -> memref<32x512xf32, #tpu.memory_space<vmem>>
      tpu.enqueue_dma source(%dma_start3A_356 : memref<32x512xf32, #tpu.memory_space<vmem>>) target(%dma_start3A_353 : memref<32x512xf32, #tpu.memory_space<hbm>>) target_semaphore(%arg15 : memref<!tpu.dma_semaphore, #tpu.memory_space<semaphore_mem>>)
      %mul3A_357 = arith.constant 8 : i32
      %mul3A_358 = arith.muli %scan3A_314, %mul3A_357 : i32
      %add3A_359 = arith.constant 1 : i32
      %add3A_360 = arith.addi %mul3A_358, %add3A_359 : i32
      %parallel_loop3A_361 = arith.constant 0 : i32
      %parallel_loop3A_362 = arith.constant 32 : i32
      %parallel_loop3A_363 = arith.constant 1 : i32
      scf.for %parallel_loop3A_658 = %parallel_loop3A_361 to %parallel_loop3A_362 step %parallel_loop3A_363  : i32 {
        %parallel_loop3A_659 = arith.constant 8 : i32
        %parallel_loop3A_660 = arith.divsi %parallel_loop3A_658, %parallel_loop3A_659 : i32
        %parallel_loop3A_661 = arith.constant 0 : i32
        %parallel_loop3A_662 = arith.cmpi sgt, %parallel_loop3A_658, %parallel_loop3A_661 : i32
        %parallel_loop3A_663 = arith.extui %parallel_loop3A_662 : i1 to i32
        %parallel_loop3A_664 = arith.constant 0 : i32
        %parallel_loop3A_665 = arith.cmpi slt, %parallel_loop3A_658, %parallel_loop3A_664 : i32
        %parallel_loop3A_666 = arith.extui %parallel_loop3A_665 : i1 to i32
        %parallel_loop3A_667 = arith.subi %parallel_loop3A_663, %parallel_loop3A_666 : i32
        %parallel_loop3A_668 = arith.constant 0 : i32
        %parallel_loop3A_669 = arith.cmpi sgt, %parallel_loop3A_659, %parallel_loop3A_668 : i32
        %parallel_loop3A_670 = arith.extui %parallel_loop3A_669 : i1 to i32
        %parallel_loop3A_671 = arith.constant 0 : i32
        %parallel_loop3A_672 = arith.cmpi slt, %parallel_loop3A_659, %parallel_loop3A_671 : i32
        %parallel_loop3A_673 = arith.extui %parallel_loop3A_672 : i1 to i32
        %parallel_loop3A_674 = arith.subi %parallel_loop3A_670, %parallel_loop3A_673 : i32
        %parallel_loop3A_675 = arith.cmpi ne, %parallel_loop3A_667, %parallel_loop3A_674 : i32
        %parallel_loop3A_676 = arith.remsi %parallel_loop3A_658, %parallel_loop3A_659 : i32
        %parallel_loop3A_677 = arith.constant 0 : i32
        %parallel_loop3A_678 = arith.cmpi ne, %parallel_loop3A_676, %parallel_loop3A_677 : i32
        %parallel_loop3A_679 = arith.andi %parallel_loop3A_675, %parallel_loop3A_678 : i1
        %parallel_loop3A_680 = arith.constant 1 : i32
        %parallel_loop3A_681 = arith.subi %parallel_loop3A_660, %parallel_loop3A_680 : i32
        %parallel_loop3A_682 = arith.select %parallel_loop3A_679, %parallel_loop3A_681, %parallel_loop3A_660 : i32
        %parallel_loop3A_683 = arith.constant 8 : i32
        %parallel_loop3A_684 = arith.constant 0 : i32
        %parallel_loop3A_685 = arith.cmpi eq, %parallel_loop3A_683, %parallel_loop3A_684 : i32
        %parallel_loop3A_686 = arith.constant 1 : i32
        %parallel_loop3A_687 = arith.select %parallel_loop3A_685, %parallel_loop3A_686, %parallel_loop3A_683 : i32
        %parallel_loop3A_688 = arith.remsi %parallel_loop3A_658, %parallel_loop3A_687 : i32
        %parallel_loop3A_689 = arith.constant 0 : i32
        %parallel_loop3A_690 = arith.cmpi ne, %parallel_loop3A_688, %parallel_loop3A_689 : i32
        %parallel_loop3A_691 = arith.constant 0 : i32
        %parallel_loop3A_692 = arith.cmpi slt, %parallel_loop3A_688, %parallel_loop3A_691 : i32
        %parallel_loop3A_693 = arith.constant 0 : i32
        %parallel_loop3A_694 = arith.cmpi slt, %parallel_loop3A_687, %parallel_loop3A_693 : i32
        %parallel_loop3A_695 = arith.xori %parallel_loop3A_692, %parallel_loop3A_694 : i1
        %parallel_loop3A_696 = arith.andi %parallel_loop3A_695, %parallel_loop3A_690 : i1
        %parallel_loop3A_697 = arith.addi %parallel_loop3A_688, %parallel_loop3A_687 : i32
        %parallel_loop3A_698 = arith.select %parallel_loop3A_696, %parallel_loop3A_697, %parallel_loop3A_688 : i32
        %parallel_loop3A_699 = arith.constant 16 : i32
        %parallel_loop3A_700 = arith.muli %parallel_loop3A_698, %parallel_loop3A_699 : i32
        %parallel_loop3A_701 = arith.constant 1 : i32
        %parallel_loop3A_702 = arith.index_cast %parallel_loop3A_682 : i32 to index
        %parallel_loop3A_703 = arith.index_cast %parallel_loop3A_701 : i32 to index
        %parallel_loop3A_704 = arith.index_cast %parallel_loop3A_700 : i32 to index
        %parallel_loop3A_705 = tpu.vector_load %arg5[%parallel_loop3A_702, %parallel_loop3A_703, %parallel_loop3A_704] {strides = array<i32>} : memref<4x8x128xi32, #tpu.memory_space<vmem>>, vector<16xi32>,
        %parallel_loop3A_706 = arith.constant 0 : i32
        %parallel_loop3A_707 = vector.broadcast %parallel_loop3A_706 : i32 to vector<16xi32>
        %parallel_loop3A_708 = arith.cmpi sge, %parallel_loop3A_705, %parallel_loop3A_707 : vector<16xi32>
        %parallel_loop3A_709 = arith.constant 1000000 : i32
        %parallel_loop3A_710 = vector.broadcast %parallel_loop3A_709 : i32 to vector<16xi32>
        %parallel_loop3A_711 = arith.cmpi slt, %parallel_loop3A_705, %parallel_loop3A_710 : vector<16xi32>
        %parallel_loop3A_712 = arith.andi %parallel_loop3A_708, %parallel_loop3A_711 : vector<16xi1>
        %parallel_loop3A_713 = arith.constant 0 : i32
        %parallel_loop3A_714 = vector.broadcast %parallel_loop3A_713 : i32 to vector<16xi32>
        %parallel_loop3A_715 = arith.select %parallel_loop3A_712, %parallel_loop3A_705, %parallel_loop3A_714 : vector<16xi1>, vector<16xi32>
        %parallel_loop3A_716 = arith.constant 16 : i32
        %parallel_loop3A_717 = arith.muli %parallel_loop3A_658, %parallel_loop3A_716 : i32
        %parallel_loop3A_718 = arith.index_cast %parallel_loop3A_717 : i32 to index
        %parallel_loop3A_719 = tpu.vector_load %arg7[%parallel_loop3A_718] {strides = array<i32>} : memref<512xi32, #tpu.memory_space<vmem>>, vector<16xi32>,
        tpu.vector_store %arg7[%parallel_loop3A_718], %parallel_loop3A_715 {strides = array<i32>} : memref<512xi32, #tpu.memory_space<vmem>>, vector<16xi32>,
      } {sc.loop_unroll_factor = 4 : i64, sc.parallel_access}
      %dma_start3A_364 = arith.constant 0 : i32
      %dma_start3A_365 = arith.constant 0 : i32
      %dma_start3A_366 = tpu.memref_slice %arg3[%dma_start3A_364, %dma_start3A_365] : memref<1000000x32xf32, #tpu.memory_space<hbm>> -> memref<1000000x32xf32, #tpu.memory_space<hbm>>
      tpu.enqueue_indirect_dma source(%dma_start3A_366 : memref<1000000x32xf32, #tpu.memory_space<hbm>>) target(%arg9 : memref<512x32xf32, #tpu.memory_space<vmem>>) offsets(%arg7 : memref<512xi32, #tpu.memory_space<vmem>>) semaphore(%arg13 : memref<!tpu.dma_semaphore, #tpu.memory_space<semaphore_mem>>)
      %dma_wait3A_367 = arith.constant 0 : i32
      %dma_wait3A_368 = arith.constant 0 : i32
      %dma_wait3A_369 = tpu.memref_slice %arg3[%dma_wait3A_367, %dma_wait3A_368] : memref<1000000x32xf32, #tpu.memory_space<hbm>> -> memref<1000000x32xf32, #tpu.memory_space<hbm>>
      tpu.wait_indirect_dma semaphore(%arg12 : memref<!tpu.dma_semaphore, #tpu.memory_space<semaphore_mem>>) src(%dma_wait3A_369 : memref<1000000x32xf32, #tpu.memory_space<hbm>>) dst(%arg8 : memref<512x32xf32, #tpu.memory_space<vmem>>)
      %dma_wait3A_370 = arith.constant 0 : i32
      %dma_wait3A_371 = arith.constant 0 : i32
      %dma_wait3A_372 = arith.constant 0 : i32
      %dma_wait3A_373 = tpu.memref_slice %arg10[%dma_wait3A_371, %dma_wait3A_372] : memref<32x513xf32, #tpu.memory_space<vmem>> -> memref<32x512xf32, #tpu.memory_space<vmem>>
      %dma_wait3A_374 = arith.constant 0 : i32
      %dma_wait3A_375 = tpu.memref_slice %arg4[%dma_wait3A_370, %dma_wait3A_374, %mul3A_2] : memref<200x32x16384xf32, #tpu.memory_space<hbm>> -> memref<1x32x512xf32, #tpu.memory_space<hbm>>
      %dma_wait3A_376 = tpu.memref_squeeze %dma_wait3A_375 : memref<1x32x512xf32, #tpu.memory_space<hbm>> -> memref<32x512xf32, #tpu.memory_space<hbm>>
      %dma_wait3A_377 = arith.constant 0 : i32
      %dma_wait3A_378 = tpu.memref_slice %arg4[%dma_wait3A_370, %dma_wait3A_377, %mul3A_2] : memref<200x32x16384xf32, #tpu.memory_space<hbm>> -> memref<1x32x512xf32, #tpu.memory_space<hbm>>
      %dma_wait3A_379 = tpu.memref_squeeze %dma_wait3A_378 : memref<1x32x512xf32, #tpu.memory_space<hbm>> -> memref<32x512xf32, #tpu.memory_space<hbm>>
      %dma_wait3A_380 = arith.constant 0 : i32
      %dma_wait3A_381 = arith.constant 0 : i32
      %dma_wait3A_382 = tpu.memref_slice %arg10[%dma_wait3A_380, %dma_wait3A_381] : memref<32x513xf32, #tpu.memory_space<vmem>> -> memref<32x512xf32, #tpu.memory_space<vmem>>
      tpu.wait_dma2 semaphore(%arg14 : memref<!tpu.dma_semaphore, #tpu.memory_space<semaphore_mem>>) src(%dma_wait3A_382 : memref<32x512xf32, #tpu.memory_space<vmem>>) dst(%dma_wait3A_379 : memref<32x512xf32, #tpu.memory_space<hbm>>)
      %parallel_loop3A_383 = arith.constant 0 : i32
      %parallel_loop3A_384 = arith.constant 512 : i32
      %parallel_loop3A_385 = arith.constant 1 : i32
      scf.for %parallel_loop3A_658 = %parallel_loop3A_383 to %parallel_loop3A_384 step %parallel_loop3A_385  : i32 {
        %parallel_loop3A_659 = vector.broadcast %parallel_loop3A_658 : i32 to vector<16xi32>
        %parallel_loop3A_660 = arith.index_cast %parallel_loop3A_658 : i32 to index
        %parallel_loop3A_661 = arith.constant 0 : index
        %parallel_loop3A_662 = tpu.vector_load %arg8[%parallel_loop3A_660, %parallel_loop3A_661] {strides = array<i32>} : memref<512x32xf32, #tpu.memory_space<vmem>>, vector<16xf32>,
        %parallel_loop3A_663 = arith.index_cast %parallel_loop3A_658 : i32 to index
        %parallel_loop3A_664 = arith.constant 16 : index
        %parallel_loop3A_665 = tpu.vector_load %arg8[%parallel_loop3A_663, %parallel_loop3A_664] {strides = array<i32>} : memref<512x32xf32, #tpu.memory_space<vmem>>, vector<16xf32>,
        tpu.vector_store_idx %arg10[%iota3A, %parallel_loop3A_659], %parallel_loop3A_662 : memref<32x513xf32, #tpu.memory_space<vmem>>[vector<16xi32>, vector<16xi32>], vector<16xf32>,
        tpu.vector_store_idx %arg10[%add3A_7, %parallel_loop3A_659], %parallel_loop3A_665 : memref<32x513xf32, #tpu.memory_space<vmem>>[vector<16xi32>, vector<16xi32>], vector<16xf32>,
      } {sc.loop_unroll_factor = 8 : i64, sc.parallel_access}
      %sub3A_386 = arith.constant 1 : i32
      %sub3A_387 = arith.subi %add3A_360, %sub3A_386 : i32
      %dma_start3A_388 = arith.constant 0 : i32
      %dma_start3A_389 = arith.constant 0 : i32
      %dma_start3A_390 = tpu.memref_slice %arg10[%dma_start3A_388, %dma_start3A_389] : memref<32x513xf32, #tpu.memory_space<vmem>> -> memref<32x512xf32, #tpu.memory_space<vmem>>
      %dma_start3A_391 = arith.constant 0 : i32
      %dma_start3A_392 = tpu.memref_slice %arg4[%sub3A_387, %dma_start3A_391, %mul3A_2] : memref<200x32x16384xf32, #tpu.memory_space<hbm>> -> memref<1x32x512xf32, #tpu.memory_space<hbm>>
      %dma_start3A_393 = tpu.memref_squeeze %dma_start3A_392 : memref<1x32x512xf32, #tpu.memory_space<hbm>> -> memref<32x512xf32, #tpu.memory_space<hbm>>
      %dma_start3A_394 = arith.constant 0 : i32
      %dma_start3A_395 = tpu.memref_slice %arg4[%sub3A_387, %dma_start3A_394, %mul3A_2] : memref<200x32x16384xf32, #tpu.memory_space<hbm>> -> memref<1x32x512xf32, #tpu.memory_space<hbm>>
      %dma_start3A_396 = tpu.memref_squeeze %dma_start3A_395 : memref<1x32x512xf32, #tpu.memory_space<hbm>> -> memref<32x512xf32, #tpu.memory_space<hbm>>
      %dma_start3A_397 = arith.constant 0 : i32
      %dma_start3A_398 = arith.constant 0 : i32
      %dma_start3A_399 = tpu.memref_slice %arg10[%dma_start3A_397, %dma_start3A_398] : memref<32x513xf32, #tpu.memory_space<vmem>> -> memref<32x512xf32, #tpu.memory_space<vmem>>
      tpu.enqueue_dma source(%dma_start3A_399 : memref<32x512xf32, #tpu.memory_space<vmem>>) target(%dma_start3A_396 : memref<32x512xf32, #tpu.memory_space<hbm>>) target_semaphore(%arg14 : memref<!tpu.dma_semaphore, #tpu.memory_space<semaphore_mem>>)
      %mul3A_400 = arith.constant 8 : i32
      %mul3A_401 = arith.muli %scan3A_314, %mul3A_400 : i32
      %add3A_402 = arith.constant 2 : i32
      %add3A_403 = arith.addi %mul3A_401, %add3A_402 : i32
      %parallel_loop3A_404 = arith.constant 0 : i32
      %parallel_loop3A_405 = arith.constant 32 : i32
      %parallel_loop3A_406 = arith.constant 1 : i32
      scf.for %parallel_loop3A_658 = %parallel_loop3A_404 to %parallel_loop3A_405 step %parallel_loop3A_406  : i32 {
        %parallel_loop3A_659 = arith.constant 8 : i32
        %parallel_loop3A_660 = arith.divsi %parallel_loop3A_658, %parallel_loop3A_659 : i32
        %parallel_loop3A_661 = arith.constant 0 : i32
        %parallel_loop3A_662 = arith.cmpi sgt, %parallel_loop3A_658, %parallel_loop3A_661 : i32
        %parallel_loop3A_663 = arith.extui %parallel_loop3A_662 : i1 to i32
        %parallel_loop3A_664 = arith.constant 0 : i32
        %parallel_loop3A_665 = arith.cmpi slt, %parallel_loop3A_658, %parallel_loop3A_664 : i32
        %parallel_loop3A_666 = arith.extui %parallel_loop3A_665 : i1 to i32
        %parallel_loop3A_667 = arith.subi %parallel_loop3A_663, %parallel_loop3A_666 : i32
        %parallel_loop3A_668 = arith.constant 0 : i32
        %parallel_loop3A_669 = arith.cmpi sgt, %parallel_loop3A_659, %parallel_loop3A_668 : i32
        %parallel_loop3A_670 = arith.extui %parallel_loop3A_669 : i1 to i32
        %parallel_loop3A_671 = arith.constant 0 : i32
        %parallel_loop3A_672 = arith.cmpi slt, %parallel_loop3A_659, %parallel_loop3A_671 : i32
        %parallel_loop3A_673 = arith.extui %parallel_loop3A_672 : i1 to i32
        %parallel_loop3A_674 = arith.subi %parallel_loop3A_670, %parallel_loop3A_673 : i32
        %parallel_loop3A_675 = arith.cmpi ne, %parallel_loop3A_667, %parallel_loop3A_674 : i32
        %parallel_loop3A_676 = arith.remsi %parallel_loop3A_658, %parallel_loop3A_659 : i32
        %parallel_loop3A_677 = arith.constant 0 : i32
        %parallel_loop3A_678 = arith.cmpi ne, %parallel_loop3A_676, %parallel_loop3A_677 : i32
        %parallel_loop3A_679 = arith.andi %parallel_loop3A_675, %parallel_loop3A_678 : i1
        %parallel_loop3A_680 = arith.constant 1 : i32
        %parallel_loop3A_681 = arith.subi %parallel_loop3A_660, %parallel_loop3A_680 : i32
        %parallel_loop3A_682 = arith.select %parallel_loop3A_679, %parallel_loop3A_681, %parallel_loop3A_660 : i32
        %parallel_loop3A_683 = arith.constant 8 : i32
        %parallel_loop3A_684 = arith.constant 0 : i32
        %parallel_loop3A_685 = arith.cmpi eq, %parallel_loop3A_683, %parallel_loop3A_684 : i32
        %parallel_loop3A_686 = arith.constant 1 : i32
        %parallel_loop3A_687 = arith.select %parallel_loop3A_685, %parallel_loop3A_686, %parallel_loop3A_683 : i32
        %parallel_loop3A_688 = arith.remsi %parallel_loop3A_658, %parallel_loop3A_687 : i32
        %parallel_loop3A_689 = arith.constant 0 : i32
        %parallel_loop3A_690 = arith.cmpi ne, %parallel_loop3A_688, %parallel_loop3A_689 : i32
        %parallel_loop3A_691 = arith.constant 0 : i32
        %parallel_loop3A_692 = arith.cmpi slt, %parallel_loop3A_688, %parallel_loop3A_691 : i32
        %parallel_loop3A_693 = arith.constant 0 : i32
        %parallel_loop3A_694 = arith.cmpi slt, %parallel_loop3A_687, %parallel_loop3A_693 : i32
        %parallel_loop3A_695 = arith.xori %parallel_loop3A_692, %parallel_loop3A_694 : i1
        %parallel_loop3A_696 = arith.andi %parallel_loop3A_695, %parallel_loop3A_690 : i1
        %parallel_loop3A_697 = arith.addi %parallel_loop3A_688, %parallel_loop3A_687 : i32
        %parallel_loop3A_698 = arith.select %parallel_loop3A_696, %parallel_loop3A_697, %parallel_loop3A_688 : i32
        %parallel_loop3A_699 = arith.constant 16 : i32
        %parallel_loop3A_700 = arith.muli %parallel_loop3A_698, %parallel_loop3A_699 : i32
        %parallel_loop3A_701 = arith.constant 2 : i32
        %parallel_loop3A_702 = arith.index_cast %parallel_loop3A_682 : i32 to index
        %parallel_loop3A_703 = arith.index_cast %parallel_loop3A_701 : i32 to index
        %parallel_loop3A_704 = arith.index_cast %parallel_loop3A_700 : i32 to index
        %parallel_loop3A_705 = tpu.vector_load %arg5[%parallel_loop3A_702, %parallel_loop3A_703, %parallel_loop3A_704] {strides = array<i32>} : memref<4x8x128xi32, #tpu.memory_space<vmem>>, vector<16xi32>,
        %parallel_loop3A_706 = arith.constant 0 : i32
        %parallel_loop3A_707 = vector.broadcast %parallel_loop3A_706 : i32 to vector<16xi32>
        %parallel_loop3A_708 = arith.cmpi sge, %parallel_loop3A_705, %parallel_loop3A_707 : vector<16xi32>
        %parallel_loop3A_709 = arith.constant 1000000 : i32
        %parallel_loop3A_710 = vector.broadcast %parallel_loop3A_709 : i32 to vector<16xi32>
        %parallel_loop3A_711 = arith.cmpi slt, %parallel_loop3A_705, %parallel_loop3A_710 : vector<16xi32>
        %parallel_loop3A_712 = arith.andi %parallel_loop3A_708, %parallel_loop3A_711 : vector<16xi1>
        %parallel_loop3A_713 = arith.constant 0 : i32
        %parallel_loop3A_714 = vector.broadcast %parallel_loop3A_713 : i32 to vector<16xi32>
        %parallel_loop3A_715 = arith.select %parallel_loop3A_712, %parallel_loop3A_705, %parallel_loop3A_714 : vector<16xi1>, vector<16xi32>
        %parallel_loop3A_716 = arith.constant 16 : i32
        %parallel_loop3A_717 = arith.muli %parallel_loop3A_658, %parallel_loop3A_716 : i32
        %parallel_loop3A_718 = arith.index_cast %parallel_loop3A_717 : i32 to index
        %parallel_loop3A_719 = tpu.vector_load %arg6[%parallel_loop3A_718] {strides = array<i32>} : memref<512xi32, #tpu.memory_space<vmem>>, vector<16xi32>,
        tpu.vector_store %arg6[%parallel_loop3A_718], %parallel_loop3A_715 {strides = array<i32>} : memref<512xi32, #tpu.memory_space<vmem>>, vector<16xi32>,
      } {sc.loop_unroll_factor = 4 : i64, sc.parallel_access}
      %dma_start3A_407 = arith.constant 0 : i32
      %dma_start3A_408 = arith.constant 0 : i32
      %dma_start3A_409 = tpu.memref_slice %arg3[%dma_start3A_407, %dma_start3A_408] : memref<1000000x32xf32, #tpu.memory_space<hbm>> -> memref<1000000x32xf32, #tpu.memory_space<hbm>>
      tpu.enqueue_indirect_dma source(%dma_start3A_409 : memref<1000000x32xf32, #tpu.memory_space<hbm>>) target(%arg8 : memref<512x32xf32, #tpu.memory_space<vmem>>) offsets(%arg6 : memref<512xi32, #tpu.memory_space<vmem>>) semaphore(%arg12 : memref<!tpu.dma_semaphore, #tpu.memory_space<semaphore_mem>>)
      %dma_wait3A_410 = arith.constant 0 : i32
      %dma_wait3A_411 = arith.constant 0 : i32
      %dma_wait3A_412 = tpu.memref_slice %arg3[%dma_wait3A_410, %dma_wait3A_411] : memref<1000000x32xf32, #tpu.memory_space<hbm>> -> memref<1000000x32xf32, #tpu.memory_space<hbm>>
      tpu.wait_indirect_dma semaphore(%arg13 : memref<!tpu.dma_semaphore, #tpu.memory_space<semaphore_mem>>) src(%dma_wait3A_412 : memref<1000000x32xf32, #tpu.memory_space<hbm>>) dst(%arg9 : memref<512x32xf32, #tpu.memory_space<vmem>>)
      %dma_wait3A_413 = arith.constant 0 : i32
      %dma_wait3A_414 = arith.constant 0 : i32
      %dma_wait3A_415 = arith.constant 0 : i32
      %dma_wait3A_416 = tpu.memref_slice %arg11[%dma_wait3A_414, %dma_wait3A_415] : memref<32x513xf32, #tpu.memory_space<vmem>> -> memref<32x512xf32, #tpu.memory_space<vmem>>
      %dma_wait3A_417 = arith.constant 0 : i32
      %dma_wait3A_418 = tpu.memref_slice %arg4[%dma_wait3A_413, %dma_wait3A_417, %mul3A_2] : memref<200x32x16384xf32, #tpu.memory_space<hbm>> -> memref<1x32x512xf32, #tpu.memory_space<hbm>>
      %dma_wait3A_419 = tpu.memref_squeeze %dma_wait3A_418 : memref<1x32x512xf32, #tpu.memory_space<hbm>> -> memref<32x512xf32, #tpu.memory_space<hbm>>
      %dma_wait3A_420 = arith.constant 0 : i32
      %dma_wait3A_421 = tpu.memref_slice %arg4[%dma_wait3A_413, %dma_wait3A_420, %mul3A_2] : memref<200x32x16384xf32, #tpu.memory_space<hbm>> -> memref<1x32x512xf32, #tpu.memory_space<hbm>>
      %dma_wait3A_422 = tpu.memref_squeeze %dma_wait3A_421 : memref<1x32x512xf32, #tpu.memory_space<hbm>> -> memref<32x512xf32, #tpu.memory_space<hbm>>
      %dma_wait3A_423 = arith.constant 0 : i32
      %dma_wait3A_424 = arith.constant 0 : i32
      %dma_wait3A_425 = tpu.memref_slice %arg11[%dma_wait3A_423, %dma_wait3A_424] : memref<32x513xf32, #tpu.memory_space<vmem>> -> memref<32x512xf32, #tpu.memory_space<vmem>>
      tpu.wait_dma2 semaphore(%arg15 : memref<!tpu.dma_semaphore, #tpu.memory_space<semaphore_mem>>) src(%dma_wait3A_425 : memref<32x512xf32, #tpu.memory_space<vmem>>) dst(%dma_wait3A_422 : memref<32x512xf32, #tpu.memory_space<hbm>>)
      %parallel_loop3A_426 = arith.constant 0 : i32
      %parallel_loop3A_427 = arith.constant 512 : i32
      %parallel_loop3A_428 = arith.constant 1 : i32
      scf.for %parallel_loop3A_658 = %parallel_loop3A_426 to %parallel_loop3A_427 step %parallel_loop3A_428  : i32 {
        %parallel_loop3A_659 = vector.broadcast %parallel_loop3A_658 : i32 to vector<16xi32>
        %parallel_loop3A_660 = arith.index_cast %parallel_loop3A_658 : i32 to index
        %parallel_loop3A_661 = arith.constant 0 : index
        %parallel_loop3A_662 = tpu.vector_load %arg9[%parallel_loop3A_660, %parallel_loop3A_661] {strides = array<i32>} : memref<512x32xf32, #tpu.memory_space<vmem>>, vector<16xf32>,
        %parallel_loop3A_663 = arith.index_cast %parallel_loop3A_658 : i32 to index
        %parallel_loop3A_664 = arith.constant 16 : index
        %parallel_loop3A_665 = tpu.vector_load %arg9[%parallel_loop3A_663, %parallel_loop3A_664] {strides = array<i32>} : memref<512x32xf32, #tpu.memory_space<vmem>>, vector<16xf32>,
        tpu.vector_store_idx %arg11[%iota3A, %parallel_loop3A_659], %parallel_loop3A_662 : memref<32x513xf32, #tpu.memory_space<vmem>>[vector<16xi32>, vector<16xi32>], vector<16xf32>,
        tpu.vector_store_idx %arg11[%add3A_7, %parallel_loop3A_659], %parallel_loop3A_665 : memref<32x513xf32, #tpu.memory_space<vmem>>[vector<16xi32>, vector<16xi32>], vector<16xf32>,
      } {sc.loop_unroll_factor = 8 : i64, sc.parallel_access}
      %sub3A_429 = arith.constant 1 : i32
      %sub3A_430 = arith.subi %add3A_403, %sub3A_429 : i32
      %dma_start3A_431 = arith.constant 0 : i32
      %dma_start3A_432 = arith.constant 0 : i32
      %dma_start3A_433 = tpu.memref_slice %arg11[%dma_start3A_431, %dma_start3A_432] : memref<32x513xf32, #tpu.memory_space<vmem>> -> memref<32x512xf32, #tpu.memory_space<vmem>>
      %dma_start3A_434 = arith.constant 0 : i32
      %dma_start3A_435 = tpu.memref_slice %arg4[%sub3A_430, %dma_start3A_434, %mul3A_2] : memref<200x32x16384xf32, #tpu.memory_space<hbm>> -> memref<1x32x512xf32, #tpu.memory_space<hbm>>
      %dma_start3A_436 = tpu.memref_squeeze %dma_start3A_435 : memref<1x32x512xf32, #tpu.memory_space<hbm>> -> memref<32x512xf32, #tpu.memory_space<hbm>>
      %dma_start3A_437 = arith.constant 0 : i32
      %dma_start3A_438 = tpu.memref_slice %arg4[%sub3A_430, %dma_start3A_437, %mul3A_2] : memref<200x32x16384xf32, #tpu.memory_space<hbm>> -> memref<1x32x512xf32, #tpu.memory_space<hbm>>
      %dma_start3A_439 = tpu.memref_squeeze %dma_start3A_438 : memref<1x32x512xf32, #tpu.memory_space<hbm>> -> memref<32x512xf32, #tpu.memory_space<hbm>>
      %dma_start3A_440 = arith.constant 0 : i32
      %dma_start3A_441 = arith.constant 0 : i32
      %dma_start3A_442 = tpu.memref_slice %arg11[%dma_start3A_440, %dma_start3A_441] : memref<32x513xf32, #tpu.memory_space<vmem>> -> memref<32x512xf32, #tpu.memory_space<vmem>>
      tpu.enqueue_dma source(%dma_start3A_442 : memref<32x512xf32, #tpu.memory_space<vmem>>) target(%dma_start3A_439 : memref<32x512xf32, #tpu.memory_space<hbm>>) target_semaphore(%arg15 : memref<!tpu.dma_semaphore, #tpu.memory_space<semaphore_mem>>)
      %mul3A_443 = arith.constant 8 : i32
      %mul3A_444 = arith.muli %scan3A_314, %mul3A_443 : i32
      %add3A_445 = arith.constant 3 : i32
      %add3A_446 = arith.addi %mul3A_444, %add3A_445 : i32
      %parallel_loop3A_447 = arith.constant 0 : i32
      %parallel_loop3A_448 = arith.constant 32 : i32
      %parallel_loop3A_449 = arith.constant 1 : i32
      scf.for %parallel_loop3A_658 = %parallel_loop3A_447 to %parallel_loop3A_448 step %parallel_loop3A_449  : i32 {
        %parallel_loop3A_659 = arith.constant 8 : i32
        %parallel_loop3A_660 = arith.divsi %parallel_loop3A_658, %parallel_loop3A_659 : i32
        %parallel_loop3A_661 = arith.constant 0 : i32
        %parallel_loop3A_662 = arith.cmpi sgt, %parallel_loop3A_658, %parallel_loop3A_661 : i32
        %parallel_loop3A_663 = arith.extui %parallel_loop3A_662 : i1 to i32
        %parallel_loop3A_664 = arith.constant 0 : i32
        %parallel_loop3A_665 = arith.cmpi slt, %parallel_loop3A_658, %parallel_loop3A_664 : i32
        %parallel_loop3A_666 = arith.extui %parallel_loop3A_665 : i1 to i32
        %parallel_loop3A_667 = arith.subi %parallel_loop3A_663, %parallel_loop3A_666 : i32
        %parallel_loop3A_668 = arith.constant 0 : i32
        %parallel_loop3A_669 = arith.cmpi sgt, %parallel_loop3A_659, %parallel_loop3A_668 : i32
        %parallel_loop3A_670 = arith.extui %parallel_loop3A_669 : i1 to i32
        %parallel_loop3A_671 = arith.constant 0 : i32
        %parallel_loop3A_672 = arith.cmpi slt, %parallel_loop3A_659, %parallel_loop3A_671 : i32
        %parallel_loop3A_673 = arith.extui %parallel_loop3A_672 : i1 to i32
        %parallel_loop3A_674 = arith.subi %parallel_loop3A_670, %parallel_loop3A_673 : i32
        %parallel_loop3A_675 = arith.cmpi ne, %parallel_loop3A_667, %parallel_loop3A_674 : i32
        %parallel_loop3A_676 = arith.remsi %parallel_loop3A_658, %parallel_loop3A_659 : i32
        %parallel_loop3A_677 = arith.constant 0 : i32
        %parallel_loop3A_678 = arith.cmpi ne, %parallel_loop3A_676, %parallel_loop3A_677 : i32
        %parallel_loop3A_679 = arith.andi %parallel_loop3A_675, %parallel_loop3A_678 : i1
        %parallel_loop3A_680 = arith.constant 1 : i32
        %parallel_loop3A_681 = arith.subi %parallel_loop3A_660, %parallel_loop3A_680 : i32
        %parallel_loop3A_682 = arith.select %parallel_loop3A_679, %parallel_loop3A_681, %parallel_loop3A_660 : i32
        %parallel_loop3A_683 = arith.constant 8 : i32
        %parallel_loop3A_684 = arith.constant 0 : i32
        %parallel_loop3A_685 = arith.cmpi eq, %parallel_loop3A_683, %parallel_loop3A_684 : i32
        %parallel_loop3A_686 = arith.constant 1 : i32
        %parallel_loop3A_687 = arith.select %parallel_loop3A_685, %parallel_loop3A_686, %parallel_loop3A_683 : i32
        %parallel_loop3A_688 = arith.remsi %parallel_loop3A_658, %parallel_loop3A_687 : i32
        %parallel_loop3A_689 = arith.constant 0 : i32
        %parallel_loop3A_690 = arith.cmpi ne, %parallel_loop3A_688, %parallel_loop3A_689 : i32
        %parallel_loop3A_691 = arith.constant 0 : i32
        %parallel_loop3A_692 = arith.cmpi slt, %parallel_loop3A_688, %parallel_loop3A_691 : i32
        %parallel_loop3A_693 = arith.constant 0 : i32
        %parallel_loop3A_694 = arith.cmpi slt, %parallel_loop3A_687, %parallel_loop3A_693 : i32
        %parallel_loop3A_695 = arith.xori %parallel_loop3A_692, %parallel_loop3A_694 : i1
        %parallel_loop3A_696 = arith.andi %parallel_loop3A_695, %parallel_loop3A_690 : i1
        %parallel_loop3A_697 = arith.addi %parallel_loop3A_688, %parallel_loop3A_687 : i32
        %parallel_loop3A_698 = arith.select %parallel_loop3A_696, %parallel_loop3A_697, %parallel_loop3A_688 : i32
        %parallel_loop3A_699 = arith.constant 16 : i32
        %parallel_loop3A_700 = arith.muli %parallel_loop3A_698, %parallel_loop3A_699 : i32
        %parallel_loop3A_701 = arith.constant 3 : i32
        %parallel_loop3A_702 = arith.index_cast %parallel_loop3A_682 : i32 to index
        %parallel_loop3A_703 = arith.index_cast %parallel_loop3A_701 : i32 to index
        %parallel_loop3A_704 = arith.index_cast %parallel_loop3A_700 : i32 to index
        %parallel_loop3A_705 = tpu.vector_load %arg5[%parallel_loop3A_702, %parallel_loop3A_703, %parallel_loop3A_704] {strides = array<i32>} : memref<4x8x128xi32, #tpu.memory_space<vmem>>, vector<16xi32>,
        %parallel_loop3A_706 = arith.constant 0 : i32
        %parallel_loop3A_707 = vector.broadcast %parallel_loop3A_706 : i32 to vector<16xi32>
        %parallel_loop3A_708 = arith.cmpi sge, %parallel_loop3A_705, %parallel_loop3A_707 : vector<16xi32>
        %parallel_loop3A_709 = arith.constant 1000000 : i32
        %parallel_loop3A_710 = vector.broadcast %parallel_loop3A_709 : i32 to vector<16xi32>
        %parallel_loop3A_711 = arith.cmpi slt, %parallel_loop3A_705, %parallel_loop3A_710 : vector<16xi32>
        %parallel_loop3A_712 = arith.andi %parallel_loop3A_708, %parallel_loop3A_711 : vector<16xi1>
        %parallel_loop3A_713 = arith.constant 0 : i32
        %parallel_loop3A_714 = vector.broadcast %parallel_loop3A_713 : i32 to vector<16xi32>
        %parallel_loop3A_715 = arith.select %parallel_loop3A_712, %parallel_loop3A_705, %parallel_loop3A_714 : vector<16xi1>, vector<16xi32>
        %parallel_loop3A_716 = arith.constant 16 : i32
        %parallel_loop3A_717 = arith.muli %parallel_loop3A_658, %parallel_loop3A_716 : i32
        %parallel_loop3A_718 = arith.index_cast %parallel_loop3A_717 : i32 to index
        %parallel_loop3A_719 = tpu.vector_load %arg7[%parallel_loop3A_718] {strides = array<i32>} : memref<512xi32, #tpu.memory_space<vmem>>, vector<16xi32>,
        tpu.vector_store %arg7[%parallel_loop3A_718], %parallel_loop3A_715 {strides = array<i32>} : memref<512xi32, #tpu.memory_space<vmem>>, vector<16xi32>,
      } {sc.loop_unroll_factor = 4 : i64, sc.parallel_access}
      %dma_start3A_450 = arith.constant 0 : i32
      %dma_start3A_451 = arith.constant 0 : i32
      %dma_start3A_452 = tpu.memref_slice %arg3[%dma_start3A_450, %dma_start3A_451] : memref<1000000x32xf32, #tpu.memory_space<hbm>> -> memref<1000000x32xf32, #tpu.memory_space<hbm>>
      tpu.enqueue_indirect_dma source(%dma_start3A_452 : memref<1000000x32xf32, #tpu.memory_space<hbm>>) target(%arg9 : memref<512x32xf32, #tpu.memory_space<vmem>>) offsets(%arg7 : memref<512xi32, #tpu.memory_space<vmem>>) semaphore(%arg13 : memref<!tpu.dma_semaphore, #tpu.memory_space<semaphore_mem>>)
      %dma_wait3A_453 = arith.constant 0 : i32
      %dma_wait3A_454 = arith.constant 0 : i32
      %dma_wait3A_455 = tpu.memref_slice %arg3[%dma_wait3A_453, %dma_wait3A_454] : memref<1000000x32xf32, #tpu.memory_space<hbm>> -> memref<1000000x32xf32, #tpu.memory_space<hbm>>
      tpu.wait_indirect_dma semaphore(%arg12 : memref<!tpu.dma_semaphore, #tpu.memory_space<semaphore_mem>>) src(%dma_wait3A_455 : memref<1000000x32xf32, #tpu.memory_space<hbm>>) dst(%arg8 : memref<512x32xf32, #tpu.memory_space<vmem>>)
      %dma_wait3A_456 = arith.constant 0 : i32
      %dma_wait3A_457 = arith.constant 0 : i32
      %dma_wait3A_458 = arith.constant 0 : i32
      %dma_wait3A_459 = tpu.memref_slice %arg10[%dma_wait3A_457, %dma_wait3A_458] : memref<32x513xf32, #tpu.memory_space<vmem>> -> memref<32x512xf32, #tpu.memory_space<vmem>>
      %dma_wait3A_460 = arith.constant 0 : i32
      %dma_wait3A_461 = tpu.memref_slice %arg4[%dma_wait3A_456, %dma_wait3A_460, %mul3A_2] : memref<200x32x16384xf32, #tpu.memory_space<hbm>> -> memref<1x32x512xf32, #tpu.memory_space<hbm>>
      %dma_wait3A_462 = tpu.memref_squeeze %dma_wait3A_461 : memref<1x32x512xf32, #tpu.memory_space<hbm>> -> memref<32x512xf32, #tpu.memory_space<hbm>>
      %dma_wait3A_463 = arith.constant 0 : i32
      %dma_wait3A_464 = tpu.memref_slice %arg4[%dma_wait3A_456, %dma_wait3A_463, %mul3A_2] : memref<200x32x16384xf32, #tpu.memory_space<hbm>> -> memref<1x32x512xf32, #tpu.memory_space<hbm>>
      %dma_wait3A_465 = tpu.memref_squeeze %dma_wait3A_464 : memref<1x32x512xf32, #tpu.memory_space<hbm>> -> memref<32x512xf32, #tpu.memory_space<hbm>>
      %dma_wait3A_466 = arith.constant 0 : i32
      %dma_wait3A_467 = arith.constant 0 : i32
      %dma_wait3A_468 = tpu.memref_slice %arg10[%dma_wait3A_466, %dma_wait3A_467] : memref<32x513xf32, #tpu.memory_space<vmem>> -> memref<32x512xf32, #tpu.memory_space<vmem>>
      tpu.wait_dma2 semaphore(%arg14 : memref<!tpu.dma_semaphore, #tpu.memory_space<semaphore_mem>>) src(%dma_wait3A_468 : memref<32x512xf32, #tpu.memory_space<vmem>>) dst(%dma_wait3A_465 : memref<32x512xf32, #tpu.memory_space<hbm>>)
      %parallel_loop3A_469 = arith.constant 0 : i32
      %parallel_loop3A_470 = arith.constant 512 : i32
      %parallel_loop3A_471 = arith.constant 1 : i32
      scf.for %parallel_loop3A_658 = %parallel_loop3A_469 to %parallel_loop3A_470 step %parallel_loop3A_471  : i32 {
        %parallel_loop3A_659 = vector.broadcast %parallel_loop3A_658 : i32 to vector<16xi32>
        %parallel_loop3A_660 = arith.index_cast %parallel_loop3A_658 : i32 to index
        %parallel_loop3A_661 = arith.constant 0 : index
        %parallel_loop3A_662 = tpu.vector_load %arg8[%parallel_loop3A_660, %parallel_loop3A_661] {strides = array<i32>} : memref<512x32xf32, #tpu.memory_space<vmem>>, vector<16xf32>,
        %parallel_loop3A_663 = arith.index_cast %parallel_loop3A_658 : i32 to index
        %parallel_loop3A_664 = arith.constant 16 : index
        %parallel_loop3A_665 = tpu.vector_load %arg8[%parallel_loop3A_663, %parallel_loop3A_664] {strides = array<i32>} : memref<512x32xf32, #tpu.memory_space<vmem>>, vector<16xf32>,
        tpu.vector_store_idx %arg10[%iota3A, %parallel_loop3A_659], %parallel_loop3A_662 : memref<32x513xf32, #tpu.memory_space<vmem>>[vector<16xi32>, vector<16xi32>], vector<16xf32>,
        tpu.vector_store_idx %arg10[%add3A_7, %parallel_loop3A_659], %parallel_loop3A_665 : memref<32x513xf32, #tpu.memory_space<vmem>>[vector<16xi32>, vector<16xi32>], vector<16xf32>,
      } {sc.loop_unroll_factor = 8 : i64, sc.parallel_access}
      %sub3A_472 = arith.constant 1 : i32
      %sub3A_473 = arith.subi %add3A_446, %sub3A_472 : i32
      %dma_start3A_474 = arith.constant 0 : i32
      %dma_start3A_475 = arith.constant 0 : i32
      %dma_start3A_476 = tpu.memref_slice %arg10[%dma_start3A_474, %dma_start3A_475] : memref<32x513xf32, #tpu.memory_space<vmem>> -> memref<32x512xf32, #tpu.memory_space<vmem>>
      %dma_start3A_477 = arith.constant 0 : i32
      %dma_start3A_478 = tpu.memref_slice %arg4[%sub3A_473, %dma_start3A_477, %mul3A_2] : memref<200x32x16384xf32, #tpu.memory_space<hbm>> -> memref<1x32x512xf32, #tpu.memory_space<hbm>>
      %dma_start3A_479 = tpu.memref_squeeze %dma_start3A_478 : memref<1x32x512xf32, #tpu.memory_space<hbm>> -> memref<32x512xf32, #tpu.memory_space<hbm>>
      %dma_start3A_480 = arith.constant 0 : i32
      %dma_start3A_481 = tpu.memref_slice %arg4[%sub3A_473, %dma_start3A_480, %mul3A_2] : memref<200x32x16384xf32, #tpu.memory_space<hbm>> -> memref<1x32x512xf32, #tpu.memory_space<hbm>>
      %dma_start3A_482 = tpu.memref_squeeze %dma_start3A_481 : memref<1x32x512xf32, #tpu.memory_space<hbm>> -> memref<32x512xf32, #tpu.memory_space<hbm>>
      %dma_start3A_483 = arith.constant 0 : i32
      %dma_start3A_484 = arith.constant 0 : i32
      %dma_start3A_485 = tpu.memref_slice %arg10[%dma_start3A_483, %dma_start3A_484] : memref<32x513xf32, #tpu.memory_space<vmem>> -> memref<32x512xf32, #tpu.memory_space<vmem>>
      tpu.enqueue_dma source(%dma_start3A_485 : memref<32x512xf32, #tpu.memory_space<vmem>>) target(%dma_start3A_482 : memref<32x512xf32, #tpu.memory_space<hbm>>) target_semaphore(%arg14 : memref<!tpu.dma_semaphore, #tpu.memory_space<semaphore_mem>>)
      %mul3A_486 = arith.constant 8 : i32
      %mul3A_487 = arith.muli %scan3A_314, %mul3A_486 : i32
      %add3A_488 = arith.constant 4 : i32
      %add3A_489 = arith.addi %mul3A_487, %add3A_488 : i32
      %parallel_loop3A_490 = arith.constant 0 : i32
      %parallel_loop3A_491 = arith.constant 32 : i32
      %parallel_loop3A_492 = arith.constant 1 : i32
      scf.for %parallel_loop3A_658 = %parallel_loop3A_490 to %parallel_loop3A_491 step %parallel_loop3A_492  : i32 {
        %parallel_loop3A_659 = arith.constant 8 : i32
        %parallel_loop3A_660 = arith.divsi %parallel_loop3A_658, %parallel_loop3A_659 : i32
        %parallel_loop3A_661 = arith.constant 0 : i32
        %parallel_loop3A_662 = arith.cmpi sgt, %parallel_loop3A_658, %parallel_loop3A_661 : i32
        %parallel_loop3A_663 = arith.extui %parallel_loop3A_662 : i1 to i32
        %parallel_loop3A_664 = arith.constant 0 : i32
        %parallel_loop3A_665 = arith.cmpi slt, %parallel_loop3A_658, %parallel_loop3A_664 : i32
        %parallel_loop3A_666 = arith.extui %parallel_loop3A_665 : i1 to i32
        %parallel_loop3A_667 = arith.subi %parallel_loop3A_663, %parallel_loop3A_666 : i32
        %parallel_loop3A_668 = arith.constant 0 : i32
        %parallel_loop3A_669 = arith.cmpi sgt, %parallel_loop3A_659, %parallel_loop3A_668 : i32
        %parallel_loop3A_670 = arith.extui %parallel_loop3A_669 : i1 to i32
        %parallel_loop3A_671 = arith.constant 0 : i32
        %parallel_loop3A_672 = arith.cmpi slt, %parallel_loop3A_659, %parallel_loop3A_671 : i32
        %parallel_loop3A_673 = arith.extui %parallel_loop3A_672 : i1 to i32
        %parallel_loop3A_674 = arith.subi %parallel_loop3A_670, %parallel_loop3A_673 : i32
        %parallel_loop3A_675 = arith.cmpi ne, %parallel_loop3A_667, %parallel_loop3A_674 : i32
        %parallel_loop3A_676 = arith.remsi %parallel_loop3A_658, %parallel_loop3A_659 : i32
        %parallel_loop3A_677 = arith.constant 0 : i32
        %parallel_loop3A_678 = arith.cmpi ne, %parallel_loop3A_676, %parallel_loop3A_677 : i32
        %parallel_loop3A_679 = arith.andi %parallel_loop3A_675, %parallel_loop3A_678 : i1
        %parallel_loop3A_680 = arith.constant 1 : i32
        %parallel_loop3A_681 = arith.subi %parallel_loop3A_660, %parallel_loop3A_680 : i32
        %parallel_loop3A_682 = arith.select %parallel_loop3A_679, %parallel_loop3A_681, %parallel_loop3A_660 : i32
        %parallel_loop3A_683 = arith.constant 8 : i32
        %parallel_loop3A_684 = arith.constant 0 : i32
        %parallel_loop3A_685 = arith.cmpi eq, %parallel_loop3A_683, %parallel_loop3A_684 : i32
        %parallel_loop3A_686 = arith.constant 1 : i32
        %parallel_loop3A_687 = arith.select %parallel_loop3A_685, %parallel_loop3A_686, %parallel_loop3A_683 : i32
        %parallel_loop3A_688 = arith.remsi %parallel_loop3A_658, %parallel_loop3A_687 : i32
        %parallel_loop3A_689 = arith.constant 0 : i32
        %parallel_loop3A_690 = arith.cmpi ne, %parallel_loop3A_688, %parallel_loop3A_689 : i32
        %parallel_loop3A_691 = arith.constant 0 : i32
        %parallel_loop3A_692 = arith.cmpi slt, %parallel_loop3A_688, %parallel_loop3A_691 : i32
        %parallel_loop3A_693 = arith.constant 0 : i32
        %parallel_loop3A_694 = arith.cmpi slt, %parallel_loop3A_687, %parallel_loop3A_693 : i32
        %parallel_loop3A_695 = arith.xori %parallel_loop3A_692, %parallel_loop3A_694 : i1
        %parallel_loop3A_696 = arith.andi %parallel_loop3A_695, %parallel_loop3A_690 : i1
        %parallel_loop3A_697 = arith.addi %parallel_loop3A_688, %parallel_loop3A_687 : i32
        %parallel_loop3A_698 = arith.select %parallel_loop3A_696, %parallel_loop3A_697, %parallel_loop3A_688 : i32
        %parallel_loop3A_699 = arith.constant 16 : i32
        %parallel_loop3A_700 = arith.muli %parallel_loop3A_698, %parallel_loop3A_699 : i32
        %parallel_loop3A_701 = arith.constant 4 : i32
        %parallel_loop3A_702 = arith.index_cast %parallel_loop3A_682 : i32 to index
        %parallel_loop3A_703 = arith.index_cast %parallel_loop3A_701 : i32 to index
        %parallel_loop3A_704 = arith.index_cast %parallel_loop3A_700 : i32 to index
        %parallel_loop3A_705 = tpu.vector_load %arg5[%parallel_loop3A_702, %parallel_loop3A_703, %parallel_loop3A_704] {strides = array<i32>} : memref<4x8x128xi32, #tpu.memory_space<vmem>>, vector<16xi32>,
        %parallel_loop3A_706 = arith.constant 0 : i32
        %parallel_loop3A_707 = vector.broadcast %parallel_loop3A_706 : i32 to vector<16xi32>
        %parallel_loop3A_708 = arith.cmpi sge, %parallel_loop3A_705, %parallel_loop3A_707 : vector<16xi32>
        %parallel_loop3A_709 = arith.constant 1000000 : i32
        %parallel_loop3A_710 = vector.broadcast %parallel_loop3A_709 : i32 to vector<16xi32>
        %parallel_loop3A_711 = arith.cmpi slt, %parallel_loop3A_705, %parallel_loop3A_710 : vector<16xi32>
        %parallel_loop3A_712 = arith.andi %parallel_loop3A_708, %parallel_loop3A_711 : vector<16xi1>
        %parallel_loop3A_713 = arith.constant 0 : i32
        %parallel_loop3A_714 = vector.broadcast %parallel_loop3A_713 : i32 to vector<16xi32>
        %parallel_loop3A_715 = arith.select %parallel_loop3A_712, %parallel_loop3A_705, %parallel_loop3A_714 : vector<16xi1>, vector<16xi32>
        %parallel_loop3A_716 = arith.constant 16 : i32
        %parallel_loop3A_717 = arith.muli %parallel_loop3A_658, %parallel_loop3A_716 : i32
        %parallel_loop3A_718 = arith.index_cast %parallel_loop3A_717 : i32 to index
        %parallel_loop3A_719 = tpu.vector_load %arg6[%parallel_loop3A_718] {strides = array<i32>} : memref<512xi32, #tpu.memory_space<vmem>>, vector<16xi32>,
        tpu.vector_store %arg6[%parallel_loop3A_718], %parallel_loop3A_715 {strides = array<i32>} : memref<512xi32, #tpu.memory_space<vmem>>, vector<16xi32>,
      } {sc.loop_unroll_factor = 4 : i64, sc.parallel_access}
      %dma_start3A_493 = arith.constant 0 : i32
      %dma_start3A_494 = arith.constant 0 : i32
      %dma_start3A_495 = tpu.memref_slice %arg3[%dma_start3A_493, %dma_start3A_494] : memref<1000000x32xf32, #tpu.memory_space<hbm>> -> memref<1000000x32xf32, #tpu.memory_space<hbm>>
      tpu.enqueue_indirect_dma source(%dma_start3A_495 : memref<1000000x32xf32, #tpu.memory_space<hbm>>) target(%arg8 : memref<512x32xf32, #tpu.memory_space<vmem>>) offsets(%arg6 : memref<512xi32, #tpu.memory_space<vmem>>) semaphore(%arg12 : memref<!tpu.dma_semaphore, #tpu.memory_space<semaphore_mem>>)
      %dma_wait3A_496 = arith.constant 0 : i32
      %dma_wait3A_497 = arith.constant 0 : i32
      %dma_wait3A_498 = tpu.memref_slice %arg3[%dma_wait3A_496, %dma_wait3A_497] : memref<1000000x32xf32, #tpu.memory_space<hbm>> -> memref<1000000x32xf32, #tpu.memory_space<hbm>>
      tpu.wait_indirect_dma semaphore(%arg13 : memref<!tpu.dma_semaphore, #tpu.memory_space<semaphore_mem>>) src(%dma_wait3A_498 : memref<1000000x32xf32, #tpu.memory_space<hbm>>) dst(%arg9 : memref<512x32xf32, #tpu.memory_space<vmem>>)
      %dma_wait3A_499 = arith.constant 0 : i32
      %dma_wait3A_500 = arith.constant 0 : i32
      %dma_wait3A_501 = arith.constant 0 : i32
      %dma_wait3A_502 = tpu.memref_slice %arg11[%dma_wait3A_500, %dma_wait3A_501] : memref<32x513xf32, #tpu.memory_space<vmem>> -> memref<32x512xf32, #tpu.memory_space<vmem>>
      %dma_wait3A_503 = arith.constant 0 : i32
      %dma_wait3A_504 = tpu.memref_slice %arg4[%dma_wait3A_499, %dma_wait3A_503, %mul3A_2] : memref<200x32x16384xf32, #tpu.memory_space<hbm>> -> memref<1x32x512xf32, #tpu.memory_space<hbm>>
      %dma_wait3A_505 = tpu.memref_squeeze %dma_wait3A_504 : memref<1x32x512xf32, #tpu.memory_space<hbm>> -> memref<32x512xf32, #tpu.memory_space<hbm>>
      %dma_wait3A_506 = arith.constant 0 : i32
      %dma_wait3A_507 = tpu.memref_slice %arg4[%dma_wait3A_499, %dma_wait3A_506, %mul3A_2] : memref<200x32x16384xf32, #tpu.memory_space<hbm>> -> memref<1x32x512xf32, #tpu.memory_space<hbm>>
      %dma_wait3A_508 = tpu.memref_squeeze %dma_wait3A_507 : memref<1x32x512xf32, #tpu.memory_space<hbm>> -> memref<32x512xf32, #tpu.memory_space<hbm>>
      %dma_wait3A_509 = arith.constant 0 : i32
      %dma_wait3A_510 = arith.constant 0 : i32
      %dma_wait3A_511 = tpu.memref_slice %arg11[%dma_wait3A_509, %dma_wait3A_510] : memref<32x513xf32, #tpu.memory_space<vmem>> -> memref<32x512xf32, #tpu.memory_space<vmem>>
      tpu.wait_dma2 semaphore(%arg15 : memref<!tpu.dma_semaphore, #tpu.memory_space<semaphore_mem>>) src(%dma_wait3A_511 : memref<32x512xf32, #tpu.memory_space<vmem>>) dst(%dma_wait3A_508 : memref<32x512xf32, #tpu.memory_space<hbm>>)
      %parallel_loop3A_512 = arith.constant 0 : i32
      %parallel_loop3A_513 = arith.constant 512 : i32
      %parallel_loop3A_514 = arith.constant 1 : i32
      scf.for %parallel_loop3A_658 = %parallel_loop3A_512 to %parallel_loop3A_513 step %parallel_loop3A_514  : i32 {
        %parallel_loop3A_659 = vector.broadcast %parallel_loop3A_658 : i32 to vector<16xi32>
        %parallel_loop3A_660 = arith.index_cast %parallel_loop3A_658 : i32 to index
        %parallel_loop3A_661 = arith.constant 0 : index
        %parallel_loop3A_662 = tpu.vector_load %arg9[%parallel_loop3A_660, %parallel_loop3A_661] {strides = array<i32>} : memref<512x32xf32, #tpu.memory_space<vmem>>, vector<16xf32>,
        %parallel_loop3A_663 = arith.index_cast %parallel_loop3A_658 : i32 to index
        %parallel_loop3A_664 = arith.constant 16 : index
        %parallel_loop3A_665 = tpu.vector_load %arg9[%parallel_loop3A_663, %parallel_loop3A_664] {strides = array<i32>} : memref<512x32xf32, #tpu.memory_space<vmem>>, vector<16xf32>,
        tpu.vector_store_idx %arg11[%iota3A, %parallel_loop3A_659], %parallel_loop3A_662 : memref<32x513xf32, #tpu.memory_space<vmem>>[vector<16xi32>, vector<16xi32>], vector<16xf32>,
        tpu.vector_store_idx %arg11[%add3A_7, %parallel_loop3A_659], %parallel_loop3A_665 : memref<32x513xf32, #tpu.memory_space<vmem>>[vector<16xi32>, vector<16xi32>], vector<16xf32>,
      } {sc.loop_unroll_factor = 8 : i64, sc.parallel_access}
      %sub3A_515 = arith.constant 1 : i32
      %sub3A_516 = arith.subi %add3A_489, %sub3A_515 : i32
      %dma_start3A_517 = arith.constant 0 : i32
      %dma_start3A_518 = arith.constant 0 : i32
      %dma_start3A_519 = tpu.memref_slice %arg11[%dma_start3A_517, %dma_start3A_518] : memref<32x513xf32, #tpu.memory_space<vmem>> -> memref<32x512xf32, #tpu.memory_space<vmem>>
      %dma_start3A_520 = arith.constant 0 : i32
      %dma_start3A_521 = tpu.memref_slice %arg4[%sub3A_516, %dma_start3A_520, %mul3A_2] : memref<200x32x16384xf32, #tpu.memory_space<hbm>> -> memref<1x32x512xf32, #tpu.memory_space<hbm>>
      %dma_start3A_522 = tpu.memref_squeeze %dma_start3A_521 : memref<1x32x512xf32, #tpu.memory_space<hbm>> -> memref<32x512xf32, #tpu.memory_space<hbm>>
      %dma_start3A_523 = arith.constant 0 : i32
      %dma_start3A_524 = tpu.memref_slice %arg4[%sub3A_516, %dma_start3A_523, %mul3A_2] : memref<200x32x16384xf32, #tpu.memory_space<hbm>> -> memref<1x32x512xf32, #tpu.memory_space<hbm>>
      %dma_start3A_525 = tpu.memref_squeeze %dma_start3A_524 : memref<1x32x512xf32, #tpu.memory_space<hbm>> -> memref<32x512xf32, #tpu.memory_space<hbm>>
      %dma_start3A_526 = arith.constant 0 : i32
      %dma_start3A_527 = arith.constant 0 : i32
      %dma_start3A_528 = tpu.memref_slice %arg11[%dma_start3A_526, %dma_start3A_527] : memref<32x513xf32, #tpu.memory_space<vmem>> -> memref<32x512xf32, #tpu.memory_space<vmem>>
      tpu.enqueue_dma source(%dma_start3A_528 : memref<32x512xf32, #tpu.memory_space<vmem>>) target(%dma_start3A_525 : memref<32x512xf32, #tpu.memory_space<hbm>>) target_semaphore(%arg15 : memref<!tpu.dma_semaphore, #tpu.memory_space<semaphore_mem>>)
      %mul3A_529 = arith.constant 8 : i32
      %mul3A_530 = arith.muli %scan3A_314, %mul3A_529 : i32
      %add3A_531 = arith.constant 5 : i32
      %add3A_532 = arith.addi %mul3A_530, %add3A_531 : i32
      %parallel_loop3A_533 = arith.constant 0 : i32
      %parallel_loop3A_534 = arith.constant 32 : i32
      %parallel_loop3A_535 = arith.constant 1 : i32
      scf.for %parallel_loop3A_658 = %parallel_loop3A_533 to %parallel_loop3A_534 step %parallel_loop3A_535  : i32 {
        %parallel_loop3A_659 = arith.constant 8 : i32
        %parallel_loop3A_660 = arith.divsi %parallel_loop3A_658, %parallel_loop3A_659 : i32
        %parallel_loop3A_661 = arith.constant 0 : i32
        %parallel_loop3A_662 = arith.cmpi sgt, %parallel_loop3A_658, %parallel_loop3A_661 : i32
        %parallel_loop3A_663 = arith.extui %parallel_loop3A_662 : i1 to i32
        %parallel_loop3A_664 = arith.constant 0 : i32
        %parallel_loop3A_665 = arith.cmpi slt, %parallel_loop3A_658, %parallel_loop3A_664 : i32
        %parallel_loop3A_666 = arith.extui %parallel_loop3A_665 : i1 to i32
        %parallel_loop3A_667 = arith.subi %parallel_loop3A_663, %parallel_loop3A_666 : i32
        %parallel_loop3A_668 = arith.constant 0 : i32
        %parallel_loop3A_669 = arith.cmpi sgt, %parallel_loop3A_659, %parallel_loop3A_668 : i32
        %parallel_loop3A_670 = arith.extui %parallel_loop3A_669 : i1 to i32
        %parallel_loop3A_671 = arith.constant 0 : i32
        %parallel_loop3A_672 = arith.cmpi slt, %parallel_loop3A_659, %parallel_loop3A_671 : i32
        %parallel_loop3A_673 = arith.extui %parallel_loop3A_672 : i1 to i32
        %parallel_loop3A_674 = arith.subi %parallel_loop3A_670, %parallel_loop3A_673 : i32
        %parallel_loop3A_675 = arith.cmpi ne, %parallel_loop3A_667, %parallel_loop3A_674 : i32
        %parallel_loop3A_676 = arith.remsi %parallel_loop3A_658, %parallel_loop3A_659 : i32
        %parallel_loop3A_677 = arith.constant 0 : i32
        %parallel_loop3A_678 = arith.cmpi ne, %parallel_loop3A_676, %parallel_loop3A_677 : i32
        %parallel_loop3A_679 = arith.andi %parallel_loop3A_675, %parallel_loop3A_678 : i1
        %parallel_loop3A_680 = arith.constant 1 : i32
        %parallel_loop3A_681 = arith.subi %parallel_loop3A_660, %parallel_loop3A_680 : i32
        %parallel_loop3A_682 = arith.select %parallel_loop3A_679, %parallel_loop3A_681, %parallel_loop3A_660 : i32
        %parallel_loop3A_683 = arith.constant 8 : i32
        %parallel_loop3A_684 = arith.constant 0 : i32
        %parallel_loop3A_685 = arith.cmpi eq, %parallel_loop3A_683, %parallel_loop3A_684 : i32
        %parallel_loop3A_686 = arith.constant 1 : i32
        %parallel_loop3A_687 = arith.select %parallel_loop3A_685, %parallel_loop3A_686, %parallel_loop3A_683 : i32
        %parallel_loop3A_688 = arith.remsi %parallel_loop3A_658, %parallel_loop3A_687 : i32
        %parallel_loop3A_689 = arith.constant 0 : i32
        %parallel_loop3A_690 = arith.cmpi ne, %parallel_loop3A_688, %parallel_loop3A_689 : i32
        %parallel_loop3A_691 = arith.constant 0 : i32
        %parallel_loop3A_692 = arith.cmpi slt, %parallel_loop3A_688, %parallel_loop3A_691 : i32
        %parallel_loop3A_693 = arith.constant 0 : i32
        %parallel_loop3A_694 = arith.cmpi slt, %parallel_loop3A_687, %parallel_loop3A_693 : i32
        %parallel_loop3A_695 = arith.xori %parallel_loop3A_692, %parallel_loop3A_694 : i1
        %parallel_loop3A_696 = arith.andi %parallel_loop3A_695, %parallel_loop3A_690 : i1
        %parallel_loop3A_697 = arith.addi %parallel_loop3A_688, %parallel_loop3A_687 : i32
        %parallel_loop3A_698 = arith.select %parallel_loop3A_696, %parallel_loop3A_697, %parallel_loop3A_688 : i32
        %parallel_loop3A_699 = arith.constant 16 : i32
        %parallel_loop3A_700 = arith.muli %parallel_loop3A_698, %parallel_loop3A_699 : i32
        %parallel_loop3A_701 = arith.constant 5 : i32
        %parallel_loop3A_702 = arith.index_cast %parallel_loop3A_682 : i32 to index
        %parallel_loop3A_703 = arith.index_cast %parallel_loop3A_701 : i32 to index
        %parallel_loop3A_704 = arith.index_cast %parallel_loop3A_700 : i32 to index
        %parallel_loop3A_705 = tpu.vector_load %arg5[%parallel_loop3A_702, %parallel_loop3A_703, %parallel_loop3A_704] {strides = array<i32>} : memref<4x8x128xi32, #tpu.memory_space<vmem>>, vector<16xi32>,
        %parallel_loop3A_706 = arith.constant 0 : i32
        %parallel_loop3A_707 = vector.broadcast %parallel_loop3A_706 : i32 to vector<16xi32>
        %parallel_loop3A_708 = arith.cmpi sge, %parallel_loop3A_705, %parallel_loop3A_707 : vector<16xi32>
        %parallel_loop3A_709 = arith.constant 1000000 : i32
        %parallel_loop3A_710 = vector.broadcast %parallel_loop3A_709 : i32 to vector<16xi32>
        %parallel_loop3A_711 = arith.cmpi slt, %parallel_loop3A_705, %parallel_loop3A_710 : vector<16xi32>
        %parallel_loop3A_712 = arith.andi %parallel_loop3A_708, %parallel_loop3A_711 : vector<16xi1>
        %parallel_loop3A_713 = arith.constant 0 : i32
        %parallel_loop3A_714 = vector.broadcast %parallel_loop3A_713 : i32 to vector<16xi32>
        %parallel_loop3A_715 = arith.select %parallel_loop3A_712, %parallel_loop3A_705, %parallel_loop3A_714 : vector<16xi1>, vector<16xi32>
        %parallel_loop3A_716 = arith.constant 16 : i32
        %parallel_loop3A_717 = arith.muli %parallel_loop3A_658, %parallel_loop3A_716 : i32
        %parallel_loop3A_718 = arith.index_cast %parallel_loop3A_717 : i32 to index
        %parallel_loop3A_719 = tpu.vector_load %arg7[%parallel_loop3A_718] {strides = array<i32>} : memref<512xi32, #tpu.memory_space<vmem>>, vector<16xi32>,
        tpu.vector_store %arg7[%parallel_loop3A_718], %parallel_loop3A_715 {strides = array<i32>} : memref<512xi32, #tpu.memory_space<vmem>>, vector<16xi32>,
      } {sc.loop_unroll_factor = 4 : i64, sc.parallel_access}
      %dma_start3A_536 = arith.constant 0 : i32
      %dma_start3A_537 = arith.constant 0 : i32
      %dma_start3A_538 = tpu.memref_slice %arg3[%dma_start3A_536, %dma_start3A_537] : memref<1000000x32xf32, #tpu.memory_space<hbm>> -> memref<1000000x32xf32, #tpu.memory_space<hbm>>
      tpu.enqueue_indirect_dma source(%dma_start3A_538 : memref<1000000x32xf32, #tpu.memory_space<hbm>>) target(%arg9 : memref<512x32xf32, #tpu.memory_space<vmem>>) offsets(%arg7 : memref<512xi32, #tpu.memory_space<vmem>>) semaphore(%arg13 : memref<!tpu.dma_semaphore, #tpu.memory_space<semaphore_mem>>)
      %dma_wait3A_539 = arith.constant 0 : i32
      %dma_wait3A_540 = arith.constant 0 : i32
      %dma_wait3A_541 = tpu.memref_slice %arg3[%dma_wait3A_539, %dma_wait3A_540] : memref<1000000x32xf32, #tpu.memory_space<hbm>> -> memref<1000000x32xf32, #tpu.memory_space<hbm>>
      tpu.wait_indirect_dma semaphore(%arg12 : memref<!tpu.dma_semaphore, #tpu.memory_space<semaphore_mem>>) src(%dma_wait3A_541 : memref<1000000x32xf32, #tpu.memory_space<hbm>>) dst(%arg8 : memref<512x32xf32, #tpu.memory_space<vmem>>)
      %dma_wait3A_542 = arith.constant 0 : i32
      %dma_wait3A_543 = arith.constant 0 : i32
      %dma_wait3A_544 = arith.constant 0 : i32
      %dma_wait3A_545 = tpu.memref_slice %arg10[%dma_wait3A_543, %dma_wait3A_544] : memref<32x513xf32, #tpu.memory_space<vmem>> -> memref<32x512xf32, #tpu.memory_space<vmem>>
      %dma_wait3A_546 = arith.constant 0 : i32
      %dma_wait3A_547 = tpu.memref_slice %arg4[%dma_wait3A_542, %dma_wait3A_546, %mul3A_2] : memref<200x32x16384xf32, #tpu.memory_space<hbm>> -> memref<1x32x512xf32, #tpu.memory_space<hbm>>
      %dma_wait3A_548 = tpu.memref_squeeze %dma_wait3A_547 : memref<1x32x512xf32, #tpu.memory_space<hbm>> -> memref<32x512xf32, #tpu.memory_space<hbm>>
      %dma_wait3A_549 = arith.constant 0 : i32
      %dma_wait3A_550 = tpu.memref_slice %arg4[%dma_wait3A_542, %dma_wait3A_549, %mul3A_2] : memref<200x32x16384xf32, #tpu.memory_space<hbm>> -> memref<1x32x512xf32, #tpu.memory_space<hbm>>
      %dma_wait3A_551 = tpu.memref_squeeze %dma_wait3A_550 : memref<1x32x512xf32, #tpu.memory_space<hbm>> -> memref<32x512xf32, #tpu.memory_space<hbm>>
      %dma_wait3A_552 = arith.constant 0 : i32
      %dma_wait3A_553 = arith.constant 0 : i32
      %dma_wait3A_554 = tpu.memref_slice %arg10[%dma_wait3A_552, %dma_wait3A_553] : memref<32x513xf32, #tpu.memory_space<vmem>> -> memref<32x512xf32, #tpu.memory_space<vmem>>
      tpu.wait_dma2 semaphore(%arg14 : memref<!tpu.dma_semaphore, #tpu.memory_space<semaphore_mem>>) src(%dma_wait3A_554 : memref<32x512xf32, #tpu.memory_space<vmem>>) dst(%dma_wait3A_551 : memref<32x512xf32, #tpu.memory_space<hbm>>)
      %parallel_loop3A_555 = arith.constant 0 : i32
      %parallel_loop3A_556 = arith.constant 512 : i32
      %parallel_loop3A_557 = arith.constant 1 : i32
      scf.for %parallel_loop3A_658 = %parallel_loop3A_555 to %parallel_loop3A_556 step %parallel_loop3A_557  : i32 {
        %parallel_loop3A_659 = vector.broadcast %parallel_loop3A_658 : i32 to vector<16xi32>
        %parallel_loop3A_660 = arith.index_cast %parallel_loop3A_658 : i32 to index
        %parallel_loop3A_661 = arith.constant 0 : index
        %parallel_loop3A_662 = tpu.vector_load %arg8[%parallel_loop3A_660, %parallel_loop3A_661] {strides = array<i32>} : memref<512x32xf32, #tpu.memory_space<vmem>>, vector<16xf32>,
        %parallel_loop3A_663 = arith.index_cast %parallel_loop3A_658 : i32 to index
        %parallel_loop3A_664 = arith.constant 16 : index
        %parallel_loop3A_665 = tpu.vector_load %arg8[%parallel_loop3A_663, %parallel_loop3A_664] {strides = array<i32>} : memref<512x32xf32, #tpu.memory_space<vmem>>, vector<16xf32>,
        tpu.vector_store_idx %arg10[%iota3A, %parallel_loop3A_659], %parallel_loop3A_662 : memref<32x513xf32, #tpu.memory_space<vmem>>[vector<16xi32>, vector<16xi32>], vector<16xf32>,
        tpu.vector_store_idx %arg10[%add3A_7, %parallel_loop3A_659], %parallel_loop3A_665 : memref<32x513xf32, #tpu.memory_space<vmem>>[vector<16xi32>, vector<16xi32>], vector<16xf32>,
      } {sc.loop_unroll_factor = 8 : i64, sc.parallel_access}
      %sub3A_558 = arith.constant 1 : i32
      %sub3A_559 = arith.subi %add3A_532, %sub3A_558 : i32
      %dma_start3A_560 = arith.constant 0 : i32
      %dma_start3A_561 = arith.constant 0 : i32
      %dma_start3A_562 = tpu.memref_slice %arg10[%dma_start3A_560, %dma_start3A_561] : memref<32x513xf32, #tpu.memory_space<vmem>> -> memref<32x512xf32, #tpu.memory_space<vmem>>
      %dma_start3A_563 = arith.constant 0 : i32
      %dma_start3A_564 = tpu.memref_slice %arg4[%sub3A_559, %dma_start3A_563, %mul3A_2] : memref<200x32x16384xf32, #tpu.memory_space<hbm>> -> memref<1x32x512xf32, #tpu.memory_space<hbm>>
      %dma_start3A_565 = tpu.memref_squeeze %dma_start3A_564 : memref<1x32x512xf32, #tpu.memory_space<hbm>> -> memref<32x512xf32, #tpu.memory_space<hbm>>
      %dma_start3A_566 = arith.constant 0 : i32
      %dma_start3A_567 = tpu.memref_slice %arg4[%sub3A_559, %dma_start3A_566, %mul3A_2] : memref<200x32x16384xf32, #tpu.memory_space<hbm>> -> memref<1x32x512xf32, #tpu.memory_space<hbm>>
      %dma_start3A_568 = tpu.memref_squeeze %dma_start3A_567 : memref<1x32x512xf32, #tpu.memory_space<hbm>> -> memref<32x512xf32, #tpu.memory_space<hbm>>
      %dma_start3A_569 = arith.constant 0 : i32
      %dma_start3A_570 = arith.constant 0 : i32
      %dma_start3A_571 = tpu.memref_slice %arg10[%dma_start3A_569, %dma_start3A_570] : memref<32x513xf32, #tpu.memory_space<vmem>> -> memref<32x512xf32, #tpu.memory_space<vmem>>
      tpu.enqueue_dma source(%dma_start3A_571 : memref<32x512xf32, #tpu.memory_space<vmem>>) target(%dma_start3A_568 : memref<32x512xf32, #tpu.memory_space<hbm>>) target_semaphore(%arg14 : memref<!tpu.dma_semaphore, #tpu.memory_space<semaphore_mem>>)
      %mul3A_572 = arith.constant 8 : i32
      %mul3A_573 = arith.muli %scan3A_314, %mul3A_572 : i32
      %add3A_574 = arith.constant 6 : i32
      %add3A_575 = arith.addi %mul3A_573, %add3A_574 : i32
      %parallel_loop3A_576 = arith.constant 0 : i32
      %parallel_loop3A_577 = arith.constant 32 : i32
      %parallel_loop3A_578 = arith.constant 1 : i32
      scf.for %parallel_loop3A_658 = %parallel_loop3A_576 to %parallel_loop3A_577 step %parallel_loop3A_578  : i32 {
        %parallel_loop3A_659 = arith.constant 8 : i32
        %parallel_loop3A_660 = arith.divsi %parallel_loop3A_658, %parallel_loop3A_659 : i32
        %parallel_loop3A_661 = arith.constant 0 : i32
        %parallel_loop3A_662 = arith.cmpi sgt, %parallel_loop3A_658, %parallel_loop3A_661 : i32
        %parallel_loop3A_663 = arith.extui %parallel_loop3A_662 : i1 to i32
        %parallel_loop3A_664 = arith.constant 0 : i32
        %parallel_loop3A_665 = arith.cmpi slt, %parallel_loop3A_658, %parallel_loop3A_664 : i32
        %parallel_loop3A_666 = arith.extui %parallel_loop3A_665 : i1 to i32
        %parallel_loop3A_667 = arith.subi %parallel_loop3A_663, %parallel_loop3A_666 : i32
        %parallel_loop3A_668 = arith.constant 0 : i32
        %parallel_loop3A_669 = arith.cmpi sgt, %parallel_loop3A_659, %parallel_loop3A_668 : i32
        %parallel_loop3A_670 = arith.extui %parallel_loop3A_669 : i1 to i32
        %parallel_loop3A_671 = arith.constant 0 : i32
        %parallel_loop3A_672 = arith.cmpi slt, %parallel_loop3A_659, %parallel_loop3A_671 : i32
        %parallel_loop3A_673 = arith.extui %parallel_loop3A_672 : i1 to i32
        %parallel_loop3A_674 = arith.subi %parallel_loop3A_670, %parallel_loop3A_673 : i32
        %parallel_loop3A_675 = arith.cmpi ne, %parallel_loop3A_667, %parallel_loop3A_674 : i32
        %parallel_loop3A_676 = arith.remsi %parallel_loop3A_658, %parallel_loop3A_659 : i32
        %parallel_loop3A_677 = arith.constant 0 : i32
        %parallel_loop3A_678 = arith.cmpi ne, %parallel_loop3A_676, %parallel_loop3A_677 : i32
        %parallel_loop3A_679 = arith.andi %parallel_loop3A_675, %parallel_loop3A_678 : i1
        %parallel_loop3A_680 = arith.constant 1 : i32
        %parallel_loop3A_681 = arith.subi %parallel_loop3A_660, %parallel_loop3A_680 : i32
        %parallel_loop3A_682 = arith.select %parallel_loop3A_679, %parallel_loop3A_681, %parallel_loop3A_660 : i32
        %parallel_loop3A_683 = arith.constant 8 : i32
        %parallel_loop3A_684 = arith.constant 0 : i32
        %parallel_loop3A_685 = arith.cmpi eq, %parallel_loop3A_683, %parallel_loop3A_684 : i32
        %parallel_loop3A_686 = arith.constant 1 : i32
        %parallel_loop3A_687 = arith.select %parallel_loop3A_685, %parallel_loop3A_686, %parallel_loop3A_683 : i32
        %parallel_loop3A_688 = arith.remsi %parallel_loop3A_658, %parallel_loop3A_687 : i32
        %parallel_loop3A_689 = arith.constant 0 : i32
        %parallel_loop3A_690 = arith.cmpi ne, %parallel_loop3A_688, %parallel_loop3A_689 : i32
        %parallel_loop3A_691 = arith.constant 0 : i32
        %parallel_loop3A_692 = arith.cmpi slt, %parallel_loop3A_688, %parallel_loop3A_691 : i32
        %parallel_loop3A_693 = arith.constant 0 : i32
        %parallel_loop3A_694 = arith.cmpi slt, %parallel_loop3A_687, %parallel_loop3A_693 : i32
        %parallel_loop3A_695 = arith.xori %parallel_loop3A_692, %parallel_loop3A_694 : i1
        %parallel_loop3A_696 = arith.andi %parallel_loop3A_695, %parallel_loop3A_690 : i1
        %parallel_loop3A_697 = arith.addi %parallel_loop3A_688, %parallel_loop3A_687 : i32
        %parallel_loop3A_698 = arith.select %parallel_loop3A_696, %parallel_loop3A_697, %parallel_loop3A_688 : i32
        %parallel_loop3A_699 = arith.constant 16 : i32
        %parallel_loop3A_700 = arith.muli %parallel_loop3A_698, %parallel_loop3A_699 : i32
        %parallel_loop3A_701 = arith.constant 6 : i32
        %parallel_loop3A_702 = arith.index_cast %parallel_loop3A_682 : i32 to index
        %parallel_loop3A_703 = arith.index_cast %parallel_loop3A_701 : i32 to index
        %parallel_loop3A_704 = arith.index_cast %parallel_loop3A_700 : i32 to index
        %parallel_loop3A_705 = tpu.vector_load %arg5[%parallel_loop3A_702, %parallel_loop3A_703, %parallel_loop3A_704] {strides = array<i32>} : memref<4x8x128xi32, #tpu.memory_space<vmem>>, vector<16xi32>,
        %parallel_loop3A_706 = arith.constant 0 : i32
        %parallel_loop3A_707 = vector.broadcast %parallel_loop3A_706 : i32 to vector<16xi32>
        %parallel_loop3A_708 = arith.cmpi sge, %parallel_loop3A_705, %parallel_loop3A_707 : vector<16xi32>
        %parallel_loop3A_709 = arith.constant 1000000 : i32
        %parallel_loop3A_710 = vector.broadcast %parallel_loop3A_709 : i32 to vector<16xi32>
        %parallel_loop3A_711 = arith.cmpi slt, %parallel_loop3A_705, %parallel_loop3A_710 : vector<16xi32>
        %parallel_loop3A_712 = arith.andi %parallel_loop3A_708, %parallel_loop3A_711 : vector<16xi1>
        %parallel_loop3A_713 = arith.constant 0 : i32
        %parallel_loop3A_714 = vector.broadcast %parallel_loop3A_713 : i32 to vector<16xi32>
        %parallel_loop3A_715 = arith.select %parallel_loop3A_712, %parallel_loop3A_705, %parallel_loop3A_714 : vector<16xi1>, vector<16xi32>
        %parallel_loop3A_716 = arith.constant 16 : i32
        %parallel_loop3A_717 = arith.muli %parallel_loop3A_658, %parallel_loop3A_716 : i32
        %parallel_loop3A_718 = arith.index_cast %parallel_loop3A_717 : i32 to index
        %parallel_loop3A_719 = tpu.vector_load %arg6[%parallel_loop3A_718] {strides = array<i32>} : memref<512xi32, #tpu.memory_space<vmem>>, vector<16xi32>,
        tpu.vector_store %arg6[%parallel_loop3A_718], %parallel_loop3A_715 {strides = array<i32>} : memref<512xi32, #tpu.memory_space<vmem>>, vector<16xi32>,
      } {sc.loop_unroll_factor = 4 : i64, sc.parallel_access}
      %dma_start3A_579 = arith.constant 0 : i32
      %dma_start3A_580 = arith.constant 0 : i32
      %dma_start3A_581 = tpu.memref_slice %arg3[%dma_start3A_579, %dma_start3A_580] : memref<1000000x32xf32, #tpu.memory_space<hbm>> -> memref<1000000x32xf32, #tpu.memory_space<hbm>>
      tpu.enqueue_indirect_dma source(%dma_start3A_581 : memref<1000000x32xf32, #tpu.memory_space<hbm>>) target(%arg8 : memref<512x32xf32, #tpu.memory_space<vmem>>) offsets(%arg6 : memref<512xi32, #tpu.memory_space<vmem>>) semaphore(%arg12 : memref<!tpu.dma_semaphore, #tpu.memory_space<semaphore_mem>>)
      %dma_wait3A_582 = arith.constant 0 : i32
      %dma_wait3A_583 = arith.constant 0 : i32
      %dma_wait3A_584 = tpu.memref_slice %arg3[%dma_wait3A_582, %dma_wait3A_583] : memref<1000000x32xf32, #tpu.memory_space<hbm>> -> memref<1000000x32xf32, #tpu.memory_space<hbm>>
      tpu.wait_indirect_dma semaphore(%arg13 : memref<!tpu.dma_semaphore, #tpu.memory_space<semaphore_mem>>) src(%dma_wait3A_584 : memref<1000000x32xf32, #tpu.memory_space<hbm>>) dst(%arg9 : memref<512x32xf32, #tpu.memory_space<vmem>>)
      %dma_wait3A_585 = arith.constant 0 : i32
      %dma_wait3A_586 = arith.constant 0 : i32
      %dma_wait3A_587 = arith.constant 0 : i32
      %dma_wait3A_588 = tpu.memref_slice %arg11[%dma_wait3A_586, %dma_wait3A_587] : memref<32x513xf32, #tpu.memory_space<vmem>> -> memref<32x512xf32, #tpu.memory_space<vmem>>
      %dma_wait3A_589 = arith.constant 0 : i32
      %dma_wait3A_590 = tpu.memref_slice %arg4[%dma_wait3A_585, %dma_wait3A_589, %mul3A_2] : memref<200x32x16384xf32, #tpu.memory_space<hbm>> -> memref<1x32x512xf32, #tpu.memory_space<hbm>>
      %dma_wait3A_591 = tpu.memref_squeeze %dma_wait3A_590 : memref<1x32x512xf32, #tpu.memory_space<hbm>> -> memref<32x512xf32, #tpu.memory_space<hbm>>
      %dma_wait3A_592 = arith.constant 0 : i32
      %dma_wait3A_593 = tpu.memref_slice %arg4[%dma_wait3A_585, %dma_wait3A_592, %mul3A_2] : memref<200x32x16384xf32, #tpu.memory_space<hbm>> -> memref<1x32x512xf32, #tpu.memory_space<hbm>>
      %dma_wait3A_594 = tpu.memref_squeeze %dma_wait3A_593 : memref<1x32x512xf32, #tpu.memory_space<hbm>> -> memref<32x512xf32, #tpu.memory_space<hbm>>
      %dma_wait3A_595 = arith.constant 0 : i32
      %dma_wait3A_596 = arith.constant 0 : i32
      %dma_wait3A_597 = tpu.memref_slice %arg11[%dma_wait3A_595, %dma_wait3A_596] : memref<32x513xf32, #tpu.memory_space<vmem>> -> memref<32x512xf32, #tpu.memory_space<vmem>>
      tpu.wait_dma2 semaphore(%arg15 : memref<!tpu.dma_semaphore, #tpu.memory_space<semaphore_mem>>) src(%dma_wait3A_597 : memref<32x512xf32, #tpu.memory_space<vmem>>) dst(%dma_wait3A_594 : memref<32x512xf32, #tpu.memory_space<hbm>>)
      %parallel_loop3A_598 = arith.constant 0 : i32
      %parallel_loop3A_599 = arith.constant 512 : i32
      %parallel_loop3A_600 = arith.constant 1 : i32
      scf.for %parallel_loop3A_658 = %parallel_loop3A_598 to %parallel_loop3A_599 step %parallel_loop3A_600  : i32 {
        %parallel_loop3A_659 = vector.broadcast %parallel_loop3A_658 : i32 to vector<16xi32>
        %parallel_loop3A_660 = arith.index_cast %parallel_loop3A_658 : i32 to index
        %parallel_loop3A_661 = arith.constant 0 : index
        %parallel_loop3A_662 = tpu.vector_load %arg9[%parallel_loop3A_660, %parallel_loop3A_661] {strides = array<i32>} : memref<512x32xf32, #tpu.memory_space<vmem>>, vector<16xf32>,
        %parallel_loop3A_663 = arith.index_cast %parallel_loop3A_658 : i32 to index
        %parallel_loop3A_664 = arith.constant 16 : index
        %parallel_loop3A_665 = tpu.vector_load %arg9[%parallel_loop3A_663, %parallel_loop3A_664] {strides = array<i32>} : memref<512x32xf32, #tpu.memory_space<vmem>>, vector<16xf32>,
        tpu.vector_store_idx %arg11[%iota3A, %parallel_loop3A_659], %parallel_loop3A_662 : memref<32x513xf32, #tpu.memory_space<vmem>>[vector<16xi32>, vector<16xi32>], vector<16xf32>,
        tpu.vector_store_idx %arg11[%add3A_7, %parallel_loop3A_659], %parallel_loop3A_665 : memref<32x513xf32, #tpu.memory_space<vmem>>[vector<16xi32>, vector<16xi32>], vector<16xf32>,
      } {sc.loop_unroll_factor = 8 : i64, sc.parallel_access}
      %sub3A_601 = arith.constant 1 : i32
      %sub3A_602 = arith.subi %add3A_575, %sub3A_601 : i32
      %dma_start3A_603 = arith.constant 0 : i32
      %dma_start3A_604 = arith.constant 0 : i32
      %dma_start3A_605 = tpu.memref_slice %arg11[%dma_start3A_603, %dma_start3A_604] : memref<32x513xf32, #tpu.memory_space<vmem>> -> memref<32x512xf32, #tpu.memory_space<vmem>>
      %dma_start3A_606 = arith.constant 0 : i32
      %dma_start3A_607 = tpu.memref_slice %arg4[%sub3A_602, %dma_start3A_606, %mul3A_2] : memref<200x32x16384xf32, #tpu.memory_space<hbm>> -> memref<1x32x512xf32, #tpu.memory_space<hbm>>
      %dma_start3A_608 = tpu.memref_squeeze %dma_start3A_607 : memref<1x32x512xf32, #tpu.memory_space<hbm>> -> memref<32x512xf32, #tpu.memory_space<hbm>>
      %dma_start3A_609 = arith.constant 0 : i32
      %dma_start3A_610 = tpu.memref_slice %arg4[%sub3A_602, %dma_start3A_609, %mul3A_2] : memref<200x32x16384xf32, #tpu.memory_space<hbm>> -> memref<1x32x512xf32, #tpu.memory_space<hbm>>
      %dma_start3A_611 = tpu.memref_squeeze %dma_start3A_610 : memref<1x32x512xf32, #tpu.memory_space<hbm>> -> memref<32x512xf32, #tpu.memory_space<hbm>>
      %dma_start3A_612 = arith.constant 0 : i32
      %dma_start3A_613 = arith.constant 0 : i32
      %dma_start3A_614 = tpu.memref_slice %arg11[%dma_start3A_612, %dma_start3A_613] : memref<32x513xf32, #tpu.memory_space<vmem>> -> memref<32x512xf32, #tpu.memory_space<vmem>>
      tpu.enqueue_dma source(%dma_start3A_614 : memref<32x512xf32, #tpu.memory_space<vmem>>) target(%dma_start3A_611 : memref<32x512xf32, #tpu.memory_space<hbm>>) target_semaphore(%arg15 : memref<!tpu.dma_semaphore, #tpu.memory_space<semaphore_mem>>)
      %mul3A_615 = arith.constant 8 : i32
      %mul3A_616 = arith.muli %scan3A_314, %mul3A_615 : i32
      %add3A_617 = arith.constant 7 : i32
      %add3A_618 = arith.addi %mul3A_616, %add3A_617 : i32
      %parallel_loop3A_619 = arith.constant 0 : i32
      %parallel_loop3A_620 = arith.constant 32 : i32
      %parallel_loop3A_621 = arith.constant 1 : i32
      scf.for %parallel_loop3A_658 = %parallel_loop3A_619 to %parallel_loop3A_620 step %parallel_loop3A_621  : i32 {
        %parallel_loop3A_659 = arith.constant 8 : i32
        %parallel_loop3A_660 = arith.divsi %parallel_loop3A_658, %parallel_loop3A_659 : i32
        %parallel_loop3A_661 = arith.constant 0 : i32
        %parallel_loop3A_662 = arith.cmpi sgt, %parallel_loop3A_658, %parallel_loop3A_661 : i32
        %parallel_loop3A_663 = arith.extui %parallel_loop3A_662 : i1 to i32
        %parallel_loop3A_664 = arith.constant 0 : i32
        %parallel_loop3A_665 = arith.cmpi slt, %parallel_loop3A_658, %parallel_loop3A_664 : i32
        %parallel_loop3A_666 = arith.extui %parallel_loop3A_665 : i1 to i32
        %parallel_loop3A_667 = arith.subi %parallel_loop3A_663, %parallel_loop3A_666 : i32
        %parallel_loop3A_668 = arith.constant 0 : i32
        %parallel_loop3A_669 = arith.cmpi sgt, %parallel_loop3A_659, %parallel_loop3A_668 : i32
        %parallel_loop3A_670 = arith.extui %parallel_loop3A_669 : i1 to i32
        %parallel_loop3A_671 = arith.constant 0 : i32
        %parallel_loop3A_672 = arith.cmpi slt, %parallel_loop3A_659, %parallel_loop3A_671 : i32
        %parallel_loop3A_673 = arith.extui %parallel_loop3A_672 : i1 to i32
        %parallel_loop3A_674 = arith.subi %parallel_loop3A_670, %parallel_loop3A_673 : i32
        %parallel_loop3A_675 = arith.cmpi ne, %parallel_loop3A_667, %parallel_loop3A_674 : i32
        %parallel_loop3A_676 = arith.remsi %parallel_loop3A_658, %parallel_loop3A_659 : i32
        %parallel_loop3A_677 = arith.constant 0 : i32
        %parallel_loop3A_678 = arith.cmpi ne, %parallel_loop3A_676, %parallel_loop3A_677 : i32
        %parallel_loop3A_679 = arith.andi %parallel_loop3A_675, %parallel_loop3A_678 : i1
        %parallel_loop3A_680 = arith.constant 1 : i32
        %parallel_loop3A_681 = arith.subi %parallel_loop3A_660, %parallel_loop3A_680 : i32
        %parallel_loop3A_682 = arith.select %parallel_loop3A_679, %parallel_loop3A_681, %parallel_loop3A_660 : i32
        %parallel_loop3A_683 = arith.constant 8 : i32
        %parallel_loop3A_684 = arith.constant 0 : i32
        %parallel_loop3A_685 = arith.cmpi eq, %parallel_loop3A_683, %parallel_loop3A_684 : i32
        %parallel_loop3A_686 = arith.constant 1 : i32
        %parallel_loop3A_687 = arith.select %parallel_loop3A_685, %parallel_loop3A_686, %parallel_loop3A_683 : i32
        %parallel_loop3A_688 = arith.remsi %parallel_loop3A_658, %parallel_loop3A_687 : i32
        %parallel_loop3A_689 = arith.constant 0 : i32
        %parallel_loop3A_690 = arith.cmpi ne, %parallel_loop3A_688, %parallel_loop3A_689 : i32
        %parallel_loop3A_691 = arith.constant 0 : i32
        %parallel_loop3A_692 = arith.cmpi slt, %parallel_loop3A_688, %parallel_loop3A_691 : i32
        %parallel_loop3A_693 = arith.constant 0 : i32
        %parallel_loop3A_694 = arith.cmpi slt, %parallel_loop3A_687, %parallel_loop3A_693 : i32
        %parallel_loop3A_695 = arith.xori %parallel_loop3A_692, %parallel_loop3A_694 : i1
        %parallel_loop3A_696 = arith.andi %parallel_loop3A_695, %parallel_loop3A_690 : i1
        %parallel_loop3A_697 = arith.addi %parallel_loop3A_688, %parallel_loop3A_687 : i32
        %parallel_loop3A_698 = arith.select %parallel_loop3A_696, %parallel_loop3A_697, %parallel_loop3A_688 : i32
        %parallel_loop3A_699 = arith.constant 16 : i32
        %parallel_loop3A_700 = arith.muli %parallel_loop3A_698, %parallel_loop3A_699 : i32
        %parallel_loop3A_701 = arith.constant 7 : i32
        %parallel_loop3A_702 = arith.index_cast %parallel_loop3A_682 : i32 to index
        %parallel_loop3A_703 = arith.index_cast %parallel_loop3A_701 : i32 to index
        %parallel_loop3A_704 = arith.index_cast %parallel_loop3A_700 : i32 to index
        %parallel_loop3A_705 = tpu.vector_load %arg5[%parallel_loop3A_702, %parallel_loop3A_703, %parallel_loop3A_704] {strides = array<i32>} : memref<4x8x128xi32, #tpu.memory_space<vmem>>, vector<16xi32>,
        %parallel_loop3A_706 = arith.constant 0 : i32
        %parallel_loop3A_707 = vector.broadcast %parallel_loop3A_706 : i32 to vector<16xi32>
        %parallel_loop3A_708 = arith.cmpi sge, %parallel_loop3A_705, %parallel_loop3A_707 : vector<16xi32>
        %parallel_loop3A_709 = arith.constant 1000000 : i32
        %parallel_loop3A_710 = vector.broadcast %parallel_loop3A_709 : i32 to vector<16xi32>
        %parallel_loop3A_711 = arith.cmpi slt, %parallel_loop3A_705, %parallel_loop3A_710 : vector<16xi32>
        %parallel_loop3A_712 = arith.andi %parallel_loop3A_708, %parallel_loop3A_711 : vector<16xi1>
        %parallel_loop3A_713 = arith.constant 0 : i32
        %parallel_loop3A_714 = vector.broadcast %parallel_loop3A_713 : i32 to vector<16xi32>
        %parallel_loop3A_715 = arith.select %parallel_loop3A_712, %parallel_loop3A_705, %parallel_loop3A_714 : vector<16xi1>, vector<16xi32>
        %parallel_loop3A_716 = arith.constant 16 : i32
        %parallel_loop3A_717 = arith.muli %parallel_loop3A_658, %parallel_loop3A_716 : i32
        %parallel_loop3A_718 = arith.index_cast %parallel_loop3A_717 : i32 to index
        %parallel_loop3A_719 = tpu.vector_load %arg7[%parallel_loop3A_718] {strides = array<i32>} : memref<512xi32, #tpu.memory_space<vmem>>, vector<16xi32>,
        tpu.vector_store %arg7[%parallel_loop3A_718], %parallel_loop3A_715 {strides = array<i32>} : memref<512xi32, #tpu.memory_space<vmem>>, vector<16xi32>,
      } {sc.loop_unroll_factor = 4 : i64, sc.parallel_access}
      %dma_start3A_622 = arith.constant 0 : i32
      %dma_start3A_623 = arith.constant 0 : i32
      %dma_start3A_624 = tpu.memref_slice %arg3[%dma_start3A_622, %dma_start3A_623] : memref<1000000x32xf32, #tpu.memory_space<hbm>> -> memref<1000000x32xf32, #tpu.memory_space<hbm>>
      tpu.enqueue_indirect_dma source(%dma_start3A_624 : memref<1000000x32xf32, #tpu.memory_space<hbm>>) target(%arg9 : memref<512x32xf32, #tpu.memory_space<vmem>>) offsets(%arg7 : memref<512xi32, #tpu.memory_space<vmem>>) semaphore(%arg13 : memref<!tpu.dma_semaphore, #tpu.memory_space<semaphore_mem>>)
      %dma_wait3A_625 = arith.constant 0 : i32
      %dma_wait3A_626 = arith.constant 0 : i32
      %dma_wait3A_627 = tpu.memref_slice %arg3[%dma_wait3A_625, %dma_wait3A_626] : memref<1000000x32xf32, #tpu.memory_space<hbm>> -> memref<1000000x32xf32, #tpu.memory_space<hbm>>
      tpu.wait_indirect_dma semaphore(%arg12 : memref<!tpu.dma_semaphore, #tpu.memory_space<semaphore_mem>>) src(%dma_wait3A_627 : memref<1000000x32xf32, #tpu.memory_space<hbm>>) dst(%arg8 : memref<512x32xf32, #tpu.memory_space<vmem>>)
      %dma_wait3A_628 = arith.constant 0 : i32
      %dma_wait3A_629 = arith.constant 0 : i32
      %dma_wait3A_630 = arith.constant 0 : i32
      %dma_wait3A_631 = tpu.memref_slice %arg10[%dma_wait3A_629, %dma_wait3A_630] : memref<32x513xf32, #tpu.memory_space<vmem>> -> memref<32x512xf32, #tpu.memory_space<vmem>>
      %dma_wait3A_632 = arith.constant 0 : i32
      %dma_wait3A_633 = tpu.memref_slice %arg4[%dma_wait3A_628, %dma_wait3A_632, %mul3A_2] : memref<200x32x16384xf32, #tpu.memory_space<hbm>> -> memref<1x32x512xf32, #tpu.memory_space<hbm>>
      %dma_wait3A_634 = tpu.memref_squeeze %dma_wait3A_633 : memref<1x32x512xf32, #tpu.memory_space<hbm>> -> memref<32x512xf32, #tpu.memory_space<hbm>>
      %dma_wait3A_635 = arith.constant 0 : i32
      %dma_wait3A_636 = tpu.memref_slice %arg4[%dma_wait3A_628, %dma_wait3A_635, %mul3A_2] : memref<200x32x16384xf32, #tpu.memory_space<hbm>> -> memref<1x32x512xf32, #tpu.memory_space<hbm>>
      %dma_wait3A_637 = tpu.memref_squeeze %dma_wait3A_636 : memref<1x32x512xf32, #tpu.memory_space<hbm>> -> memref<32x512xf32, #tpu.memory_space<hbm>>
      %dma_wait3A_638 = arith.constant 0 : i32
      %dma_wait3A_639 = arith.constant 0 : i32
      %dma_wait3A_640 = tpu.memref_slice %arg10[%dma_wait3A_638, %dma_wait3A_639] : memref<32x513xf32, #tpu.memory_space<vmem>> -> memref<32x512xf32, #tpu.memory_space<vmem>>
      tpu.wait_dma2 semaphore(%arg14 : memref<!tpu.dma_semaphore, #tpu.memory_space<semaphore_mem>>) src(%dma_wait3A_640 : memref<32x512xf32, #tpu.memory_space<vmem>>) dst(%dma_wait3A_637 : memref<32x512xf32, #tpu.memory_space<hbm>>)
      %parallel_loop3A_641 = arith.constant 0 : i32
      %parallel_loop3A_642 = arith.constant 512 : i32
      %parallel_loop3A_643 = arith.constant 1 : i32
      scf.for %parallel_loop3A_658 = %parallel_loop3A_641 to %parallel_loop3A_642 step %parallel_loop3A_643  : i32 {
        %parallel_loop3A_659 = vector.broadcast %parallel_loop3A_658 : i32 to vector<16xi32>
        %parallel_loop3A_660 = arith.index_cast %parallel_loop3A_658 : i32 to index
        %parallel_loop3A_661 = arith.constant 0 : index
        %parallel_loop3A_662 = tpu.vector_load %arg8[%parallel_loop3A_660, %parallel_loop3A_661] {strides = array<i32>} : memref<512x32xf32, #tpu.memory_space<vmem>>, vector<16xf32>,
        %parallel_loop3A_663 = arith.index_cast %parallel_loop3A_658 : i32 to index
        %parallel_loop3A_664 = arith.constant 16 : index
        %parallel_loop3A_665 = tpu.vector_load %arg8[%parallel_loop3A_663, %parallel_loop3A_664] {strides = array<i32>} : memref<512x32xf32, #tpu.memory_space<vmem>>, vector<16xf32>,
        tpu.vector_store_idx %arg10[%iota3A, %parallel_loop3A_659], %parallel_loop3A_662 : memref<32x513xf32, #tpu.memory_space<vmem>>[vector<16xi32>, vector<16xi32>], vector<16xf32>,
        tpu.vector_store_idx %arg10[%add3A_7, %parallel_loop3A_659], %parallel_loop3A_665 : memref<32x513xf32, #tpu.memory_space<vmem>>[vector<16xi32>, vector<16xi32>], vector<16xf32>,
      } {sc.loop_unroll_factor = 8 : i64, sc.parallel_access}
      %sub3A_644 = arith.constant 1 : i32
      %sub3A_645 = arith.subi %add3A_618, %sub3A_644 : i32
      %dma_start3A_646 = arith.constant 0 : i32
      %dma_start3A_647 = arith.constant 0 : i32
      %dma_start3A_648 = tpu.memref_slice %arg10[%dma_start3A_646, %dma_start3A_647] : memref<32x513xf32, #tpu.memory_space<vmem>> -> memref<32x512xf32, #tpu.memory_space<vmem>>
      %dma_start3A_649 = arith.constant 0 : i32
      %dma_start3A_650 = tpu.memref_slice %arg4[%sub3A_645, %dma_start3A_649, %mul3A_2] : memref<200x32x16384xf32, #tpu.memory_space<hbm>> -> memref<1x32x512xf32, #tpu.memory_space<hbm>>
      %dma_start3A_651 = tpu.memref_squeeze %dma_start3A_650 : memref<1x32x512xf32, #tpu.memory_space<hbm>> -> memref<32x512xf32, #tpu.memory_space<hbm>>
      %dma_start3A_652 = arith.constant 0 : i32
      %dma_start3A_653 = tpu.memref_slice %arg4[%sub3A_645, %dma_start3A_652, %mul3A_2] : memref<200x32x16384xf32, #tpu.memory_space<hbm>> -> memref<1x32x512xf32, #tpu.memory_space<hbm>>
      %dma_start3A_654 = tpu.memref_squeeze %dma_start3A_653 : memref<1x32x512xf32, #tpu.memory_space<hbm>> -> memref<32x512xf32, #tpu.memory_space<hbm>>
      %dma_start3A_655 = arith.constant 0 : i32
      %dma_start3A_656 = arith.constant 0 : i32
      %dma_start3A_657 = tpu.memref_slice %arg10[%dma_start3A_655, %dma_start3A_656] : memref<32x513xf32, #tpu.memory_space<vmem>> -> memref<32x512xf32, #tpu.memory_space<vmem>>
      tpu.enqueue_dma source(%dma_start3A_657 : memref<32x512xf32, #tpu.memory_space<vmem>>) target(%dma_start3A_654 : memref<32x512xf32, #tpu.memory_space<hbm>>) target_semaphore(%arg14 : memref<!tpu.dma_semaphore, #tpu.memory_space<semaphore_mem>>)
    }
    %scan3A_255 = arith.constant 24 : i32
    %dma_wait3A_256 = arith.constant 0 : i32
    %dma_wait3A_257 = arith.constant 0 : i32
    %dma_wait3A_258 = tpu.memref_slice %arg3[%dma_wait3A_256, %dma_wait3A_257] : memref<1000000x32xf32, #tpu.memory_space<hbm>> -> memref<1000000x32xf32, #tpu.memory_space<hbm>>
    tpu.wait_indirect_dma semaphore(%arg13 : memref<!tpu.dma_semaphore, #tpu.memory_space<semaphore_mem>>) src(%dma_wait3A_258 : memref<1000000x32xf32, #tpu.memory_space<hbm>>) dst(%arg9 : memref<512x32xf32, #tpu.memory_space<vmem>>)
    %dma_wait3A_259 = arith.constant 0 : i32
    %dma_wait3A_260 = arith.constant 0 : i32
    %dma_wait3A_261 = arith.constant 0 : i32
    %dma_wait3A_262 = tpu.memref_slice %arg11[%dma_wait3A_260, %dma_wait3A_261] : memref<32x513xf32, #tpu.memory_space<vmem>> -> memref<32x512xf32, #tpu.memory_space<vmem>>
    %dma_wait3A_263 = arith.constant 0 : i32
    %dma_wait3A_264 = tpu.memref_slice %arg4[%dma_wait3A_259, %dma_wait3A_263, %mul3A_2] : memref<200x32x16384xf32, #tpu.memory_space<hbm>> -> memref<1x32x512xf32, #tpu.memory_space<hbm>>
    %dma_wait3A_265 = tpu.memref_squeeze %dma_wait3A_264 : memref<1x32x512xf32, #tpu.memory_space<hbm>> -> memref<32x512xf32, #tpu.memory_space<hbm>>
    %dma_wait3A_266 = arith.constant 0 : i32
    %dma_wait3A_267 = tpu.memref_slice %arg4[%dma_wait3A_259, %dma_wait3A_266, %mul3A_2] : memref<200x32x16384xf32, #tpu.memory_space<hbm>> -> memref<1x32x512xf32, #tpu.memory_space<hbm>>
    %dma_wait3A_268 = tpu.memref_squeeze %dma_wait3A_267 : memref<1x32x512xf32, #tpu.memory_space<hbm>> -> memref<32x512xf32, #tpu.memory_space<hbm>>
    %dma_wait3A_269 = arith.constant 0 : i32
    %dma_wait3A_270 = arith.constant 0 : i32
    %dma_wait3A_271 = tpu.memref_slice %arg11[%dma_wait3A_269, %dma_wait3A_270] : memref<32x513xf32, #tpu.memory_space<vmem>> -> memref<32x512xf32, #tpu.memory_space<vmem>>
    tpu.wait_dma2 semaphore(%arg15 : memref<!tpu.dma_semaphore, #tpu.memory_space<semaphore_mem>>) src(%dma_wait3A_271 : memref<32x512xf32, #tpu.memory_space<vmem>>) dst(%dma_wait3A_268 : memref<32x512xf32, #tpu.memory_space<hbm>>)
    %parallel_loop3A_272 = arith.constant 0 : i32
    %parallel_loop3A_273 = arith.constant 512 : i32
    %parallel_loop3A_274 = arith.constant 1 : i32
    scf.for %parallel_loop3A_314 = %parallel_loop3A_272 to %parallel_loop3A_273 step %parallel_loop3A_274  : i32 {
      %parallel_loop3A_315 = vector.broadcast %parallel_loop3A_314 : i32 to vector<16xi32>
      %parallel_loop3A_316 = arith.index_cast %parallel_loop3A_314 : i32 to index
      %parallel_loop3A_317 = arith.constant 0 : index
      %parallel_loop3A_318 = tpu.vector_load %arg9[%parallel_loop3A_316, %parallel_loop3A_317] {strides = array<i32>} : memref<512x32xf32, #tpu.memory_space<vmem>>, vector<16xf32>,
      %parallel_loop3A_319 = arith.index_cast %parallel_loop3A_314 : i32 to index
      %parallel_loop3A_320 = arith.constant 16 : index
      %parallel_loop3A_321 = tpu.vector_load %arg9[%parallel_loop3A_319, %parallel_loop3A_320] {strides = array<i32>} : memref<512x32xf32, #tpu.memory_space<vmem>>, vector<16xf32>,
      tpu.vector_store_idx %arg11[%iota3A, %parallel_loop3A_315], %parallel_loop3A_318 : memref<32x513xf32, #tpu.memory_space<vmem>>[vector<16xi32>, vector<16xi32>], vector<16xf32>,
      tpu.vector_store_idx %arg11[%add3A_7, %parallel_loop3A_315], %parallel_loop3A_321 : memref<32x513xf32, #tpu.memory_space<vmem>>[vector<16xi32>, vector<16xi32>], vector<16xf32>,
    } {sc.loop_unroll_factor = 8 : i64, sc.parallel_access}
    %dma_start3A_275 = arith.constant 199 : i32
    %dma_start3A_276 = arith.constant 0 : i32
    %dma_start3A_277 = arith.constant 0 : i32
    %dma_start3A_278 = tpu.memref_slice %arg11[%dma_start3A_276, %dma_start3A_277] : memref<32x513xf32, #tpu.memory_space<vmem>> -> memref<32x512xf32, #tpu.memory_space<vmem>>
    %dma_start3A_279 = arith.constant 0 : i32
    %dma_start3A_280 = tpu.memref_slice %arg4[%dma_start3A_275, %dma_start3A_279, %mul3A_2] : memref<200x32x16384xf32, #tpu.memory_space<hbm>> -> memref<1x32x512xf32, #tpu.memory_space<hbm>>
    %dma_start3A_281 = tpu.memref_squeeze %dma_start3A_280 : memref<1x32x512xf32, #tpu.memory_space<hbm>> -> memref<32x512xf32, #tpu.memory_space<hbm>>
    %dma_start3A_282 = arith.constant 0 : i32
    %dma_start3A_283 = tpu.memref_slice %arg4[%dma_start3A_275, %dma_start3A_282, %mul3A_2] : memref<200x32x16384xf32, #tpu.memory_space<hbm>> -> memref<1x32x512xf32, #tpu.memory_space<hbm>>
    %dma_start3A_284 = tpu.memref_squeeze %dma_start3A_283 : memref<1x32x512xf32, #tpu.memory_space<hbm>> -> memref<32x512xf32, #tpu.memory_space<hbm>>
    %dma_start3A_285 = arith.constant 0 : i32
    %dma_start3A_286 = arith.constant 0 : i32
    %dma_start3A_287 = tpu.memref_slice %arg11[%dma_start3A_285, %dma_start3A_286] : memref<32x513xf32, #tpu.memory_space<vmem>> -> memref<32x512xf32, #tpu.memory_space<vmem>>
    tpu.enqueue_dma source(%dma_start3A_287 : memref<32x512xf32, #tpu.memory_space<vmem>>) target(%dma_start3A_284 : memref<32x512xf32, #tpu.memory_space<hbm>>) target_semaphore(%arg15 : memref<!tpu.dma_semaphore, #tpu.memory_space<semaphore_mem>>)
    %dma_wait3A_288 = arith.constant 0 : i32
    %dma_wait3A_289 = arith.constant 0 : i32
    %dma_wait3A_290 = arith.constant 0 : i32
    %dma_wait3A_291 = tpu.memref_slice %arg10[%dma_wait3A_289, %dma_wait3A_290] : memref<32x513xf32, #tpu.memory_space<vmem>> -> memref<32x512xf32, #tpu.memory_space<vmem>>
    %dma_wait3A_292 = arith.constant 0 : i32
    %dma_wait3A_293 = tpu.memref_slice %arg4[%dma_wait3A_288, %dma_wait3A_292, %mul3A_2] : memref<200x32x16384xf32, #tpu.memory_space<hbm>> -> memref<1x32x512xf32, #tpu.memory_space<hbm>>
    %dma_wait3A_294 = tpu.memref_squeeze %dma_wait3A_293 : memref<1x32x512xf32, #tpu.memory_space<hbm>> -> memref<32x512xf32, #tpu.memory_space<hbm>>
    %dma_wait3A_295 = arith.constant 0 : i32
    %dma_wait3A_296 = tpu.memref_slice %arg4[%dma_wait3A_288, %dma_wait3A_295, %mul3A_2] : memref<200x32x16384xf32, #tpu.memory_space<hbm>> -> memref<1x32x512xf32, #tpu.memory_space<hbm>>
    %dma_wait3A_297 = tpu.memref_squeeze %dma_wait3A_296 : memref<1x32x512xf32, #tpu.memory_space<hbm>> -> memref<32x512xf32, #tpu.memory_space<hbm>>
    %dma_wait3A_298 = arith.constant 0 : i32
    %dma_wait3A_299 = arith.constant 0 : i32
    %dma_wait3A_300 = tpu.memref_slice %arg10[%dma_wait3A_298, %dma_wait3A_299] : memref<32x513xf32, #tpu.memory_space<vmem>> -> memref<32x512xf32, #tpu.memory_space<vmem>>
    tpu.wait_dma2 semaphore(%arg14 : memref<!tpu.dma_semaphore, #tpu.memory_space<semaphore_mem>>) src(%dma_wait3A_300 : memref<32x512xf32, #tpu.memory_space<vmem>>) dst(%dma_wait3A_297 : memref<32x512xf32, #tpu.memory_space<hbm>>)
    %dma_wait3A_301 = arith.constant 0 : i32
    %dma_wait3A_302 = arith.constant 0 : i32
    %dma_wait3A_303 = arith.constant 0 : i32
    %dma_wait3A_304 = tpu.memref_slice %arg11[%dma_wait3A_302, %dma_wait3A_303] : memref<32x513xf32, #tpu.memory_space<vmem>> -> memref<32x512xf32, #tpu.memory_space<vmem>>
    %dma_wait3A_305 = arith.constant 0 : i32
    %dma_wait3A_306 = tpu.memref_slice %arg4[%dma_wait3A_301, %dma_wait3A_305, %mul3A_2] : memref<200x32x16384xf32, #tpu.memory_space<hbm>> -> memref<1x32x512xf32, #tpu.memory_space<hbm>>
    %dma_wait3A_307 = tpu.memref_squeeze %dma_wait3A_306 : memref<1x32x512xf32, #tpu.memory_space<hbm>> -> memref<32x512xf32, #tpu.memory_space<hbm>>
    %dma_wait3A_308 = arith.constant 0 : i32
    %dma_wait3A_309 = tpu.memref_slice %arg4[%dma_wait3A_301, %dma_wait3A_308, %mul3A_2] : memref<200x32x16384xf32, #tpu.memory_space<hbm>> -> memref<1x32x512xf32, #tpu.memory_space<hbm>>
    %dma_wait3A_310 = tpu.memref_squeeze %dma_wait3A_309 : memref<1x32x512xf32, #tpu.memory_space<hbm>> -> memref<32x512xf32, #tpu.memory_space<hbm>>
    %dma_wait3A_311 = arith.constant 0 : i32
    %dma_wait3A_312 = arith.constant 0 : i32
    %dma_wait3A_313 = tpu.memref_slice %arg11[%dma_wait3A_311, %dma_wait3A_312] : memref<32x513xf32, #tpu.memory_space<vmem>> -> memref<32x512xf32, #tpu.memory_space<vmem>>
    tpu.wait_dma2 semaphore(%arg15 : memref<!tpu.dma_semaphore, #tpu.memory_space<semaphore_mem>>) src(%dma_wait3A_313 : memref<32x512xf32, #tpu.memory_space<vmem>>) dst(%dma_wait3A_310 : memref<32x512xf32, #tpu.memory_space<hbm>>)
    return
  }
}

</mosaic_0001>

<sc_bundles>
// kernel: kernel.3.cloned.1.call-start
scs
__scs_entry_jumppad:
0x0: {  	(pc) =	sbr.rel $0x88, $3  }
0x1: {  	(tag) =	ssettag $0x0;
	lr =	simm.s32 $0x1  }
0x2: {  	[smem:$0x3F9F] =	sst lr;
	_ =	strace $0xD0000000  }
0x3: {  	_ = 	snop  }
0x4: {  	_ = 	snop  }
0x5: {  	_ = 	snop  }
0x6: {  	_ = 	snop  }
0x7: {  	_ = 	snop  }
__scs_overlays_trampoline_lowered:
0x8: {  	[smem:$0x3FAE] =	sst s0  }
0x9: {  	[smem:$0x3FAF] =	sst s1  }
0xa: {  	[smem:$0x3FB0] =	sst s2  }
0xb: {  	[smem:$0x3FB1] =	sst s3  }
0xc: {  	[smem:$0x3FB2] =	sst s4  }
0xd: {  	[smem:$0x3FB3] =	sst s5  }
0xe: {  	[smem:$0x3FB4] =	sst s6  }
0xf: {  	[smem:$0x3FB5] =	sst s7  }
0x10: {  	[smem:$0x3FB6] =	sst s8  }
0x11: {  	[smem:$0x3FB7] =	sst s9;
	s0 =	simm.s32 @!p0 $0x0  }
0x12: {  	s1 =	sld [smem:$0x3F9D];
	s0 =	simm.s32 @p0 $0x1  }
0x13: {  	[smem:$0x3FB8] =	sst s0;
	s0 =	simm.s32 @!p1 $0x0  }
0x14: {  	s2 =	sld [smem:$0x3F9C];
	s0 =	simm.s32 @p1 $0x1  }
0x15: {  	[smem:$0x3FB9] =	sst s0;
	s0 =	simm.s32 @!p2 $0x0  }
0x16: {  	s3 =	sld [smem:$0x3FDB];
	s0 =	simm.s32 @p2 $0x1  }
0x17: {  	s4 =	simm.s32 $0x1BF5;
	[smem:$0x3FBB] =	sst s0  }
0x18: {  	s0 =	sld [smem:$0x3F9E];
	_ =	swait.ge [sflag:s4], $0x0  }
0x19: {  	s7 =	sld [smem:$0x3F9F]  }
0x1a: {  	s8 =	sadd.s32 $0xFFFFE003, lr  }
0x1b: {  	s9 =	sadd.s32 $0xFFFFFEF7, lr;
	s5 =	simm.s32 $0xFFFFFFFF;
	p2 =	slt.u32 s8, $0xFFFFF086  }
0x1c: {  	p1 =	slt.u32 s9, $0xF7A;
	s5 =	simm.s32 @!p2 $0x0  }
0x1d: {  	s5 =	simm.s32 @p1 $0x1;
	p0 =	seq.s32 s7, s2  }
0x1e: {  	s7 =	smul.u32 @!p0 $0xF7A, s2;
	p2 =	seq.s32 @!p0 s5, $0x0  }
0x1f: {  	s9 =	smul.u32 $0xF7A, s1;
	s8 =	simm.s32 @!p0 $0x1BF5;
	p2 =	por !p2, p0  }
0x20: {  	[sflag:s8] =	ssyncset.s32 @!p0 $0xFFFFF086;
	s6 =	sadd.s32 @!p0 s3, s7;
	s7 =	simm.s32 @!p0 $0x108  }
0x21: {  	s3 =	sadd.s32 s3, s9;
	s6 =	sadd.s32 @!p0 $0x88, s6;
	s7 =	simm.s32 @p2 $0x1082  }
0x22: {  	[simem:s7], [sflag:s8] =	dma.local @!p0 [hbm:s6], $0xF7A  }
0x23: {  	s9 =	sor.u32 $0xD0000000, s2;
	s6 =	simm.s32 $0x108;
	_ =	swait.ge @!p0 [sflag:s8], $0x0  }
0x24: {  	s3 =	sadd.s32 $0x88, s3;
	s6 =	simm.s32 @!p1 $0x1082;
	[sflag:s4] =	ssyncset.s32 $0xFFFFF086  }
0x25: {  	[simem:s6], [sflag:s4] =	dma.local [hbm:s3], $0xF7A  }
0x26: {  	[smem:$0x3F9F] =	sst s1;
	(tag) =	ssettag s2;
	_ =	strace s9  }
0x27: {  	s1 =	sld [smem:$0x3FAF]  }
0x28: {  	s2 =	sld [smem:$0x3FB0]  }
0x29: {  	s4 =	sld [smem:$0x3FB2]  }
0x2a: {  	p0 =	seq.s32 s5, $0x0;
	s5 =	sld [smem:$0x3FB3]  }
0x2b: {  	s6 =	sld [smem:$0x3FB4]  }
0x2c: {  	s7 =	sld [smem:$0x3FB5]  }
0x2d: {  	s3 =	simm.s32 $0x108;
	s8 =	sld [smem:$0x3FB6]  }
0x2e: {  	s3 =	simm.s32 @!p0 $0x1082;
	s9 =	sld [smem:$0x3FB7]  }
0x2f: {  	lr =	sadd.s32 s0, s3;
	s0 =	sld [smem:$0x3FAE]  }
0x30: {  	s3 =	sld [smem:$0x3FB1]  }
0x31: {  	[smem:$0x3FBA] =	sst s10  }
0x32: {  	s10 =	sld [smem:$0x3FB8];
	_ =	sdelay $0x3  }
0x33: {  	p0 =	seq.s32 s10, $0x1;
	s10 =	sld [smem:$0x3FBA];
	_ =	sdelay $0x3  }
0x34: {  	[smem:$0x3FBA] =	sst s10  }
0x35: {  	s10 =	sld [smem:$0x3FB9];
	_ =	sdelay $0x3  }
0x36: {  	p1 =	seq.s32 s10, $0x1;
	s10 =	sld [smem:$0x3FBA];
	_ =	sdelay $0x3  }
0x37: {  	[smem:$0x3FBA] =	sst s10  }
0x38: {  	s10 =	sld [smem:$0x3FBB]  }
0x39: {  	_ = 	snop;
	(pc) =	sbr.ind lr, $3  }
0x3a: {  	_ = 	snop  }
0x3b: {  	_ = 	snop  }
0x3c: {  	p2 =	seq.s32 s10, $0x1;
	s10 =	sld [smem:$0x3FBA]  }
0x3d: {  	_ =	shalt  }
0x3e: {  	_ =	shalt  }
0x3f: {  	_ =	shalt  }
0x40: {  	_ =	shalt  }
0x41: {  	_ =	shalt  }
0x42: {  	_ =	shalt  }
0x43: {  	_ =	shalt  }
0x44: {  	_ =	shalt  }
0x45: {  	_ =	shalt  }
0x46: {  	_ =	shalt  }
0x47: {  	_ =	shalt  }
0x48: {  	_ =	shalt  }
0x49: {  	_ =	shalt  }
0x4a: {  	_ =	shalt  }
0x4b: {  	_ =	shalt  }
0x4c: {  	_ =	shalt  }
0x4d: {  	_ =	shalt  }
0x4e: {  	_ =	shalt  }
0x4f: {  	_ =	shalt  }
0x50: {  	_ =	shalt  }
0x51: {  	_ =	shalt  }
0x52: {  	_ =	shalt  }
0x53: {  	_ =	shalt  }
0x54: {  	_ =	shalt  }
0x55: {  	_ =	shalt  }
0x56: {  	_ =	shalt  }
0x57: {  	_ =	shalt  }
0x58: {  	_ =	shalt  }
0x59: {  	_ =	shalt  }
0x5a: {  	_ =	shalt  }
0x5b: {  	_ =	shalt  }
0x5c: {  	_ =	shalt  }
0x5d: {  	_ =	shalt  }
0x5e: {  	_ =	shalt  }
0x5f: {  	_ =	shalt  }
0x60: {  	_ =	shalt  }
0x61: {  	_ =	shalt  }
0x62: {  	_ =	shalt  }
0x63: {  	_ =	shalt  }
0x64: {  	_ =	shalt  }
0x65: {  	_ =	shalt  }
0x66: {  	_ =	shalt  }
0x67: {  	_ =	shalt  }
0x68: {  	_ =	shalt  }
0x69: {  	_ =	shalt  }
0x6a: {  	_ =	shalt  }
0x6b: {  	_ =	shalt  }
0x6c: {  	_ =	shalt  }
0x6d: {  	_ =	shalt  }
0x6e: {  	_ =	shalt  }
0x6f: {  	_ =	shalt  }
0x70: {  	_ =	shalt  }
0x71: {  	_ =	shalt  }
0x72: {  	_ =	shalt  }
0x73: {  	_ =	shalt  }
0x74: {  	_ =	shalt  }
0x75: {  	_ =	shalt  }
0x76: {  	_ =	shalt  }
0x77: {  	_ =	shalt  }
0x78: {  	_ =	shalt  }
0x79: {  	_ =	shalt  }
0x7a: {  	_ =	shalt  }
0x7b: {  	_ =	shalt  }
0x7c: {  	_ =	shalt  }
0x7d: {  	_ =	shalt  }
0x7e: {  	_ =	shalt  }
0x7f: {  	_ =	shalt  }
0x80: {  	_ =	shalt  }
0x81: {  	_ =	shalt  }
0x82: {  	_ =	shalt  }
0x83: {  	_ =	shalt  }
0x84: {  	_ =	shalt  }
0x85: {  	_ =	shalt  }
0x86: {  	_ =	shalt  }
0x87: {  	_ =	shalt  }
.Lfunc_end0:
.L_simem_size_0:
called_computation_lowered:
.L_overlay_start_0:
0x88: {  	s2 =	sld [smem:$0x3FD9]  }
0x89: {  	s3 =	sld [smem:$0x3FFE];
	_ =	sdelay $0x1  }
0x8a: {  	s1 =	srdreg.scid  }
0x8b: {  	s0 =	sand.u32 $0x1, s1  }
0x8c: {  	s17 =	sshll.u32 s0, $0xA;
	s2 =	sadd.s32 s3, s2  }
0x8d: {  	s2 =	sadd.s32 s2, s17  }
0x8e: {  	[smem:$0x3FC6] =	sst s2  }
0x8f: {  	_ = 	snop  }
0x90: {  	s2 =	sld [smem:$0x3FC9]  }
0x91: {  	s18 =	sld [smem:$0x3FD0];
	(tm) =	ssettm $0x1  }
0x92: {  	s4 =	sld [smem:$0x3FFB];
	_ =	sdelay $0x3  }
0x93: {  	_ =	strace s4  }
0x94: {  	s4 =	sld [smem:$0x3FFC];
	_ =	sdelay $0x3  }
0x95: {  	_ =	strace s4  }
0x96: {  	s4 =	sld [smem:$0x3FFD];
	_ =	sdelay $0x3  }
0x97: {  	_ =	strace s4  }
0x98: {  	_ =	strace $0x8FFFFFFF  }
0x99: {  	s19 =	sld [smem:$0x3FDB];
	_ =	sdelay $0x1  }
0x9a: {  	s5 =	simm.s32 $_scs_section_size  }
0x9b: {  	s6 =	simm.s32 $_size__tile_overlayer_lowered;
	s7 =	simm.s32 $_tile_overlayer_lowered  }
0x9c: {  	s22 =	simm.s32 $0x1BFF;
	s21 =	sshll.u32 s7, $0x1;
	s4 =	sadd.s32 s5, s19  }
0x9d: {  	s8 =	simm.s32 $0x0;
	s20 =	sshll.u32 s6, $0x1;
	s6 =	sadd.s32 s21, s4  }
0x9e: {  	[timem:s8], [sflag:s22] =	dma.local [hbm:s6], s20  }
0x9f: {  	_ =	swait.ge [sflag:s22], s20  }
0xa0: {  	s5 =	ssub.s32 $0x0, s20;
	[sflag:s22] =	ssyncset.done $0x0  }
0xa1: {  	[sflag:s22] =	ssyncadd.s32 s5;
	_ =	sdelay $0x1  }
0xa2: {  	s23 =	simm.s32 $0x1B8B  }
0xa3: {  	_ =	swait.ge [sflag:s23], $0x1  }
0xa4: {  	[sflag:s23] =	ssyncset.done $0x0  }
0xa5: {  	s25 =	simm.s32 $0x1B8E;
	s24 =	sld [smem:$0x3FFE];
	[sflag:s23] =	ssyncadd.s32 $0xFFFFFFFF  }
0xa6: {  	s26 =	simm.s32 $execute0_lowered;
	[smem:$0x3FD2] =	sst s25  }
0xa7: {  	s6 =	sshll.u32 s26, $0x1;
	_ =	strace $0x80000046;
	[dreg:$0x1] =	wrdreg $0xFFFFFFFF  }
0xa8: {  	s28 =	simm.s32 $_size_execute0_lowered;
	s4 =	sadd.s32 s4, s6;
	[dreg:$0x0] =	wrdreg $0x0  }
0xa9: {  	s6 =	sshll.u32 s28, $0x1;
	[dreg:$0x2] =	wrdreg s4  }
0xaa: {  	[dreg:$0x3] =	wrdreg s6  }
0xab: {  	[dreg:$0x4] =	wrdreg $0xC0  }
0xac: {  	_ =	task [dreg:s8], $0x5FFFF  }
0xad: {  	[dreg:$0x1] =	wrdreg $0xFFFFFFFF  }
0xae: {  	[dreg:$0x0] =	wrdreg $0x60  }
0xaf: {  	[dreg:$0x2] =	wrdreg s2  }
0xb0: {  	[dreg:$0x3] =	wrdreg s18  }
0xb1: {  	[dreg:$0x4] =	wrdreg s24  }
0xb2: {  	[dreg:$0x5] =	wrdreg $0x9  }
0xb3: {  	_ =	task.clear_ibuf [dreg:s8], $0x6FFFF;
	_ =	strace $0x90000046  }
0xb4: {  	s29 =	simm.s32 $0x9;
	_ =	strace $0x80000048  }
0xb5: {  	_ =	swait.ge [sflag:s29], $0x1  }
0xb6: {  	[sflag:s29] =	ssyncadd.s32 $0xFFFFFFFF  }
0xb7: {  	_ =	strace $0x90000048  }
0xb8: {  	_ =	sfence  }
0xb9: {  	s30 =	sld [smem:$0x0];
	_ =	sdelay $0x2  }
0xba: {  	s31 =	sshll.u32 s1, $0xD;
	s1 =	sshrl.u32 s1, $0x2  }
0xbb: {  	s3 =	sand.u32 $0x4000, s31;
	s1 =	sadd.s32 s1, s30  }
0xbc: {  	s0 =	sor.u32 s3, s0;
	s1 =	sshll.u32 s1, $0x11  }
0xbd: {  	s0 =	sor.u32 s1, s0  }
0xbe: {  	s0 =	sadd.s32 $0x8F2B, s0  }
0xbf: {  	[sflag:s0] =	ssyncadd.remote.s32 $0x1  }
0xc0: {  	_ =	sfence.sel $0xFFFF  }
0xc1: {  	[dreg:$0x0] =	wrdreg $0xFFFFFFFF;
	(pc) =	sbr.abs _section_cstart, $3  }
0xc2: {  	[dreg:$0x1] =	wrdreg $0xFFFFFFFF  }
0xc3: {  	_ =	task.clear_ibuf [dreg:s8], $0x2FFFF;
	_ =	strace $0x9FFFFFFF  }
0xc4: {  	(tm) =	ssettm $0x7FFFFFFF  }
0xc5: {  	_ =	shalt  }
tec
execute0_lowered:
.L_overlay_start_1:
0x0: {  	(tag) =	ssettag $0x1  }
0x1: {  	s0 =	rddreg [dreg:$0x0]  }
0x2: {  	s1 =	rddreg [dreg:$0x1]  }
0x3: {  	s2 =	rddreg [dreg:$0x2]  }
0x4: {  	s3 =	simm.s32 $0x0;
	s4 =	srdreg.scid;
	s7 =	stileid.u32  }
0x5: {  	s28 =	simm.s32 $0x1200;
	s29 =	simm.s32 $0x5400;
	s30 =	simm.s32 $0x1  }
0x6: {  	s31 =	simm.s32 $0x9400;
	[smem:$0x7FF] =	sst s3;
	s5 =	sand.u32 $0x1, s4  }
0x7: {  	s7 =	sshll.u32 s7, $0x1;
	s4 =	sadd.s32 $0x400, s2;
	s9 =	sadd.s32 $0x10400, s2  }
0x8: {  	s21 =	sadd.s32 $0x20400, s2;
	_ =	strace $0x80000047;
	[dreg:$0x6] =	wrdreg s9  }
0x9: {  	s10 =	sadd.s32 $0x30400, s2;
	s23 =	sadd.s32 $0x40400, s2;
	[dreg:$0x9] =	wrdreg s21  }
0xa: {  	s24 =	sadd.s32 $0x50400, s2;
	s2 =	sadd.s32 $0x60400, s2;
	[dreg:$0xb] =	wrdreg s10  }
0xb: {  	s6 =	ssub.s32 $0x2, s5;
	s5 =	sor.u32 s5, s7;
	[dreg:$0xc] =	wrdreg s23  }
0xc: {  	s20 =	smov.u32 s24;
	s18 =	sshll.u32 s5, $0x9;
	s5 =	sshll.u32 s5, $0x6  }
0xd: {  	s17 =	smov.u32 s2;
	s7 =	simm.s32 $0x0;
	s9 =	sadd.s32 s5, s9  }
0xe: {  	s8 =	sshrl.u32 s6, $0x1;
	s22 =	sadd.s32 s5, s10;
	[dreg:$0x5] =	wrdreg s9  }
0xf: {  	s15 =	ssub.s32 s6, s8;
	s2 =	sadd.s32 s5, s2;
	[dreg:$0x8] =	wrdreg s22  }
0x10: {  	v0 =	vlaneseq.u32;
	s6 =	sadd.s32 s0, s18;
	s25 =	sor.u32 $0xFFF80000, s18;
	[dreg:$0xe] =	wrdreg s2  }
0x11: {  	v1 =	vimm.s32 $0x0;
	vm0 =	vcmask $0x300;
	v0 =	vmul.u32 $0x208, v0;
	s19 =	sadd.s32 s4, s5;
	s16 =	smov.u32 s18;
	[dreg:$0xf] =	wrdreg s25  }
0x12: {  	v1 =	vsel vm0, $0x3, v1;
	s0 =	simm.s32 $0x2;
	s9 =	sadd.s32 s5, s21;
	[dreg:$0x4] =	wrdreg s19  }
0x13: {  	v2 =	vadd.s32 $0x2080, v0;
	v3 =	vor.u32 $0x1, v0;
	v4 =	vadd.s32 $0x2081, v0;
	s21 =	sadd.s32 $0xC70000, s19;
	s26 =	smax.u32 s15, $0x1;
	s25 =	simm.s32 $0x1000  }
0x14: {  	v5 =	vor.u32 $0x2, v0;
	v6 =	vadd.s32 $0x2082, v0;
	v7 =	vor.u32 $0x3, v0;
	s2 =	simm.s32 $0xD500;
	s22 =	simm.s32 $0x3;
	[dreg:$0x7] =	wrdreg s9  }
0x15: {  	v8 =	vadd.s32 $0x2083, v0;
	v9 =	vor.u32 $0x4, v0;
	v10 =	vadd.s32 $0x2084, v0;
	s9 =	sadd.s32 s5, s23;
	[dreg:$0x10] =	wrdreg s26;
	s23 =	simm.s32 $0x5  }
0x16: {  	v11 =	vor.u32 $0x5, v0;
	v12 =	vadd.s32 $0x2085, v0;
	v13 =	vor.u32 $0x6, v0;
	s26 =	simm.s32 $0x1400;
	[dreg:$0xa] =	wrdreg s9;
	s9 =	sadd.s32 s5, s24  }
0x17: {  	v14 =	vadd.s32 $0x2086, v0;
	v15 =	vor.u32 $0x7, v0;
	v16 =	vadd.s32 $0x2087, v0;
	s24 =	simm.s32 $0x200;
	[dreg:$0xd] =	wrdreg s9;
	s9 =	simm.s32 $0x4  }
.LBB2_1:
0x18: {  	[tilespmem:s3], [sflag:$0x5] =	stream.linear.gather [hbm4b:s6+s3], $0x1000, $0x38;
	[tilespmem:$0x11600] =	vst v63  }
0x19: {  	[dreg:$0x11] =	wrdreg s7;
	s5 =	simm.s32 $0x30;
	s13 =	simm.s32 $0x0  }
0x1a: {  	s8 =	simm.s32 $0x10;
	s10 =	simm.s32 $0x0;
	_ =	swait.ge [sflag:s23], $0x1000  }
0x1b: {  	s7 =	sand.u32 $0xC00, s13;
	s5 =	sand.u32 $0x70, s5;
	[sflag:s23] =	ssyncset.done $0x0  }
0x1c: {  	s8 =	sand.u32 $0x50, s8;
	s5 =	sor.u32 s5, s7;
	[sflag:s23] =	ssyncadd.s32 $0xFFFFF000  }
0x1d: {  	s12 =	simm.s32 $0x20;
	s14 =	sand.u32 $0x40, s10;
	s8 =	sor.u32 s8, s7;
	v17 =	vld [tilespmem:s5+$0x0]  }
0x1e: {  	s15 =	sand.u32 $0x60, s12;
	s5 =	sor.u32 s14, s7;
	v18 =	vld [tilespmem:s8+$0x0]  }
0x1f: {  	s7 =	sor.u32 s15, s7;
	v19 =	vld [tilespmem:s5+$0x0]  }
0x20: {  	v20 =	vld [tilespmem:s7+$0x0]  }
0x21: {  	s18 =	simm.s32 $0x200;
	s11 =	simm.s32 $0x50;
	s8 =	simm.s32 $0x70  }
0x22: {  	s13 =	simm.s32 $0x40;
	s5 =	sand.u32 $0xC00, s18;
	s19 =	sand.u32 $0x70, s8;
	vm0 =	vlt.u32 v17, $0xF4240  }
0x23: {  	s12 =	sand.u32 $0x50, s11;
	s7 =	simm.s32 $0x1020;
	s10 =	sor.u32 s19, s5;
	vm14 =	vlt.u32 v18, $0xF4240;
	v21 =	vnsel vm0, $0x0, v17  }
0x24: {  	s15 =	simm.s32 $0x60;
	s14 =	sand.u32 $0x40, s13;
	s12 =	sor.u32 s12, s5;
	v17 =	vld [tilespmem:s10+$0x0];
	vm1 =	vlt.u32 v19, $0xF4240;
	[tilespmem:s7+$0x10] =	vst v21;
	v21 =	vnsel vm14, $0x0, v18  }
0x25: {  	s18 =	sand.u32 $0x60, s15;
	s19 =	sor.u32 s14, s5;
	vm15 =	vlt.u32 v20, $0xF4240;
	v18 =	vld [tilespmem:s12+$0x0];
	v22 =	vnsel vm1, $0x0, v19;
	[tilespmem:s7+$0xFFFFFFF0] =	vst v21  }
0x26: {  	s13 =	simm.s32 $0x1000;
	s10 =	sor.u32 s18, s5;
	s12 =	simm.s32 $0x4;
	v19 =	vld [tilespmem:s19+$0x0];
	v20 =	vnsel vm15, $0x0, v20;
	[tilespmem:s7+$0xFFFFFFE0] =	vst v22  }
.LBB2_2:
0x27: {  	s5 =	sshrl.u32 s13, $0x2  }
0x28: {  	s12 =	sadd.s32 $0x4, s12;
	v21 =	vld [tilespmem:s10+$0x0];
	s8 =	sadd.s32 $0x40, s8;
	[tilespmem:s7+$0x0] =	vst v20;
	s7 =	sadd.s32 $0x40, s7  }
0x29: {  	s5 =	sand.u32 $0xC00, s5;
	s10 =	sand.u32 $0x70, s8;
	p0 =	slt.u32 s12, $0x1C;
	vm0 =	vlt.u32 v17, $0xF4240  }
.Ltmp0:
0x2a: {  	s15 =	sadd.s32 $0xFFFFFFE0, s8;
	s10 =	sor.u32 s10, s5;
	v20 =	vnsel vm0, $0x0, v17;
	(pc) =	sbr.rel @p0 .LBB2_2-.Ltmp0, $4  }
0x2b: {  	s11 =	sadd.s32 $0xFFFFFFD0, s8;
	s14 =	sadd.s32 $0xFFFFFFF0, s8;
	s15 =	sand.u32 $0x50, s15;
	v17 =	vld [tilespmem:s10+$0x0];
	vm0 =	vlt.u32 v18, $0xF4240;
	[tilespmem:s7+$0x10] =	vst v20  }
0x2c: {  	s14 =	sand.u32 $0x60, s14;
	s10 =	sand.u32 $0x40, s11;
	s11 =	sor.u32 s15, s5;
	vm1 =	vlt.u32 v19, $0xF4240;
	v20 =	vnsel vm0, $0x0, v18  }
0x2d: {  	s15 =	sor.u32 s10, s5;
	s10 =	sor.u32 s14, s5;
	v18 =	vld [tilespmem:s11+$0x0];
	v22 =	vnsel vm1, $0x0, v19;
	[tilespmem:s7+$0xFFFFFFF0] =	vst v20;
	vm0 =	vlt.u32 v21, $0xF4240  }
0x2e: {  	s13 =	sadd.s32 $0x800, s13;
	v19 =	vld [tilespmem:s15+$0x0];
	[tilespmem:s7+$0xFFFFFFE0] =	vst v22;
	v20 =	vnsel vm0, $0x0, v21  }
0x2f: {  	v21 =	vld [tilespmem:s10+$0x0];
	_ =	sdelay $0x1  }
0x30: {  	vm0 =	vlt.u32 v17, $0xF4240  }
0x31: {  	[tilespmem:s7+$0x0] =	vst v20;
	s5 =	sadd.s32 $0x40, s7;
	v17 =	vnsel vm0, $0x0, v17;
	vm10 =	vlt.u32 v18, $0xF4240  }
0x32: {  	[tilespmem:s5+$0x10] =	vst v17;
	vm1 =	vlt.u32 v19, $0xF4240;
	v17 =	vnsel vm10, $0x0, v18  }
0x33: {  	v18 =	vnsel vm1, $0x0, v19;
	[tilespmem:s5+$0xFFFFFFF0] =	vst v17;
	vm11 =	vlt.u32 v21, $0xF4240  }
0x34: {  	s15 =	simm.s32 $0x30;
	s18 =	simm.s32 $0x0;
	[tilespmem:s5+$0xFFFFFFE0] =	vst v18;
	v17 =	vnsel vm11, $0x0, v21  }
0x35: {  	s8 =	simm.s32 $0x10;
	s7 =	sand.u32 $0xC00, s18;
	[tilespmem:s5+$0x0] =	vst v17;
	s5 =	sand.u32 $0x70, s15  }
0x36: {  	[tilespmem:s26], [sflag:$0x1] =	stream.indirect.gather [hbm4b:s1+s24], $0x20, s25, s24, $0xb8;
	[tilespmem:$0x11600] =	vst v63  }
0x37: {  	s19 =	simm.s32 $0x0;
	s8 =	sand.u32 $0x50, s8;
	s5 =	sor.u32 s5, s7  }
0x38: {  	s11 =	simm.s32 $0x20;
	s12 =	sand.u32 $0x40, s19;
	s8 =	sor.u32 s8, s7;
	v17 =	vld [tilespmem:s5+$0x80]  }
0x39: {  	s13 =	sand.u32 $0x60, s11;
	s5 =	sor.u32 s12, s7;
	v18 =	vld [tilespmem:s8+$0x80]  }
0x3a: {  	s7 =	sor.u32 s13, s7;
	v19 =	vld [tilespmem:s5+$0x80]  }
0x3b: {  	v20 =	vld [tilespmem:s7+$0x80]  }
0x3c: {  	s14 =	simm.s32 $0x200;
	s18 =	simm.s32 $0x50;
	s8 =	simm.s32 $0x70  }
0x3d: {  	s11 =	sand.u32 $0x50, s18;
	s5 =	sand.u32 $0xC00, s14;
	s15 =	sand.u32 $0x70, s8;
	vm12 =	vlt.u32 v17, $0xF4240  }
0x3e: {  	s12 =	simm.s32 $0x40;
	s7 =	simm.s32 $0x1220;
	s10 =	sor.u32 s15, s5;
	vm13 =	vlt.u32 v18, $0xF4240;
	v21 =	vnsel vm12, $0x0, v17  }
0x3f: {  	s13 =	simm.s32 $0x60;
	s19 =	sand.u32 $0x40, s12;
	s11 =	sor.u32 s11, s5;
	v17 =	vld [tilespmem:s10+$0x80];
	vm14 =	vlt.u32 v19, $0xF4240;
	[tilespmem:s7+$0x10] =	vst v21;
	v21 =	vnsel vm13, $0x0, v18  }
0x40: {  	s13 =	sand.u32 $0x60, s13;
	s14 =	sor.u32 s19, s5;
	vm15 =	vlt.u32 v20, $0xF4240;
	v18 =	vld [tilespmem:s11+$0x80];
	v22 =	vnsel vm14, $0x0, v19;
	[tilespmem:s7+$0xFFFFFFF0] =	vst v21  }
0x41: {  	s12 =	simm.s32 $0x4;
	s10 =	sor.u32 s13, s5;
	s13 =	simm.s32 $0x1000;
	v19 =	vld [tilespmem:s14+$0x80];
	v20 =	vnsel vm15, $0x0, v20;
	[tilespmem:s7+$0xFFFFFFE0] =	vst v22  }
.LBB2_4:
0x42: {  	s5 =	sshrl.u32 s13, $0x2  }
0x43: {  	s12 =	sadd.s32 $0x4, s12;
	v21 =	vld [tilespmem:s10+$0x80];
	s8 =	sadd.s32 $0x40, s8;
	[tilespmem:s7+$0x0] =	vst v20;
	s7 =	sadd.s32 $0x40, s7  }
0x44: {  	s5 =	sand.u32 $0xC00, s5;
	s10 =	sand.u32 $0x70, s8;
	p0 =	slt.u32 s12, $0x1C;
	vm0 =	vlt.u32 v17, $0xF4240  }
.Ltmp1:
0x45: {  	s11 =	sadd.s32 $0xFFFFFFE0, s8;
	s10 =	sor.u32 s10, s5;
	v20 =	vnsel vm0, $0x0, v17;
	(pc) =	sbr.rel @p0 .LBB2_4-.Ltmp1, $4  }
0x46: {  	s14 =	sadd.s32 $0xFFFFFFD0, s8;
	s15 =	sadd.s32 $0xFFFFFFF0, s8;
	s11 =	sand.u32 $0x50, s11;
	v17 =	vld [tilespmem:s10+$0x80];
	vm0 =	vlt.u32 v18, $0xF4240;
	[tilespmem:s7+$0x10] =	vst v20  }
0x47: {  	s10 =	sand.u32 $0x40, s14;
	s11 =	sor.u32 s11, s5;
	s14 =	sand.u32 $0x60, s15;
	vm1 =	vlt.u32 v19, $0xF4240;
	v20 =	vnsel vm0, $0x0, v18  }
0x48: {  	s15 =	sor.u32 s10, s5;
	s10 =	sor.u32 s14, s5;
	v18 =	vld [tilespmem:s11+$0x80];
	v22 =	vnsel vm1, $0x0, v19;
	[tilespmem:s7+$0xFFFFFFF0] =	vst v20;
	vm0 =	vlt.u32 v21, $0xF4240  }
0x49: {  	s13 =	sadd.s32 $0x800, s13;
	v19 =	vld [tilespmem:s15+$0x80];
	[tilespmem:s7+$0xFFFFFFE0] =	vst v22;
	v20 =	vnsel vm0, $0x0, v21  }
0x4a: {  	v21 =	vld [tilespmem:s10+$0x80];
	_ =	sdelay $0x1  }
0x4b: {  	vm0 =	vlt.u32 v17, $0xF4240  }
0x4c: {  	[tilespmem:s7+$0x0] =	vst v20;
	s5 =	sadd.s32 $0x40, s7;
	v17 =	vnsel vm0, $0x0, v17;
	vm14 =	vlt.u32 v18, $0xF4240  }
0x4d: {  	[tilespmem:s5+$0x10] =	vst v17;
	vm1 =	vlt.u32 v19, $0xF4240;
	v17 =	vnsel vm14, $0x0, v18  }
0x4e: {  	v18 =	vnsel vm1, $0x0, v19;
	[tilespmem:s5+$0xFFFFFFF0] =	vst v17;
	vm15 =	vlt.u32 v21, $0xF4240  }
0x4f: {  	s7 =	simm.s32 $0x7;
	[tilespmem:s5+$0xFFFFFFE0] =	vst v18;
	v17 =	vnsel vm15, $0x0, v21  }
0x50: {  	s8 =	simm.s32 $0x0;
	[tilespmem:s5+$0x0] =	vst v17;
	v17 =	vmov s7  }
0x51: {  	v18 =	vmov s8;
	[tilespmem:s29], [sflag:$0x2] =	stream.indirect.gather [hbm4b:s1+s24], $0x20, s28, s24, $0xb8;
	v17 =	vshrl.u32 v17, $0x3;
	[tilespmem:$0x11600] =	vst v63  }
0x52: {  	v18 =	vshrl.u32 v18, $0x3;
	_ =	swait.ge [sflag:s30], $0x4000;
	v17 =	vshll.u32 v17, v1  }
0x53: {  	s10 =	simm.s32 $0x1;
	s11 =	simm.s32 $0x2;
	v18 =	vshll.u32 v18, v1;
	[sflag:s30] =	ssyncset.done $0x0;
	v17 =	vbroadcast v17, $0x0  }
0x54: {  	s12 =	simm.s32 $0x1480;
	v22 =	vmov s11;
	v19 =	vmov s10;
	v18 =	vbroadcast v18, $0x0;
	[sflag:s30] =	ssyncadd.s32 $0xFFFFC000  }
0x55: {  	v22 =	vshrl.u32 v22, $0x3;
	v19 =	vshrl.u32 v19, $0x3;
	v20 =	vld [tilespmem:s12+$0x60];
	v21 =	vadd.s32 v15, v17  }
0x56: {  	v22 =	vshll.u32 v22, v1;
	v19 =	vshll.u32 v19, v1;
	v25 =	vadd.s32 v0, v18;
	v24 =	vld [tilespmem:s12+$0xFFFFFF80]  }
0x57: {  	s13 =	simm.s32 $0x3;
	v22 =	vbroadcast v22, $0x0;
	v19 =	vbroadcast v19, $0x0;
	v23 =	vld [tilespmem:s12+$0x70];
	v17 =	vadd.s32 v16, v17  }
0x58: {  	v27 =	vmov s13;
	v18 =	vadd.s32 v2, v18;
	v26 =	vld [tilespmem:s12+$0xFFFFFF90]  }
0x59: {  	s14 =	simm.s32 $0x4;
	v27 =	vshrl.u32 v27, $0x3;
	v33 =	vadd.s32 v5, v22;
	v29 =	vadd.s32 v3, v19;
	v28 =	vld [tilespmem:s12+$0xFFFFFFA0]  }
0x5a: {  	v31 =	vadd.s32 v4, v19;
	v19 =	vshll.u32 v27, v1;
	v27 =	vmov s14;
	v32 =	vld [tilespmem:s12+$0xFFFFFFC0];
	[tilespmem:v21+s31+$0x0] =	vst.idx.msk $0xffff, v20  }
0x5b: {  	s15 =	simm.s32 $0x5;
	v34 =	vbroadcast v19, $0x0;
	v19 =	vshrl.u32 v27, $0x3;
	v30 =	vld [tilespmem:s12+$0xFFFFFFB0];
	[tilespmem:v25+s31+$0x0] =	vst.idx.msk $0xffff, v24  }
0x5c: {  	v19 =	vshll.u32 v19, v1;
	v20 =	vld [tilespmem:s12+$0xFFFFFFD0];
	v25 =	vadd.s32 v6, v22;
	v22 =	vmov s15;
	[tilespmem:v17+s31+$0x0] =	vst.idx.msk $0xffff, v23  }
0x5d: {  	s18 =	simm.s32 $0x6;
	v35 =	vbroadcast v19, $0x0;
	v21 =	vadd.s32 v7, v34;
	[tilespmem:v18+s31+$0x0] =	vst.idx.msk $0xffff, v26;
	v17 =	vld [tilespmem:s12+$0xFFFFFFE0];
	v18 =	vshrl.u32 v22, $0x3  }
0x5e: {  	v19 =	vld [tilespmem:s12+$0xFFFFFFF0];
	[tilespmem:v29+s31+$0x0] =	vst.idx.msk $0xffff, v28;
	v23 =	vadd.s32 v8, v34;
	v22 =	vmov s18;
	v18 =	vshll.u32 v18, v1  }
0x5f: {  	s19 =	simm.s32 $0xF;
	v24 =	vld [tilespmem:s12+$0x0];
	[tilespmem:v33+s31+$0x0] =	vst.idx.msk $0xffff, v32;
	v26 =	vadd.s32 v9, v35;
	v29 =	vshrl.u32 v22, $0x3;
	v27 =	vbroadcast v18, $0x0  }
0x60: {  	s8 =	simm.s32 $0x10;
	s7 =	simm.s32 $0x8;
	v28 =	vmov s19;
	[tilespmem:v31+s31+$0x0] =	vst.idx.msk $0xffff, v30;
	v22 =	vadd.s32 v10, v35;
	v18 =	vld [tilespmem:s12+$0x10];
	v29 =	vshll.u32 v29, v1  }
.LBB2_6:
0x61: {  	p0 =	slt.u32 s8, $0x1F8;
	v28 =	vshrl.u32 v28, $0x3;
	[tilespmem:v25+s31+$0x0] =	vst.idx.msk $0xffff, v20;
	v20 =	vld [tilespmem:s12+$0x20];
	v25 =	vadd.s32 v11, v27;
	v29 =	vbroadcast v29, $0x0  }
0x62: {  	v30 =	vmov s7;
	v28 =	vshll.u32 v28, v1;
	[tilespmem:v21+s31+$0x0] =	vst.idx.msk $0xffff, v17;
	v17 =	vld [tilespmem:s12+$0x30];
	v21 =	vadd.s32 v12, v27  }
0x63: {  	s5 =	sadd.s32 $0x1, s7;
	v27 =	vshrl.u32 v30, $0x3;
	v28 =	vbroadcast v28, $0x0;
	[tilespmem:v23+s31+$0x0] =	vst.idx.msk $0xffff, v19;
	v19 =	vld [tilespmem:s12+$0x40];
	v23 =	vadd.s32 v13, v29  }
0x64: {  	v30 =	vmov s5;
	v27 =	vshll.u32 v27, v1;
	[tilespmem:v26+s31+$0x0] =	vst.idx.msk $0xffff, v24;
	v24 =	vld [tilespmem:s12+$0x50];
	v26 =	vadd.s32 v14, v29;
	s12 =	sadd.s32 $0x100, s12  }
0x65: {  	s5 =	sadd.s32 $0x2, s7;
	v27 =	vbroadcast v27, $0x0;
	v29 =	vshrl.u32 v30, $0x3;
	v30 =	vld [tilespmem:s12+$0x60];
	v31 =	vadd.s32 v15, v28;
	[tilespmem:v22+s31+$0x0] =	vst.idx.msk $0xffff, v18  }
0x66: {  	v18 =	vshll.u32 v29, v1;
	v22 =	vmov s5;
	v28 =	vadd.s32 v16, v28;
	v29 =	vld [tilespmem:s12+$0x70];
	[tilespmem:v25+s31+$0x0] =	vst.idx.msk $0xffff, v20  }
0x67: {  	s5 =	sadd.s32 $0x3, s7;
	v25 =	vadd.s32 v0, v27;
	v18 =	vbroadcast v18, $0x0;
	v22 =	vshrl.u32 v22, $0x3;
	v20 =	vld [tilespmem:s12+$0xFFFFFF80];
	[tilespmem:v21+s31+$0x0] =	vst.idx.msk $0xffff, v17  }
0x68: {  	v21 =	vadd.s32 v2, v27;
	v22 =	vshll.u32 v22, v1;
	v27 =	vmov s5;
	v17 =	vld [tilespmem:s12+$0xFFFFFF90];
	[tilespmem:v23+s31+$0x0] =	vst.idx.msk $0xffff, v19  }
0x69: {  	s5 =	sadd.s32 $0x4, s7;
	v23 =	vadd.s32 v3, v18;
	v22 =	vbroadcast v22, $0x0;
	v27 =	vshrl.u32 v27, $0x3;
	v19 =	vld [tilespmem:s12+$0xFFFFFFA0];
	[tilespmem:v26+s31+$0x0] =	vst.idx.msk $0xffff, v24  }
0x6a: {  	v18 =	vadd.s32 v4, v18;
	v26 =	vshll.u32 v27, v1;
	v27 =	vmov s5;
	v24 =	vld [tilespmem:s12+$0xFFFFFFB0];
	[tilespmem:v31+s31+$0x0] =	vst.idx.msk $0xffff, v30  }
0x6b: {  	s5 =	sadd.s32 $0x5, s7;
	v31 =	vadd.s32 v5, v22;
	v26 =	vbroadcast v26, $0x0;
	v27 =	vshrl.u32 v27, $0x3;
	v30 =	vld [tilespmem:s12+$0xFFFFFFC0];
	[tilespmem:v28+s31+$0x0] =	vst.idx.msk $0xffff, v29  }
.Ltmp2:
0x6c: {  	[tilespmem:v25+s31+$0x0] =	vst.idx.msk $0xffff, v20;
	v20 =	vld [tilespmem:s12+$0xFFFFFFD0];
	v25 =	vadd.s32 v6, v22;
	v22 =	vshll.u32 v27, v1;
	v27 =	vmov s5;
	(pc) =	sbr.rel @p0 .LBB2_6-.Ltmp2, $4  }
0x6d: {  	s5 =	sadd.s32 $0x6, s7;
	s7 =	smov.u32 s8;
	[tilespmem:v21+s31+$0x0] =	vst.idx.msk $0xffff, v17;
	v17 =	vld [tilespmem:s12+$0xFFFFFFE0];
	v21 =	vadd.s32 v7, v26;
	v22 =	vbroadcast v22, $0x0;
	v27 =	vshrl.u32 v27, $0x3  }
0x6e: {  	v28 =	vmov s5;
	[tilespmem:v23+s31+$0x0] =	vst.idx.msk $0xffff, v19;
	v19 =	vld [tilespmem:s12+$0xFFFFFFF0];
	v23 =	vadd.s32 v8, v26;
	v27 =	vshll.u32 v27, v1  }
0x6f: {  	s5 =	sadd.s32 $0x7, s8;
	v29 =	vshrl.u32 v28, $0x3;
	[tilespmem:v18+s31+$0x0] =	vst.idx.msk $0xffff, v24;
	v24 =	vld [tilespmem:s12+$0x0];
	v26 =	vadd.s32 v9, v22;
	v27 =	vbroadcast v27, $0x0  }
0x70: {  	s8 =	sadd.s32 $0x8, s8;
	v28 =	vmov s5;
	v22 =	vadd.s32 v10, v22;
	v29 =	vshll.u32 v29, v1;
	[tilespmem:v31+s31+$0x0] =	vst.idx.msk $0xffff, v30;
	v18 =	vld [tilespmem:s12+$0x10]  }
0x71: {  	_ =	sdelay $0x2  }
0x72: {  	v28 =	vshrl.u32 v28, $0x3  }
0x73: {  	[tilespmem:v25+s31+$0x0] =	vst.idx.msk $0xffff, v20;
	v59 =	vld [tilespmem:s12+$0x20];
	v60 =	vadd.s32 v11, v27;
	v29 =	vbroadcast v29, $0x0;
	v30 =	vmov s7  }
0x74: {  	v61 =	vadd.s32 v12, v27;
	s5 =	sadd.s32 $0x1, s7;
	v28 =	vshll.u32 v28, v1;
	[tilespmem:v21+s31+$0x0] =	vst.idx.msk $0xffff, v17;
	v17 =	vld [tilespmem:s12+$0x30];
	v62 =	vshrl.u32 v30, $0x3  }
0x75: {  	s13 =	sadd.s32 $0x2, s7;
	v33 =	vmov s5;
	v28 =	vbroadcast v28, $0x0;
	[tilespmem:v23+s31+$0x0] =	vst.idx.msk $0xffff, v19;
	v19 =	vld [tilespmem:s12+$0x40];
	v63 =	vadd.s32 v13, v29  }
0x76: {  	v34 =	vld [tilespmem:s12+$0x50];
	s8 =	sadd.s32 $0x100, s12;
	v38 =	vmov s13;
	v27 =	vshll.u32 v62, v1;
	v35 =	vadd.s32 v14, v29;
	[tilespmem:v26+s31+$0x0] =	vst.idx.msk $0xffff, v24  }
0x77: {  	s14 =	sadd.s32 $0x3, s7;
	v37 =	vld [tilespmem:s8+$0x60];
	v36 =	vshrl.u32 v33, $0x3;
	v27 =	vbroadcast v27, $0x0;
	v31 =	vadd.s32 v15, v28;
	[tilespmem:v22+s31+$0x0] =	vst.idx.msk $0xffff, v18  }
0x78: {  	v39 =	vld [tilespmem:s8+$0x70];
	v43 =	vmov s14;
	v18 =	vshll.u32 v36, v1;
	v28 =	vadd.s32 v16, v28;
	[tilespmem:v60+s31+$0x0] =	vst.idx.msk $0xffff, v59  }
0x79: {  	s15 =	sadd.s32 $0x4, s7;
	v40 =	vld [tilespmem:s8+$0xFFFFFF80];
	v22 =	vshrl.u32 v38, $0x3;
	v41 =	vadd.s32 v0, v27;
	v18 =	vbroadcast v18, $0x0;
	[tilespmem:v61+s31+$0x0] =	vst.idx.msk $0xffff, v17  }
0x7a: {  	v47 =	vmov s15;
	v42 =	vadd.s32 v2, v27;
	v22 =	vshll.u32 v22, v1;
	v17 =	vld [tilespmem:s8+$0xFFFFFF90];
	[tilespmem:v63+s31+$0x0] =	vst.idx.msk $0xffff, v19  }
0x7b: {  	s18 =	sadd.s32 $0x5, s7;
	v27 =	vshrl.u32 v43, $0x3;
	v22 =	vbroadcast v22, $0x0;
	v19 =	vld [tilespmem:s8+$0xFFFFFFA0];
	v44 =	vadd.s32 v3, v18;
	[tilespmem:v35+s31+$0x0] =	vst.idx.msk $0xffff, v34  }
0x7c: {  	v45 =	vld [tilespmem:s8+$0xFFFFFFB0];
	v52 =	vmov s18;
	v46 =	vshll.u32 v27, v1;
	v18 =	vadd.s32 v4, v18;
	[tilespmem:v31+s31+$0x0] =	vst.idx.msk $0xffff, v37  }
0x7d: {  	v48 =	vld [tilespmem:s8+$0xFFFFFFC0];
	v27 =	vshrl.u32 v47, $0x3;
	v26 =	vbroadcast v46, $0x0;
	v49 =	vadd.s32 v5, v22;
	[tilespmem:v28+s31+$0x0] =	vst.idx.msk $0xffff, v39  }
0x7e: {  	v50 =	vld [tilespmem:s8+$0xFFFFFFD0];
	v51 =	vshll.u32 v27, v1;
	v27 =	vshrl.u32 v52, $0x3;
	v22 =	vadd.s32 v6, v22;
	[tilespmem:v41+s31+$0x0] =	vst.idx.msk $0xffff, v40  }
0x7f: {  	s19 =	sadd.s32 $0x6, s7;
	v25 =	vbroadcast v51, $0x0;
	v55 =	vshll.u32 v27, v1;
	v53 =	vadd.s32 v7, v26;
	[tilespmem:v42+s31+$0x0] =	vst.idx.msk $0xffff, v17;
	v17 =	vld [tilespmem:s8+$0xFFFFFFE0]  }
0x80: {  	v56 =	vmov s19;
	v54 =	vadd.s32 v8, v26;
	v26 =	vbroadcast v55, $0x0;
	[tilespmem:v44+s31+$0x0] =	vst.idx.msk $0xffff, v19;
	v19 =	vld [tilespmem:s8+$0xFFFFFFF0]  }
0x81: {  	v27 =	vshrl.u32 v56, $0x3;
	v57 =	vadd.s32 v9, v25;
	[tilespmem:v18+s31+$0x0] =	vst.idx.msk $0xffff, v45;
	v18 =	vld [tilespmem:s8+$0x0]  }
0x82: {  	v59 =	vld [tilespmem:s8+$0x20];
	v27 =	vshll.u32 v27, v1;
	v60 =	vadd.s32 v11, v26;
	[tilespmem:v49+s31+$0x0] =	vst.idx.msk $0xffff, v48  }
0x83: {  	v58 =	vld [tilespmem:s8+$0x10];
	v25 =	vadd.s32 v10, v25;
	v27 =	vbroadcast v27, $0x0;
	[tilespmem:v22+s31+$0x0] =	vst.idx.msk $0xffff, v50  }
0x84: {  	v61 =	vadd.s32 v12, v26;
	[tilespmem:v53+s31+$0x0] =	vst.idx.msk $0xffff, v17;
	v17 =	vld [tilespmem:s8+$0x30]  }
0x85: {  	v62 =	vadd.s32 v13, v27;
	[tilespmem:v54+s31+$0x0] =	vst.idx.msk $0xffff, v19;
	v19 =	vld [tilespmem:s8+$0x40]  }
0x86: {  	v63 =	vadd.s32 v14, v27;
	[tilespmem:v57+s31+$0x0] =	vst.idx.msk $0xffff, v18;
	v18 =	vld [tilespmem:s8+$0x50]  }
0x87: {  	[tilespmem:v60+s31+$0x0] =	vst.idx.msk $0xffff, v59  }
0x88: {  	[tilespmem:v25+s31+$0x0] =	vst.idx.msk $0xffff, v58  }
0x89: {  	[tilespmem:v61+s31+$0x0] =	vst.idx.msk $0xffff, v17  }
0x8a: {  	[tilespmem:v62+s31+$0x0] =	vst.idx.msk $0xffff, v19  }
0x8b: {  	s7 =	simm.s32 $0x9400;
	[tilespmem:v63+s31+$0x0] =	vst.idx.msk $0xffff, v18  }
0x8c: {  	s5 =	simm.s32 $0x0;
	s8 =	simm.s32 $0x0;
	s11 =	rddreg [dreg:$0x4]  }
.LBB2_8:
0x8d: {  	p0 =	sne.s32 s8, $0xF800  }
.Ltmp3:
0x8e: {  	_ = 	snop;
	(pc) =	sbr.rel @p0 .LBB2_8-.Ltmp3, $4  }
0x8f: {  	_ = 	snop  }
0x90: {  	s10 =	sadd.s32 s8, s11  }
0x91: {  	[hbm4b:s10+s5] =	stream.linear.scatter [tilespmem:s7], [sflag:$0x3], $0x200, $0x38;
	[tilespmem:$0x11600] =	vst v63  }
0x92: {  	s8 =	sadd.s32 $0x800, s8;
	s7 =	sadd.s32 $0x208, s7  }
0x93: {  	s5 =	simm.s32 $0x30;
	s7 =	simm.s32 $0x0  }
0x94: {  	s8 =	simm.s32 $0x10;
	s7 =	sand.u32 $0xC00, s7;
	s5 =	sand.u32 $0x70, s5  }
0x95: {  	s10 =	simm.s32 $0x0;
	s8 =	sand.u32 $0x50, s8;
	s5 =	sor.u32 s5, s7  }
0x96: {  	s11 =	simm.s32 $0x20;
	s12 =	sand.u32 $0x40, s10;
	s8 =	sor.u32 s8, s7;
	v17 =	vld [tilespmem:s5+$0x100]  }
0x97: {  	s13 =	sand.u32 $0x60, s11;
	s5 =	sor.u32 s12, s7;
	v18 =	vld [tilespmem:s8+$0x100]  }
0x98: {  	s7 =	sor.u32 s13, s7;
	v19 =	vld [tilespmem:s5+$0x100]  }
0x99: {  	v20 =	vld [tilespmem:s7+$0x100]  }
0x9a: {  	s14 =	simm.s32 $0x200;
	s18 =	simm.s32 $0x50;
	s8 =	simm.s32 $0x70  }
0x9b: {  	s11 =	sand.u32 $0x50, s18;
	s5 =	sand.u32 $0xC00, s14;
	s15 =	sand.u32 $0x70, s8;
	vm0 =	vlt.u32 v17, $0xF4240  }
0x9c: {  	s12 =	simm.s32 $0x40;
	s7 =	simm.s32 $0x1020;
	s10 =	sor.u32 s15, s5;
	vm14 =	vlt.u32 v18, $0xF4240;
	v21 =	vnsel vm0, $0x0, v17  }
0x9d: {  	s13 =	simm.s32 $0x60;
	s19 =	sand.u32 $0x40, s12;
	s11 =	sor.u32 s11, s5;
	v17 =	vld [tilespmem:s10+$0x100];
	vm1 =	vlt.u32 v19, $0xF4240;
	[tilespmem:s7+$0x10] =	vst v21;
	v21 =	vnsel vm14, $0x0, v18  }
0x9e: {  	s13 =	sand.u32 $0x60, s13;
	s14 =	sor.u32 s19, s5;
	vm15 =	vlt.u32 v20, $0xF4240;
	v18 =	vld [tilespmem:s11+$0x100];
	v22 =	vnsel vm1, $0x0, v19;
	[tilespmem:s7+$0xFFFFFFF0] =	vst v21  }
0x9f: {  	s12 =	simm.s32 $0x4;
	s10 =	sor.u32 s13, s5;
	s13 =	simm.s32 $0x1000;
	v19 =	vld [tilespmem:s14+$0x100];
	v20 =	vnsel vm15, $0x0, v20;
	[tilespmem:s7+$0xFFFFFFE0] =	vst v22  }
.LBB2_10:
0xa0: {  	s5 =	sshrl.u32 s13, $0x2  }
0xa1: {  	s12 =	sadd.s32 $0x4, s12;
	v21 =	vld [tilespmem:s10+$0x100];
	s8 =	sadd.s32 $0x40, s8;
	[tilespmem:s7+$0x0] =	vst v20;
	s7 =	sadd.s32 $0x40, s7  }
0xa2: {  	s5 =	sand.u32 $0xC00, s5;
	s10 =	sand.u32 $0x70, s8;
	p0 =	slt.u32 s12, $0x1C;
	vm0 =	vlt.u32 v17, $0xF4240  }
.Ltmp4:
0xa3: {  	s11 =	sadd.s32 $0xFFFFFFE0, s8;
	s10 =	sor.u32 s10, s5;
	v20 =	vnsel vm0, $0x0, v17;
	(pc) =	sbr.rel @p0 .LBB2_10-.Ltmp4, $4  }
0xa4: {  	s14 =	sadd.s32 $0xFFFFFFD0, s8;
	s15 =	sadd.s32 $0xFFFFFFF0, s8;
	s11 =	sand.u32 $0x50, s11;
	v17 =	vld [tilespmem:s10+$0x100];
	vm0 =	vlt.u32 v18, $0xF4240;
	[tilespmem:s7+$0x10] =	vst v20  }
0xa5: {  	s10 =	sand.u32 $0x40, s14;
	s11 =	sor.u32 s11, s5;
	s14 =	sand.u32 $0x60, s15;
	vm1 =	vlt.u32 v19, $0xF4240;
	v20 =	vnsel vm0, $0x0, v18  }
0xa6: {  	s15 =	sor.u32 s10, s5;
	s10 =	sor.u32 s14, s5;
	v18 =	vld [tilespmem:s11+$0x100];
	v22 =	vnsel vm1, $0x0, v19;
	[tilespmem:s7+$0xFFFFFFF0] =	vst v20;
	vm0 =	vlt.u32 v21, $0xF4240  }
0xa7: {  	s13 =	sadd.s32 $0x800, s13;
	v19 =	vld [tilespmem:s15+$0x100];
	[tilespmem:s7+$0xFFFFFFE0] =	vst v22;
	v20 =	vnsel vm0, $0x0, v21  }
0xa8: {  	v21 =	vld [tilespmem:s10+$0x100];
	_ =	sdelay $0x1  }
0xa9: {  	vm0 =	vlt.u32 v17, $0xF4240  }
0xaa: {  	[tilespmem:s7+$0x0] =	vst v20;
	s5 =	sadd.s32 $0x40, s7;
	v17 =	vnsel vm0, $0x0, v17;
	vm14 =	vlt.u32 v18, $0xF4240  }
0xab: {  	[tilespmem:s5+$0x10] =	vst v17;
	vm1 =	vlt.u32 v19, $0xF4240;
	v17 =	vnsel vm14, $0x0, v18  }
0xac: {  	v18 =	vnsel vm1, $0x0, v19;
	[tilespmem:s5+$0xFFFFFFF0] =	vst v17;
	vm15 =	vlt.u32 v21, $0xF4240  }
0xad: {  	s7 =	simm.s32 $0x7;
	[tilespmem:s5+$0xFFFFFFE0] =	vst v18;
	v17 =	vnsel vm15, $0x0, v21  }
0xae: {  	s8 =	simm.s32 $0x0;
	[tilespmem:s5+$0x0] =	vst v17;
	v17 =	vmov s7  }
0xaf: {  	v18 =	vmov s8;
	[tilespmem:s26], [sflag:$0x1] =	stream.indirect.gather [hbm4b:s1+s24], $0x20, s25, s24, $0xb8;
	v17 =	vshrl.u32 v17, $0x3;
	[tilespmem:$0x11600] =	vst v63  }
0xb0: {  	v18 =	vshrl.u32 v18, $0x3;
	_ =	swait.ge [sflag:s0], $0x4000;
	v17 =	vshll.u32 v17, v1  }
0xb1: {  	s10 =	simm.s32 $0x1;
	s11 =	simm.s32 $0x2;
	v18 =	vshll.u32 v18, v1;
	[sflag:s0] =	ssyncset.done $0x0;
	v17 =	vbroadcast v17, $0x0  }
0xb2: {  	s12 =	simm.s32 $0x5480;
	v22 =	vmov s11;
	v19 =	vmov s10;
	v18 =	vbroadcast v18, $0x0;
	[sflag:s0] =	ssyncadd.s32 $0xFFFFC000  }
0xb3: {  	v22 =	vshrl.u32 v22, $0x3;
	v19 =	vshrl.u32 v19, $0x3;
	v20 =	vld [tilespmem:s12+$0x60];
	v21 =	vadd.s32 v15, v17  }
0xb4: {  	v22 =	vshll.u32 v22, v1;
	v19 =	vshll.u32 v19, v1;
	v25 =	vadd.s32 v0, v18;
	v24 =	vld [tilespmem:s12+$0xFFFFFF80]  }
0xb5: {  	s13 =	simm.s32 $0x3;
	v22 =	vbroadcast v22, $0x0;
	v19 =	vbroadcast v19, $0x0;
	v23 =	vld [tilespmem:s12+$0x70];
	v17 =	vadd.s32 v16, v17  }
0xb6: {  	v27 =	vmov s13;
	v18 =	vadd.s32 v2, v18;
	v26 =	vld [tilespmem:s12+$0xFFFFFF90]  }
0xb7: {  	s14 =	simm.s32 $0x4;
	v27 =	vshrl.u32 v27, $0x3;
	v33 =	vadd.s32 v5, v22;
	v29 =	vadd.s32 v3, v19;
	v28 =	vld [tilespmem:s12+$0xFFFFFFA0]  }
0xb8: {  	v31 =	vadd.s32 v4, v19;
	v19 =	vshll.u32 v27, v1;
	v27 =	vmov s14;
	v32 =	vld [tilespmem:s12+$0xFFFFFFC0];
	[tilespmem:v21+s2+$0x0] =	vst.idx.msk $0xffff, v20  }
0xb9: {  	s15 =	simm.s32 $0x5;
	v34 =	vbroadcast v19, $0x0;
	v19 =	vshrl.u32 v27, $0x3;
	v30 =	vld [tilespmem:s12+$0xFFFFFFB0];
	[tilespmem:v25+s2+$0x0] =	vst.idx.msk $0xffff, v24  }
0xba: {  	v19 =	vshll.u32 v19, v1;
	v20 =	vld [tilespmem:s12+$0xFFFFFFD0];
	v25 =	vadd.s32 v6, v22;
	v22 =	vmov s15;
	[tilespmem:v17+s2+$0x0] =	vst.idx.msk $0xffff, v23  }
0xbb: {  	s18 =	simm.s32 $0x6;
	v35 =	vbroadcast v19, $0x0;
	v21 =	vadd.s32 v7, v34;
	[tilespmem:v18+s2+$0x0] =	vst.idx.msk $0xffff, v26;
	v17 =	vld [tilespmem:s12+$0xFFFFFFE0];
	v18 =	vshrl.u32 v22, $0x3  }
0xbc: {  	v19 =	vld [tilespmem:s12+$0xFFFFFFF0];
	[tilespmem:v29+s2+$0x0] =	vst.idx.msk $0xffff, v28;
	v23 =	vadd.s32 v8, v34;
	v22 =	vmov s18;
	v18 =	vshll.u32 v18, v1  }
0xbd: {  	s19 =	simm.s32 $0xF;
	v24 =	vld [tilespmem:s12+$0x0];
	[tilespmem:v33+s2+$0x0] =	vst.idx.msk $0xffff, v32;
	v26 =	vadd.s32 v9, v35;
	v29 =	vshrl.u32 v22, $0x3;
	v27 =	vbroadcast v18, $0x0  }
0xbe: {  	s8 =	simm.s32 $0x10;
	s7 =	simm.s32 $0x8;
	v28 =	vmov s19;
	[tilespmem:v31+s2+$0x0] =	vst.idx.msk $0xffff, v30;
	v22 =	vadd.s32 v10, v35;
	v18 =	vld [tilespmem:s12+$0x10];
	v29 =	vshll.u32 v29, v1  }
.LBB2_12:
0xbf: {  	p0 =	slt.u32 s8, $0x1F8;
	v28 =	vshrl.u32 v28, $0x3;
	[tilespmem:v25+s2+$0x0] =	vst.idx.msk $0xffff, v20;
	v20 =	vld [tilespmem:s12+$0x20];
	v25 =	vadd.s32 v11, v27;
	v29 =	vbroadcast v29, $0x0  }
0xc0: {  	v30 =	vmov s7;
	v28 =	vshll.u32 v28, v1;
	[tilespmem:v21+s2+$0x0] =	vst.idx.msk $0xffff, v17;
	v17 =	vld [tilespmem:s12+$0x30];
	v21 =	vadd.s32 v12, v27  }
0xc1: {  	s5 =	sadd.s32 $0x1, s7;
	v27 =	vshrl.u32 v30, $0x3;
	v28 =	vbroadcast v28, $0x0;
	[tilespmem:v23+s2+$0x0] =	vst.idx.msk $0xffff, v19;
	v19 =	vld [tilespmem:s12+$0x40];
	v23 =	vadd.s32 v13, v29  }
0xc2: {  	v30 =	vmov s5;
	v27 =	vshll.u32 v27, v1;
	[tilespmem:v26+s2+$0x0] =	vst.idx.msk $0xffff, v24;
	v24 =	vld [tilespmem:s12+$0x50];
	v26 =	vadd.s32 v14, v29;
	s12 =	sadd.s32 $0x100, s12  }
0xc3: {  	s5 =	sadd.s32 $0x2, s7;
	v27 =	vbroadcast v27, $0x0;
	v29 =	vshrl.u32 v30, $0x3;
	v30 =	vld [tilespmem:s12+$0x60];
	v31 =	vadd.s32 v15, v28;
	[tilespmem:v22+s2+$0x0] =	vst.idx.msk $0xffff, v18  }
0xc4: {  	v18 =	vshll.u32 v29, v1;
	v22 =	vmov s5;
	v28 =	vadd.s32 v16, v28;
	v29 =	vld [tilespmem:s12+$0x70];
	[tilespmem:v25+s2+$0x0] =	vst.idx.msk $0xffff, v20  }
0xc5: {  	s5 =	sadd.s32 $0x3, s7;
	v25 =	vadd.s32 v0, v27;
	v18 =	vbroadcast v18, $0x0;
	v22 =	vshrl.u32 v22, $0x3;
	v20 =	vld [tilespmem:s12+$0xFFFFFF80];
	[tilespmem:v21+s2+$0x0] =	vst.idx.msk $0xffff, v17  }
0xc6: {  	v21 =	vadd.s32 v2, v27;
	v22 =	vshll.u32 v22, v1;
	v27 =	vmov s5;
	v17 =	vld [tilespmem:s12+$0xFFFFFF90];
	[tilespmem:v23+s2+$0x0] =	vst.idx.msk $0xffff, v19  }
0xc7: {  	s5 =	sadd.s32 $0x4, s7;
	v23 =	vadd.s32 v3, v18;
	v22 =	vbroadcast v22, $0x0;
	v27 =	vshrl.u32 v27, $0x3;
	v19 =	vld [tilespmem:s12+$0xFFFFFFA0];
	[tilespmem:v26+s2+$0x0] =	vst.idx.msk $0xffff, v24  }
0xc8: {  	v18 =	vadd.s32 v4, v18;
	v26 =	vshll.u32 v27, v1;
	v27 =	vmov s5;
	v24 =	vld [tilespmem:s12+$0xFFFFFFB0];
	[tilespmem:v31+s2+$0x0] =	vst.idx.msk $0xffff, v30  }
0xc9: {  	s5 =	sadd.s32 $0x5, s7;
	v31 =	vadd.s32 v5, v22;
	v26 =	vbroadcast v26, $0x0;
	v27 =	vshrl.u32 v27, $0x3;
	v30 =	vld [tilespmem:s12+$0xFFFFFFC0];
	[tilespmem:v28+s2+$0x0] =	vst.idx.msk $0xffff, v29  }
.Ltmp5:
0xca: {  	[tilespmem:v25+s2+$0x0] =	vst.idx.msk $0xffff, v20;
	v20 =	vld [tilespmem:s12+$0xFFFFFFD0];
	v25 =	vadd.s32 v6, v22;
	v22 =	vshll.u32 v27, v1;
	v27 =	vmov s5;
	(pc) =	sbr.rel @p0 .LBB2_12-.Ltmp5, $4  }
0xcb: {  	s5 =	sadd.s32 $0x6, s7;
	s7 =	smov.u32 s8;
	[tilespmem:v21+s2+$0x0] =	vst.idx.msk $0xffff, v17;
	v17 =	vld [tilespmem:s12+$0xFFFFFFE0];
	v21 =	vadd.s32 v7, v26;
	v22 =	vbroadcast v22, $0x0;
	v27 =	vshrl.u32 v27, $0x3  }
0xcc: {  	v28 =	vmov s5;
	[tilespmem:v23+s2+$0x0] =	vst.idx.msk $0xffff, v19;
	v19 =	vld [tilespmem:s12+$0xFFFFFFF0];
	v23 =	vadd.s32 v8, v26;
	v27 =	vshll.u32 v27, v1  }
0xcd: {  	s5 =	sadd.s32 $0x7, s8;
	v29 =	vshrl.u32 v28, $0x3;
	[tilespmem:v18+s2+$0x0] =	vst.idx.msk $0xffff, v24;
	v24 =	vld [tilespmem:s12+$0x0];
	v26 =	vadd.s32 v9, v22;
	v27 =	vbroadcast v27, $0x0  }
0xce: {  	s8 =	sadd.s32 $0x8, s8;
	v28 =	vmov s5;
	v22 =	vadd.s32 v10, v22;
	v29 =	vshll.u32 v29, v1;
	[tilespmem:v31+s2+$0x0] =	vst.idx.msk $0xffff, v30;
	v18 =	vld [tilespmem:s12+$0x10]  }
0xcf: {  	_ =	sdelay $0x2  }
0xd0: {  	v28 =	vshrl.u32 v28, $0x3  }
0xd1: {  	[tilespmem:v25+s2+$0x0] =	vst.idx.msk $0xffff, v20;
	v59 =	vld [tilespmem:s12+$0x20];
	v60 =	vadd.s32 v11, v27;
	v29 =	vbroadcast v29, $0x0;
	v30 =	vmov s7  }
0xd2: {  	v61 =	vadd.s32 v12, v27;
	s5 =	sadd.s32 $0x1, s7;
	v28 =	vshll.u32 v28, v1;
	[tilespmem:v21+s2+$0x0] =	vst.idx.msk $0xffff, v17;
	v17 =	vld [tilespmem:s12+$0x30];
	v62 =	vshrl.u32 v30, $0x3  }
0xd3: {  	s13 =	sadd.s32 $0x2, s7;
	v33 =	vmov s5;
	v28 =	vbroadcast v28, $0x0;
	[tilespmem:v23+s2+$0x0] =	vst.idx.msk $0xffff, v19;
	v19 =	vld [tilespmem:s12+$0x40];
	v63 =	vadd.s32 v13, v29  }
0xd4: {  	v34 =	vld [tilespmem:s12+$0x50];
	s8 =	sadd.s32 $0x100, s12;
	v38 =	vmov s13;
	v27 =	vshll.u32 v62, v1;
	v35 =	vadd.s32 v14, v29;
	[tilespmem:v26+s2+$0x0] =	vst.idx.msk $0xffff, v24  }
0xd5: {  	s14 =	sadd.s32 $0x3, s7;
	v37 =	vld [tilespmem:s8+$0x60];
	v36 =	vshrl.u32 v33, $0x3;
	v27 =	vbroadcast v27, $0x0;
	v31 =	vadd.s32 v15, v28;
	[tilespmem:v22+s2+$0x0] =	vst.idx.msk $0xffff, v18  }
0xd6: {  	v39 =	vld [tilespmem:s8+$0x70];
	v43 =	vmov s14;
	v18 =	vshll.u32 v36, v1;
	v28 =	vadd.s32 v16, v28;
	[tilespmem:v60+s2+$0x0] =	vst.idx.msk $0xffff, v59  }
0xd7: {  	s15 =	sadd.s32 $0x4, s7;
	v40 =	vld [tilespmem:s8+$0xFFFFFF80];
	v22 =	vshrl.u32 v38, $0x3;
	v41 =	vadd.s32 v0, v27;
	v18 =	vbroadcast v18, $0x0;
	[tilespmem:v61+s2+$0x0] =	vst.idx.msk $0xffff, v17  }
0xd8: {  	v47 =	vmov s15;
	v42 =	vadd.s32 v2, v27;
	v22 =	vshll.u32 v22, v1;
	v17 =	vld [tilespmem:s8+$0xFFFFFF90];
	[tilespmem:v63+s2+$0x0] =	vst.idx.msk $0xffff, v19  }
0xd9: {  	s18 =	sadd.s32 $0x5, s7;
	v27 =	vshrl.u32 v43, $0x3;
	v22 =	vbroadcast v22, $0x0;
	v19 =	vld [tilespmem:s8+$0xFFFFFFA0];
	v44 =	vadd.s32 v3, v18;
	[tilespmem:v35+s2+$0x0] =	vst.idx.msk $0xffff, v34  }
0xda: {  	v45 =	vld [tilespmem:s8+$0xFFFFFFB0];
	v52 =	vmov s18;
	v46 =	vshll.u32 v27, v1;
	v18 =	vadd.s32 v4, v18;
	[tilespmem:v31+s2+$0x0] =	vst.idx.msk $0xffff, v37  }
0xdb: {  	v48 =	vld [tilespmem:s8+$0xFFFFFFC0];
	v27 =	vshrl.u32 v47, $0x3;
	v26 =	vbroadcast v46, $0x0;
	v49 =	vadd.s32 v5, v22;
	[tilespmem:v28+s2+$0x0] =	vst.idx.msk $0xffff, v39  }
0xdc: {  	v50 =	vld [tilespmem:s8+$0xFFFFFFD0];
	v51 =	vshll.u32 v27, v1;
	v27 =	vshrl.u32 v52, $0x3;
	v22 =	vadd.s32 v6, v22;
	[tilespmem:v41+s2+$0x0] =	vst.idx.msk $0xffff, v40  }
0xdd: {  	s19 =	sadd.s32 $0x6, s7;
	v25 =	vbroadcast v51, $0x0;
	v55 =	vshll.u32 v27, v1;
	v53 =	vadd.s32 v7, v26;
	[tilespmem:v42+s2+$0x0] =	vst.idx.msk $0xffff, v17;
	v17 =	vld [tilespmem:s8+$0xFFFFFFE0]  }
0xde: {  	v56 =	vmov s19;
	v54 =	vadd.s32 v8, v26;
	v26 =	vbroadcast v55, $0x0;
	[tilespmem:v44+s2+$0x0] =	vst.idx.msk $0xffff, v19;
	v19 =	vld [tilespmem:s8+$0xFFFFFFF0]  }
0xdf: {  	v27 =	vshrl.u32 v56, $0x3;
	v57 =	vadd.s32 v9, v25;
	[tilespmem:v18+s2+$0x0] =	vst.idx.msk $0xffff, v45;
	v18 =	vld [tilespmem:s8+$0x0]  }
0xe0: {  	v59 =	vld [tilespmem:s8+$0x20];
	v27 =	vshll.u32 v27, v1;
	v60 =	vadd.s32 v11, v26;
	[tilespmem:v49+s2+$0x0] =	vst.idx.msk $0xffff, v48  }
0xe1: {  	v58 =	vld [tilespmem:s8+$0x10];
	v25 =	vadd.s32 v10, v25;
	v27 =	vbroadcast v27, $0x0;
	[tilespmem:v22+s2+$0x0] =	vst.idx.msk $0xffff, v50  }
0xe2: {  	v61 =	vadd.s32 v12, v26;
	[tilespmem:v53+s2+$0x0] =	vst.idx.msk $0xffff, v17;
	v17 =	vld [tilespmem:s8+$0x30]  }
0xe3: {  	v62 =	vadd.s32 v13, v27;
	[tilespmem:v54+s2+$0x0] =	vst.idx.msk $0xffff, v19;
	v19 =	vld [tilespmem:s8+$0x40]  }
0xe4: {  	v63 =	vadd.s32 v14, v27;
	[tilespmem:v57+s2+$0x0] =	vst.idx.msk $0xffff, v18;
	v18 =	vld [tilespmem:s8+$0x50]  }
0xe5: {  	[tilespmem:v60+s2+$0x0] =	vst.idx.msk $0xffff, v59  }
0xe6: {  	[tilespmem:v25+s2+$0x0] =	vst.idx.msk $0xffff, v58  }
0xe7: {  	[tilespmem:v61+s2+$0x0] =	vst.idx.msk $0xffff, v17  }
0xe8: {  	[tilespmem:v62+s2+$0x0] =	vst.idx.msk $0xffff, v19  }
0xe9: {  	s7 =	simm.s32 $0xD500;
	[tilespmem:v63+s2+$0x0] =	vst.idx.msk $0xffff, v18  }
0xea: {  	s5 =	simm.s32 $0x0;
	s8 =	simm.s32 $0x0;
	s11 =	rddreg [dreg:$0x5]  }
.LBB2_14:
0xeb: {  	p0 =	sne.s32 s8, $0xF800  }
.Ltmp6:
0xec: {  	_ = 	snop;
	(pc) =	sbr.rel @p0 .LBB2_14-.Ltmp6, $4  }
0xed: {  	_ = 	snop  }
0xee: {  	s10 =	sadd.s32 s8, s11  }
0xef: {  	[hbm4b:s10+s5] =	stream.linear.scatter [tilespmem:s7], [sflag:$0x4], $0x200, $0x38;
	[tilespmem:$0x11600] =	vst v63  }
0xf0: {  	s8 =	sadd.s32 $0x800, s8;
	s7 =	sadd.s32 $0x208, s7  }
0xf1: {  	s5 =	simm.s32 $0x30;
	s7 =	simm.s32 $0x0  }
0xf2: {  	s8 =	simm.s32 $0x10;
	s7 =	sand.u32 $0xC00, s7;
	s5 =	sand.u32 $0x70, s5  }
0xf3: {  	s10 =	simm.s32 $0x0;
	s8 =	sand.u32 $0x50, s8;
	s5 =	sor.u32 s5, s7  }
0xf4: {  	s11 =	simm.s32 $0x20;
	s12 =	sand.u32 $0x40, s10;
	s8 =	sor.u32 s8, s7;
	v17 =	vld [tilespmem:s5+$0x180]  }
0xf5: {  	s13 =	sand.u32 $0x60, s11;
	s5 =	sor.u32 s12, s7;
	v18 =	vld [tilespmem:s8+$0x180]  }
0xf6: {  	s7 =	sor.u32 s13, s7;
	v19 =	vld [tilespmem:s5+$0x180]  }
0xf7: {  	v20 =	vld [tilespmem:s7+$0x180]  }
0xf8: {  	s14 =	simm.s32 $0x200;
	s18 =	simm.s32 $0x50;
	s8 =	simm.s32 $0x70  }
0xf9: {  	s11 =	sand.u32 $0x50, s18;
	s5 =	sand.u32 $0xC00, s14;
	s15 =	sand.u32 $0x70, s8;
	vm0 =	vlt.u32 v17, $0xF4240  }
0xfa: {  	s12 =	simm.s32 $0x40;
	s7 =	simm.s32 $0x1220;
	s10 =	sor.u32 s15, s5;
	vm14 =	vlt.u32 v18, $0xF4240;
	v21 =	vnsel vm0, $0x0, v17  }
0xfb: {  	s13 =	simm.s32 $0x60;
	s19 =	sand.u32 $0x40, s12;
	s11 =	sor.u32 s11, s5;
	v17 =	vld [tilespmem:s10+$0x180];
	vm1 =	vlt.u32 v19, $0xF4240;
	[tilespmem:s7+$0x10] =	vst v21;
	v21 =	vnsel vm14, $0x0, v18  }
0xfc: {  	s13 =	sand.u32 $0x60, s13;
	s14 =	sor.u32 s19, s5;
	vm15 =	vlt.u32 v20, $0xF4240;
	v18 =	vld [tilespmem:s11+$0x180];
	v22 =	vnsel vm1, $0x0, v19;
	[tilespmem:s7+$0xFFFFFFF0] =	vst v21  }
0xfd: {  	s12 =	simm.s32 $0x4;
	s10 =	sor.u32 s13, s5;
	s13 =	simm.s32 $0x1000;
	v19 =	vld [tilespmem:s14+$0x180];
	v20 =	vnsel vm15, $0x0, v20;
	[tilespmem:s7+$0xFFFFFFE0] =	vst v22  }
.LBB2_16:
0xfe: {  	s5 =	sshrl.u32 s13, $0x2  }
0xff: {  	s12 =	sadd.s32 $0x4, s12;
	v21 =	vld [tilespmem:s10+$0x180];
	s8 =	sadd.s32 $0x40, s8;
	[tilespmem:s7+$0x0] =	vst v20;
	s7 =	sadd.s32 $0x40, s7  }
0x100: {  	s5 =	sand.u32 $0xC00, s5;
	s10 =	sand.u32 $0x70, s8;
	p0 =	slt.u32 s12, $0x1C;
	vm0 =	vlt.u32 v17, $0xF4240  }
.Ltmp7:
0x101: {  	s11 =	sadd.s32 $0xFFFFFFE0, s8;
	s10 =	sor.u32 s10, s5;
	v20 =	vnsel vm0, $0x0, v17;
	(pc) =	sbr.rel @p0 .LBB2_16-.Ltmp7, $4  }
0x102: {  	s14 =	sadd.s32 $0xFFFFFFD0, s8;
	s15 =	sadd.s32 $0xFFFFFFF0, s8;
	s11 =	sand.u32 $0x50, s11;
	v17 =	vld [tilespmem:s10+$0x180];
	vm0 =	vlt.u32 v18, $0xF4240;
	[tilespmem:s7+$0x10] =	vst v20  }
0x103: {  	s10 =	sand.u32 $0x40, s14;
	s11 =	sor.u32 s11, s5;
	s14 =	sand.u32 $0x60, s15;
	vm1 =	vlt.u32 v19, $0xF4240;
	v20 =	vnsel vm0, $0x0, v18  }
0x104: {  	s15 =	sor.u32 s10, s5;
	s10 =	sor.u32 s14, s5;
	v18 =	vld [tilespmem:s11+$0x180];
	v22 =	vnsel vm1, $0x0, v19;
	[tilespmem:s7+$0xFFFFFFF0] =	vst v20;
	vm0 =	vlt.u32 v21, $0xF4240  }
0x105: {  	s13 =	sadd.s32 $0x800, s13;
	v19 =	vld [tilespmem:s15+$0x180];
	[tilespmem:s7+$0xFFFFFFE0] =	vst v22;
	v20 =	vnsel vm0, $0x0, v21  }
0x106: {  	v21 =	vld [tilespmem:s10+$0x180];
	_ =	sdelay $0x1  }
0x107: {  	vm0 =	vlt.u32 v17, $0xF4240  }
0x108: {  	[tilespmem:s7+$0x0] =	vst v20;
	s5 =	sadd.s32 $0x40, s7;
	v17 =	vnsel vm0, $0x0, v17;
	vm14 =	vlt.u32 v18, $0xF4240  }
0x109: {  	[tilespmem:s5+$0x10] =	vst v17;
	vm1 =	vlt.u32 v19, $0xF4240;
	v17 =	vnsel vm14, $0x0, v18  }
0x10a: {  	v18 =	vnsel vm1, $0x0, v19;
	[tilespmem:s5+$0xFFFFFFF0] =	vst v17;
	vm15 =	vlt.u32 v21, $0xF4240  }
0x10b: {  	[tilespmem:s5+$0xFFFFFFE0] =	vst v18;
	v17 =	vnsel vm15, $0x0, v21  }
0x10c: {  	[tilespmem:s5+$0x0] =	vst v17  }
0x10d: {  	[tilespmem:s29], [sflag:$0x2] =	stream.indirect.gather [hbm4b:s1+s24], $0x20, s28, s24, $0xb8;
	[tilespmem:$0x11600] =	vst v63  }
0x10e: {  	s7 =	simm.s32 $0x7;
	_ =	swait.ge [sflag:s30], $0x4000  }
0x10f: {  	s8 =	simm.s32 $0x0;
	v17 =	vmov s7;
	[sflag:s30] =	ssyncset.done $0x0  }
0x110: {  	v18 =	vmov s8;
	v17 =	vshrl.u32 v17, $0x3;
	[sflag:s30] =	ssyncadd.s32 $0xFFFFC000  }
0x111: {  	v18 =	vshrl.u32 v18, $0x3;
	v17 =	vshll.u32 v17, v1;
	_ =	swait.ge [sflag:s22], $0x4000  }
0x112: {  	s10 =	simm.s32 $0x1;
	s11 =	simm.s32 $0x2;
	v18 =	vshll.u32 v18, v1;
	v17 =	vbroadcast v17, $0x0;
	[sflag:s22] =	ssyncset.done $0x0  }
0x113: {  	s12 =	simm.s32 $0x1480;
	v22 =	vmov s11;
	v19 =	vmov s10;
	v18 =	vbroadcast v18, $0x0;
	[sflag:s22] =	ssyncadd.s32 $0xFFFFC000  }
0x114: {  	v22 =	vshrl.u32 v22, $0x3;
	v19 =	vshrl.u32 v19, $0x3;
	v21 =	vadd.s32 v15, v17;
	v20 =	vld [tilespmem:s12+$0x60]  }
0x115: {  	v22 =	vshll.u32 v22, v1;
	v19 =	vshll.u32 v19, v1;
	v25 =	vadd.s32 v0, v18;
	v24 =	vld [tilespmem:s12+$0xFFFFFF80]  }
0x116: {  	s13 =	simm.s32 $0x3;
	v22 =	vbroadcast v22, $0x0;
	v19 =	vbroadcast v19, $0x0;
	v17 =	vadd.s32 v16, v17;
	v23 =	vld [tilespmem:s12+$0x70]  }
0x117: {  	v27 =	vmov s13;
	v18 =	vadd.s32 v2, v18;
	v26 =	vld [tilespmem:s12+$0xFFFFFF90]  }
0x118: {  	s14 =	simm.s32 $0x4;
	v27 =	vshrl.u32 v27, $0x3;
	v33 =	vadd.s32 v5, v22;
	v29 =	vadd.s32 v3, v19;
	v28 =	vld [tilespmem:s12+$0xFFFFFFA0]  }
0x119: {  	v31 =	vadd.s32 v4, v19;
	v19 =	vshll.u32 v27, v1;
	v27 =	vmov s14;
	v32 =	vld [tilespmem:s12+$0xFFFFFFC0];
	[tilespmem:v21+s31+$0x0] =	vst.idx.msk $0xffff, v20  }
0x11a: {  	s15 =	simm.s32 $0x5;
	v34 =	vbroadcast v19, $0x0;
	v19 =	vshrl.u32 v27, $0x3;
	v30 =	vld [tilespmem:s12+$0xFFFFFFB0];
	[tilespmem:v25+s31+$0x0] =	vst.idx.msk $0xffff, v24  }
0x11b: {  	v19 =	vshll.u32 v19, v1;
	v20 =	vld [tilespmem:s12+$0xFFFFFFD0];
	v25 =	vadd.s32 v6, v22;
	v22 =	vmov s15;
	[tilespmem:v17+s31+$0x0] =	vst.idx.msk $0xffff, v23  }
0x11c: {  	s18 =	simm.s32 $0x6;
	v35 =	vbroadcast v19, $0x0;
	v21 =	vadd.s32 v7, v34;
	[tilespmem:v18+s31+$0x0] =	vst.idx.msk $0xffff, v26;
	v17 =	vld [tilespmem:s12+$0xFFFFFFE0];
	v18 =	vshrl.u32 v22, $0x3  }
0x11d: {  	v19 =	vld [tilespmem:s12+$0xFFFFFFF0];
	[tilespmem:v29+s31+$0x0] =	vst.idx.msk $0xffff, v28;
	v23 =	vadd.s32 v8, v34;
	v22 =	vmov s18;
	v18 =	vshll.u32 v18, v1  }
0x11e: {  	s19 =	simm.s32 $0xF;
	v24 =	vld [tilespmem:s12+$0x0];
	[tilespmem:v33+s31+$0x0] =	vst.idx.msk $0xffff, v32;
	v26 =	vadd.s32 v9, v35;
	v29 =	vshrl.u32 v22, $0x3;
	v27 =	vbroadcast v18, $0x0  }
0x11f: {  	s8 =	simm.s32 $0x10;
	s7 =	simm.s32 $0x8;
	v28 =	vmov s19;
	[tilespmem:v31+s31+$0x0] =	vst.idx.msk $0xffff, v30;
	v22 =	vadd.s32 v10, v35;
	v18 =	vld [tilespmem:s12+$0x10];
	v29 =	vshll.u32 v29, v1  }
.LBB2_18:
0x120: {  	p0 =	slt.u32 s8, $0x1F8;
	v28 =	vshrl.u32 v28, $0x3;
	[tilespmem:v25+s31+$0x0] =	vst.idx.msk $0xffff, v20;
	v20 =	vld [tilespmem:s12+$0x20];
	v25 =	vadd.s32 v11, v27;
	v29 =	vbroadcast v29, $0x0  }
0x121: {  	v30 =	vmov s7;
	v28 =	vshll.u32 v28, v1;
	[tilespmem:v21+s31+$0x0] =	vst.idx.msk $0xffff, v17;
	v17 =	vld [tilespmem:s12+$0x30];
	v21 =	vadd.s32 v12, v27  }
0x122: {  	s5 =	sadd.s32 $0x1, s7;
	v27 =	vshrl.u32 v30, $0x3;
	v28 =	vbroadcast v28, $0x0;
	[tilespmem:v23+s31+$0x0] =	vst.idx.msk $0xffff, v19;
	v19 =	vld [tilespmem:s12+$0x40];
	v23 =	vadd.s32 v13, v29  }
0x123: {  	v30 =	vmov s5;
	v27 =	vshll.u32 v27, v1;
	[tilespmem:v26+s31+$0x0] =	vst.idx.msk $0xffff, v24;
	v24 =	vld [tilespmem:s12+$0x50];
	v26 =	vadd.s32 v14, v29;
	s12 =	sadd.s32 $0x100, s12  }
0x124: {  	s5 =	sadd.s32 $0x2, s7;
	v27 =	vbroadcast v27, $0x0;
	v29 =	vshrl.u32 v30, $0x3;
	v30 =	vld [tilespmem:s12+$0x60];
	v31 =	vadd.s32 v15, v28;
	[tilespmem:v22+s31+$0x0] =	vst.idx.msk $0xffff, v18  }
0x125: {  	v18 =	vshll.u32 v29, v1;
	v22 =	vmov s5;
	v28 =	vadd.s32 v16, v28;
	v29 =	vld [tilespmem:s12+$0x70];
	[tilespmem:v25+s31+$0x0] =	vst.idx.msk $0xffff, v20  }
0x126: {  	s5 =	sadd.s32 $0x3, s7;
	v25 =	vadd.s32 v0, v27;
	v18 =	vbroadcast v18, $0x0;
	v22 =	vshrl.u32 v22, $0x3;
	v20 =	vld [tilespmem:s12+$0xFFFFFF80];
	[tilespmem:v21+s31+$0x0] =	vst.idx.msk $0xffff, v17  }
0x127: {  	v21 =	vadd.s32 v2, v27;
	v22 =	vshll.u32 v22, v1;
	v27 =	vmov s5;
	v17 =	vld [tilespmem:s12+$0xFFFFFF90];
	[tilespmem:v23+s31+$0x0] =	vst.idx.msk $0xffff, v19  }
0x128: {  	s5 =	sadd.s32 $0x4, s7;
	v23 =	vadd.s32 v3, v18;
	v22 =	vbroadcast v22, $0x0;
	v27 =	vshrl.u32 v27, $0x3;
	v19 =	vld [tilespmem:s12+$0xFFFFFFA0];
	[tilespmem:v26+s31+$0x0] =	vst.idx.msk $0xffff, v24  }
0x129: {  	v18 =	vadd.s32 v4, v18;
	v26 =	vshll.u32 v27, v1;
	v27 =	vmov s5;
	v24 =	vld [tilespmem:s12+$0xFFFFFFB0];
	[tilespmem:v31+s31+$0x0] =	vst.idx.msk $0xffff, v30  }
0x12a: {  	s5 =	sadd.s32 $0x5, s7;
	v31 =	vadd.s32 v5, v22;
	v26 =	vbroadcast v26, $0x0;
	v27 =	vshrl.u32 v27, $0x3;
	v30 =	vld [tilespmem:s12+$0xFFFFFFC0];
	[tilespmem:v28+s31+$0x0] =	vst.idx.msk $0xffff, v29  }
.Ltmp8:
0x12b: {  	[tilespmem:v25+s31+$0x0] =	vst.idx.msk $0xffff, v20;
	v20 =	vld [tilespmem:s12+$0xFFFFFFD0];
	v25 =	vadd.s32 v6, v22;
	v22 =	vshll.u32 v27, v1;
	v27 =	vmov s5;
	(pc) =	sbr.rel @p0 .LBB2_18-.Ltmp8, $4  }
0x12c: {  	s5 =	sadd.s32 $0x6, s7;
	s7 =	smov.u32 s8;
	[tilespmem:v21+s31+$0x0] =	vst.idx.msk $0xffff, v17;
	v17 =	vld [tilespmem:s12+$0xFFFFFFE0];
	v21 =	vadd.s32 v7, v26;
	v22 =	vbroadcast v22, $0x0;
	v27 =	vshrl.u32 v27, $0x3  }
0x12d: {  	v28 =	vmov s5;
	[tilespmem:v23+s31+$0x0] =	vst.idx.msk $0xffff, v19;
	v19 =	vld [tilespmem:s12+$0xFFFFFFF0];
	v23 =	vadd.s32 v8, v26;
	v27 =	vshll.u32 v27, v1  }
0x12e: {  	s5 =	sadd.s32 $0x7, s8;
	v29 =	vshrl.u32 v28, $0x3;
	[tilespmem:v18+s31+$0x0] =	vst.idx.msk $0xffff, v24;
	v24 =	vld [tilespmem:s12+$0x0];
	v26 =	vadd.s32 v9, v22;
	v27 =	vbroadcast v27, $0x0  }
0x12f: {  	s8 =	sadd.s32 $0x8, s8;
	v28 =	vmov s5;
	v22 =	vadd.s32 v10, v22;
	v29 =	vshll.u32 v29, v1;
	[tilespmem:v31+s31+$0x0] =	vst.idx.msk $0xffff, v30;
	v18 =	vld [tilespmem:s12+$0x10]  }
0x130: {  	_ =	sdelay $0x2  }
0x131: {  	v28 =	vshrl.u32 v28, $0x3  }
0x132: {  	[tilespmem:v25+s31+$0x0] =	vst.idx.msk $0xffff, v20;
	v59 =	vld [tilespmem:s12+$0x20];
	v60 =	vadd.s32 v11, v27;
	v29 =	vbroadcast v29, $0x0;
	v30 =	vmov s7  }
0x133: {  	v61 =	vadd.s32 v12, v27;
	s5 =	sadd.s32 $0x1, s7;
	v28 =	vshll.u32 v28, v1;
	[tilespmem:v21+s31+$0x0] =	vst.idx.msk $0xffff, v17;
	v17 =	vld [tilespmem:s12+$0x30];
	v62 =	vshrl.u32 v30, $0x3  }
0x134: {  	s13 =	sadd.s32 $0x2, s7;
	v33 =	vmov s5;
	v28 =	vbroadcast v28, $0x0;
	[tilespmem:v23+s31+$0x0] =	vst.idx.msk $0xffff, v19;
	v19 =	vld [tilespmem:s12+$0x40];
	v63 =	vadd.s32 v13, v29  }
0x135: {  	v34 =	vld [tilespmem:s12+$0x50];
	s8 =	sadd.s32 $0x100, s12;
	v38 =	vmov s13;
	v27 =	vshll.u32 v62, v1;
	v35 =	vadd.s32 v14, v29;
	[tilespmem:v26+s31+$0x0] =	vst.idx.msk $0xffff, v24  }
0x136: {  	s14 =	sadd.s32 $0x3, s7;
	v37 =	vld [tilespmem:s8+$0x60];
	v36 =	vshrl.u32 v33, $0x3;
	v27 =	vbroadcast v27, $0x0;
	v31 =	vadd.s32 v15, v28;
	[tilespmem:v22+s31+$0x0] =	vst.idx.msk $0xffff, v18  }
0x137: {  	v39 =	vld [tilespmem:s8+$0x70];
	v43 =	vmov s14;
	v18 =	vshll.u32 v36, v1;
	v28 =	vadd.s32 v16, v28;
	[tilespmem:v60+s31+$0x0] =	vst.idx.msk $0xffff, v59  }
0x138: {  	s15 =	sadd.s32 $0x4, s7;
	v40 =	vld [tilespmem:s8+$0xFFFFFF80];
	v22 =	vshrl.u32 v38, $0x3;
	v41 =	vadd.s32 v0, v27;
	v18 =	vbroadcast v18, $0x0;
	[tilespmem:v61+s31+$0x0] =	vst.idx.msk $0xffff, v17  }
0x139: {  	v47 =	vmov s15;
	v42 =	vadd.s32 v2, v27;
	v22 =	vshll.u32 v22, v1;
	v17 =	vld [tilespmem:s8+$0xFFFFFF90];
	[tilespmem:v63+s31+$0x0] =	vst.idx.msk $0xffff, v19  }
0x13a: {  	s18 =	sadd.s32 $0x5, s7;
	v27 =	vshrl.u32 v43, $0x3;
	v22 =	vbroadcast v22, $0x0;
	v19 =	vld [tilespmem:s8+$0xFFFFFFA0];
	v44 =	vadd.s32 v3, v18;
	[tilespmem:v35+s31+$0x0] =	vst.idx.msk $0xffff, v34  }
0x13b: {  	v45 =	vld [tilespmem:s8+$0xFFFFFFB0];
	v52 =	vmov s18;
	v46 =	vshll.u32 v27, v1;
	v18 =	vadd.s32 v4, v18;
	[tilespmem:v31+s31+$0x0] =	vst.idx.msk $0xffff, v37  }
0x13c: {  	v48 =	vld [tilespmem:s8+$0xFFFFFFC0];
	v27 =	vshrl.u32 v47, $0x3;
	v26 =	vbroadcast v46, $0x0;
	v49 =	vadd.s32 v5, v22;
	[tilespmem:v28+s31+$0x0] =	vst.idx.msk $0xffff, v39  }
0x13d: {  	v50 =	vld [tilespmem:s8+$0xFFFFFFD0];
	v51 =	vshll.u32 v27, v1;
	v27 =	vshrl.u32 v52, $0x3;
	v22 =	vadd.s32 v6, v22;
	[tilespmem:v41+s31+$0x0] =	vst.idx.msk $0xffff, v40  }
0x13e: {  	s19 =	sadd.s32 $0x6, s7;
	v25 =	vbroadcast v51, $0x0;
	v55 =	vshll.u32 v27, v1;
	v53 =	vadd.s32 v7, v26;
	[tilespmem:v42+s31+$0x0] =	vst.idx.msk $0xffff, v17;
	v17 =	vld [tilespmem:s8+$0xFFFFFFE0]  }
0x13f: {  	v56 =	vmov s19;
	v54 =	vadd.s32 v8, v26;
	v26 =	vbroadcast v55, $0x0;
	[tilespmem:v44+s31+$0x0] =	vst.idx.msk $0xffff, v19;
	v19 =	vld [tilespmem:s8+$0xFFFFFFF0]  }
0x140: {  	v27 =	vshrl.u32 v56, $0x3;
	v57 =	vadd.s32 v9, v25;
	[tilespmem:v18+s31+$0x0] =	vst.idx.msk $0xffff, v45;
	v18 =	vld [tilespmem:s8+$0x0]  }
0x141: {  	v59 =	vld [tilespmem:s8+$0x20];
	v27 =	vshll.u32 v27, v1;
	v60 =	vadd.s32 v11, v26;
	[tilespmem:v49+s31+$0x0] =	vst.idx.msk $0xffff, v48  }
0x142: {  	v58 =	vld [tilespmem:s8+$0x10];
	v25 =	vadd.s32 v10, v25;
	v27 =	vbroadcast v27, $0x0;
	[tilespmem:v22+s31+$0x0] =	vst.idx.msk $0xffff, v50  }
0x143: {  	v61 =	vadd.s32 v12, v26;
	[tilespmem:v53+s31+$0x0] =	vst.idx.msk $0xffff, v17;
	v17 =	vld [tilespmem:s8+$0x30]  }
0x144: {  	v62 =	vadd.s32 v13, v27;
	[tilespmem:v54+s31+$0x0] =	vst.idx.msk $0xffff, v19;
	v19 =	vld [tilespmem:s8+$0x40]  }
0x145: {  	v63 =	vadd.s32 v14, v27;
	[tilespmem:v57+s31+$0x0] =	vst.idx.msk $0xffff, v18;
	v18 =	vld [tilespmem:s8+$0x50]  }
0x146: {  	[tilespmem:v60+s31+$0x0] =	vst.idx.msk $0xffff, v59  }
0x147: {  	[tilespmem:v25+s31+$0x0] =	vst.idx.msk $0xffff, v58  }
0x148: {  	[tilespmem:v61+s31+$0x0] =	vst.idx.msk $0xffff, v17  }
0x149: {  	[tilespmem:v62+s31+$0x0] =	vst.idx.msk $0xffff, v19  }
0x14a: {  	s7 =	simm.s32 $0x9400;
	[tilespmem:v63+s31+$0x0] =	vst.idx.msk $0xffff, v18  }
0x14b: {  	s5 =	simm.s32 $0x0;
	s8 =	simm.s32 $0x0;
	s11 =	rddreg [dreg:$0x7]  }
.LBB2_20:
0x14c: {  	p0 =	sne.s32 s8, $0xF800  }
.Ltmp9:
0x14d: {  	_ = 	snop;
	(pc) =	sbr.rel @p0 .LBB2_20-.Ltmp9, $4  }
0x14e: {  	_ = 	snop  }
0x14f: {  	s10 =	sadd.s32 s8, s11  }
0x150: {  	[hbm4b:s10+s5] =	stream.linear.scatter [tilespmem:s7], [sflag:$0x3], $0x200, $0x38;
	[tilespmem:$0x11600] =	vst v63  }
0x151: {  	s8 =	sadd.s32 $0x800, s8;
	s7 =	sadd.s32 $0x208, s7  }
0x152: {  	s5 =	simm.s32 $0x30;
	s7 =	simm.s32 $0x0  }
0x153: {  	s8 =	simm.s32 $0x10;
	s7 =	sand.u32 $0xC00, s7;
	s5 =	sand.u32 $0x70, s5  }
0x154: {  	s10 =	simm.s32 $0x0;
	s8 =	sand.u32 $0x50, s8;
	s5 =	sor.u32 s5, s7  }
0x155: {  	s11 =	simm.s32 $0x20;
	s12 =	sand.u32 $0x40, s10;
	s8 =	sor.u32 s8, s7;
	v17 =	vld [tilespmem:s5+$0x200]  }
0x156: {  	s13 =	sand.u32 $0x60, s11;
	s5 =	sor.u32 s12, s7;
	v18 =	vld [tilespmem:s8+$0x200]  }
0x157: {  	s7 =	sor.u32 s13, s7;
	v19 =	vld [tilespmem:s5+$0x200]  }
0x158: {  	v20 =	vld [tilespmem:s7+$0x200]  }
0x159: {  	s14 =	simm.s32 $0x200;
	s18 =	simm.s32 $0x50;
	s8 =	simm.s32 $0x70  }
0x15a: {  	s11 =	sand.u32 $0x50, s18;
	s5 =	sand.u32 $0xC00, s14;
	s15 =	sand.u32 $0x70, s8;
	vm0 =	vlt.u32 v17, $0xF4240  }
0x15b: {  	s12 =	simm.s32 $0x40;
	s7 =	simm.s32 $0x1020;
	s10 =	sor.u32 s15, s5;
	vm14 =	vlt.u32 v18, $0xF4240;
	v21 =	vnsel vm0, $0x0, v17  }
0x15c: {  	s13 =	simm.s32 $0x60;
	s19 =	sand.u32 $0x40, s12;
	s11 =	sor.u32 s11, s5;
	v17 =	vld [tilespmem:s10+$0x200];
	vm1 =	vlt.u32 v19, $0xF4240;
	[tilespmem:s7+$0x10] =	vst v21;
	v21 =	vnsel vm14, $0x0, v18  }
0x15d: {  	s13 =	sand.u32 $0x60, s13;
	s14 =	sor.u32 s19, s5;
	vm15 =	vlt.u32 v20, $0xF4240;
	v18 =	vld [tilespmem:s11+$0x200];
	v22 =	vnsel vm1, $0x0, v19;
	[tilespmem:s7+$0xFFFFFFF0] =	vst v21  }
0x15e: {  	s12 =	simm.s32 $0x4;
	s10 =	sor.u32 s13, s5;
	s13 =	simm.s32 $0x1000;
	v19 =	vld [tilespmem:s14+$0x200];
	v20 =	vnsel vm15, $0x0, v20;
	[tilespmem:s7+$0xFFFFFFE0] =	vst v22  }
.LBB2_22:
0x15f: {  	s5 =	sshrl.u32 s13, $0x2  }
0x160: {  	s12 =	sadd.s32 $0x4, s12;
	v21 =	vld [tilespmem:s10+$0x200];
	s8 =	sadd.s32 $0x40, s8;
	[tilespmem:s7+$0x0] =	vst v20;
	s7 =	sadd.s32 $0x40, s7  }
0x161: {  	s5 =	sand.u32 $0xC00, s5;
	s10 =	sand.u32 $0x70, s8;
	p0 =	slt.u32 s12, $0x1C;
	vm0 =	vlt.u32 v17, $0xF4240  }
.Ltmp10:
0x162: {  	s11 =	sadd.s32 $0xFFFFFFE0, s8;
	s10 =	sor.u32 s10, s5;
	v20 =	vnsel vm0, $0x0, v17;
	(pc) =	sbr.rel @p0 .LBB2_22-.Ltmp10, $4  }
0x163: {  	s14 =	sadd.s32 $0xFFFFFFD0, s8;
	s15 =	sadd.s32 $0xFFFFFFF0, s8;
	s11 =	sand.u32 $0x50, s11;
	v17 =	vld [tilespmem:s10+$0x200];
	vm0 =	vlt.u32 v18, $0xF4240;
	[tilespmem:s7+$0x10] =	vst v20  }
0x164: {  	s10 =	sand.u32 $0x40, s14;
	s11 =	sor.u32 s11, s5;
	s14 =	sand.u32 $0x60, s15;
	vm1 =	vlt.u32 v19, $0xF4240;
	v20 =	vnsel vm0, $0x0, v18  }
0x165: {  	s15 =	sor.u32 s10, s5;
	s10 =	sor.u32 s14, s5;
	v18 =	vld [tilespmem:s11+$0x200];
	v22 =	vnsel vm1, $0x0, v19;
	[tilespmem:s7+$0xFFFFFFF0] =	vst v20;
	vm0 =	vlt.u32 v21, $0xF4240  }
0x166: {  	s13 =	sadd.s32 $0x800, s13;
	v19 =	vld [tilespmem:s15+$0x200];
	[tilespmem:s7+$0xFFFFFFE0] =	vst v22;
	v20 =	vnsel vm0, $0x0, v21  }
0x167: {  	v21 =	vld [tilespmem:s10+$0x200];
	_ =	sdelay $0x1  }
0x168: {  	vm0 =	vlt.u32 v17, $0xF4240  }
0x169: {  	[tilespmem:s7+$0x0] =	vst v20;
	s5 =	sadd.s32 $0x40, s7;
	v17 =	vnsel vm0, $0x0, v17;
	vm14 =	vlt.u32 v18, $0xF4240  }
0x16a: {  	[tilespmem:s5+$0x10] =	vst v17;
	vm1 =	vlt.u32 v19, $0xF4240;
	v17 =	vnsel vm14, $0x0, v18  }
0x16b: {  	v18 =	vnsel vm1, $0x0, v19;
	[tilespmem:s5+$0xFFFFFFF0] =	vst v17;
	vm15 =	vlt.u32 v21, $0xF4240  }
0x16c: {  	[tilespmem:s5+$0xFFFFFFE0] =	vst v18;
	v17 =	vnsel vm15, $0x0, v21  }
0x16d: {  	[tilespmem:s5+$0x0] =	vst v17  }
0x16e: {  	[tilespmem:s26], [sflag:$0x1] =	stream.indirect.gather [hbm4b:s1+s24], $0x20, s25, s24, $0xb8;
	[tilespmem:$0x11600] =	vst v63  }
0x16f: {  	s7 =	simm.s32 $0x7;
	_ =	swait.ge [sflag:s0], $0x4000  }
0x170: {  	s8 =	simm.s32 $0x0;
	v17 =	vmov s7;
	[sflag:s0] =	ssyncset.done $0x0  }
0x171: {  	v18 =	vmov s8;
	v17 =	vshrl.u32 v17, $0x3;
	[sflag:s0] =	ssyncadd.s32 $0xFFFFC000  }
0x172: {  	v18 =	vshrl.u32 v18, $0x3;
	v17 =	vshll.u32 v17, v1;
	_ =	swait.ge [sflag:s9], $0x4000  }
0x173: {  	s10 =	simm.s32 $0x1;
	s11 =	simm.s32 $0x2;
	v18 =	vshll.u32 v18, v1;
	v17 =	vbroadcast v17, $0x0;
	[sflag:s9] =	ssyncset.done $0x0  }
0x174: {  	s12 =	simm.s32 $0x5480;
	v22 =	vmov s11;
	v19 =	vmov s10;
	v18 =	vbroadcast v18, $0x0;
	[sflag:s9] =	ssyncadd.s32 $0xFFFFC000  }
0x175: {  	v22 =	vshrl.u32 v22, $0x3;
	v19 =	vshrl.u32 v19, $0x3;
	v21 =	vadd.s32 v15, v17;
	v20 =	vld [tilespmem:s12+$0x60]  }
0x176: {  	v22 =	vshll.u32 v22, v1;
	v19 =	vshll.u32 v19, v1;
	v25 =	vadd.s32 v0, v18;
	v24 =	vld [tilespmem:s12+$0xFFFFFF80]  }
0x177: {  	s13 =	simm.s32 $0x3;
	v22 =	vbroadcast v22, $0x0;
	v19 =	vbroadcast v19, $0x0;
	v17 =	vadd.s32 v16, v17;
	v23 =	vld [tilespmem:s12+$0x70]  }
0x178: {  	v27 =	vmov s13;
	v18 =	vadd.s32 v2, v18;
	v26 =	vld [tilespmem:s12+$0xFFFFFF90]  }
0x179: {  	s14 =	simm.s32 $0x4;
	v27 =	vshrl.u32 v27, $0x3;
	v33 =	vadd.s32 v5, v22;
	v29 =	vadd.s32 v3, v19;
	v28 =	vld [tilespmem:s12+$0xFFFFFFA0]  }
0x17a: {  	v31 =	vadd.s32 v4, v19;
	v19 =	vshll.u32 v27, v1;
	v27 =	vmov s14;
	v32 =	vld [tilespmem:s12+$0xFFFFFFC0];
	[tilespmem:v21+s2+$0x0] =	vst.idx.msk $0xffff, v20  }
0x17b: {  	s15 =	simm.s32 $0x5;
	v34 =	vbroadcast v19, $0x0;
	v19 =	vshrl.u32 v27, $0x3;
	v30 =	vld [tilespmem:s12+$0xFFFFFFB0];
	[tilespmem:v25+s2+$0x0] =	vst.idx.msk $0xffff, v24  }
0x17c: {  	v19 =	vshll.u32 v19, v1;
	v20 =	vld [tilespmem:s12+$0xFFFFFFD0];
	v25 =	vadd.s32 v6, v22;
	v22 =	vmov s15;
	[tilespmem:v17+s2+$0x0] =	vst.idx.msk $0xffff, v23  }
0x17d: {  	s18 =	simm.s32 $0x6;
	v35 =	vbroadcast v19, $0x0;
	v21 =	vadd.s32 v7, v34;
	[tilespmem:v18+s2+$0x0] =	vst.idx.msk $0xffff, v26;
	v17 =	vld [tilespmem:s12+$0xFFFFFFE0];
	v18 =	vshrl.u32 v22, $0x3  }
0x17e: {  	v19 =	vld [tilespmem:s12+$0xFFFFFFF0];
	[tilespmem:v29+s2+$0x0] =	vst.idx.msk $0xffff, v28;
	v23 =	vadd.s32 v8, v34;
	v22 =	vmov s18;
	v18 =	vshll.u32 v18, v1  }
0x17f: {  	s19 =	simm.s32 $0xF;
	v24 =	vld [tilespmem:s12+$0x0];
	[tilespmem:v33+s2+$0x0] =	vst.idx.msk $0xffff, v32;
	v26 =	vadd.s32 v9, v35;
	v29 =	vshrl.u32 v22, $0x3;
	v27 =	vbroadcast v18, $0x0  }
0x180: {  	s8 =	simm.s32 $0x10;
	s7 =	simm.s32 $0x8;
	v28 =	vmov s19;
	[tilespmem:v31+s2+$0x0] =	vst.idx.msk $0xffff, v30;
	v22 =	vadd.s32 v10, v35;
	v18 =	vld [tilespmem:s12+$0x10];
	v29 =	vshll.u32 v29, v1  }
.LBB2_24:
0x181: {  	p0 =	slt.u32 s8, $0x1F8;
	v28 =	vshrl.u32 v28, $0x3;
	[tilespmem:v25+s2+$0x0] =	vst.idx.msk $0xffff, v20;
	v20 =	vld [tilespmem:s12+$0x20];
	v25 =	vadd.s32 v11, v27;
	v29 =	vbroadcast v29, $0x0  }
0x182: {  	v30 =	vmov s7;
	v28 =	vshll.u32 v28, v1;
	[tilespmem:v21+s2+$0x0] =	vst.idx.msk $0xffff, v17;
	v17 =	vld [tilespmem:s12+$0x30];
	v21 =	vadd.s32 v12, v27  }
0x183: {  	s5 =	sadd.s32 $0x1, s7;
	v27 =	vshrl.u32 v30, $0x3;
	v28 =	vbroadcast v28, $0x0;
	[tilespmem:v23+s2+$0x0] =	vst.idx.msk $0xffff, v19;
	v19 =	vld [tilespmem:s12+$0x40];
	v23 =	vadd.s32 v13, v29  }
0x184: {  	v30 =	vmov s5;
	v27 =	vshll.u32 v27, v1;
	[tilespmem:v26+s2+$0x0] =	vst.idx.msk $0xffff, v24;
	v24 =	vld [tilespmem:s12+$0x50];
	v26 =	vadd.s32 v14, v29;
	s12 =	sadd.s32 $0x100, s12  }
0x185: {  	s5 =	sadd.s32 $0x2, s7;
	v27 =	vbroadcast v27, $0x0;
	v29 =	vshrl.u32 v30, $0x3;
	v30 =	vld [tilespmem:s12+$0x60];
	v31 =	vadd.s32 v15, v28;
	[tilespmem:v22+s2+$0x0] =	vst.idx.msk $0xffff, v18  }
0x186: {  	v18 =	vshll.u32 v29, v1;
	v22 =	vmov s5;
	v28 =	vadd.s32 v16, v28;
	v29 =	vld [tilespmem:s12+$0x70];
	[tilespmem:v25+s2+$0x0] =	vst.idx.msk $0xffff, v20  }
0x187: {  	s5 =	sadd.s32 $0x3, s7;
	v25 =	vadd.s32 v0, v27;
	v18 =	vbroadcast v18, $0x0;
	v22 =	vshrl.u32 v22, $0x3;
	v20 =	vld [tilespmem:s12+$0xFFFFFF80];
	[tilespmem:v21+s2+$0x0] =	vst.idx.msk $0xffff, v17  }
0x188: {  	v21 =	vadd.s32 v2, v27;
	v22 =	vshll.u32 v22, v1;
	v27 =	vmov s5;
	v17 =	vld [tilespmem:s12+$0xFFFFFF90];
	[tilespmem:v23+s2+$0x0] =	vst.idx.msk $0xffff, v19  }
0x189: {  	s5 =	sadd.s32 $0x4, s7;
	v23 =	vadd.s32 v3, v18;
	v22 =	vbroadcast v22, $0x0;
	v27 =	vshrl.u32 v27, $0x3;
	v19 =	vld [tilespmem:s12+$0xFFFFFFA0];
	[tilespmem:v26+s2+$0x0] =	vst.idx.msk $0xffff, v24  }
0x18a: {  	v18 =	vadd.s32 v4, v18;
	v26 =	vshll.u32 v27, v1;
	v27 =	vmov s5;
	v24 =	vld [tilespmem:s12+$0xFFFFFFB0];
	[tilespmem:v31+s2+$0x0] =	vst.idx.msk $0xffff, v30  }
0x18b: {  	s5 =	sadd.s32 $0x5, s7;
	v31 =	vadd.s32 v5, v22;
	v26 =	vbroadcast v26, $0x0;
	v27 =	vshrl.u32 v27, $0x3;
	v30 =	vld [tilespmem:s12+$0xFFFFFFC0];
	[tilespmem:v28+s2+$0x0] =	vst.idx.msk $0xffff, v29  }
.Ltmp11:
0x18c: {  	[tilespmem:v25+s2+$0x0] =	vst.idx.msk $0xffff, v20;
	v20 =	vld [tilespmem:s12+$0xFFFFFFD0];
	v25 =	vadd.s32 v6, v22;
	v22 =	vshll.u32 v27, v1;
	v27 =	vmov s5;
	(pc) =	sbr.rel @p0 .LBB2_24-.Ltmp11, $4  }
0x18d: {  	s5 =	sadd.s32 $0x6, s7;
	s7 =	smov.u32 s8;
	[tilespmem:v21+s2+$0x0] =	vst.idx.msk $0xffff, v17;
	v17 =	vld [tilespmem:s12+$0xFFFFFFE0];
	v21 =	vadd.s32 v7, v26;
	v22 =	vbroadcast v22, $0x0;
	v27 =	vshrl.u32 v27, $0x3  }
0x18e: {  	v28 =	vmov s5;
	[tilespmem:v23+s2+$0x0] =	vst.idx.msk $0xffff, v19;
	v19 =	vld [tilespmem:s12+$0xFFFFFFF0];
	v23 =	vadd.s32 v8, v26;
	v27 =	vshll.u32 v27, v1  }
0x18f: {  	s5 =	sadd.s32 $0x7, s8;
	v29 =	vshrl.u32 v28, $0x3;
	[tilespmem:v18+s2+$0x0] =	vst.idx.msk $0xffff, v24;
	v24 =	vld [tilespmem:s12+$0x0];
	v26 =	vadd.s32 v9, v22;
	v27 =	vbroadcast v27, $0x0  }
0x190: {  	s8 =	sadd.s32 $0x8, s8;
	v28 =	vmov s5;
	v22 =	vadd.s32 v10, v22;
	v29 =	vshll.u32 v29, v1;
	[tilespmem:v31+s2+$0x0] =	vst.idx.msk $0xffff, v30;
	v18 =	vld [tilespmem:s12+$0x10]  }
0x191: {  	_ =	sdelay $0x2  }
0x192: {  	v28 =	vshrl.u32 v28, $0x3  }
0x193: {  	[tilespmem:v25+s2+$0x0] =	vst.idx.msk $0xffff, v20;
	v59 =	vld [tilespmem:s12+$0x20];
	v60 =	vadd.s32 v11, v27;
	v29 =	vbroadcast v29, $0x0;
	v30 =	vmov s7  }
0x194: {  	v61 =	vadd.s32 v12, v27;
	s5 =	sadd.s32 $0x1, s7;
	v28 =	vshll.u32 v28, v1;
	[tilespmem:v21+s2+$0x0] =	vst.idx.msk $0xffff, v17;
	v17 =	vld [tilespmem:s12+$0x30];
	v62 =	vshrl.u32 v30, $0x3  }
0x195: {  	s13 =	sadd.s32 $0x2, s7;
	v33 =	vmov s5;
	v28 =	vbroadcast v28, $0x0;
	[tilespmem:v23+s2+$0x0] =	vst.idx.msk $0xffff, v19;
	v19 =	vld [tilespmem:s12+$0x40];
	v63 =	vadd.s32 v13, v29  }
0x196: {  	v34 =	vld [tilespmem:s12+$0x50];
	s8 =	sadd.s32 $0x100, s12;
	v38 =	vmov s13;
	v27 =	vshll.u32 v62, v1;
	v35 =	vadd.s32 v14, v29;
	[tilespmem:v26+s2+$0x0] =	vst.idx.msk $0xffff, v24  }
0x197: {  	s14 =	sadd.s32 $0x3, s7;
	v37 =	vld [tilespmem:s8+$0x60];
	v36 =	vshrl.u32 v33, $0x3;
	v27 =	vbroadcast v27, $0x0;
	v31 =	vadd.s32 v15, v28;
	[tilespmem:v22+s2+$0x0] =	vst.idx.msk $0xffff, v18  }
0x198: {  	v39 =	vld [tilespmem:s8+$0x70];
	v43 =	vmov s14;
	v18 =	vshll.u32 v36, v1;
	v28 =	vadd.s32 v16, v28;
	[tilespmem:v60+s2+$0x0] =	vst.idx.msk $0xffff, v59  }
0x199: {  	s15 =	sadd.s32 $0x4, s7;
	v40 =	vld [tilespmem:s8+$0xFFFFFF80];
	v22 =	vshrl.u32 v38, $0x3;
	v41 =	vadd.s32 v0, v27;
	v18 =	vbroadcast v18, $0x0;
	[tilespmem:v61+s2+$0x0] =	vst.idx.msk $0xffff, v17  }
0x19a: {  	v47 =	vmov s15;
	v42 =	vadd.s32 v2, v27;
	v22 =	vshll.u32 v22, v1;
	v17 =	vld [tilespmem:s8+$0xFFFFFF90];
	[tilespmem:v63+s2+$0x0] =	vst.idx.msk $0xffff, v19  }
0x19b: {  	s18 =	sadd.s32 $0x5, s7;
	v27 =	vshrl.u32 v43, $0x3;
	v22 =	vbroadcast v22, $0x0;
	v19 =	vld [tilespmem:s8+$0xFFFFFFA0];
	v44 =	vadd.s32 v3, v18;
	[tilespmem:v35+s2+$0x0] =	vst.idx.msk $0xffff, v34  }
0x19c: {  	v45 =	vld [tilespmem:s8+$0xFFFFFFB0];
	v52 =	vmov s18;
	v46 =	vshll.u32 v27, v1;
	v18 =	vadd.s32 v4, v18;
	[tilespmem:v31+s2+$0x0] =	vst.idx.msk $0xffff, v37  }
0x19d: {  	v48 =	vld [tilespmem:s8+$0xFFFFFFC0];
	v27 =	vshrl.u32 v47, $0x3;
	v26 =	vbroadcast v46, $0x0;
	v49 =	vadd.s32 v5, v22;
	[tilespmem:v28+s2+$0x0] =	vst.idx.msk $0xffff, v39  }
0x19e: {  	v50 =	vld [tilespmem:s8+$0xFFFFFFD0];
	v51 =	vshll.u32 v27, v1;
	v27 =	vshrl.u32 v52, $0x3;
	v22 =	vadd.s32 v6, v22;
	[tilespmem:v41+s2+$0x0] =	vst.idx.msk $0xffff, v40  }
0x19f: {  	s19 =	sadd.s32 $0x6, s7;
	v25 =	vbroadcast v51, $0x0;
	v55 =	vshll.u32 v27, v1;
	v53 =	vadd.s32 v7, v26;
	[tilespmem:v42+s2+$0x0] =	vst.idx.msk $0xffff, v17;
	v17 =	vld [tilespmem:s8+$0xFFFFFFE0]  }
0x1a0: {  	v56 =	vmov s19;
	v54 =	vadd.s32 v8, v26;
	v26 =	vbroadcast v55, $0x0;
	[tilespmem:v44+s2+$0x0] =	vst.idx.msk $0xffff, v19;
	v19 =	vld [tilespmem:s8+$0xFFFFFFF0]  }
0x1a1: {  	v27 =	vshrl.u32 v56, $0x3;
	v57 =	vadd.s32 v9, v25;
	[tilespmem:v18+s2+$0x0] =	vst.idx.msk $0xffff, v45;
	v18 =	vld [tilespmem:s8+$0x0]  }
0x1a2: {  	v59 =	vld [tilespmem:s8+$0x20];
	v27 =	vshll.u32 v27, v1;
	v60 =	vadd.s32 v11, v26;
	[tilespmem:v49+s2+$0x0] =	vst.idx.msk $0xffff, v48  }
0x1a3: {  	v58 =	vld [tilespmem:s8+$0x10];
	v25 =	vadd.s32 v10, v25;
	v27 =	vbroadcast v27, $0x0;
	[tilespmem:v22+s2+$0x0] =	vst.idx.msk $0xffff, v50  }
0x1a4: {  	v61 =	vadd.s32 v12, v26;
	[tilespmem:v53+s2+$0x0] =	vst.idx.msk $0xffff, v17;
	v17 =	vld [tilespmem:s8+$0x30]  }
0x1a5: {  	v62 =	vadd.s32 v13, v27;
	[tilespmem:v54+s2+$0x0] =	vst.idx.msk $0xffff, v19;
	v19 =	vld [tilespmem:s8+$0x40]  }
0x1a6: {  	v63 =	vadd.s32 v14, v27;
	[tilespmem:v57+s2+$0x0] =	vst.idx.msk $0xffff, v18;
	v18 =	vld [tilespmem:s8+$0x50]  }
0x1a7: {  	[tilespmem:v60+s2+$0x0] =	vst.idx.msk $0xffff, v59  }
0x1a8: {  	[tilespmem:v25+s2+$0x0] =	vst.idx.msk $0xffff, v58  }
0x1a9: {  	[tilespmem:v61+s2+$0x0] =	vst.idx.msk $0xffff, v17  }
0x1aa: {  	[tilespmem:v62+s2+$0x0] =	vst.idx.msk $0xffff, v19  }
0x1ab: {  	s7 =	simm.s32 $0xD500;
	[tilespmem:v63+s2+$0x0] =	vst.idx.msk $0xffff, v18  }
0x1ac: {  	s5 =	simm.s32 $0x0;
	s8 =	simm.s32 $0x0;
	s11 =	rddreg [dreg:$0x8]  }
.LBB2_26:
0x1ad: {  	p0 =	sne.s32 s8, $0xF800  }
.Ltmp12:
0x1ae: {  	_ = 	snop;
	(pc) =	sbr.rel @p0 .LBB2_26-.Ltmp12, $4  }
0x1af: {  	_ = 	snop  }
0x1b0: {  	s10 =	sadd.s32 s8, s11  }
0x1b1: {  	[hbm4b:s10+s5] =	stream.linear.scatter [tilespmem:s7], [sflag:$0x4], $0x200, $0x38;
	[tilespmem:$0x11600] =	vst v63  }
0x1b2: {  	s8 =	sadd.s32 $0x800, s8;
	s7 =	sadd.s32 $0x208, s7  }
0x1b3: {  	s5 =	simm.s32 $0x30;
	s7 =	simm.s32 $0x0  }
0x1b4: {  	s8 =	simm.s32 $0x10;
	s7 =	sand.u32 $0xC00, s7;
	s5 =	sand.u32 $0x70, s5  }
0x1b5: {  	s10 =	simm.s32 $0x0;
	s8 =	sand.u32 $0x50, s8;
	s5 =	sor.u32 s5, s7  }
0x1b6: {  	s11 =	simm.s32 $0x20;
	s12 =	sand.u32 $0x40, s10;
	s8 =	sor.u32 s8, s7;
	v17 =	vld [tilespmem:s5+$0x280]  }
0x1b7: {  	s13 =	sand.u32 $0x60, s11;
	s5 =	sor.u32 s12, s7;
	v18 =	vld [tilespmem:s8+$0x280]  }
0x1b8: {  	s7 =	sor.u32 s13, s7;
	v19 =	vld [tilespmem:s5+$0x280]  }
0x1b9: {  	v20 =	vld [tilespmem:s7+$0x280]  }
0x1ba: {  	s14 =	simm.s32 $0x200;
	s18 =	simm.s32 $0x50;
	s8 =	simm.s32 $0x70  }
0x1bb: {  	s11 =	sand.u32 $0x50, s18;
	s5 =	sand.u32 $0xC00, s14;
	s15 =	sand.u32 $0x70, s8;
	vm0 =	vlt.u32 v17, $0xF4240  }
0x1bc: {  	s12 =	simm.s32 $0x40;
	s7 =	simm.s32 $0x1220;
	s10 =	sor.u32 s15, s5;
	vm14 =	vlt.u32 v18, $0xF4240;
	v21 =	vnsel vm0, $0x0, v17  }
0x1bd: {  	s13 =	simm.s32 $0x60;
	s19 =	sand.u32 $0x40, s12;
	s11 =	sor.u32 s11, s5;
	v17 =	vld [tilespmem:s10+$0x280];
	vm1 =	vlt.u32 v19, $0xF4240;
	[tilespmem:s7+$0x10] =	vst v21;
	v21 =	vnsel vm14, $0x0, v18  }
0x1be: {  	s13 =	sand.u32 $0x60, s13;
	s14 =	sor.u32 s19, s5;
	vm15 =	vlt.u32 v20, $0xF4240;
	v18 =	vld [tilespmem:s11+$0x280];
	v22 =	vnsel vm1, $0x0, v19;
	[tilespmem:s7+$0xFFFFFFF0] =	vst v21  }
0x1bf: {  	s12 =	simm.s32 $0x4;
	s10 =	sor.u32 s13, s5;
	s13 =	simm.s32 $0x1000;
	v19 =	vld [tilespmem:s14+$0x280];
	v20 =	vnsel vm15, $0x0, v20;
	[tilespmem:s7+$0xFFFFFFE0] =	vst v22  }
.LBB2_28:
0x1c0: {  	s5 =	sshrl.u32 s13, $0x2  }
0x1c1: {  	s12 =	sadd.s32 $0x4, s12;
	v21 =	vld [tilespmem:s10+$0x280];
	s8 =	sadd.s32 $0x40, s8;
	[tilespmem:s7+$0x0] =	vst v20;
	s7 =	sadd.s32 $0x40, s7  }
0x1c2: {  	s5 =	sand.u32 $0xC00, s5;
	s10 =	sand.u32 $0x70, s8;
	p0 =	slt.u32 s12, $0x1C;
	vm0 =	vlt.u32 v17, $0xF4240  }
.Ltmp13:
0x1c3: {  	s11 =	sadd.s32 $0xFFFFFFE0, s8;
	s10 =	sor.u32 s10, s5;
	v20 =	vnsel vm0, $0x0, v17;
	(pc) =	sbr.rel @p0 .LBB2_28-.Ltmp13, $4  }
0x1c4: {  	s14 =	sadd.s32 $0xFFFFFFD0, s8;
	s15 =	sadd.s32 $0xFFFFFFF0, s8;
	s11 =	sand.u32 $0x50, s11;
	v17 =	vld [tilespmem:s10+$0x280];
	vm0 =	vlt.u32 v18, $0xF4240;
	[tilespmem:s7+$0x10] =	vst v20  }
0x1c5: {  	s10 =	sand.u32 $0x40, s14;
	s11 =	sor.u32 s11, s5;
	s14 =	sand.u32 $0x60, s15;
	vm1 =	vlt.u32 v19, $0xF4240;
	v20 =	vnsel vm0, $0x0, v18  }
0x1c6: {  	s15 =	sor.u32 s10, s5;
	s10 =	sor.u32 s14, s5;
	v18 =	vld [tilespmem:s11+$0x280];
	v22 =	vnsel vm1, $0x0, v19;
	[tilespmem:s7+$0xFFFFFFF0] =	vst v20;
	vm0 =	vlt.u32 v21, $0xF4240  }
0x1c7: {  	s13 =	sadd.s32 $0x800, s13;
	v19 =	vld [tilespmem:s15+$0x280];
	[tilespmem:s7+$0xFFFFFFE0] =	vst v22;
	v20 =	vnsel vm0, $0x0, v21  }
0x1c8: {  	v21 =	vld [tilespmem:s10+$0x280];
	_ =	sdelay $0x1  }
0x1c9: {  	vm0 =	vlt.u32 v17, $0xF4240  }
0x1ca: {  	[tilespmem:s7+$0x0] =	vst v20;
	s5 =	sadd.s32 $0x40, s7;
	v17 =	vnsel vm0, $0x0, v17;
	vm14 =	vlt.u32 v18, $0xF4240  }
0x1cb: {  	[tilespmem:s5+$0x10] =	vst v17;
	vm1 =	vlt.u32 v19, $0xF4240;
	v17 =	vnsel vm14, $0x0, v18  }
0x1cc: {  	v18 =	vnsel vm1, $0x0, v19;
	[tilespmem:s5+$0xFFFFFFF0] =	vst v17;
	vm15 =	vlt.u32 v21, $0xF4240  }
0x1cd: {  	[tilespmem:s5+$0xFFFFFFE0] =	vst v18;
	v17 =	vnsel vm15, $0x0, v21  }
0x1ce: {  	[tilespmem:s5+$0x0] =	vst v17  }
0x1cf: {  	[tilespmem:s29], [sflag:$0x2] =	stream.indirect.gather [hbm4b:s1+s24], $0x20, s28, s24, $0xb8;
	[tilespmem:$0x11600] =	vst v63  }
0x1d0: {  	s7 =	simm.s32 $0x7;
	_ =	swait.ge [sflag:s30], $0x4000  }
0x1d1: {  	s8 =	simm.s32 $0x0;
	v17 =	vmov s7;
	[sflag:s30] =	ssyncset.done $0x0  }
0x1d2: {  	v18 =	vmov s8;
	v17 =	vshrl.u32 v17, $0x3;
	[sflag:s30] =	ssyncadd.s32 $0xFFFFC000  }
0x1d3: {  	v18 =	vshrl.u32 v18, $0x3;
	v17 =	vshll.u32 v17, v1;
	_ =	swait.ge [sflag:s22], $0x4000  }
0x1d4: {  	s10 =	simm.s32 $0x1;
	s11 =	simm.s32 $0x2;
	v18 =	vshll.u32 v18, v1;
	v17 =	vbroadcast v17, $0x0;
	[sflag:s22] =	ssyncset.done $0x0  }
0x1d5: {  	s12 =	simm.s32 $0x1480;
	v22 =	vmov s11;
	v19 =	vmov s10;
	v18 =	vbroadcast v18, $0x0;
	[sflag:s22] =	ssyncadd.s32 $0xFFFFC000  }
0x1d6: {  	v22 =	vshrl.u32 v22, $0x3;
	v19 =	vshrl.u32 v19, $0x3;
	v21 =	vadd.s32 v15, v17;
	v20 =	vld [tilespmem:s12+$0x60]  }
0x1d7: {  	v22 =	vshll.u32 v22, v1;
	v19 =	vshll.u32 v19, v1;
	v25 =	vadd.s32 v0, v18;
	v24 =	vld [tilespmem:s12+$0xFFFFFF80]  }
0x1d8: {  	s13 =	simm.s32 $0x3;
	v22 =	vbroadcast v22, $0x0;
	v19 =	vbroadcast v19, $0x0;
	v17 =	vadd.s32 v16, v17;
	v23 =	vld [tilespmem:s12+$0x70]  }
0x1d9: {  	v27 =	vmov s13;
	v18 =	vadd.s32 v2, v18;
	v26 =	vld [tilespmem:s12+$0xFFFFFF90]  }
0x1da: {  	s14 =	simm.s32 $0x4;
	v27 =	vshrl.u32 v27, $0x3;
	v33 =	vadd.s32 v5, v22;
	v29 =	vadd.s32 v3, v19;
	v28 =	vld [tilespmem:s12+$0xFFFFFFA0]  }
0x1db: {  	v31 =	vadd.s32 v4, v19;
	v19 =	vshll.u32 v27, v1;
	v27 =	vmov s14;
	v32 =	vld [tilespmem:s12+$0xFFFFFFC0];
	[tilespmem:v21+s31+$0x0] =	vst.idx.msk $0xffff, v20  }
0x1dc: {  	s15 =	simm.s32 $0x5;
	v34 =	vbroadcast v19, $0x0;
	v19 =	vshrl.u32 v27, $0x3;
	v30 =	vld [tilespmem:s12+$0xFFFFFFB0];
	[tilespmem:v25+s31+$0x0] =	vst.idx.msk $0xffff, v24  }
0x1dd: {  	v19 =	vshll.u32 v19, v1;
	v20 =	vld [tilespmem:s12+$0xFFFFFFD0];
	v25 =	vadd.s32 v6, v22;
	v22 =	vmov s15;
	[tilespmem:v17+s31+$0x0] =	vst.idx.msk $0xffff, v23  }
0x1de: {  	s18 =	simm.s32 $0x6;
	v35 =	vbroadcast v19, $0x0;
	v21 =	vadd.s32 v7, v34;
	[tilespmem:v18+s31+$0x0] =	vst.idx.msk $0xffff, v26;
	v17 =	vld [tilespmem:s12+$0xFFFFFFE0];
	v18 =	vshrl.u32 v22, $0x3  }
0x1df: {  	v19 =	vld [tilespmem:s12+$0xFFFFFFF0];
	[tilespmem:v29+s31+$0x0] =	vst.idx.msk $0xffff, v28;
	v23 =	vadd.s32 v8, v34;
	v22 =	vmov s18;
	v18 =	vshll.u32 v18, v1  }
0x1e0: {  	s19 =	simm.s32 $0xF;
	v24 =	vld [tilespmem:s12+$0x0];
	[tilespmem:v33+s31+$0x0] =	vst.idx.msk $0xffff, v32;
	v26 =	vadd.s32 v9, v35;
	v29 =	vshrl.u32 v22, $0x3;
	v27 =	vbroadcast v18, $0x0  }
0x1e1: {  	s8 =	simm.s32 $0x10;
	s7 =	simm.s32 $0x8;
	v28 =	vmov s19;
	[tilespmem:v31+s31+$0x0] =	vst.idx.msk $0xffff, v30;
	v22 =	vadd.s32 v10, v35;
	v18 =	vld [tilespmem:s12+$0x10];
	v29 =	vshll.u32 v29, v1  }
.LBB2_30:
0x1e2: {  	p0 =	slt.u32 s8, $0x1F8;
	v28 =	vshrl.u32 v28, $0x3;
	[tilespmem:v25+s31+$0x0] =	vst.idx.msk $0xffff, v20;
	v20 =	vld [tilespmem:s12+$0x20];
	v25 =	vadd.s32 v11, v27;
	v29 =	vbroadcast v29, $0x0  }
0x1e3: {  	v30 =	vmov s7;
	v28 =	vshll.u32 v28, v1;
	[tilespmem:v21+s31+$0x0] =	vst.idx.msk $0xffff, v17;
	v17 =	vld [tilespmem:s12+$0x30];
	v21 =	vadd.s32 v12, v27  }
0x1e4: {  	s5 =	sadd.s32 $0x1, s7;
	v27 =	vshrl.u32 v30, $0x3;
	v28 =	vbroadcast v28, $0x0;
	[tilespmem:v23+s31+$0x0] =	vst.idx.msk $0xffff, v19;
	v19 =	vld [tilespmem:s12+$0x40];
	v23 =	vadd.s32 v13, v29  }
0x1e5: {  	v30 =	vmov s5;
	v27 =	vshll.u32 v27, v1;
	[tilespmem:v26+s31+$0x0] =	vst.idx.msk $0xffff, v24;
	v24 =	vld [tilespmem:s12+$0x50];
	v26 =	vadd.s32 v14, v29;
	s12 =	sadd.s32 $0x100, s12  }
0x1e6: {  	s5 =	sadd.s32 $0x2, s7;
	v27 =	vbroadcast v27, $0x0;
	v29 =	vshrl.u32 v30, $0x3;
	v30 =	vld [tilespmem:s12+$0x60];
	v31 =	vadd.s32 v15, v28;
	[tilespmem:v22+s31+$0x0] =	vst.idx.msk $0xffff, v18  }
0x1e7: {  	v18 =	vshll.u32 v29, v1;
	v22 =	vmov s5;
	v28 =	vadd.s32 v16, v28;
	v29 =	vld [tilespmem:s12+$0x70];
	[tilespmem:v25+s31+$0x0] =	vst.idx.msk $0xffff, v20  }
0x1e8: {  	s5 =	sadd.s32 $0x3, s7;
	v25 =	vadd.s32 v0, v27;
	v18 =	vbroadcast v18, $0x0;
	v22 =	vshrl.u32 v22, $0x3;
	v20 =	vld [tilespmem:s12+$0xFFFFFF80];
	[tilespmem:v21+s31+$0x0] =	vst.idx.msk $0xffff, v17  }
0x1e9: {  	v21 =	vadd.s32 v2, v27;
	v22 =	vshll.u32 v22, v1;
	v27 =	vmov s5;
	v17 =	vld [tilespmem:s12+$0xFFFFFF90];
	[tilespmem:v23+s31+$0x0] =	vst.idx.msk $0xffff, v19  }
0x1ea: {  	s5 =	sadd.s32 $0x4, s7;
	v23 =	vadd.s32 v3, v18;
	v22 =	vbroadcast v22, $0x0;
	v27 =	vshrl.u32 v27, $0x3;
	v19 =	vld [tilespmem:s12+$0xFFFFFFA0];
	[tilespmem:v26+s31+$0x0] =	vst.idx.msk $0xffff, v24  }
0x1eb: {  	v18 =	vadd.s32 v4, v18;
	v26 =	vshll.u32 v27, v1;
	v27 =	vmov s5;
	v24 =	vld [tilespmem:s12+$0xFFFFFFB0];
	[tilespmem:v31+s31+$0x0] =	vst.idx.msk $0xffff, v30  }
0x1ec: {  	s5 =	sadd.s32 $0x5, s7;
	v31 =	vadd.s32 v5, v22;
	v26 =	vbroadcast v26, $0x0;
	v27 =	vshrl.u32 v27, $0x3;
	v30 =	vld [tilespmem:s12+$0xFFFFFFC0];
	[tilespmem:v28+s31+$0x0] =	vst.idx.msk $0xffff, v29  }
.Ltmp14:
0x1ed: {  	[tilespmem:v25+s31+$0x0] =	vst.idx.msk $0xffff, v20;
	v20 =	vld [tilespmem:s12+$0xFFFFFFD0];
	v25 =	vadd.s32 v6, v22;
	v22 =	vshll.u32 v27, v1;
	v27 =	vmov s5;
	(pc) =	sbr.rel @p0 .LBB2_30-.Ltmp14, $4  }
0x1ee: {  	s5 =	sadd.s32 $0x6, s7;
	s7 =	smov.u32 s8;
	[tilespmem:v21+s31+$0x0] =	vst.idx.msk $0xffff, v17;
	v17 =	vld [tilespmem:s12+$0xFFFFFFE0];
	v21 =	vadd.s32 v7, v26;
	v22 =	vbroadcast v22, $0x0;
	v27 =	vshrl.u32 v27, $0x3  }
0x1ef: {  	v28 =	vmov s5;
	[tilespmem:v23+s31+$0x0] =	vst.idx.msk $0xffff, v19;
	v19 =	vld [tilespmem:s12+$0xFFFFFFF0];
	v23 =	vadd.s32 v8, v26;
	v27 =	vshll.u32 v27, v1  }
0x1f0: {  	s5 =	sadd.s32 $0x7, s8;
	v29 =	vshrl.u32 v28, $0x3;
	[tilespmem:v18+s31+$0x0] =	vst.idx.msk $0xffff, v24;
	v24 =	vld [tilespmem:s12+$0x0];
	v26 =	vadd.s32 v9, v22;
	v27 =	vbroadcast v27, $0x0  }
0x1f1: {  	s8 =	sadd.s32 $0x8, s8;
	v28 =	vmov s5;
	v22 =	vadd.s32 v10, v22;
	v29 =	vshll.u32 v29, v1;
	[tilespmem:v31+s31+$0x0] =	vst.idx.msk $0xffff, v30;
	v18 =	vld [tilespmem:s12+$0x10]  }
0x1f2: {  	_ =	sdelay $0x2  }
0x1f3: {  	v28 =	vshrl.u32 v28, $0x3  }
0x1f4: {  	[tilespmem:v25+s31+$0x0] =	vst.idx.msk $0xffff, v20;
	v59 =	vld [tilespmem:s12+$0x20];
	v60 =	vadd.s32 v11, v27;
	v29 =	vbroadcast v29, $0x0;
	v30 =	vmov s7  }
0x1f5: {  	v61 =	vadd.s32 v12, v27;
	s5 =	sadd.s32 $0x1, s7;
	v28 =	vshll.u32 v28, v1;
	[tilespmem:v21+s31+$0x0] =	vst.idx.msk $0xffff, v17;
	v17 =	vld [tilespmem:s12+$0x30];
	v62 =	vshrl.u32 v30, $0x3  }
0x1f6: {  	s13 =	sadd.s32 $0x2, s7;
	v33 =	vmov s5;
	v28 =	vbroadcast v28, $0x0;
	[tilespmem:v23+s31+$0x0] =	vst.idx.msk $0xffff, v19;
	v19 =	vld [tilespmem:s12+$0x40];
	v63 =	vadd.s32 v13, v29  }
0x1f7: {  	v34 =	vld [tilespmem:s12+$0x50];
	s8 =	sadd.s32 $0x100, s12;
	v38 =	vmov s13;
	v27 =	vshll.u32 v62, v1;
	v35 =	vadd.s32 v14, v29;
	[tilespmem:v26+s31+$0x0] =	vst.idx.msk $0xffff, v24  }
0x1f8: {  	s14 =	sadd.s32 $0x3, s7;
	v37 =	vld [tilespmem:s8+$0x60];
	v36 =	vshrl.u32 v33, $0x3;
	v27 =	vbroadcast v27, $0x0;
	v31 =	vadd.s32 v15, v28;
	[tilespmem:v22+s31+$0x0] =	vst.idx.msk $0xffff, v18  }
0x1f9: {  	v39 =	vld [tilespmem:s8+$0x70];
	v43 =	vmov s14;
	v18 =	vshll.u32 v36, v1;
	v28 =	vadd.s32 v16, v28;
	[tilespmem:v60+s31+$0x0] =	vst.idx.msk $0xffff, v59  }
0x1fa: {  	s15 =	sadd.s32 $0x4, s7;
	v40 =	vld [tilespmem:s8+$0xFFFFFF80];
	v22 =	vshrl.u32 v38, $0x3;
	v41 =	vadd.s32 v0, v27;
	v18 =	vbroadcast v18, $0x0;
	[tilespmem:v61+s31+$0x0] =	vst.idx.msk $0xffff, v17  }
0x1fb: {  	v47 =	vmov s15;
	v42 =	vadd.s32 v2, v27;
	v22 =	vshll.u32 v22, v1;
	v17 =	vld [tilespmem:s8+$0xFFFFFF90];
	[tilespmem:v63+s31+$0x0] =	vst.idx.msk $0xffff, v19  }
0x1fc: {  	s18 =	sadd.s32 $0x5, s7;
	v27 =	vshrl.u32 v43, $0x3;
	v22 =	vbroadcast v22, $0x0;
	v19 =	vld [tilespmem:s8+$0xFFFFFFA0];
	v44 =	vadd.s32 v3, v18;
	[tilespmem:v35+s31+$0x0] =	vst.idx.msk $0xffff, v34  }
0x1fd: {  	v45 =	vld [tilespmem:s8+$0xFFFFFFB0];
	v52 =	vmov s18;
	v46 =	vshll.u32 v27, v1;
	v18 =	vadd.s32 v4, v18;
	[tilespmem:v31+s31+$0x0] =	vst.idx.msk $0xffff, v37  }
0x1fe: {  	v48 =	vld [tilespmem:s8+$0xFFFFFFC0];
	v27 =	vshrl.u32 v47, $0x3;
	v26 =	vbroadcast v46, $0x0;
	v49 =	vadd.s32 v5, v22;
	[tilespmem:v28+s31+$0x0] =	vst.idx.msk $0xffff, v39  }
0x1ff: {  	v50 =	vld [tilespmem:s8+$0xFFFFFFD0];
	v51 =	vshll.u32 v27, v1;
	v27 =	vshrl.u32 v52, $0x3;
	v22 =	vadd.s32 v6, v22;
	[tilespmem:v41+s31+$0x0] =	vst.idx.msk $0xffff, v40  }
0x200: {  	s19 =	sadd.s32 $0x6, s7;
	v25 =	vbroadcast v51, $0x0;
	v55 =	vshll.u32 v27, v1;
	v53 =	vadd.s32 v7, v26;
	[tilespmem:v42+s31+$0x0] =	vst.idx.msk $0xffff, v17;
	v17 =	vld [tilespmem:s8+$0xFFFFFFE0]  }
0x201: {  	v56 =	vmov s19;
	v54 =	vadd.s32 v8, v26;
	v26 =	vbroadcast v55, $0x0;
	[tilespmem:v44+s31+$0x0] =	vst.idx.msk $0xffff, v19;
	v19 =	vld [tilespmem:s8+$0xFFFFFFF0]  }
0x202: {  	v27 =	vshrl.u32 v56, $0x3;
	v57 =	vadd.s32 v9, v25;
	[tilespmem:v18+s31+$0x0] =	vst.idx.msk $0xffff, v45;
	v18 =	vld [tilespmem:s8+$0x0]  }
0x203: {  	v59 =	vld [tilespmem:s8+$0x20];
	v27 =	vshll.u32 v27, v1;
	v60 =	vadd.s32 v11, v26;
	[tilespmem:v49+s31+$0x0] =	vst.idx.msk $0xffff, v48  }
0x204: {  	v58 =	vld [tilespmem:s8+$0x10];
	v25 =	vadd.s32 v10, v25;
	v27 =	vbroadcast v27, $0x0;
	[tilespmem:v22+s31+$0x0] =	vst.idx.msk $0xffff, v50  }
0x205: {  	v61 =	vadd.s32 v12, v26;
	[tilespmem:v53+s31+$0x0] =	vst.idx.msk $0xffff, v17;
	v17 =	vld [tilespmem:s8+$0x30]  }
0x206: {  	v62 =	vadd.s32 v13, v27;
	[tilespmem:v54+s31+$0x0] =	vst.idx.msk $0xffff, v19;
	v19 =	vld [tilespmem:s8+$0x40]  }
0x207: {  	v63 =	vadd.s32 v14, v27;
	[tilespmem:v57+s31+$0x0] =	vst.idx.msk $0xffff, v18;
	v18 =	vld [tilespmem:s8+$0x50]  }
0x208: {  	[tilespmem:v60+s31+$0x0] =	vst.idx.msk $0xffff, v59  }
0x209: {  	[tilespmem:v25+s31+$0x0] =	vst.idx.msk $0xffff, v58  }
0x20a: {  	[tilespmem:v61+s31+$0x0] =	vst.idx.msk $0xffff, v17  }
0x20b: {  	[tilespmem:v62+s31+$0x0] =	vst.idx.msk $0xffff, v19  }
0x20c: {  	s7 =	simm.s32 $0x9400;
	[tilespmem:v63+s31+$0x0] =	vst.idx.msk $0xffff, v18  }
0x20d: {  	s5 =	simm.s32 $0x0;
	s8 =	simm.s32 $0x0;
	s11 =	rddreg [dreg:$0xa]  }
.LBB2_32:
0x20e: {  	p0 =	sne.s32 s8, $0xF800  }
.Ltmp15:
0x20f: {  	_ = 	snop;
	(pc) =	sbr.rel @p0 .LBB2_32-.Ltmp15, $4  }
0x210: {  	_ = 	snop  }
0x211: {  	s10 =	sadd.s32 s8, s11  }
0x212: {  	[hbm4b:s10+s5] =	stream.linear.scatter [tilespmem:s7], [sflag:$0x3], $0x200, $0x38;
	[tilespmem:$0x11600] =	vst v63  }
0x213: {  	s8 =	sadd.s32 $0x800, s8;
	s7 =	sadd.s32 $0x208, s7  }
0x214: {  	s5 =	simm.s32 $0x30;
	s7 =	simm.s32 $0x0  }
0x215: {  	s8 =	simm.s32 $0x10;
	s7 =	sand.u32 $0xC00, s7;
	s5 =	sand.u32 $0x70, s5  }
0x216: {  	s10 =	simm.s32 $0x0;
	s8 =	sand.u32 $0x50, s8;
	s5 =	sor.u32 s5, s7  }
0x217: {  	s11 =	simm.s32 $0x20;
	s12 =	sand.u32 $0x40, s10;
	s8 =	sor.u32 s8, s7;
	v17 =	vld [tilespmem:s5+$0x300]  }
0x218: {  	s13 =	sand.u32 $0x60, s11;
	s5 =	sor.u32 s12, s7;
	v18 =	vld [tilespmem:s8+$0x300]  }
0x219: {  	s7 =	sor.u32 s13, s7;
	v19 =	vld [tilespmem:s5+$0x300]  }
0x21a: {  	v20 =	vld [tilespmem:s7+$0x300]  }
0x21b: {  	s14 =	simm.s32 $0x200;
	s18 =	simm.s32 $0x50;
	s8 =	simm.s32 $0x70  }
0x21c: {  	s11 =	sand.u32 $0x50, s18;
	s5 =	sand.u32 $0xC00, s14;
	s15 =	sand.u32 $0x70, s8;
	vm0 =	vlt.u32 v17, $0xF4240  }
0x21d: {  	s12 =	simm.s32 $0x40;
	s7 =	simm.s32 $0x1020;
	s10 =	sor.u32 s15, s5;
	vm14 =	vlt.u32 v18, $0xF4240;
	v21 =	vnsel vm0, $0x0, v17  }
0x21e: {  	s13 =	simm.s32 $0x60;
	s19 =	sand.u32 $0x40, s12;
	s11 =	sor.u32 s11, s5;
	v17 =	vld [tilespmem:s10+$0x300];
	vm1 =	vlt.u32 v19, $0xF4240;
	[tilespmem:s7+$0x10] =	vst v21;
	v21 =	vnsel vm14, $0x0, v18  }
0x21f: {  	s13 =	sand.u32 $0x60, s13;
	s14 =	sor.u32 s19, s5;
	vm15 =	vlt.u32 v20, $0xF4240;
	v18 =	vld [tilespmem:s11+$0x300];
	v22 =	vnsel vm1, $0x0, v19;
	[tilespmem:s7+$0xFFFFFFF0] =	vst v21  }
0x220: {  	s12 =	simm.s32 $0x4;
	s10 =	sor.u32 s13, s5;
	s13 =	simm.s32 $0x1000;
	v19 =	vld [tilespmem:s14+$0x300];
	v20 =	vnsel vm15, $0x0, v20;
	[tilespmem:s7+$0xFFFFFFE0] =	vst v22  }
.LBB2_34:
0x221: {  	s5 =	sshrl.u32 s13, $0x2  }
0x222: {  	s12 =	sadd.s32 $0x4, s12;
	v21 =	vld [tilespmem:s10+$0x300];
	s8 =	sadd.s32 $0x40, s8;
	[tilespmem:s7+$0x0] =	vst v20;
	s7 =	sadd.s32 $0x40, s7  }
0x223: {  	s5 =	sand.u32 $0xC00, s5;
	s10 =	sand.u32 $0x70, s8;
	p0 =	slt.u32 s12, $0x1C;
	vm0 =	vlt.u32 v17, $0xF4240  }
.Ltmp16:
0x224: {  	s11 =	sadd.s32 $0xFFFFFFE0, s8;
	s10 =	sor.u32 s10, s5;
	v20 =	vnsel vm0, $0x0, v17;
	(pc) =	sbr.rel @p0 .LBB2_34-.Ltmp16, $4  }
0x225: {  	s14 =	sadd.s32 $0xFFFFFFD0, s8;
	s15 =	sadd.s32 $0xFFFFFFF0, s8;
	s11 =	sand.u32 $0x50, s11;
	v17 =	vld [tilespmem:s10+$0x300];
	vm0 =	vlt.u32 v18, $0xF4240;
	[tilespmem:s7+$0x10] =	vst v20  }
0x226: {  	s10 =	sand.u32 $0x40, s14;
	s11 =	sor.u32 s11, s5;
	s14 =	sand.u32 $0x60, s15;
	vm1 =	vlt.u32 v19, $0xF4240;
	v20 =	vnsel vm0, $0x0, v18  }
0x227: {  	s15 =	sor.u32 s10, s5;
	s10 =	sor.u32 s14, s5;
	v18 =	vld [tilespmem:s11+$0x300];
	v22 =	vnsel vm1, $0x0, v19;
	[tilespmem:s7+$0xFFFFFFF0] =	vst v20;
	vm0 =	vlt.u32 v21, $0xF4240  }
0x228: {  	s13 =	sadd.s32 $0x800, s13;
	v19 =	vld [tilespmem:s15+$0x300];
	[tilespmem:s7+$0xFFFFFFE0] =	vst v22;
	v20 =	vnsel vm0, $0x0, v21  }
0x229: {  	v21 =	vld [tilespmem:s10+$0x300];
	_ =	sdelay $0x1  }
0x22a: {  	vm0 =	vlt.u32 v17, $0xF4240  }
0x22b: {  	[tilespmem:s7+$0x0] =	vst v20;
	s5 =	sadd.s32 $0x40, s7;
	v17 =	vnsel vm0, $0x0, v17;
	vm14 =	vlt.u32 v18, $0xF4240  }
0x22c: {  	[tilespmem:s5+$0x10] =	vst v17;
	vm1 =	vlt.u32 v19, $0xF4240;
	v17 =	vnsel vm14, $0x0, v18  }
0x22d: {  	v18 =	vnsel vm1, $0x0, v19;
	[tilespmem:s5+$0xFFFFFFF0] =	vst v17;
	vm15 =	vlt.u32 v21, $0xF4240  }
0x22e: {  	[tilespmem:s5+$0xFFFFFFE0] =	vst v18;
	v17 =	vnsel vm15, $0x0, v21  }
0x22f: {  	[tilespmem:s5+$0x0] =	vst v17  }
0x230: {  	[tilespmem:s26], [sflag:$0x1] =	stream.indirect.gather [hbm4b:s1+s24], $0x20, s25, s24, $0xb8;
	[tilespmem:$0x11600] =	vst v63  }
0x231: {  	s7 =	simm.s32 $0x7;
	_ =	swait.ge [sflag:s0], $0x4000  }
0x232: {  	s8 =	simm.s32 $0x0;
	v17 =	vmov s7;
	[sflag:s0] =	ssyncset.done $0x0  }
0x233: {  	v18 =	vmov s8;
	v17 =	vshrl.u32 v17, $0x3;
	[sflag:s0] =	ssyncadd.s32 $0xFFFFC000  }
0x234: {  	v18 =	vshrl.u32 v18, $0x3;
	v17 =	vshll.u32 v17, v1;
	_ =	swait.ge [sflag:s9], $0x4000  }
0x235: {  	s10 =	simm.s32 $0x1;
	s11 =	simm.s32 $0x2;
	v18 =	vshll.u32 v18, v1;
	v17 =	vbroadcast v17, $0x0;
	[sflag:s9] =	ssyncset.done $0x0  }
0x236: {  	s12 =	simm.s32 $0x5480;
	v22 =	vmov s11;
	v19 =	vmov s10;
	v18 =	vbroadcast v18, $0x0;
	[sflag:s9] =	ssyncadd.s32 $0xFFFFC000  }
0x237: {  	v22 =	vshrl.u32 v22, $0x3;
	v19 =	vshrl.u32 v19, $0x3;
	v21 =	vadd.s32 v15, v17;
	v20 =	vld [tilespmem:s12+$0x60]  }
0x238: {  	v22 =	vshll.u32 v22, v1;
	v19 =	vshll.u32 v19, v1;
	v25 =	vadd.s32 v0, v18;
	v24 =	vld [tilespmem:s12+$0xFFFFFF80]  }
0x239: {  	s13 =	simm.s32 $0x3;
	v22 =	vbroadcast v22, $0x0;
	v19 =	vbroadcast v19, $0x0;
	v17 =	vadd.s32 v16, v17;
	v23 =	vld [tilespmem:s12+$0x70]  }
0x23a: {  	v27 =	vmov s13;
	v18 =	vadd.s32 v2, v18;
	v26 =	vld [tilespmem:s12+$0xFFFFFF90]  }
0x23b: {  	s14 =	simm.s32 $0x4;
	v27 =	vshrl.u32 v27, $0x3;
	v33 =	vadd.s32 v5, v22;
	v29 =	vadd.s32 v3, v19;
	v28 =	vld [tilespmem:s12+$0xFFFFFFA0]  }
0x23c: {  	v31 =	vadd.s32 v4, v19;
	v19 =	vshll.u32 v27, v1;
	v27 =	vmov s14;
	v32 =	vld [tilespmem:s12+$0xFFFFFFC0];
	[tilespmem:v21+s2+$0x0] =	vst.idx.msk $0xffff, v20  }
0x23d: {  	s15 =	simm.s32 $0x5;
	v34 =	vbroadcast v19, $0x0;
	v19 =	vshrl.u32 v27, $0x3;
	v30 =	vld [tilespmem:s12+$0xFFFFFFB0];
	[tilespmem:v25+s2+$0x0] =	vst.idx.msk $0xffff, v24  }
0x23e: {  	v19 =	vshll.u32 v19, v1;
	v20 =	vld [tilespmem:s12+$0xFFFFFFD0];
	v25 =	vadd.s32 v6, v22;
	v22 =	vmov s15;
	[tilespmem:v17+s2+$0x0] =	vst.idx.msk $0xffff, v23  }
0x23f: {  	s18 =	simm.s32 $0x6;
	v35 =	vbroadcast v19, $0x0;
	v21 =	vadd.s32 v7, v34;
	[tilespmem:v18+s2+$0x0] =	vst.idx.msk $0xffff, v26;
	v17 =	vld [tilespmem:s12+$0xFFFFFFE0];
	v18 =	vshrl.u32 v22, $0x3  }
0x240: {  	v19 =	vld [tilespmem:s12+$0xFFFFFFF0];
	[tilespmem:v29+s2+$0x0] =	vst.idx.msk $0xffff, v28;
	v23 =	vadd.s32 v8, v34;
	v22 =	vmov s18;
	v18 =	vshll.u32 v18, v1  }
0x241: {  	s19 =	simm.s32 $0xF;
	v24 =	vld [tilespmem:s12+$0x0];
	[tilespmem:v33+s2+$0x0] =	vst.idx.msk $0xffff, v32;
	v26 =	vadd.s32 v9, v35;
	v29 =	vshrl.u32 v22, $0x3;
	v27 =	vbroadcast v18, $0x0  }
0x242: {  	s8 =	simm.s32 $0x10;
	s7 =	simm.s32 $0x8;
	v28 =	vmov s19;
	[tilespmem:v31+s2+$0x0] =	vst.idx.msk $0xffff, v30;
	v22 =	vadd.s32 v10, v35;
	v18 =	vld [tilespmem:s12+$0x10];
	v29 =	vshll.u32 v29, v1  }
.LBB2_36:
0x243: {  	p0 =	slt.u32 s8, $0x1F8;
	v28 =	vshrl.u32 v28, $0x3;
	[tilespmem:v25+s2+$0x0] =	vst.idx.msk $0xffff, v20;
	v20 =	vld [tilespmem:s12+$0x20];
	v25 =	vadd.s32 v11, v27;
	v29 =	vbroadcast v29, $0x0  }
0x244: {  	v30 =	vmov s7;
	v28 =	vshll.u32 v28, v1;
	[tilespmem:v21+s2+$0x0] =	vst.idx.msk $0xffff, v17;
	v17 =	vld [tilespmem:s12+$0x30];
	v21 =	vadd.s32 v12, v27  }
0x245: {  	s5 =	sadd.s32 $0x1, s7;
	v27 =	vshrl.u32 v30, $0x3;
	v28 =	vbroadcast v28, $0x0;
	[tilespmem:v23+s2+$0x0] =	vst.idx.msk $0xffff, v19;
	v19 =	vld [tilespmem:s12+$0x40];
	v23 =	vadd.s32 v13, v29  }
0x246: {  	v30 =	vmov s5;
	v27 =	vshll.u32 v27, v1;
	[tilespmem:v26+s2+$0x0] =	vst.idx.msk $0xffff, v24;
	v24 =	vld [tilespmem:s12+$0x50];
	v26 =	vadd.s32 v14, v29;
	s12 =	sadd.s32 $0x100, s12  }
0x247: {  	s5 =	sadd.s32 $0x2, s7;
	v27 =	vbroadcast v27, $0x0;
	v29 =	vshrl.u32 v30, $0x3;
	v30 =	vld [tilespmem:s12+$0x60];
	v31 =	vadd.s32 v15, v28;
	[tilespmem:v22+s2+$0x0] =	vst.idx.msk $0xffff, v18  }
0x248: {  	v18 =	vshll.u32 v29, v1;
	v22 =	vmov s5;
	v28 =	vadd.s32 v16, v28;
	v29 =	vld [tilespmem:s12+$0x70];
	[tilespmem:v25+s2+$0x0] =	vst.idx.msk $0xffff, v20  }
0x249: {  	s5 =	sadd.s32 $0x3, s7;
	v25 =	vadd.s32 v0, v27;
	v18 =	vbroadcast v18, $0x0;
	v22 =	vshrl.u32 v22, $0x3;
	v20 =	vld [tilespmem:s12+$0xFFFFFF80];
	[tilespmem:v21+s2+$0x0] =	vst.idx.msk $0xffff, v17  }
0x24a: {  	v21 =	vadd.s32 v2, v27;
	v22 =	vshll.u32 v22, v1;
	v27 =	vmov s5;
	v17 =	vld [tilespmem:s12+$0xFFFFFF90];
	[tilespmem:v23+s2+$0x0] =	vst.idx.msk $0xffff, v19  }
0x24b: {  	s5 =	sadd.s32 $0x4, s7;
	v23 =	vadd.s32 v3, v18;
	v22 =	vbroadcast v22, $0x0;
	v27 =	vshrl.u32 v27, $0x3;
	v19 =	vld [tilespmem:s12+$0xFFFFFFA0];
	[tilespmem:v26+s2+$0x0] =	vst.idx.msk $0xffff, v24  }
0x24c: {  	v18 =	vadd.s32 v4, v18;
	v26 =	vshll.u32 v27, v1;
	v27 =	vmov s5;
	v24 =	vld [tilespmem:s12+$0xFFFFFFB0];
	[tilespmem:v31+s2+$0x0] =	vst.idx.msk $0xffff, v30  }
0x24d: {  	s5 =	sadd.s32 $0x5, s7;
	v31 =	vadd.s32 v5, v22;
	v26 =	vbroadcast v26, $0x0;
	v27 =	vshrl.u32 v27, $0x3;
	v30 =	vld [tilespmem:s12+$0xFFFFFFC0];
	[tilespmem:v28+s2+$0x0] =	vst.idx.msk $0xffff, v29  }
.Ltmp17:
0x24e: {  	[tilespmem:v25+s2+$0x0] =	vst.idx.msk $0xffff, v20;
	v20 =	vld [tilespmem:s12+$0xFFFFFFD0];
	v25 =	vadd.s32 v6, v22;
	v22 =	vshll.u32 v27, v1;
	v27 =	vmov s5;
	(pc) =	sbr.rel @p0 .LBB2_36-.Ltmp17, $4  }
0x24f: {  	s5 =	sadd.s32 $0x6, s7;
	s7 =	smov.u32 s8;
	[tilespmem:v21+s2+$0x0] =	vst.idx.msk $0xffff, v17;
	v17 =	vld [tilespmem:s12+$0xFFFFFFE0];
	v21 =	vadd.s32 v7, v26;
	v22 =	vbroadcast v22, $0x0;
	v27 =	vshrl.u32 v27, $0x3  }
0x250: {  	v28 =	vmov s5;
	[tilespmem:v23+s2+$0x0] =	vst.idx.msk $0xffff, v19;
	v19 =	vld [tilespmem:s12+$0xFFFFFFF0];
	v23 =	vadd.s32 v8, v26;
	v27 =	vshll.u32 v27, v1  }
0x251: {  	s5 =	sadd.s32 $0x7, s8;
	v29 =	vshrl.u32 v28, $0x3;
	[tilespmem:v18+s2+$0x0] =	vst.idx.msk $0xffff, v24;
	v24 =	vld [tilespmem:s12+$0x0];
	v26 =	vadd.s32 v9, v22;
	v27 =	vbroadcast v27, $0x0  }
0x252: {  	s8 =	sadd.s32 $0x8, s8;
	v28 =	vmov s5;
	v22 =	vadd.s32 v10, v22;
	v29 =	vshll.u32 v29, v1;
	[tilespmem:v31+s2+$0x0] =	vst.idx.msk $0xffff, v30;
	v18 =	vld [tilespmem:s12+$0x10]  }
0x253: {  	_ =	sdelay $0x2  }
0x254: {  	v28 =	vshrl.u32 v28, $0x3  }
0x255: {  	[tilespmem:v25+s2+$0x0] =	vst.idx.msk $0xffff, v20;
	v59 =	vld [tilespmem:s12+$0x20];
	v60 =	vadd.s32 v11, v27;
	v29 =	vbroadcast v29, $0x0;
	v30 =	vmov s7  }
0x256: {  	v61 =	vadd.s32 v12, v27;
	s5 =	sadd.s32 $0x1, s7;
	v28 =	vshll.u32 v28, v1;
	[tilespmem:v21+s2+$0x0] =	vst.idx.msk $0xffff, v17;
	v17 =	vld [tilespmem:s12+$0x30];
	v62 =	vshrl.u32 v30, $0x3  }
0x257: {  	s13 =	sadd.s32 $0x2, s7;
	v33 =	vmov s5;
	v28 =	vbroadcast v28, $0x0;
	[tilespmem:v23+s2+$0x0] =	vst.idx.msk $0xffff, v19;
	v19 =	vld [tilespmem:s12+$0x40];
	v63 =	vadd.s32 v13, v29  }
0x258: {  	v34 =	vld [tilespmem:s12+$0x50];
	s8 =	sadd.s32 $0x100, s12;
	v38 =	vmov s13;
	v27 =	vshll.u32 v62, v1;
	v35 =	vadd.s32 v14, v29;
	[tilespmem:v26+s2+$0x0] =	vst.idx.msk $0xffff, v24  }
0x259: {  	s14 =	sadd.s32 $0x3, s7;
	v37 =	vld [tilespmem:s8+$0x60];
	v36 =	vshrl.u32 v33, $0x3;
	v27 =	vbroadcast v27, $0x0;
	v31 =	vadd.s32 v15, v28;
	[tilespmem:v22+s2+$0x0] =	vst.idx.msk $0xffff, v18  }
0x25a: {  	v39 =	vld [tilespmem:s8+$0x70];
	v43 =	vmov s14;
	v18 =	vshll.u32 v36, v1;
	v28 =	vadd.s32 v16, v28;
	[tilespmem:v60+s2+$0x0] =	vst.idx.msk $0xffff, v59  }
0x25b: {  	s15 =	sadd.s32 $0x4, s7;
	v40 =	vld [tilespmem:s8+$0xFFFFFF80];
	v22 =	vshrl.u32 v38, $0x3;
	v41 =	vadd.s32 v0, v27;
	v18 =	vbroadcast v18, $0x0;
	[tilespmem:v61+s2+$0x0] =	vst.idx.msk $0xffff, v17  }
0x25c: {  	v47 =	vmov s15;
	v42 =	vadd.s32 v2, v27;
	v22 =	vshll.u32 v22, v1;
	v17 =	vld [tilespmem:s8+$0xFFFFFF90];
	[tilespmem:v63+s2+$0x0] =	vst.idx.msk $0xffff, v19  }
0x25d: {  	s18 =	sadd.s32 $0x5, s7;
	v27 =	vshrl.u32 v43, $0x3;
	v22 =	vbroadcast v22, $0x0;
	v19 =	vld [tilespmem:s8+$0xFFFFFFA0];
	v44 =	vadd.s32 v3, v18;
	[tilespmem:v35+s2+$0x0] =	vst.idx.msk $0xffff, v34  }
0x25e: {  	v45 =	vld [tilespmem:s8+$0xFFFFFFB0];
	v52 =	vmov s18;
	v46 =	vshll.u32 v27, v1;
	v18 =	vadd.s32 v4, v18;
	[tilespmem:v31+s2+$0x0] =	vst.idx.msk $0xffff, v37  }
0x25f: {  	v48 =	vld [tilespmem:s8+$0xFFFFFFC0];
	v27 =	vshrl.u32 v47, $0x3;
	v26 =	vbroadcast v46, $0x0;
	v49 =	vadd.s32 v5, v22;
	[tilespmem:v28+s2+$0x0] =	vst.idx.msk $0xffff, v39  }
0x260: {  	v50 =	vld [tilespmem:s8+$0xFFFFFFD0];
	v51 =	vshll.u32 v27, v1;
	v27 =	vshrl.u32 v52, $0x3;
	v22 =	vadd.s32 v6, v22;
	[tilespmem:v41+s2+$0x0] =	vst.idx.msk $0xffff, v40  }
0x261: {  	s19 =	sadd.s32 $0x6, s7;
	v25 =	vbroadcast v51, $0x0;
	v55 =	vshll.u32 v27, v1;
	v53 =	vadd.s32 v7, v26;
	[tilespmem:v42+s2+$0x0] =	vst.idx.msk $0xffff, v17;
	v17 =	vld [tilespmem:s8+$0xFFFFFFE0]  }
0x262: {  	v56 =	vmov s19;
	v54 =	vadd.s32 v8, v26;
	v26 =	vbroadcast v55, $0x0;
	[tilespmem:v44+s2+$0x0] =	vst.idx.msk $0xffff, v19;
	v19 =	vld [tilespmem:s8+$0xFFFFFFF0]  }
0x263: {  	v27 =	vshrl.u32 v56, $0x3;
	v57 =	vadd.s32 v9, v25;
	[tilespmem:v18+s2+$0x0] =	vst.idx.msk $0xffff, v45;
	v18 =	vld [tilespmem:s8+$0x0]  }
0x264: {  	v59 =	vld [tilespmem:s8+$0x20];
	v27 =	vshll.u32 v27, v1;
	v60 =	vadd.s32 v11, v26;
	[tilespmem:v49+s2+$0x0] =	vst.idx.msk $0xffff, v48  }
0x265: {  	v58 =	vld [tilespmem:s8+$0x10];
	v25 =	vadd.s32 v10, v25;
	v27 =	vbroadcast v27, $0x0;
	[tilespmem:v22+s2+$0x0] =	vst.idx.msk $0xffff, v50  }
0x266: {  	v61 =	vadd.s32 v12, v26;
	[tilespmem:v53+s2+$0x0] =	vst.idx.msk $0xffff, v17;
	v17 =	vld [tilespmem:s8+$0x30]  }
0x267: {  	v62 =	vadd.s32 v13, v27;
	[tilespmem:v54+s2+$0x0] =	vst.idx.msk $0xffff, v19;
	v19 =	vld [tilespmem:s8+$0x40]  }
0x268: {  	v63 =	vadd.s32 v14, v27;
	[tilespmem:v57+s2+$0x0] =	vst.idx.msk $0xffff, v18;
	v18 =	vld [tilespmem:s8+$0x50]  }
0x269: {  	[tilespmem:v60+s2+$0x0] =	vst.idx.msk $0xffff, v59  }
0x26a: {  	[tilespmem:v25+s2+$0x0] =	vst.idx.msk $0xffff, v58  }
0x26b: {  	[tilespmem:v61+s2+$0x0] =	vst.idx.msk $0xffff, v17  }
0x26c: {  	[tilespmem:v62+s2+$0x0] =	vst.idx.msk $0xffff, v19  }
0x26d: {  	s7 =	simm.s32 $0xD500;
	[tilespmem:v63+s2+$0x0] =	vst.idx.msk $0xffff, v18  }
0x26e: {  	s5 =	simm.s32 $0x0;
	s8 =	simm.s32 $0x0;
	s11 =	rddreg [dreg:$0xd]  }
.LBB2_38:
0x26f: {  	p0 =	sne.s32 s8, $0xF800  }
.Ltmp18:
0x270: {  	_ = 	snop;
	(pc) =	sbr.rel @p0 .LBB2_38-.Ltmp18, $4  }
0x271: {  	_ = 	snop  }
0x272: {  	s10 =	sadd.s32 s8, s11  }
0x273: {  	[hbm4b:s10+s5] =	stream.linear.scatter [tilespmem:s7], [sflag:$0x4], $0x200, $0x38;
	[tilespmem:$0x11600] =	vst v63  }
0x274: {  	s8 =	sadd.s32 $0x800, s8;
	s7 =	sadd.s32 $0x208, s7  }
0x275: {  	s5 =	simm.s32 $0x30;
	s7 =	simm.s32 $0x0  }
0x276: {  	s8 =	simm.s32 $0x10;
	s7 =	sand.u32 $0xC00, s7;
	s5 =	sand.u32 $0x70, s5  }
0x277: {  	s10 =	simm.s32 $0x0;
	s8 =	sand.u32 $0x50, s8;
	s5 =	sor.u32 s5, s7  }
0x278: {  	s11 =	simm.s32 $0x20;
	s12 =	sand.u32 $0x40, s10;
	s8 =	sor.u32 s8, s7;
	v17 =	vld [tilespmem:s5+$0x380]  }
0x279: {  	s13 =	sand.u32 $0x60, s11;
	s5 =	sor.u32 s12, s7;
	v18 =	vld [tilespmem:s8+$0x380]  }
0x27a: {  	s7 =	sor.u32 s13, s7;
	v19 =	vld [tilespmem:s5+$0x380]  }
0x27b: {  	v20 =	vld [tilespmem:s7+$0x380]  }
0x27c: {  	s14 =	simm.s32 $0x200;
	s18 =	simm.s32 $0x50;
	s8 =	simm.s32 $0x70  }
0x27d: {  	s11 =	sand.u32 $0x50, s18;
	s5 =	sand.u32 $0xC00, s14;
	s15 =	sand.u32 $0x70, s8;
	vm0 =	vlt.u32 v17, $0xF4240  }
0x27e: {  	s12 =	simm.s32 $0x40;
	s7 =	simm.s32 $0x1220;
	s10 =	sor.u32 s15, s5;
	vm14 =	vlt.u32 v18, $0xF4240;
	v21 =	vnsel vm0, $0x0, v17  }
0x27f: {  	s13 =	simm.s32 $0x60;
	s19 =	sand.u32 $0x40, s12;
	s11 =	sor.u32 s11, s5;
	v17 =	vld [tilespmem:s10+$0x380];
	vm1 =	vlt.u32 v19, $0xF4240;
	[tilespmem:s7+$0x10] =	vst v21;
	v21 =	vnsel vm14, $0x0, v18  }
0x280: {  	s13 =	sand.u32 $0x60, s13;
	s14 =	sor.u32 s19, s5;
	vm15 =	vlt.u32 v20, $0xF4240;
	v18 =	vld [tilespmem:s11+$0x380];
	v22 =	vnsel vm1, $0x0, v19;
	[tilespmem:s7+$0xFFFFFFF0] =	vst v21  }
0x281: {  	s12 =	simm.s32 $0x4;
	s10 =	sor.u32 s13, s5;
	s13 =	simm.s32 $0x1000;
	v19 =	vld [tilespmem:s14+$0x380];
	v20 =	vnsel vm15, $0x0, v20;
	[tilespmem:s7+$0xFFFFFFE0] =	vst v22  }
.LBB2_40:
0x282: {  	s5 =	sshrl.u32 s13, $0x2  }
0x283: {  	s12 =	sadd.s32 $0x4, s12;
	v21 =	vld [tilespmem:s10+$0x380];
	s8 =	sadd.s32 $0x40, s8;
	[tilespmem:s7+$0x0] =	vst v20;
	s7 =	sadd.s32 $0x40, s7  }
0x284: {  	s5 =	sand.u32 $0xC00, s5;
	s10 =	sand.u32 $0x70, s8;
	p0 =	slt.u32 s12, $0x1C;
	vm0 =	vlt.u32 v17, $0xF4240  }
.Ltmp19:
0x285: {  	s11 =	sadd.s32 $0xFFFFFFE0, s8;
	s10 =	sor.u32 s10, s5;
	v20 =	vnsel vm0, $0x0, v17;
	(pc) =	sbr.rel @p0 .LBB2_40-.Ltmp19, $4  }
0x286: {  	s14 =	sadd.s32 $0xFFFFFFD0, s8;
	s15 =	sadd.s32 $0xFFFFFFF0, s8;
	s11 =	sand.u32 $0x50, s11;
	v17 =	vld [tilespmem:s10+$0x380];
	vm0 =	vlt.u32 v18, $0xF4240;
	[tilespmem:s7+$0x10] =	vst v20  }
0x287: {  	s10 =	sand.u32 $0x40, s14;
	s11 =	sor.u32 s11, s5;
	s14 =	sand.u32 $0x60, s15;
	vm1 =	vlt.u32 v19, $0xF4240;
	v20 =	vnsel vm0, $0x0, v18  }
0x288: {  	s15 =	sor.u32 s10, s5;
	s10 =	sor.u32 s14, s5;
	v18 =	vld [tilespmem:s11+$0x380];
	v22 =	vnsel vm1, $0x0, v19;
	[tilespmem:s7+$0xFFFFFFF0] =	vst v20;
	vm0 =	vlt.u32 v21, $0xF4240  }
0x289: {  	s13 =	sadd.s32 $0x800, s13;
	v19 =	vld [tilespmem:s15+$0x380];
	[tilespmem:s7+$0xFFFFFFE0] =	vst v22;
	v20 =	vnsel vm0, $0x0, v21  }
0x28a: {  	v21 =	vld [tilespmem:s10+$0x380];
	_ =	sdelay $0x1  }
0x28b: {  	vm0 =	vlt.u32 v17, $0xF4240  }
0x28c: {  	[tilespmem:s7+$0x0] =	vst v20;
	s5 =	sadd.s32 $0x40, s7;
	v17 =	vnsel vm0, $0x0, v17;
	vm14 =	vlt.u32 v18, $0xF4240  }
0x28d: {  	[tilespmem:s5+$0x10] =	vst v17;
	vm1 =	vlt.u32 v19, $0xF4240;
	v17 =	vnsel vm14, $0x0, v18  }
0x28e: {  	v18 =	vnsel vm1, $0x0, v19;
	[tilespmem:s5+$0xFFFFFFF0] =	vst v17;
	vm15 =	vlt.u32 v21, $0xF4240  }
0x28f: {  	[tilespmem:s5+$0xFFFFFFE0] =	vst v18;
	v17 =	vnsel vm15, $0x0, v21  }
0x290: {  	[tilespmem:s5+$0x0] =	vst v17  }
0x291: {  	[tilespmem:s29], [sflag:$0x2] =	stream.indirect.gather [hbm4b:s1+s24], $0x20, s28, s24, $0xb8;
	[tilespmem:$0x11600] =	vst v63  }
0x292: {  	s7 =	simm.s32 $0x7;
	_ =	swait.ge [sflag:s30], $0x4000  }
0x293: {  	s8 =	simm.s32 $0x0;
	v17 =	vmov s7;
	[sflag:s30] =	ssyncset.done $0x0  }
0x294: {  	v18 =	vmov s8;
	v17 =	vshrl.u32 v17, $0x3;
	[sflag:s30] =	ssyncadd.s32 $0xFFFFC000  }
0x295: {  	v18 =	vshrl.u32 v18, $0x3;
	v17 =	vshll.u32 v17, v1;
	_ =	swait.ge [sflag:s22], $0x4000  }
0x296: {  	s10 =	simm.s32 $0x1;
	s11 =	simm.s32 $0x2;
	v18 =	vshll.u32 v18, v1;
	v17 =	vbroadcast v17, $0x0;
	[sflag:s22] =	ssyncset.done $0x0  }
0x297: {  	s12 =	simm.s32 $0x1480;
	v22 =	vmov s11;
	v19 =	vmov s10;
	v18 =	vbroadcast v18, $0x0;
	[sflag:s22] =	ssyncadd.s32 $0xFFFFC000  }
0x298: {  	v22 =	vshrl.u32 v22, $0x3;
	v19 =	vshrl.u32 v19, $0x3;
	v21 =	vadd.s32 v15, v17;
	v20 =	vld [tilespmem:s12+$0x60]  }
0x299: {  	v22 =	vshll.u32 v22, v1;
	v19 =	vshll.u32 v19, v1;
	v25 =	vadd.s32 v0, v18;
	v24 =	vld [tilespmem:s12+$0xFFFFFF80]  }
0x29a: {  	s13 =	simm.s32 $0x3;
	v22 =	vbroadcast v22, $0x0;
	v19 =	vbroadcast v19, $0x0;
	v17 =	vadd.s32 v16, v17;
	v23 =	vld [tilespmem:s12+$0x70]  }
0x29b: {  	v27 =	vmov s13;
	v18 =	vadd.s32 v2, v18;
	v26 =	vld [tilespmem:s12+$0xFFFFFF90]  }
0x29c: {  	s14 =	simm.s32 $0x4;
	v27 =	vshrl.u32 v27, $0x3;
	v33 =	vadd.s32 v5, v22;
	v29 =	vadd.s32 v3, v19;
	v28 =	vld [tilespmem:s12+$0xFFFFFFA0]  }
0x29d: {  	v31 =	vadd.s32 v4, v19;
	v19 =	vshll.u32 v27, v1;
	v27 =	vmov s14;
	v32 =	vld [tilespmem:s12+$0xFFFFFFC0];
	[tilespmem:v21+s31+$0x0] =	vst.idx.msk $0xffff, v20  }
0x29e: {  	s15 =	simm.s32 $0x5;
	v34 =	vbroadcast v19, $0x0;
	v19 =	vshrl.u32 v27, $0x3;
	v30 =	vld [tilespmem:s12+$0xFFFFFFB0];
	[tilespmem:v25+s31+$0x0] =	vst.idx.msk $0xffff, v24  }
0x29f: {  	v19 =	vshll.u32 v19, v1;
	v20 =	vld [tilespmem:s12+$0xFFFFFFD0];
	v25 =	vadd.s32 v6, v22;
	v22 =	vmov s15;
	[tilespmem:v17+s31+$0x0] =	vst.idx.msk $0xffff, v23  }
0x2a0: {  	s18 =	simm.s32 $0x6;
	v35 =	vbroadcast v19, $0x0;
	v21 =	vadd.s32 v7, v34;
	[tilespmem:v18+s31+$0x0] =	vst.idx.msk $0xffff, v26;
	v17 =	vld [tilespmem:s12+$0xFFFFFFE0];
	v18 =	vshrl.u32 v22, $0x3  }
0x2a1: {  	v19 =	vld [tilespmem:s12+$0xFFFFFFF0];
	[tilespmem:v29+s31+$0x0] =	vst.idx.msk $0xffff, v28;
	v23 =	vadd.s32 v8, v34;
	v22 =	vmov s18;
	v18 =	vshll.u32 v18, v1  }
0x2a2: {  	s19 =	simm.s32 $0xF;
	v24 =	vld [tilespmem:s12+$0x0];
	[tilespmem:v33+s31+$0x0] =	vst.idx.msk $0xffff, v32;
	v26 =	vadd.s32 v9, v35;
	v29 =	vshrl.u32 v22, $0x3;
	v27 =	vbroadcast v18, $0x0  }
0x2a3: {  	s8 =	simm.s32 $0x10;
	s7 =	simm.s32 $0x8;
	v28 =	vmov s19;
	[tilespmem:v31+s31+$0x0] =	vst.idx.msk $0xffff, v30;
	v22 =	vadd.s32 v10, v35;
	v18 =	vld [tilespmem:s12+$0x10];
	v29 =	vshll.u32 v29, v1  }
.LBB2_42:
0x2a4: {  	p0 =	slt.u32 s8, $0x1F8;
	v28 =	vshrl.u32 v28, $0x3;
	[tilespmem:v25+s31+$0x0] =	vst.idx.msk $0xffff, v20;
	v20 =	vld [tilespmem:s12+$0x20];
	v25 =	vadd.s32 v11, v27;
	v29 =	vbroadcast v29, $0x0  }
0x2a5: {  	v30 =	vmov s7;
	v28 =	vshll.u32 v28, v1;
	[tilespmem:v21+s31+$0x0] =	vst.idx.msk $0xffff, v17;
	v17 =	vld [tilespmem:s12+$0x30];
	v21 =	vadd.s32 v12, v27  }
0x2a6: {  	s5 =	sadd.s32 $0x1, s7;
	v27 =	vshrl.u32 v30, $0x3;
	v28 =	vbroadcast v28, $0x0;
	[tilespmem:v23+s31+$0x0] =	vst.idx.msk $0xffff, v19;
	v19 =	vld [tilespmem:s12+$0x40];
	v23 =	vadd.s32 v13, v29  }
0x2a7: {  	v30 =	vmov s5;
	v27 =	vshll.u32 v27, v1;
	[tilespmem:v26+s31+$0x0] =	vst.idx.msk $0xffff, v24;
	v24 =	vld [tilespmem:s12+$0x50];
	v26 =	vadd.s32 v14, v29;
	s12 =	sadd.s32 $0x100, s12  }
0x2a8: {  	s5 =	sadd.s32 $0x2, s7;
	v27 =	vbroadcast v27, $0x0;
	v29 =	vshrl.u32 v30, $0x3;
	v30 =	vld [tilespmem:s12+$0x60];
	v31 =	vadd.s32 v15, v28;
	[tilespmem:v22+s31+$0x0] =	vst.idx.msk $0xffff, v18  }
0x2a9: {  	v18 =	vshll.u32 v29, v1;
	v22 =	vmov s5;
	v28 =	vadd.s32 v16, v28;
	v29 =	vld [tilespmem:s12+$0x70];
	[tilespmem:v25+s31+$0x0] =	vst.idx.msk $0xffff, v20  }
0x2aa: {  	s5 =	sadd.s32 $0x3, s7;
	v25 =	vadd.s32 v0, v27;
	v18 =	vbroadcast v18, $0x0;
	v22 =	vshrl.u32 v22, $0x3;
	v20 =	vld [tilespmem:s12+$0xFFFFFF80];
	[tilespmem:v21+s31+$0x0] =	vst.idx.msk $0xffff, v17  }
0x2ab: {  	v21 =	vadd.s32 v2, v27;
	v22 =	vshll.u32 v22, v1;
	v27 =	vmov s5;
	v17 =	vld [tilespmem:s12+$0xFFFFFF90];
	[tilespmem:v23+s31+$0x0] =	vst.idx.msk $0xffff, v19  }
0x2ac: {  	s5 =	sadd.s32 $0x4, s7;
	v23 =	vadd.s32 v3, v18;
	v22 =	vbroadcast v22, $0x0;
	v27 =	vshrl.u32 v27, $0x3;
	v19 =	vld [tilespmem:s12+$0xFFFFFFA0];
	[tilespmem:v26+s31+$0x0] =	vst.idx.msk $0xffff, v24  }
0x2ad: {  	v18 =	vadd.s32 v4, v18;
	v26 =	vshll.u32 v27, v1;
	v27 =	vmov s5;
	v24 =	vld [tilespmem:s12+$0xFFFFFFB0];
	[tilespmem:v31+s31+$0x0] =	vst.idx.msk $0xffff, v30  }
0x2ae: {  	s5 =	sadd.s32 $0x5, s7;
	v31 =	vadd.s32 v5, v22;
	v26 =	vbroadcast v26, $0x0;
	v27 =	vshrl.u32 v27, $0x3;
	v30 =	vld [tilespmem:s12+$0xFFFFFFC0];
	[tilespmem:v28+s31+$0x0] =	vst.idx.msk $0xffff, v29  }
.Ltmp20:
0x2af: {  	[tilespmem:v25+s31+$0x0] =	vst.idx.msk $0xffff, v20;
	v20 =	vld [tilespmem:s12+$0xFFFFFFD0];
	v25 =	vadd.s32 v6, v22;
	v22 =	vshll.u32 v27, v1;
	v27 =	vmov s5;
	(pc) =	sbr.rel @p0 .LBB2_42-.Ltmp20, $4  }
0x2b0: {  	s5 =	sadd.s32 $0x6, s7;
	s7 =	smov.u32 s8;
	[tilespmem:v21+s31+$0x0] =	vst.idx.msk $0xffff, v17;
	v17 =	vld [tilespmem:s12+$0xFFFFFFE0];
	v21 =	vadd.s32 v7, v26;
	v22 =	vbroadcast v22, $0x0;
	v27 =	vshrl.u32 v27, $0x3  }
0x2b1: {  	v28 =	vmov s5;
	[tilespmem:v23+s31+$0x0] =	vst.idx.msk $0xffff, v19;
	v19 =	vld [tilespmem:s12+$0xFFFFFFF0];
	v23 =	vadd.s32 v8, v26;
	v27 =	vshll.u32 v27, v1  }
0x2b2: {  	s5 =	sadd.s32 $0x7, s8;
	v29 =	vshrl.u32 v28, $0x3;
	[tilespmem:v18+s31+$0x0] =	vst.idx.msk $0xffff, v24;
	v24 =	vld [tilespmem:s12+$0x0];
	v26 =	vadd.s32 v9, v22;
	v27 =	vbroadcast v27, $0x0  }
0x2b3: {  	s8 =	sadd.s32 $0x8, s8;
	v28 =	vmov s5;
	v22 =	vadd.s32 v10, v22;
	v29 =	vshll.u32 v29, v1;
	[tilespmem:v31+s31+$0x0] =	vst.idx.msk $0xffff, v30;
	v18 =	vld [tilespmem:s12+$0x10]  }
0x2b4: {  	_ =	sdelay $0x2  }
0x2b5: {  	v28 =	vshrl.u32 v28, $0x3  }
0x2b6: {  	[tilespmem:v25+s31+$0x0] =	vst.idx.msk $0xffff, v20;
	v59 =	vld [tilespmem:s12+$0x20];
	v60 =	vadd.s32 v11, v27;
	v29 =	vbroadcast v29, $0x0;
	v30 =	vmov s7  }
0x2b7: {  	v61 =	vadd.s32 v12, v27;
	s5 =	sadd.s32 $0x1, s7;
	v28 =	vshll.u32 v28, v1;
	[tilespmem:v21+s31+$0x0] =	vst.idx.msk $0xffff, v17;
	v17 =	vld [tilespmem:s12+$0x30];
	v62 =	vshrl.u32 v30, $0x3  }
0x2b8: {  	s13 =	sadd.s32 $0x2, s7;
	v33 =	vmov s5;
	v28 =	vbroadcast v28, $0x0;
	[tilespmem:v23+s31+$0x0] =	vst.idx.msk $0xffff, v19;
	v19 =	vld [tilespmem:s12+$0x40];
	v63 =	vadd.s32 v13, v29  }
0x2b9: {  	v34 =	vld [tilespmem:s12+$0x50];
	s8 =	sadd.s32 $0x100, s12;
	v38 =	vmov s13;
	v27 =	vshll.u32 v62, v1;
	v35 =	vadd.s32 v14, v29;
	[tilespmem:v26+s31+$0x0] =	vst.idx.msk $0xffff, v24  }
0x2ba: {  	s14 =	sadd.s32 $0x3, s7;
	v37 =	vld [tilespmem:s8+$0x60];
	v36 =	vshrl.u32 v33, $0x3;
	v27 =	vbroadcast v27, $0x0;
	v31 =	vadd.s32 v15, v28;
	[tilespmem:v22+s31+$0x0] =	vst.idx.msk $0xffff, v18  }
0x2bb: {  	v39 =	vld [tilespmem:s8+$0x70];
	v43 =	vmov s14;
	v18 =	vshll.u32 v36, v1;
	v28 =	vadd.s32 v16, v28;
	[tilespmem:v60+s31+$0x0] =	vst.idx.msk $0xffff, v59  }
0x2bc: {  	s15 =	sadd.s32 $0x4, s7;
	v40 =	vld [tilespmem:s8+$0xFFFFFF80];
	v22 =	vshrl.u32 v38, $0x3;
	v41 =	vadd.s32 v0, v27;
	v18 =	vbroadcast v18, $0x0;
	[tilespmem:v61+s31+$0x0] =	vst.idx.msk $0xffff, v17  }
0x2bd: {  	v47 =	vmov s15;
	v42 =	vadd.s32 v2, v27;
	v22 =	vshll.u32 v22, v1;
	v17 =	vld [tilespmem:s8+$0xFFFFFF90];
	[tilespmem:v63+s31+$0x0] =	vst.idx.msk $0xffff, v19  }
0x2be: {  	s18 =	sadd.s32 $0x5, s7;
	v27 =	vshrl.u32 v43, $0x3;
	v22 =	vbroadcast v22, $0x0;
	v19 =	vld [tilespmem:s8+$0xFFFFFFA0];
	v44 =	vadd.s32 v3, v18;
	[tilespmem:v35+s31+$0x0] =	vst.idx.msk $0xffff, v34  }
0x2bf: {  	v45 =	vld [tilespmem:s8+$0xFFFFFFB0];
	v52 =	vmov s18;
	v46 =	vshll.u32 v27, v1;
	v18 =	vadd.s32 v4, v18;
	[tilespmem:v31+s31+$0x0] =	vst.idx.msk $0xffff, v37  }
0x2c0: {  	v48 =	vld [tilespmem:s8+$0xFFFFFFC0];
	v27 =	vshrl.u32 v47, $0x3;
	v26 =	vbroadcast v46, $0x0;
	v49 =	vadd.s32 v5, v22;
	[tilespmem:v28+s31+$0x0] =	vst.idx.msk $0xffff, v39  }
0x2c1: {  	v50 =	vld [tilespmem:s8+$0xFFFFFFD0];
	v51 =	vshll.u32 v27, v1;
	v27 =	vshrl.u32 v52, $0x3;
	v22 =	vadd.s32 v6, v22;
	[tilespmem:v41+s31+$0x0] =	vst.idx.msk $0xffff, v40  }
0x2c2: {  	s19 =	sadd.s32 $0x6, s7;
	v25 =	vbroadcast v51, $0x0;
	v55 =	vshll.u32 v27, v1;
	v53 =	vadd.s32 v7, v26;
	[tilespmem:v42+s31+$0x0] =	vst.idx.msk $0xffff, v17;
	v17 =	vld [tilespmem:s8+$0xFFFFFFE0]  }
0x2c3: {  	v56 =	vmov s19;
	v54 =	vadd.s32 v8, v26;
	v26 =	vbroadcast v55, $0x0;
	[tilespmem:v44+s31+$0x0] =	vst.idx.msk $0xffff, v19;
	v19 =	vld [tilespmem:s8+$0xFFFFFFF0]  }
0x2c4: {  	v27 =	vshrl.u32 v56, $0x3;
	v57 =	vadd.s32 v9, v25;
	[tilespmem:v18+s31+$0x0] =	vst.idx.msk $0xffff, v45;
	v18 =	vld [tilespmem:s8+$0x0]  }
0x2c5: {  	v59 =	vld [tilespmem:s8+$0x20];
	v27 =	vshll.u32 v27, v1;
	v60 =	vadd.s32 v11, v26;
	[tilespmem:v49+s31+$0x0] =	vst.idx.msk $0xffff, v48  }
0x2c6: {  	v58 =	vld [tilespmem:s8+$0x10];
	v25 =	vadd.s32 v10, v25;
	v27 =	vbroadcast v27, $0x0;
	[tilespmem:v22+s31+$0x0] =	vst.idx.msk $0xffff, v50  }
0x2c7: {  	v61 =	vadd.s32 v12, v26;
	[tilespmem:v53+s31+$0x0] =	vst.idx.msk $0xffff, v17;
	v17 =	vld [tilespmem:s8+$0x30]  }
0x2c8: {  	v62 =	vadd.s32 v13, v27;
	[tilespmem:v54+s31+$0x0] =	vst.idx.msk $0xffff, v19;
	v19 =	vld [tilespmem:s8+$0x40]  }
0x2c9: {  	v63 =	vadd.s32 v14, v27;
	[tilespmem:v57+s31+$0x0] =	vst.idx.msk $0xffff, v18;
	v18 =	vld [tilespmem:s8+$0x50]  }
0x2ca: {  	[tilespmem:v60+s31+$0x0] =	vst.idx.msk $0xffff, v59  }
0x2cb: {  	[tilespmem:v25+s31+$0x0] =	vst.idx.msk $0xffff, v58  }
0x2cc: {  	[tilespmem:v61+s31+$0x0] =	vst.idx.msk $0xffff, v17  }
0x2cd: {  	[tilespmem:v62+s31+$0x0] =	vst.idx.msk $0xffff, v19  }
0x2ce: {  	[tilespmem:v63+s31+$0x0] =	vst.idx.msk $0xffff, v18  }
0x2cf: {  	s7 =	simm.s32 $0x9400;
	s5 =	simm.s32 $0x0;
	s10 =	rddreg [dreg:$0xe]  }
.LBB2_44:
0x2d0: {  	p0 =	sne.s32 s5, $0xF800  }
.Ltmp21:
0x2d1: {  	_ = 	snop;
	(pc) =	sbr.rel @p0 .LBB2_44-.Ltmp21, $4  }
0x2d2: {  	_ = 	snop  }
0x2d3: {  	s8 =	sadd.s32 s5, s10  }
0x2d4: {  	[hbm4b:s8+s3] =	stream.linear.scatter [tilespmem:s7], [sflag:$0x3], $0x200, $0x38;
	[tilespmem:$0x11600] =	vst v63  }
0x2d5: {  	s5 =	sadd.s32 $0x800, s5;
	s7 =	sadd.s32 $0x208, s7  }
0x2d6: {  	s12 =	simm.s32 $0x1  }
.LBB2_46:
0x2d7: {  	s5 =	sshll.u32 s12, $0xE;
	s7 =	simm.s32 $0x0  }
0x2d8: {  	s19 =	simm.s32 $0x30;
	s8 =	simm.s32 $0x0;
	s5 =	sadd.s32 s5, s6  }
0x2d9: {  	[tilespmem:s7], [sflag:$0x5] =	stream.linear.gather [hbm4b:s5+s7], $0x1000, $0x38;
	[tilespmem:$0x11600] =	vst v63  }
0x2da: {  	s10 =	simm.s32 $0x0;
	s7 =	sand.u32 $0xC00, s8;
	_ =	swait.ge [sflag:s23], $0x1000  }
0x2db: {  	s5 =	sand.u32 $0x70, s19;
	s8 =	simm.s32 $0x10;
	[sflag:s23] =	ssyncset.done $0x0  }
0x2dc: {  	s5 =	sor.u32 s5, s7;
	s8 =	sand.u32 $0x50, s8;
	[sflag:s23] =	ssyncadd.s32 $0xFFFFF000  }
0x2dd: {  	s11 =	simm.s32 $0x20;
	s10 =	sand.u32 $0x40, s10;
	s8 =	sor.u32 s8, s7;
	v17 =	vld [tilespmem:s5+$0x0]  }
0x2de: {  	s13 =	sand.u32 $0x60, s11;
	s5 =	sor.u32 s10, s7;
	v18 =	vld [tilespmem:s8+$0x0]  }
0x2df: {  	s7 =	sor.u32 s13, s7;
	v19 =	vld [tilespmem:s5+$0x0]  }
0x2e0: {  	v20 =	vld [tilespmem:s7+$0x0]  }
0x2e1: {  	s14 =	simm.s32 $0x200;
	s18 =	simm.s32 $0x50;
	s8 =	simm.s32 $0x70  }
0x2e2: {  	s11 =	sand.u32 $0x50, s18;
	s5 =	sand.u32 $0xC00, s14;
	s15 =	sand.u32 $0x70, s8;
	vm0 =	vlt.u32 v17, $0xF4240  }
0x2e3: {  	s13 =	simm.s32 $0x40;
	s7 =	simm.s32 $0x1020;
	s10 =	sor.u32 s15, s5;
	vm14 =	vlt.u32 v18, $0xF4240;
	v21 =	vnsel vm0, $0x0, v17  }
0x2e4: {  	s14 =	simm.s32 $0x60;
	s19 =	sand.u32 $0x40, s13;
	s11 =	sor.u32 s11, s5;
	v17 =	vld [tilespmem:s10+$0x0];
	vm1 =	vlt.u32 v19, $0xF4240;
	[tilespmem:s7+$0x10] =	vst v21;
	v21 =	vnsel vm14, $0x0, v18  }
0x2e5: {  	s14 =	sand.u32 $0x60, s14;
	s15 =	sor.u32 s19, s5;
	vm15 =	vlt.u32 v20, $0xF4240;
	v18 =	vld [tilespmem:s11+$0x0];
	v22 =	vnsel vm1, $0x0, v19;
	[tilespmem:s7+$0xFFFFFFF0] =	vst v21  }
0x2e6: {  	s13 =	simm.s32 $0x4;
	s10 =	sor.u32 s14, s5;
	v19 =	vld [tilespmem:s15+$0x0];
	s15 =	simm.s32 $0x1000;
	v20 =	vnsel vm15, $0x0, v20;
	[tilespmem:s7+$0xFFFFFFE0] =	vst v22  }
.LBB2_47:
0x2e7: {  	s5 =	sshrl.u32 s15, $0x2  }
0x2e8: {  	s13 =	sadd.s32 $0x4, s13;
	v21 =	vld [tilespmem:s10+$0x0];
	s8 =	sadd.s32 $0x40, s8;
	[tilespmem:s7+$0x0] =	vst v20;
	s7 =	sadd.s32 $0x40, s7  }
0x2e9: {  	s5 =	sand.u32 $0xC00, s5;
	s10 =	sand.u32 $0x70, s8;
	p0 =	slt.u32 s13, $0x1C;
	vm0 =	vlt.u32 v17, $0xF4240  }
.Ltmp22:
0x2ea: {  	s11 =	sadd.s32 $0xFFFFFFE0, s8;
	s10 =	sor.u32 s10, s5;
	v20 =	vnsel vm0, $0x0, v17;
	(pc) =	sbr.rel @p0 .LBB2_47-.Ltmp22, $4  }
0x2eb: {  	s14 =	sadd.s32 $0xFFFFFFD0, s8;
	s18 =	sadd.s32 $0xFFFFFFF0, s8;
	s11 =	sand.u32 $0x50, s11;
	v17 =	vld [tilespmem:s10+$0x0];
	vm0 =	vlt.u32 v18, $0xF4240;
	[tilespmem:s7+$0x10] =	vst v20  }
0x2ec: {  	s10 =	sand.u32 $0x40, s14;
	s11 =	sor.u32 s11, s5;
	s14 =	sand.u32 $0x60, s18;
	vm1 =	vlt.u32 v19, $0xF4240;
	v20 =	vnsel vm0, $0x0, v18  }
0x2ed: {  	s18 =	sor.u32 s10, s5;
	s10 =	sor.u32 s14, s5;
	v18 =	vld [tilespmem:s11+$0x0];
	v22 =	vnsel vm1, $0x0, v19;
	[tilespmem:s7+$0xFFFFFFF0] =	vst v20;
	vm0 =	vlt.u32 v21, $0xF4240  }
0x2ee: {  	s15 =	sadd.s32 $0x800, s15;
	v19 =	vld [tilespmem:s18+$0x0];
	[tilespmem:s7+$0xFFFFFFE0] =	vst v22;
	v20 =	vnsel vm0, $0x0, v21  }
0x2ef: {  	v21 =	vld [tilespmem:s10+$0x0];
	_ =	sdelay $0x1  }
0x2f0: {  	vm0 =	vlt.u32 v17, $0xF4240  }
0x2f1: {  	[tilespmem:s7+$0x0] =	vst v20;
	s5 =	sadd.s32 $0x40, s7;
	v17 =	vnsel vm0, $0x0, v17;
	vm14 =	vlt.u32 v18, $0xF4240  }
0x2f2: {  	[tilespmem:s5+$0x10] =	vst v17;
	vm1 =	vlt.u32 v19, $0xF4240;
	v17 =	vnsel vm14, $0x0, v18  }
0x2f3: {  	v18 =	vnsel vm1, $0x0, v19;
	[tilespmem:s5+$0xFFFFFFF0] =	vst v17;
	vm15 =	vlt.u32 v21, $0xF4240  }
0x2f4: {  	[tilespmem:s5+$0xFFFFFFE0] =	vst v18;
	v17 =	vnsel vm15, $0x0, v21  }
0x2f5: {  	[tilespmem:s5+$0x0] =	vst v17  }
0x2f6: {  	[tilespmem:s26], [sflag:$0x1] =	stream.indirect.gather [hbm4b:s1+s24], $0x20, s25, s24, $0xb8;
	[tilespmem:$0x11600] =	vst v63  }
0x2f7: {  	s19 =	simm.s32 $0x7;
	_ =	swait.ge [sflag:s0], $0x4000  }
0x2f8: {  	s7 =	simm.s32 $0x0;
	v17 =	vmov s19;
	[sflag:s0] =	ssyncset.done $0x0  }
0x2f9: {  	v18 =	vmov s7;
	v17 =	vshrl.u32 v17, $0x3;
	[sflag:s0] =	ssyncadd.s32 $0xFFFFC000  }
0x2fa: {  	v18 =	vshrl.u32 v18, $0x3;
	v17 =	vshll.u32 v17, v1;
	_ =	swait.ge [sflag:s9], $0x4000  }
0x2fb: {  	s8 =	simm.s32 $0x1;
	s10 =	simm.s32 $0x2;
	v18 =	vshll.u32 v18, v1;
	v17 =	vbroadcast v17, $0x0;
	[sflag:s9] =	ssyncset.done $0x0  }
0x2fc: {  	s13 =	simm.s32 $0x5480;
	v22 =	vmov s10;
	v19 =	vmov s8;
	v18 =	vbroadcast v18, $0x0;
	[sflag:s9] =	ssyncadd.s32 $0xFFFFC000  }
0x2fd: {  	v22 =	vshrl.u32 v22, $0x3;
	v19 =	vshrl.u32 v19, $0x3;
	v21 =	vadd.s32 v15, v17;
	v20 =	vld [tilespmem:s13+$0x60]  }
0x2fe: {  	v22 =	vshll.u32 v22, v1;
	v19 =	vshll.u32 v19, v1;
	v25 =	vadd.s32 v0, v18;
	v24 =	vld [tilespmem:s13+$0xFFFFFF80]  }
0x2ff: {  	s11 =	simm.s32 $0x3;
	v22 =	vbroadcast v22, $0x0;
	v19 =	vbroadcast v19, $0x0;
	v17 =	vadd.s32 v16, v17;
	v23 =	vld [tilespmem:s13+$0x70]  }
0x300: {  	v27 =	vmov s11;
	v18 =	vadd.s32 v2, v18;
	v26 =	vld [tilespmem:s13+$0xFFFFFF90]  }
0x301: {  	s14 =	simm.s32 $0x4;
	v27 =	vshrl.u32 v27, $0x3;
	v33 =	vadd.s32 v5, v22;
	v29 =	vadd.s32 v3, v19;
	v28 =	vld [tilespmem:s13+$0xFFFFFFA0]  }
0x302: {  	v31 =	vadd.s32 v4, v19;
	v19 =	vshll.u32 v27, v1;
	v27 =	vmov s14;
	v32 =	vld [tilespmem:s13+$0xFFFFFFC0];
	[tilespmem:v21+s2+$0x0] =	vst.idx.msk $0xffff, v20  }
0x303: {  	s15 =	simm.s32 $0x5;
	v34 =	vbroadcast v19, $0x0;
	v19 =	vshrl.u32 v27, $0x3;
	v30 =	vld [tilespmem:s13+$0xFFFFFFB0];
	[tilespmem:v25+s2+$0x0] =	vst.idx.msk $0xffff, v24  }
0x304: {  	v19 =	vshll.u32 v19, v1;
	v20 =	vld [tilespmem:s13+$0xFFFFFFD0];
	v25 =	vadd.s32 v6, v22;
	v22 =	vmov s15;
	[tilespmem:v17+s2+$0x0] =	vst.idx.msk $0xffff, v23  }
0x305: {  	s18 =	simm.s32 $0x6;
	v35 =	vbroadcast v19, $0x0;
	v21 =	vadd.s32 v7, v34;
	[tilespmem:v18+s2+$0x0] =	vst.idx.msk $0xffff, v26;
	v17 =	vld [tilespmem:s13+$0xFFFFFFE0];
	v18 =	vshrl.u32 v22, $0x3  }
0x306: {  	v19 =	vld [tilespmem:s13+$0xFFFFFFF0];
	[tilespmem:v29+s2+$0x0] =	vst.idx.msk $0xffff, v28;
	v23 =	vadd.s32 v8, v34;
	v22 =	vmov s18;
	v18 =	vshll.u32 v18, v1  }
0x307: {  	s19 =	simm.s32 $0xF;
	v24 =	vld [tilespmem:s13+$0x0];
	[tilespmem:v33+s2+$0x0] =	vst.idx.msk $0xffff, v32;
	v26 =	vadd.s32 v9, v35;
	v29 =	vshrl.u32 v22, $0x3;
	v27 =	vbroadcast v18, $0x0  }
0x308: {  	s8 =	simm.s32 $0x10;
	s7 =	simm.s32 $0x8;
	v28 =	vmov s19;
	[tilespmem:v31+s2+$0x0] =	vst.idx.msk $0xffff, v30;
	v22 =	vadd.s32 v10, v35;
	v18 =	vld [tilespmem:s13+$0x10];
	v29 =	vshll.u32 v29, v1  }
.LBB2_49:
0x309: {  	p0 =	slt.u32 s8, $0x1F8;
	v28 =	vshrl.u32 v28, $0x3;
	[tilespmem:v25+s2+$0x0] =	vst.idx.msk $0xffff, v20;
	v20 =	vld [tilespmem:s13+$0x20];
	v25 =	vadd.s32 v11, v27;
	v29 =	vbroadcast v29, $0x0  }
0x30a: {  	v30 =	vmov s7;
	v28 =	vshll.u32 v28, v1;
	[tilespmem:v21+s2+$0x0] =	vst.idx.msk $0xffff, v17;
	v17 =	vld [tilespmem:s13+$0x30];
	v21 =	vadd.s32 v12, v27  }
0x30b: {  	s5 =	sadd.s32 $0x1, s7;
	v27 =	vshrl.u32 v30, $0x3;
	v28 =	vbroadcast v28, $0x0;
	[tilespmem:v23+s2+$0x0] =	vst.idx.msk $0xffff, v19;
	v19 =	vld [tilespmem:s13+$0x40];
	v23 =	vadd.s32 v13, v29  }
0x30c: {  	v30 =	vmov s5;
	v27 =	vshll.u32 v27, v1;
	[tilespmem:v26+s2+$0x0] =	vst.idx.msk $0xffff, v24;
	v24 =	vld [tilespmem:s13+$0x50];
	v26 =	vadd.s32 v14, v29;
	s13 =	sadd.s32 $0x100, s13  }
0x30d: {  	s5 =	sadd.s32 $0x2, s7;
	v27 =	vbroadcast v27, $0x0;
	v29 =	vshrl.u32 v30, $0x3;
	v30 =	vld [tilespmem:s13+$0x60];
	v31 =	vadd.s32 v15, v28;
	[tilespmem:v22+s2+$0x0] =	vst.idx.msk $0xffff, v18  }
0x30e: {  	v18 =	vshll.u32 v29, v1;
	v22 =	vmov s5;
	v28 =	vadd.s32 v16, v28;
	v29 =	vld [tilespmem:s13+$0x70];
	[tilespmem:v25+s2+$0x0] =	vst.idx.msk $0xffff, v20  }
0x30f: {  	s5 =	sadd.s32 $0x3, s7;
	v25 =	vadd.s32 v0, v27;
	v18 =	vbroadcast v18, $0x0;
	v22 =	vshrl.u32 v22, $0x3;
	v20 =	vld [tilespmem:s13+$0xFFFFFF80];
	[tilespmem:v21+s2+$0x0] =	vst.idx.msk $0xffff, v17  }
0x310: {  	v21 =	vadd.s32 v2, v27;
	v22 =	vshll.u32 v22, v1;
	v27 =	vmov s5;
	v17 =	vld [tilespmem:s13+$0xFFFFFF90];
	[tilespmem:v23+s2+$0x0] =	vst.idx.msk $0xffff, v19  }
0x311: {  	s5 =	sadd.s32 $0x4, s7;
	v23 =	vadd.s32 v3, v18;
	v22 =	vbroadcast v22, $0x0;
	v27 =	vshrl.u32 v27, $0x3;
	v19 =	vld [tilespmem:s13+$0xFFFFFFA0];
	[tilespmem:v26+s2+$0x0] =	vst.idx.msk $0xffff, v24  }
0x312: {  	v18 =	vadd.s32 v4, v18;
	v26 =	vshll.u32 v27, v1;
	v27 =	vmov s5;
	v24 =	vld [tilespmem:s13+$0xFFFFFFB0];
	[tilespmem:v31+s2+$0x0] =	vst.idx.msk $0xffff, v30  }
0x313: {  	s5 =	sadd.s32 $0x5, s7;
	v31 =	vadd.s32 v5, v22;
	v26 =	vbroadcast v26, $0x0;
	v27 =	vshrl.u32 v27, $0x3;
	v30 =	vld [tilespmem:s13+$0xFFFFFFC0];
	[tilespmem:v28+s2+$0x0] =	vst.idx.msk $0xffff, v29  }
.Ltmp23:
0x314: {  	[tilespmem:v25+s2+$0x0] =	vst.idx.msk $0xffff, v20;
	v20 =	vld [tilespmem:s13+$0xFFFFFFD0];
	v25 =	vadd.s32 v6, v22;
	v22 =	vshll.u32 v27, v1;
	v27 =	vmov s5;
	(pc) =	sbr.rel @p0 .LBB2_49-.Ltmp23, $4  }
0x315: {  	s5 =	sadd.s32 $0x6, s7;
	s7 =	smov.u32 s8;
	[tilespmem:v21+s2+$0x0] =	vst.idx.msk $0xffff, v17;
	v17 =	vld [tilespmem:s13+$0xFFFFFFE0];
	v21 =	vadd.s32 v7, v26;
	v22 =	vbroadcast v22, $0x0;
	v27 =	vshrl.u32 v27, $0x3  }
0x316: {  	v28 =	vmov s5;
	[tilespmem:v23+s2+$0x0] =	vst.idx.msk $0xffff, v19;
	v19 =	vld [tilespmem:s13+$0xFFFFFFF0];
	v23 =	vadd.s32 v8, v26;
	v27 =	vshll.u32 v27, v1  }
0x317: {  	s5 =	sadd.s32 $0x7, s8;
	v29 =	vshrl.u32 v28, $0x3;
	[tilespmem:v18+s2+$0x0] =	vst.idx.msk $0xffff, v24;
	v24 =	vld [tilespmem:s13+$0x0];
	v26 =	vadd.s32 v9, v22;
	v27 =	vbroadcast v27, $0x0  }
0x318: {  	s8 =	sadd.s32 $0x8, s8;
	v28 =	vmov s5;
	v22 =	vadd.s32 v10, v22;
	v29 =	vshll.u32 v29, v1;
	[tilespmem:v31+s2+$0x0] =	vst.idx.msk $0xffff, v30;
	v18 =	vld [tilespmem:s13+$0x10]  }
0x319: {  	_ =	sdelay $0x2  }
0x31a: {  	v28 =	vshrl.u32 v28, $0x3;
	v60 =	vadd.s32 v11, v27;
	v29 =	vbroadcast v29, $0x0  }
0x31b: {  	[tilespmem:v25+s2+$0x0] =	vst.idx.msk $0xffff, v20;
	v30 =	vmov s7;
	v61 =	vadd.s32 v12, v27;
	s5 =	sadd.s32 $0x1, s7;
	s11 =	sadd.s32 $0x2, s7;
	v28 =	vshll.u32 v28, v1  }
0x31c: {  	v59 =	vld [tilespmem:s13+$0x20];
	s14 =	sadd.s32 $0x4, s7;
	s15 =	sadd.s32 $0x5, s7;
	[tilespmem:v21+s2+$0x0] =	vst.idx.msk $0xffff, v17;
	v62 =	vshrl.u32 v30, $0x3;
	v33 =	vmov s5;
	v38 =	vmov s11  }
0x31d: {  	v17 =	vld [tilespmem:s13+$0x30];
	v47 =	vmov s14;
	v52 =	vmov s15;
	v28 =	vbroadcast v28, $0x0;
	[tilespmem:v23+s2+$0x0] =	vst.idx.msk $0xffff, v19  }
0x31e: {  	v19 =	vld [tilespmem:s13+$0x40];
	v63 =	vadd.s32 v13, v29;
	v27 =	vshll.u32 v62, v1;
	v35 =	vadd.s32 v14, v29  }
0x31f: {  	v34 =	vld [tilespmem:s13+$0x50];
	s8 =	sadd.s32 $0x100, s13;
	v36 =	vshrl.u32 v33, $0x3;
	s13 =	sadd.s32 $0x3, s7;
	[tilespmem:v26+s2+$0x0] =	vst.idx.msk $0xffff, v24;
	v27 =	vbroadcast v27, $0x0;
	v31 =	vadd.s32 v15, v28  }
0x320: {  	v37 =	vld [tilespmem:s8+$0x60];
	v43 =	vmov s13;
	[tilespmem:v22+s2+$0x0] =	vst.idx.msk $0xffff, v18;
	v18 =	vshll.u32 v36, v1;
	v28 =	vadd.s32 v16, v28  }
0x321: {  	v39 =	vld [tilespmem:s8+$0x70];
	v22 =	vshrl.u32 v38, $0x3;
	[tilespmem:v60+s2+$0x0] =	vst.idx.msk $0xffff, v59;
	v41 =	vadd.s32 v0, v27;
	v18 =	vbroadcast v18, $0x0  }
0x322: {  	v40 =	vld [tilespmem:s8+$0xFFFFFF80];
	v42 =	vadd.s32 v2, v27;
	v22 =	vshll.u32 v22, v1;
	v27 =	vshrl.u32 v43, $0x3;
	[tilespmem:v61+s2+$0x0] =	vst.idx.msk $0xffff, v17  }
0x323: {  	v17 =	vld [tilespmem:s8+$0xFFFFFF90];
	v22 =	vbroadcast v22, $0x0;
	v46 =	vshll.u32 v27, v1;
	v27 =	vshrl.u32 v47, $0x3;
	[tilespmem:v63+s2+$0x0] =	vst.idx.msk $0xffff, v19  }
0x324: {  	v19 =	vld [tilespmem:s8+$0xFFFFFFA0];
	v44 =	vadd.s32 v3, v18;
	v18 =	vadd.s32 v4, v18;
	v26 =	vbroadcast v46, $0x0;
	[tilespmem:v35+s2+$0x0] =	vst.idx.msk $0xffff, v34  }
0x325: {  	v45 =	vld [tilespmem:s8+$0xFFFFFFB0];
	v51 =	vshll.u32 v27, v1;
	v27 =	vshrl.u32 v52, $0x3;
	v49 =	vadd.s32 v5, v22;
	[tilespmem:v31+s2+$0x0] =	vst.idx.msk $0xffff, v37  }
0x326: {  	v48 =	vld [tilespmem:s8+$0xFFFFFFC0];
	v22 =	vadd.s32 v6, v22;
	v55 =	vshll.u32 v27, v1;
	[tilespmem:v28+s2+$0x0] =	vst.idx.msk $0xffff, v39  }
0x327: {  	v50 =	vld [tilespmem:s8+$0xFFFFFFD0];
	v53 =	vadd.s32 v7, v26;
	v54 =	vadd.s32 v8, v26;
	v26 =	vbroadcast v55, $0x0;
	[tilespmem:v41+s2+$0x0] =	vst.idx.msk $0xffff, v40  }
0x328: {  	[tilespmem:v42+s2+$0x0] =	vst.idx.msk $0xffff, v17;
	v17 =	vld [tilespmem:s8+$0xFFFFFFE0]  }
0x329: {  	s18 =	sadd.s32 $0x6, s7;
	v59 =	vld [tilespmem:s8+$0x20];
	v25 =	vbroadcast v51, $0x0;
	v60 =	vadd.s32 v11, v26;
	[tilespmem:v44+s2+$0x0] =	vst.idx.msk $0xffff, v19  }
0x32a: {  	v56 =	vmov s18;
	v19 =	vld [tilespmem:s8+$0xFFFFFFF0];
	[tilespmem:v18+s2+$0x0] =	vst.idx.msk $0xffff, v45  }
0x32b: {  	v27 =	vshrl.u32 v56, $0x3;
	v57 =	vadd.s32 v9, v25;
	v18 =	vld [tilespmem:s8+$0x0];
	[tilespmem:v49+s2+$0x0] =	vst.idx.msk $0xffff, v48  }
0x32c: {  	v58 =	vld [tilespmem:s8+$0x10];
	v27 =	vshll.u32 v27, v1;
	v25 =	vadd.s32 v10, v25;
	[tilespmem:v22+s2+$0x0] =	vst.idx.msk $0xffff, v50  }
0x32d: {  	v27 =	vbroadcast v27, $0x0;
	[tilespmem:v53+s2+$0x0] =	vst.idx.msk $0xffff, v17  }
0x32e: {  	v61 =	vadd.s32 v12, v26;
	v17 =	vld [tilespmem:s8+$0x30];
	[tilespmem:v60+s2+$0x0] =	vst.idx.msk $0xffff, v59  }
0x32f: {  	v62 =	vadd.s32 v13, v27;
	[tilespmem:v54+s2+$0x0] =	vst.idx.msk $0xffff, v19;
	v19 =	vld [tilespmem:s8+$0x40]  }
0x330: {  	v63 =	vadd.s32 v14, v27;
	[tilespmem:v57+s2+$0x0] =	vst.idx.msk $0xffff, v18;
	v18 =	vld [tilespmem:s8+$0x50]  }
0x331: {  	[tilespmem:v25+s2+$0x0] =	vst.idx.msk $0xffff, v58  }
0x332: {  	s13 =	sshll.u32 s12, $0x16;
	s19 =	rddreg [dreg:$0xf]  }
0x333: {  	s5 =	sadd.s32 s19, s13;
	[tilespmem:v61+s2+$0x0] =	vst.idx.msk $0xffff, v17  }
0x334: {  	s10 =	simm.s32 $0x0;
	s5 =	sshrl.u32 s5, $0x3;
	[tilespmem:v62+s2+$0x0] =	vst.idx.msk $0xffff, v19  }
0x335: {  	s7 =	simm.s32 $0x0;
	s8 =	simm.s32 $0xD500;
	s5 =	sadd.s32 s4, s5;
	[tilespmem:v63+s2+$0x0] =	vst.idx.msk $0xffff, v18  }
.LBB2_51:
0x336: {  	p0 =	sne.s32 s10, $0xF800  }
.Ltmp24:
0x337: {  	_ = 	snop;
	(pc) =	sbr.rel @p0 .LBB2_51-.Ltmp24, $4  }
0x338: {  	_ = 	snop  }
0x339: {  	s11 =	sadd.s32 s10, s5  }
0x33a: {  	[hbm4b:s11+s7] =	stream.linear.scatter [tilespmem:s8], [sflag:$0x4], $0x200, $0x38;
	[tilespmem:$0x11600] =	vst v63  }
0x33b: {  	s10 =	sadd.s32 $0x800, s10;
	s8 =	sadd.s32 $0x208, s8  }
0x33c: {  	s5 =	simm.s32 $0x30;
	s7 =	simm.s32 $0x0  }
0x33d: {  	s8 =	simm.s32 $0x10;
	s7 =	sand.u32 $0xC00, s7;
	s5 =	sand.u32 $0x70, s5  }
0x33e: {  	s10 =	simm.s32 $0x0;
	s8 =	sand.u32 $0x50, s8;
	s5 =	sor.u32 s5, s7  }
0x33f: {  	s11 =	simm.s32 $0x20;
	s18 =	sand.u32 $0x40, s10;
	s8 =	sor.u32 s8, s7;
	v17 =	vld [tilespmem:s5+$0x80]  }
0x340: {  	s19 =	sand.u32 $0x60, s11;
	s5 =	sor.u32 s18, s7;
	v18 =	vld [tilespmem:s8+$0x80]  }
0x341: {  	s7 =	sor.u32 s19, s7;
	v19 =	vld [tilespmem:s5+$0x80]  }
0x342: {  	v20 =	vld [tilespmem:s7+$0x80]  }
0x343: {  	s15 =	simm.s32 $0x50;
	s11 =	simm.s32 $0x200;
	s8 =	simm.s32 $0x70  }
0x344: {  	s7 =	simm.s32 $0x1220;
	s5 =	sand.u32 $0xC00, s11;
	s14 =	sand.u32 $0x70, s8;
	vm0 =	vlt.u32 v17, $0xF4240  }
0x345: {  	s11 =	sand.u32 $0x50, s15;
	s10 =	sor.u32 s14, s5;
	s14 =	simm.s32 $0x40;
	vm14 =	vlt.u32 v18, $0xF4240;
	v21 =	vnsel vm0, $0x0, v17  }
0x346: {  	s15 =	simm.s32 $0x60;
	s11 =	sor.u32 s11, s5;
	s18 =	sand.u32 $0x40, s14;
	v17 =	vld [tilespmem:s10+$0x80];
	vm1 =	vlt.u32 v19, $0xF4240;
	[tilespmem:s7+$0x10] =	vst v21;
	v21 =	vnsel vm14, $0x0, v18  }
0x347: {  	s19 =	sand.u32 $0x60, s15;
	s10 =	sor.u32 s18, s5;
	vm15 =	vlt.u32 v20, $0xF4240;
	v18 =	vld [tilespmem:s11+$0x80];
	v22 =	vnsel vm1, $0x0, v19;
	[tilespmem:s7+$0xFFFFFFF0] =	vst v21  }
0x348: {  	s15 =	simm.s32 $0x4;
	s5 =	sor.u32 s19, s5;
	v19 =	vld [tilespmem:s10+$0x80];
	s10 =	simm.s32 $0x1000;
	v20 =	vnsel vm15, $0x0, v20;
	[tilespmem:s7+$0xFFFFFFE0] =	vst v22  }
.LBB2_53:
0x349: {  	s11 =	sshrl.u32 s10, $0x2  }
0x34a: {  	s15 =	sadd.s32 $0x4, s15;
	v21 =	vld [tilespmem:s5+$0x80];
	s8 =	sadd.s32 $0x40, s8;
	[tilespmem:s7+$0x0] =	vst v20;
	s7 =	sadd.s32 $0x40, s7  }
0x34b: {  	s5 =	sand.u32 $0xC00, s11;
	s11 =	sand.u32 $0x70, s8;
	p0 =	slt.u32 s15, $0x1C;
	vm0 =	vlt.u32 v17, $0xF4240  }
.Ltmp25:
0x34c: {  	s14 =	sadd.s32 $0xFFFFFFE0, s8;
	s11 =	sor.u32 s11, s5;
	v20 =	vnsel vm0, $0x0, v17;
	(pc) =	sbr.rel @p0 .LBB2_53-.Ltmp25, $4  }
0x34d: {  	s18 =	sadd.s32 $0xFFFFFFD0, s8;
	s19 =	sadd.s32 $0xFFFFFFF0, s8;
	s14 =	sand.u32 $0x50, s14;
	v17 =	vld [tilespmem:s11+$0x80];
	vm0 =	vlt.u32 v18, $0xF4240;
	[tilespmem:s7+$0x10] =	vst v20  }
0x34e: {  	s11 =	sand.u32 $0x40, s18;
	s14 =	sor.u32 s14, s5;
	s18 =	sand.u32 $0x60, s19;
	vm1 =	vlt.u32 v19, $0xF4240;
	v20 =	vnsel vm0, $0x0, v18  }
0x34f: {  	s11 =	sor.u32 s11, s5;
	s5 =	sor.u32 s18, s5;
	v18 =	vld [tilespmem:s14+$0x80];
	v22 =	vnsel vm1, $0x0, v19;
	[tilespmem:s7+$0xFFFFFFF0] =	vst v20;
	vm0 =	vlt.u32 v21, $0xF4240  }
0x350: {  	s10 =	sadd.s32 $0x800, s10;
	v19 =	vld [tilespmem:s11+$0x80];
	[tilespmem:s7+$0xFFFFFFE0] =	vst v22;
	v20 =	vnsel vm0, $0x0, v21  }
0x351: {  	v21 =	vld [tilespmem:s5+$0x80];
	_ =	sdelay $0x1  }
0x352: {  	vm0 =	vlt.u32 v17, $0xF4240  }
0x353: {  	[tilespmem:s7+$0x0] =	vst v20;
	s18 =	sadd.s32 $0x40, s7;
	v17 =	vnsel vm0, $0x0, v17;
	vm14 =	vlt.u32 v18, $0xF4240  }
0x354: {  	[tilespmem:s18+$0x10] =	vst v17;
	vm1 =	vlt.u32 v19, $0xF4240;
	v17 =	vnsel vm14, $0x0, v18  }
0x355: {  	v18 =	vnsel vm1, $0x0, v19;
	[tilespmem:s18+$0xFFFFFFF0] =	vst v17;
	vm15 =	vlt.u32 v21, $0xF4240  }
0x356: {  	[tilespmem:s18+$0xFFFFFFE0] =	vst v18;
	v17 =	vnsel vm15, $0x0, v21  }
0x357: {  	[tilespmem:s18+$0x0] =	vst v17  }
0x358: {  	[tilespmem:s29], [sflag:$0x2] =	stream.indirect.gather [hbm4b:s1+s24], $0x20, s28, s24, $0xb8;
	[tilespmem:$0x11600] =	vst v63  }
0x359: {  	s19 =	simm.s32 $0x7;
	_ =	swait.ge [sflag:s30], $0x4000  }
0x35a: {  	s7 =	simm.s32 $0x0;
	v17 =	vmov s19;
	[sflag:s30] =	ssyncset.done $0x0  }
0x35b: {  	v18 =	vmov s7;
	v17 =	vshrl.u32 v17, $0x3;
	[sflag:s30] =	ssyncadd.s32 $0xFFFFC000  }
0x35c: {  	v18 =	vshrl.u32 v18, $0x3;
	v17 =	vshll.u32 v17, v1;
	_ =	swait.ge [sflag:s22], $0x4000  }
0x35d: {  	s8 =	simm.s32 $0x1;
	s10 =	simm.s32 $0x2;
	v18 =	vshll.u32 v18, v1;
	v17 =	vbroadcast v17, $0x0;
	[sflag:s22] =	ssyncset.done $0x0  }
0x35e: {  	v22 =	vmov s10;
	v19 =	vmov s8;
	s7 =	simm.s32 $0x1480;
	v18 =	vbroadcast v18, $0x0;
	[sflag:s22] =	ssyncadd.s32 $0xFFFFC000  }
0x35f: {  	v22 =	vshrl.u32 v22, $0x3;
	v19 =	vshrl.u32 v19, $0x3;
	v21 =	vadd.s32 v15, v17;
	v20 =	vld [tilespmem:s7+$0x60]  }
0x360: {  	v22 =	vshll.u32 v22, v1;
	v19 =	vshll.u32 v19, v1;
	v25 =	vadd.s32 v0, v18;
	v24 =	vld [tilespmem:s7+$0xFFFFFF80]  }
0x361: {  	s11 =	simm.s32 $0x3;
	v22 =	vbroadcast v22, $0x0;
	v19 =	vbroadcast v19, $0x0;
	v17 =	vadd.s32 v16, v17;
	v23 =	vld [tilespmem:s7+$0x70]  }
0x362: {  	v27 =	vmov s11;
	v18 =	vadd.s32 v2, v18;
	v26 =	vld [tilespmem:s7+$0xFFFFFF90]  }
0x363: {  	s14 =	simm.s32 $0x4;
	v27 =	vshrl.u32 v27, $0x3;
	v33 =	vadd.s32 v5, v22;
	v29 =	vadd.s32 v3, v19;
	v28 =	vld [tilespmem:s7+$0xFFFFFFA0]  }
0x364: {  	v31 =	vadd.s32 v4, v19;
	v19 =	vshll.u32 v27, v1;
	v27 =	vmov s14;
	v32 =	vld [tilespmem:s7+$0xFFFFFFC0];
	[tilespmem:v21+s31+$0x0] =	vst.idx.msk $0xffff, v20  }
0x365: {  	s15 =	simm.s32 $0x5;
	v34 =	vbroadcast v19, $0x0;
	v19 =	vshrl.u32 v27, $0x3;
	v30 =	vld [tilespmem:s7+$0xFFFFFFB0];
	[tilespmem:v25+s31+$0x0] =	vst.idx.msk $0xffff, v24  }
0x366: {  	v19 =	vshll.u32 v19, v1;
	v20 =	vld [tilespmem:s7+$0xFFFFFFD0];
	v25 =	vadd.s32 v6, v22;
	v22 =	vmov s15;
	[tilespmem:v17+s31+$0x0] =	vst.idx.msk $0xffff, v23  }
0x367: {  	s18 =	simm.s32 $0x6;
	v35 =	vbroadcast v19, $0x0;
	v21 =	vadd.s32 v7, v34;
	[tilespmem:v18+s31+$0x0] =	vst.idx.msk $0xffff, v26;
	v17 =	vld [tilespmem:s7+$0xFFFFFFE0];
	v18 =	vshrl.u32 v22, $0x3  }
0x368: {  	v19 =	vld [tilespmem:s7+$0xFFFFFFF0];
	[tilespmem:v29+s31+$0x0] =	vst.idx.msk $0xffff, v28;
	v23 =	vadd.s32 v8, v34;
	v22 =	vmov s18;
	v18 =	vshll.u32 v18, v1  }
0x369: {  	s19 =	simm.s32 $0xF;
	v24 =	vld [tilespmem:s7+$0x0];
	[tilespmem:v33+s31+$0x0] =	vst.idx.msk $0xffff, v32;
	v26 =	vadd.s32 v9, v35;
	v29 =	vshrl.u32 v22, $0x3;
	v27 =	vbroadcast v18, $0x0  }
0x36a: {  	s8 =	simm.s32 $0x8;
	v28 =	vmov s19;
	s15 =	simm.s32 $0x10;
	[tilespmem:v31+s31+$0x0] =	vst.idx.msk $0xffff, v30;
	v22 =	vadd.s32 v10, v35;
	v18 =	vld [tilespmem:s7+$0x10];
	v29 =	vshll.u32 v29, v1  }
.LBB2_55:
0x36b: {  	p0 =	slt.u32 s15, $0x1F8;
	v28 =	vshrl.u32 v28, $0x3;
	[tilespmem:v25+s31+$0x0] =	vst.idx.msk $0xffff, v20;
	v20 =	vld [tilespmem:s7+$0x20];
	v25 =	vadd.s32 v11, v27;
	v29 =	vbroadcast v29, $0x0  }
0x36c: {  	v30 =	vmov s8;
	v28 =	vshll.u32 v28, v1;
	[tilespmem:v21+s31+$0x0] =	vst.idx.msk $0xffff, v17;
	v17 =	vld [tilespmem:s7+$0x30];
	v21 =	vadd.s32 v12, v27  }
0x36d: {  	s5 =	sadd.s32 $0x1, s8;
	v27 =	vshrl.u32 v30, $0x3;
	v28 =	vbroadcast v28, $0x0;
	[tilespmem:v23+s31+$0x0] =	vst.idx.msk $0xffff, v19;
	v19 =	vld [tilespmem:s7+$0x40];
	v23 =	vadd.s32 v13, v29  }
0x36e: {  	v30 =	vmov s5;
	v27 =	vshll.u32 v27, v1;
	[tilespmem:v26+s31+$0x0] =	vst.idx.msk $0xffff, v24;
	v24 =	vld [tilespmem:s7+$0x50];
	v26 =	vadd.s32 v14, v29;
	s7 =	sadd.s32 $0x100, s7  }
0x36f: {  	s5 =	sadd.s32 $0x2, s8;
	v27 =	vbroadcast v27, $0x0;
	v29 =	vshrl.u32 v30, $0x3;
	v30 =	vld [tilespmem:s7+$0x60];
	v31 =	vadd.s32 v15, v28;
	[tilespmem:v22+s31+$0x0] =	vst.idx.msk $0xffff, v18  }
0x370: {  	v18 =	vshll.u32 v29, v1;
	v22 =	vmov s5;
	v28 =	vadd.s32 v16, v28;
	v29 =	vld [tilespmem:s7+$0x70];
	[tilespmem:v25+s31+$0x0] =	vst.idx.msk $0xffff, v20  }
0x371: {  	s5 =	sadd.s32 $0x3, s8;
	v25 =	vadd.s32 v0, v27;
	v18 =	vbroadcast v18, $0x0;
	v22 =	vshrl.u32 v22, $0x3;
	v20 =	vld [tilespmem:s7+$0xFFFFFF80];
	[tilespmem:v21+s31+$0x0] =	vst.idx.msk $0xffff, v17  }
0x372: {  	v21 =	vadd.s32 v2, v27;
	v22 =	vshll.u32 v22, v1;
	v27 =	vmov s5;
	v17 =	vld [tilespmem:s7+$0xFFFFFF90];
	[tilespmem:v23+s31+$0x0] =	vst.idx.msk $0xffff, v19  }
0x373: {  	s5 =	sadd.s32 $0x4, s8;
	v23 =	vadd.s32 v3, v18;
	v22 =	vbroadcast v22, $0x0;
	v27 =	vshrl.u32 v27, $0x3;
	v19 =	vld [tilespmem:s7+$0xFFFFFFA0];
	[tilespmem:v26+s31+$0x0] =	vst.idx.msk $0xffff, v24  }
0x374: {  	v18 =	vadd.s32 v4, v18;
	v26 =	vshll.u32 v27, v1;
	v27 =	vmov s5;
	v24 =	vld [tilespmem:s7+$0xFFFFFFB0];
	[tilespmem:v31+s31+$0x0] =	vst.idx.msk $0xffff, v30  }
0x375: {  	s5 =	sadd.s32 $0x5, s8;
	v31 =	vadd.s32 v5, v22;
	v26 =	vbroadcast v26, $0x0;
	v27 =	vshrl.u32 v27, $0x3;
	v30 =	vld [tilespmem:s7+$0xFFFFFFC0];
	[tilespmem:v28+s31+$0x0] =	vst.idx.msk $0xffff, v29  }
.Ltmp26:
0x376: {  	[tilespmem:v25+s31+$0x0] =	vst.idx.msk $0xffff, v20;
	v20 =	vld [tilespmem:s7+$0xFFFFFFD0];
	v25 =	vadd.s32 v6, v22;
	v22 =	vshll.u32 v27, v1;
	v27 =	vmov s5;
	(pc) =	sbr.rel @p0 .LBB2_55-.Ltmp26, $4  }
0x377: {  	s5 =	sadd.s32 $0x6, s8;
	s8 =	smov.u32 s15;
	[tilespmem:v21+s31+$0x0] =	vst.idx.msk $0xffff, v17;
	v17 =	vld [tilespmem:s7+$0xFFFFFFE0];
	v21 =	vadd.s32 v7, v26;
	v22 =	vbroadcast v22, $0x0;
	v27 =	vshrl.u32 v27, $0x3  }
0x378: {  	v28 =	vmov s5;
	[tilespmem:v23+s31+$0x0] =	vst.idx.msk $0xffff, v19;
	v19 =	vld [tilespmem:s7+$0xFFFFFFF0];
	v23 =	vadd.s32 v8, v26;
	v27 =	vshll.u32 v27, v1  }
0x379: {  	s5 =	sadd.s32 $0x7, s15;
	v29 =	vshrl.u32 v28, $0x3;
	[tilespmem:v18+s31+$0x0] =	vst.idx.msk $0xffff, v24;
	v24 =	vld [tilespmem:s7+$0x0];
	v26 =	vadd.s32 v9, v22;
	v27 =	vbroadcast v27, $0x0  }
0x37a: {  	s15 =	sadd.s32 $0x8, s15;
	v28 =	vmov s5;
	v22 =	vadd.s32 v10, v22;
	v29 =	vshll.u32 v29, v1;
	[tilespmem:v31+s31+$0x0] =	vst.idx.msk $0xffff, v30;
	v18 =	vld [tilespmem:s7+$0x10]  }
0x37b: {  	_ =	sdelay $0x2  }
0x37c: {  	v28 =	vshrl.u32 v28, $0x3  }
0x37d: {  	[tilespmem:v25+s31+$0x0] =	vst.idx.msk $0xffff, v20;
	v59 =	vld [tilespmem:s7+$0x20];
	v60 =	vadd.s32 v11, v27;
	v29 =	vbroadcast v29, $0x0;
	v30 =	vmov s8  }
0x37e: {  	v61 =	vadd.s32 v12, v27;
	s5 =	sadd.s32 $0x1, s8;
	v28 =	vshll.u32 v28, v1;
	[tilespmem:v21+s31+$0x0] =	vst.idx.msk $0xffff, v17;
	v17 =	vld [tilespmem:s7+$0x30];
	v62 =	vshrl.u32 v30, $0x3  }
0x37f: {  	s10 =	sadd.s32 $0x2, s8;
	v33 =	vmov s5;
	v28 =	vbroadcast v28, $0x0;
	[tilespmem:v23+s31+$0x0] =	vst.idx.msk $0xffff, v19;
	v19 =	vld [tilespmem:s7+$0x40];
	v63 =	vadd.s32 v13, v29  }
0x380: {  	v34 =	vld [tilespmem:s7+$0x50];
	s19 =	sadd.s32 $0x100, s7;
	v38 =	vmov s10;
	v27 =	vshll.u32 v62, v1;
	v35 =	vadd.s32 v14, v29;
	[tilespmem:v26+s31+$0x0] =	vst.idx.msk $0xffff, v24  }
0x381: {  	s11 =	sadd.s32 $0x3, s8;
	v37 =	vld [tilespmem:s19+$0x60];
	v36 =	vshrl.u32 v33, $0x3;
	v27 =	vbroadcast v27, $0x0;
	v31 =	vadd.s32 v15, v28;
	[tilespmem:v22+s31+$0x0] =	vst.idx.msk $0xffff, v18  }
0x382: {  	v39 =	vld [tilespmem:s19+$0x70];
	v43 =	vmov s11;
	v18 =	vshll.u32 v36, v1;
	v28 =	vadd.s32 v16, v28;
	[tilespmem:v60+s31+$0x0] =	vst.idx.msk $0xffff, v59  }
0x383: {  	s14 =	sadd.s32 $0x4, s8;
	v40 =	vld [tilespmem:s19+$0xFFFFFF80];
	v22 =	vshrl.u32 v38, $0x3;
	v41 =	vadd.s32 v0, v27;
	v18 =	vbroadcast v18, $0x0;
	[tilespmem:v61+s31+$0x0] =	vst.idx.msk $0xffff, v17  }
0x384: {  	v47 =	vmov s14;
	v42 =	vadd.s32 v2, v27;
	v22 =	vshll.u32 v22, v1;
	v17 =	vld [tilespmem:s19+$0xFFFFFF90];
	[tilespmem:v63+s31+$0x0] =	vst.idx.msk $0xffff, v19  }
0x385: {  	s15 =	sadd.s32 $0x5, s8;
	v27 =	vshrl.u32 v43, $0x3;
	v22 =	vbroadcast v22, $0x0;
	v19 =	vld [tilespmem:s19+$0xFFFFFFA0];
	v44 =	vadd.s32 v3, v18;
	[tilespmem:v35+s31+$0x0] =	vst.idx.msk $0xffff, v34  }
0x386: {  	v45 =	vld [tilespmem:s19+$0xFFFFFFB0];
	v52 =	vmov s15;
	v46 =	vshll.u32 v27, v1;
	v18 =	vadd.s32 v4, v18;
	[tilespmem:v31+s31+$0x0] =	vst.idx.msk $0xffff, v37  }
0x387: {  	v48 =	vld [tilespmem:s19+$0xFFFFFFC0];
	v27 =	vshrl.u32 v47, $0x3;
	v26 =	vbroadcast v46, $0x0;
	v49 =	vadd.s32 v5, v22;
	[tilespmem:v28+s31+$0x0] =	vst.idx.msk $0xffff, v39  }
0x388: {  	v50 =	vld [tilespmem:s19+$0xFFFFFFD0];
	v51 =	vshll.u32 v27, v1;
	v27 =	vshrl.u32 v52, $0x3;
	v22 =	vadd.s32 v6, v22;
	[tilespmem:v41+s31+$0x0] =	vst.idx.msk $0xffff, v40  }
0x389: {  	s18 =	sadd.s32 $0x6, s8;
	v25 =	vbroadcast v51, $0x0;
	v55 =	vshll.u32 v27, v1;
	v53 =	vadd.s32 v7, v26;
	[tilespmem:v42+s31+$0x0] =	vst.idx.msk $0xffff, v17;
	v17 =	vld [tilespmem:s19+$0xFFFFFFE0]  }
0x38a: {  	v56 =	vmov s18;
	v54 =	vadd.s32 v8, v26;
	v26 =	vbroadcast v55, $0x0;
	[tilespmem:v44+s31+$0x0] =	vst.idx.msk $0xffff, v19;
	v19 =	vld [tilespmem:s19+$0xFFFFFFF0]  }
0x38b: {  	v27 =	vshrl.u32 v56, $0x3;
	v57 =	vadd.s32 v9, v25;
	[tilespmem:v18+s31+$0x0] =	vst.idx.msk $0xffff, v45;
	v18 =	vld [tilespmem:s19+$0x0]  }
0x38c: {  	v59 =	vld [tilespmem:s19+$0x20];
	v27 =	vshll.u32 v27, v1;
	v60 =	vadd.s32 v11, v26;
	[tilespmem:v49+s31+$0x0] =	vst.idx.msk $0xffff, v48  }
0x38d: {  	v58 =	vld [tilespmem:s19+$0x10];
	v25 =	vadd.s32 v10, v25;
	v27 =	vbroadcast v27, $0x0;
	[tilespmem:v22+s31+$0x0] =	vst.idx.msk $0xffff, v50  }
0x38e: {  	v61 =	vadd.s32 v12, v26;
	[tilespmem:v53+s31+$0x0] =	vst.idx.msk $0xffff, v17;
	v17 =	vld [tilespmem:s19+$0x30]  }
0x38f: {  	v62 =	vadd.s32 v13, v27;
	[tilespmem:v54+s31+$0x0] =	vst.idx.msk $0xffff, v19;
	v19 =	vld [tilespmem:s19+$0x40]  }
0x390: {  	v63 =	vadd.s32 v14, v27;
	[tilespmem:v57+s31+$0x0] =	vst.idx.msk $0xffff, v18;
	v18 =	vld [tilespmem:s19+$0x50]  }
0x391: {  	[tilespmem:v60+s31+$0x0] =	vst.idx.msk $0xffff, v59  }
0x392: {  	[tilespmem:v25+s31+$0x0] =	vst.idx.msk $0xffff, v58  }
0x393: {  	s19 =	sor.u32 s16, s13;
	[tilespmem:v61+s31+$0x0] =	vst.idx.msk $0xffff, v17  }
0x394: {  	s8 =	simm.s32 $0x9400;
	s13 =	sshrl.u32 s19, $0x3;
	[tilespmem:v62+s31+$0x0] =	vst.idx.msk $0xffff, v19  }
0x395: {  	s10 =	simm.s32 $0x0;
	s7 =	simm.s32 $0x0;
	s5 =	sadd.s32 s4, s13;
	[tilespmem:v63+s31+$0x0] =	vst.idx.msk $0xffff, v18  }
.LBB2_57:
0x396: {  	p0 =	sne.s32 s10, $0xF800  }
.Ltmp27:
0x397: {  	_ = 	snop;
	(pc) =	sbr.rel @p0 .LBB2_57-.Ltmp27, $4  }
0x398: {  	_ = 	snop  }
0x399: {  	s11 =	sadd.s32 s10, s5  }
0x39a: {  	[hbm4b:s11+s7] =	stream.linear.scatter [tilespmem:s8], [sflag:$0x3], $0x200, $0x38;
	[tilespmem:$0x11600] =	vst v63  }
0x39b: {  	s10 =	sadd.s32 $0x800, s10;
	s8 =	sadd.s32 $0x208, s8  }
0x39c: {  	s5 =	simm.s32 $0x30;
	s7 =	simm.s32 $0x0  }
0x39d: {  	s8 =	simm.s32 $0x10;
	s7 =	sand.u32 $0xC00, s7;
	s5 =	sand.u32 $0x70, s5  }
0x39e: {  	s10 =	simm.s32 $0x0;
	s8 =	sand.u32 $0x50, s8;
	s5 =	sor.u32 s5, s7  }
0x39f: {  	s11 =	simm.s32 $0x20;
	s18 =	sand.u32 $0x40, s10;
	s8 =	sor.u32 s8, s7;
	v17 =	vld [tilespmem:s5+$0x100]  }
0x3a0: {  	s19 =	sand.u32 $0x60, s11;
	s5 =	sor.u32 s18, s7;
	v18 =	vld [tilespmem:s8+$0x100]  }
0x3a1: {  	s7 =	sor.u32 s19, s7;
	v19 =	vld [tilespmem:s5+$0x100]  }
0x3a2: {  	v20 =	vld [tilespmem:s7+$0x100]  }
0x3a3: {  	s15 =	simm.s32 $0x50;
	s11 =	simm.s32 $0x200;
	s8 =	simm.s32 $0x70  }
0x3a4: {  	s7 =	simm.s32 $0x1020;
	s5 =	sand.u32 $0xC00, s11;
	s14 =	sand.u32 $0x70, s8;
	vm0 =	vlt.u32 v17, $0xF4240  }
0x3a5: {  	s11 =	sand.u32 $0x50, s15;
	s10 =	sor.u32 s14, s5;
	s14 =	simm.s32 $0x40;
	vm14 =	vlt.u32 v18, $0xF4240;
	v21 =	vnsel vm0, $0x0, v17  }
0x3a6: {  	s15 =	simm.s32 $0x60;
	s11 =	sor.u32 s11, s5;
	s18 =	sand.u32 $0x40, s14;
	v17 =	vld [tilespmem:s10+$0x100];
	vm1 =	vlt.u32 v19, $0xF4240;
	[tilespmem:s7+$0x10] =	vst v21;
	v21 =	vnsel vm14, $0x0, v18  }
0x3a7: {  	s19 =	sand.u32 $0x60, s15;
	s10 =	sor.u32 s18, s5;
	vm15 =	vlt.u32 v20, $0xF4240;
	v18 =	vld [tilespmem:s11+$0x100];
	v22 =	vnsel vm1, $0x0, v19;
	[tilespmem:s7+$0xFFFFFFF0] =	vst v21  }
0x3a8: {  	s15 =	simm.s32 $0x4;
	s5 =	sor.u32 s19, s5;
	v19 =	vld [tilespmem:s10+$0x100];
	s10 =	simm.s32 $0x1000;
	v20 =	vnsel vm15, $0x0, v20;
	[tilespmem:s7+$0xFFFFFFE0] =	vst v22  }
.LBB2_59:
0x3a9: {  	s11 =	sshrl.u32 s10, $0x2  }
0x3aa: {  	s15 =	sadd.s32 $0x4, s15;
	v21 =	vld [tilespmem:s5+$0x100];
	s8 =	sadd.s32 $0x40, s8;
	[tilespmem:s7+$0x0] =	vst v20;
	s7 =	sadd.s32 $0x40, s7  }
0x3ab: {  	s5 =	sand.u32 $0xC00, s11;
	s11 =	sand.u32 $0x70, s8;
	p0 =	slt.u32 s15, $0x1C;
	vm0 =	vlt.u32 v17, $0xF4240  }
.Ltmp28:
0x3ac: {  	s14 =	sadd.s32 $0xFFFFFFE0, s8;
	s11 =	sor.u32 s11, s5;
	v20 =	vnsel vm0, $0x0, v17;
	(pc) =	sbr.rel @p0 .LBB2_59-.Ltmp28, $4  }
0x3ad: {  	s18 =	sadd.s32 $0xFFFFFFD0, s8;
	s19 =	sadd.s32 $0xFFFFFFF0, s8;
	s14 =	sand.u32 $0x50, s14;
	v17 =	vld [tilespmem:s11+$0x100];
	vm0 =	vlt.u32 v18, $0xF4240;
	[tilespmem:s7+$0x10] =	vst v20  }
0x3ae: {  	s11 =	sand.u32 $0x40, s18;
	s14 =	sor.u32 s14, s5;
	s18 =	sand.u32 $0x60, s19;
	vm1 =	vlt.u32 v19, $0xF4240;
	v20 =	vnsel vm0, $0x0, v18  }
0x3af: {  	s11 =	sor.u32 s11, s5;
	s5 =	sor.u32 s18, s5;
	v18 =	vld [tilespmem:s14+$0x100];
	v22 =	vnsel vm1, $0x0, v19;
	[tilespmem:s7+$0xFFFFFFF0] =	vst v20;
	vm0 =	vlt.u32 v21, $0xF4240  }
0x3b0: {  	s10 =	sadd.s32 $0x800, s10;
	v19 =	vld [tilespmem:s11+$0x100];
	[tilespmem:s7+$0xFFFFFFE0] =	vst v22;
	v20 =	vnsel vm0, $0x0, v21  }
0x3b1: {  	v21 =	vld [tilespmem:s5+$0x100];
	_ =	sdelay $0x1  }
0x3b2: {  	vm0 =	vlt.u32 v17, $0xF4240  }
0x3b3: {  	[tilespmem:s7+$0x0] =	vst v20;
	s18 =	sadd.s32 $0x40, s7;
	v17 =	vnsel vm0, $0x0, v17;
	vm14 =	vlt.u32 v18, $0xF4240  }
0x3b4: {  	[tilespmem:s18+$0x10] =	vst v17;
	vm1 =	vlt.u32 v19, $0xF4240;
	v17 =	vnsel vm14, $0x0, v18  }
0x3b5: {  	v18 =	vnsel vm1, $0x0, v19;
	[tilespmem:s18+$0xFFFFFFF0] =	vst v17;
	vm15 =	vlt.u32 v21, $0xF4240  }
0x3b6: {  	[tilespmem:s18+$0xFFFFFFE0] =	vst v18;
	v17 =	vnsel vm15, $0x0, v21  }
0x3b7: {  	[tilespmem:s18+$0x0] =	vst v17  }
0x3b8: {  	[tilespmem:s26], [sflag:$0x1] =	stream.indirect.gather [hbm4b:s1+s24], $0x20, s25, s24, $0xb8;
	[tilespmem:$0x11600] =	vst v63  }
0x3b9: {  	s19 =	simm.s32 $0x7;
	_ =	swait.ge [sflag:s0], $0x4000  }
0x3ba: {  	s7 =	simm.s32 $0x0;
	v17 =	vmov s19;
	[sflag:s0] =	ssyncset.done $0x0  }
0x3bb: {  	v18 =	vmov s7;
	v17 =	vshrl.u32 v17, $0x3;
	[sflag:s0] =	ssyncadd.s32 $0xFFFFC000  }
0x3bc: {  	v18 =	vshrl.u32 v18, $0x3;
	v17 =	vshll.u32 v17, v1;
	_ =	swait.ge [sflag:s9], $0x4000  }
0x3bd: {  	s8 =	simm.s32 $0x1;
	s10 =	simm.s32 $0x2;
	v18 =	vshll.u32 v18, v1;
	v17 =	vbroadcast v17, $0x0;
	[sflag:s9] =	ssyncset.done $0x0  }
0x3be: {  	v22 =	vmov s10;
	v19 =	vmov s8;
	s7 =	simm.s32 $0x5480;
	v18 =	vbroadcast v18, $0x0;
	[sflag:s9] =	ssyncadd.s32 $0xFFFFC000  }
0x3bf: {  	v22 =	vshrl.u32 v22, $0x3;
	v19 =	vshrl.u32 v19, $0x3;
	v21 =	vadd.s32 v15, v17;
	v20 =	vld [tilespmem:s7+$0x60]  }
0x3c0: {  	v22 =	vshll.u32 v22, v1;
	v19 =	vshll.u32 v19, v1;
	v25 =	vadd.s32 v0, v18;
	v24 =	vld [tilespmem:s7+$0xFFFFFF80]  }
0x3c1: {  	s11 =	simm.s32 $0x3;
	v22 =	vbroadcast v22, $0x0;
	v19 =	vbroadcast v19, $0x0;
	v17 =	vadd.s32 v16, v17;
	v23 =	vld [tilespmem:s7+$0x70]  }
0x3c2: {  	v27 =	vmov s11;
	v18 =	vadd.s32 v2, v18;
	v26 =	vld [tilespmem:s7+$0xFFFFFF90]  }
0x3c3: {  	s14 =	simm.s32 $0x4;
	v27 =	vshrl.u32 v27, $0x3;
	v33 =	vadd.s32 v5, v22;
	v29 =	vadd.s32 v3, v19;
	v28 =	vld [tilespmem:s7+$0xFFFFFFA0]  }
0x3c4: {  	v31 =	vadd.s32 v4, v19;
	v19 =	vshll.u32 v27, v1;
	v27 =	vmov s14;
	v32 =	vld [tilespmem:s7+$0xFFFFFFC0];
	[tilespmem:v21+s2+$0x0] =	vst.idx.msk $0xffff, v20  }
0x3c5: {  	s15 =	simm.s32 $0x5;
	v34 =	vbroadcast v19, $0x0;
	v19 =	vshrl.u32 v27, $0x3;
	v30 =	vld [tilespmem:s7+$0xFFFFFFB0];
	[tilespmem:v25+s2+$0x0] =	vst.idx.msk $0xffff, v24  }
0x3c6: {  	v19 =	vshll.u32 v19, v1;
	v20 =	vld [tilespmem:s7+$0xFFFFFFD0];
	v25 =	vadd.s32 v6, v22;
	v22 =	vmov s15;
	[tilespmem:v17+s2+$0x0] =	vst.idx.msk $0xffff, v23  }
0x3c7: {  	s18 =	simm.s32 $0x6;
	v35 =	vbroadcast v19, $0x0;
	v21 =	vadd.s32 v7, v34;
	[tilespmem:v18+s2+$0x0] =	vst.idx.msk $0xffff, v26;
	v17 =	vld [tilespmem:s7+$0xFFFFFFE0];
	v18 =	vshrl.u32 v22, $0x3  }
0x3c8: {  	v19 =	vld [tilespmem:s7+$0xFFFFFFF0];
	[tilespmem:v29+s2+$0x0] =	vst.idx.msk $0xffff, v28;
	v23 =	vadd.s32 v8, v34;
	v22 =	vmov s18;
	v18 =	vshll.u32 v18, v1  }
0x3c9: {  	s19 =	simm.s32 $0xF;
	v24 =	vld [tilespmem:s7+$0x0];
	[tilespmem:v33+s2+$0x0] =	vst.idx.msk $0xffff, v32;
	v26 =	vadd.s32 v9, v35;
	v29 =	vshrl.u32 v22, $0x3;
	v27 =	vbroadcast v18, $0x0  }
0x3ca: {  	s8 =	simm.s32 $0x8;
	v28 =	vmov s19;
	s15 =	simm.s32 $0x10;
	[tilespmem:v31+s2+$0x0] =	vst.idx.msk $0xffff, v30;
	v22 =	vadd.s32 v10, v35;
	v18 =	vld [tilespmem:s7+$0x10];
	v29 =	vshll.u32 v29, v1  }
.LBB2_61:
0x3cb: {  	p0 =	slt.u32 s15, $0x1F8;
	v28 =	vshrl.u32 v28, $0x3;
	[tilespmem:v25+s2+$0x0] =	vst.idx.msk $0xffff, v20;
	v20 =	vld [tilespmem:s7+$0x20];
	v25 =	vadd.s32 v11, v27;
	v29 =	vbroadcast v29, $0x0  }
0x3cc: {  	v30 =	vmov s8;
	v28 =	vshll.u32 v28, v1;
	[tilespmem:v21+s2+$0x0] =	vst.idx.msk $0xffff, v17;
	v17 =	vld [tilespmem:s7+$0x30];
	v21 =	vadd.s32 v12, v27  }
0x3cd: {  	s5 =	sadd.s32 $0x1, s8;
	v27 =	vshrl.u32 v30, $0x3;
	v28 =	vbroadcast v28, $0x0;
	[tilespmem:v23+s2+$0x0] =	vst.idx.msk $0xffff, v19;
	v19 =	vld [tilespmem:s7+$0x40];
	v23 =	vadd.s32 v13, v29  }
0x3ce: {  	v30 =	vmov s5;
	v27 =	vshll.u32 v27, v1;
	[tilespmem:v26+s2+$0x0] =	vst.idx.msk $0xffff, v24;
	v24 =	vld [tilespmem:s7+$0x50];
	v26 =	vadd.s32 v14, v29;
	s7 =	sadd.s32 $0x100, s7  }
0x3cf: {  	s5 =	sadd.s32 $0x2, s8;
	v27 =	vbroadcast v27, $0x0;
	v29 =	vshrl.u32 v30, $0x3;
	v30 =	vld [tilespmem:s7+$0x60];
	v31 =	vadd.s32 v15, v28;
	[tilespmem:v22+s2+$0x0] =	vst.idx.msk $0xffff, v18  }
0x3d0: {  	v18 =	vshll.u32 v29, v1;
	v22 =	vmov s5;
	v28 =	vadd.s32 v16, v28;
	v29 =	vld [tilespmem:s7+$0x70];
	[tilespmem:v25+s2+$0x0] =	vst.idx.msk $0xffff, v20  }
0x3d1: {  	s5 =	sadd.s32 $0x3, s8;
	v25 =	vadd.s32 v0, v27;
	v18 =	vbroadcast v18, $0x0;
	v22 =	vshrl.u32 v22, $0x3;
	v20 =	vld [tilespmem:s7+$0xFFFFFF80];
	[tilespmem:v21+s2+$0x0] =	vst.idx.msk $0xffff, v17  }
0x3d2: {  	v21 =	vadd.s32 v2, v27;
	v22 =	vshll.u32 v22, v1;
	v27 =	vmov s5;
	v17 =	vld [tilespmem:s7+$0xFFFFFF90];
	[tilespmem:v23+s2+$0x0] =	vst.idx.msk $0xffff, v19  }
0x3d3: {  	s5 =	sadd.s32 $0x4, s8;
	v23 =	vadd.s32 v3, v18;
	v22 =	vbroadcast v22, $0x0;
	v27 =	vshrl.u32 v27, $0x3;
	v19 =	vld [tilespmem:s7+$0xFFFFFFA0];
	[tilespmem:v26+s2+$0x0] =	vst.idx.msk $0xffff, v24  }
0x3d4: {  	v18 =	vadd.s32 v4, v18;
	v26 =	vshll.u32 v27, v1;
	v27 =	vmov s5;
	v24 =	vld [tilespmem:s7+$0xFFFFFFB0];
	[tilespmem:v31+s2+$0x0] =	vst.idx.msk $0xffff, v30  }
0x3d5: {  	s5 =	sadd.s32 $0x5, s8;
	v31 =	vadd.s32 v5, v22;
	v26 =	vbroadcast v26, $0x0;
	v27 =	vshrl.u32 v27, $0x3;
	v30 =	vld [tilespmem:s7+$0xFFFFFFC0];
	[tilespmem:v28+s2+$0x0] =	vst.idx.msk $0xffff, v29  }
.Ltmp29:
0x3d6: {  	[tilespmem:v25+s2+$0x0] =	vst.idx.msk $0xffff, v20;
	v20 =	vld [tilespmem:s7+$0xFFFFFFD0];
	v25 =	vadd.s32 v6, v22;
	v22 =	vshll.u32 v27, v1;
	v27 =	vmov s5;
	(pc) =	sbr.rel @p0 .LBB2_61-.Ltmp29, $4  }
0x3d7: {  	s5 =	sadd.s32 $0x6, s8;
	s8 =	smov.u32 s15;
	[tilespmem:v21+s2+$0x0] =	vst.idx.msk $0xffff, v17;
	v17 =	vld [tilespmem:s7+$0xFFFFFFE0];
	v21 =	vadd.s32 v7, v26;
	v22 =	vbroadcast v22, $0x0;
	v27 =	vshrl.u32 v27, $0x3  }
0x3d8: {  	v28 =	vmov s5;
	[tilespmem:v23+s2+$0x0] =	vst.idx.msk $0xffff, v19;
	v19 =	vld [tilespmem:s7+$0xFFFFFFF0];
	v23 =	vadd.s32 v8, v26;
	v27 =	vshll.u32 v27, v1  }
0x3d9: {  	s5 =	sadd.s32 $0x7, s15;
	v29 =	vshrl.u32 v28, $0x3;
	[tilespmem:v18+s2+$0x0] =	vst.idx.msk $0xffff, v24;
	v24 =	vld [tilespmem:s7+$0x0];
	v26 =	vadd.s32 v9, v22;
	v27 =	vbroadcast v27, $0x0  }
0x3da: {  	s15 =	sadd.s32 $0x8, s15;
	v28 =	vmov s5;
	v22 =	vadd.s32 v10, v22;
	v29 =	vshll.u32 v29, v1;
	[tilespmem:v31+s2+$0x0] =	vst.idx.msk $0xffff, v30;
	v18 =	vld [tilespmem:s7+$0x10]  }
0x3db: {  	_ =	sdelay $0x2  }
0x3dc: {  	v28 =	vshrl.u32 v28, $0x3;
	v60 =	vadd.s32 v11, v27;
	v29 =	vbroadcast v29, $0x0  }
0x3dd: {  	[tilespmem:v25+s2+$0x0] =	vst.idx.msk $0xffff, v20;
	v59 =	vld [tilespmem:s7+$0x20];
	v30 =	vmov s8;
	v61 =	vadd.s32 v12, v27;
	s5 =	sadd.s32 $0x1, s8;
	s10 =	sadd.s32 $0x2, s8;
	v28 =	vshll.u32 v28, v1  }
0x3de: {  	s11 =	sadd.s32 $0x3, s8;
	[tilespmem:v21+s2+$0x0] =	vst.idx.msk $0xffff, v17;
	v17 =	vld [tilespmem:s7+$0x30];
	v62 =	vshrl.u32 v30, $0x3;
	v33 =	vmov s5;
	v38 =	vmov s10  }
0x3df: {  	s14 =	sadd.s32 $0x4, s8;
	v43 =	vmov s11;
	v28 =	vbroadcast v28, $0x0;
	[tilespmem:v23+s2+$0x0] =	vst.idx.msk $0xffff, v19;
	v19 =	vld [tilespmem:s7+$0x40];
	v63 =	vadd.s32 v13, v29  }
0x3e0: {  	v34 =	vld [tilespmem:s7+$0x50];
	s19 =	sadd.s32 $0x100, s7;
	v47 =	vmov s14;
	v27 =	vshll.u32 v62, v1;
	v35 =	vadd.s32 v14, v29;
	[tilespmem:v26+s2+$0x0] =	vst.idx.msk $0xffff, v24  }
0x3e1: {  	s15 =	sadd.s32 $0x5, s8;
	v37 =	vld [tilespmem:s19+$0x60];
	v36 =	vshrl.u32 v33, $0x3;
	v27 =	vbroadcast v27, $0x0;
	v31 =	vadd.s32 v15, v28;
	[tilespmem:v22+s2+$0x0] =	vst.idx.msk $0xffff, v18  }
0x3e2: {  	v39 =	vld [tilespmem:s19+$0x70];
	v52 =	vmov s15;
	v18 =	vshll.u32 v36, v1;
	v28 =	vadd.s32 v16, v28;
	[tilespmem:v60+s2+$0x0] =	vst.idx.msk $0xffff, v59  }
0x3e3: {  	v40 =	vld [tilespmem:s19+$0xFFFFFF80];
	v22 =	vshrl.u32 v38, $0x3;
	v41 =	vadd.s32 v0, v27;
	v18 =	vbroadcast v18, $0x0;
	[tilespmem:v61+s2+$0x0] =	vst.idx.msk $0xffff, v17  }
0x3e4: {  	v42 =	vadd.s32 v2, v27;
	v22 =	vshll.u32 v22, v1;
	v27 =	vshrl.u32 v43, $0x3;
	v17 =	vld [tilespmem:s19+$0xFFFFFF90];
	[tilespmem:v63+s2+$0x0] =	vst.idx.msk $0xffff, v19  }
0x3e5: {  	v22 =	vbroadcast v22, $0x0;
	v46 =	vshll.u32 v27, v1;
	v19 =	vld [tilespmem:s19+$0xFFFFFFA0];
	v44 =	vadd.s32 v3, v18;
	[tilespmem:v35+s2+$0x0] =	vst.idx.msk $0xffff, v34  }
0x3e6: {  	v45 =	vld [tilespmem:s19+$0xFFFFFFB0];
	v27 =	vshrl.u32 v47, $0x3;
	v18 =	vadd.s32 v4, v18;
	v26 =	vbroadcast v46, $0x0;
	[tilespmem:v31+s2+$0x0] =	vst.idx.msk $0xffff, v37  }
0x3e7: {  	v48 =	vld [tilespmem:s19+$0xFFFFFFC0];
	v51 =	vshll.u32 v27, v1;
	v27 =	vshrl.u32 v52, $0x3;
	v49 =	vadd.s32 v5, v22;
	[tilespmem:v28+s2+$0x0] =	vst.idx.msk $0xffff, v39  }
0x3e8: {  	v50 =	vld [tilespmem:s19+$0xFFFFFFD0];
	v22 =	vadd.s32 v6, v22;
	v55 =	vshll.u32 v27, v1;
	[tilespmem:v41+s2+$0x0] =	vst.idx.msk $0xffff, v40  }
0x3e9: {  	s18 =	sadd.s32 $0x6, s8;
	v53 =	vadd.s32 v7, v26;
	v54 =	vadd.s32 v8, v26;
	v26 =	vbroadcast v55, $0x0;
	[tilespmem:v42+s2+$0x0] =	vst.idx.msk $0xffff, v17;
	v17 =	vld [tilespmem:s19+$0xFFFFFFE0]  }
0x3ea: {  	v56 =	vmov s18;
	v25 =	vbroadcast v51, $0x0;
	[tilespmem:v44+s2+$0x0] =	vst.idx.msk $0xffff, v19;
	v19 =	vld [tilespmem:s19+$0xFFFFFFF0]  }
0x3eb: {  	v59 =	vld [tilespmem:s19+$0x20];
	v27 =	vshrl.u32 v56, $0x3;
	v60 =	vadd.s32 v11, v26;
	[tilespmem:v18+s2+$0x0] =	vst.idx.msk $0xffff, v45  }
0x3ec: {  	v27 =	vshll.u32 v27, v1;
	v57 =	vadd.s32 v9, v25;
	v18 =	vld [tilespmem:s19+$0x0];
	[tilespmem:v49+s2+$0x0] =	vst.idx.msk $0xffff, v48  }
0x3ed: {  	v58 =	vld [tilespmem:s19+$0x10];
	v25 =	vadd.s32 v10, v25;
	v27 =	vbroadcast v27, $0x0;
	[tilespmem:v22+s2+$0x0] =	vst.idx.msk $0xffff, v50  }
0x3ee: {  	v61 =	vadd.s32 v12, v26;
	[tilespmem:v53+s2+$0x0] =	vst.idx.msk $0xffff, v17;
	v17 =	vld [tilespmem:s19+$0x30]  }
0x3ef: {  	v62 =	vadd.s32 v13, v27;
	[tilespmem:v54+s2+$0x0] =	vst.idx.msk $0xffff, v19;
	v19 =	vld [tilespmem:s19+$0x40]  }
0x3f0: {  	[tilespmem:v60+s2+$0x0] =	vst.idx.msk $0xffff, v59  }
0x3f1: {  	v63 =	vadd.s32 v14, v27;
	[tilespmem:v57+s2+$0x0] =	vst.idx.msk $0xffff, v18;
	v18 =	vld [tilespmem:s19+$0x50]  }
0x3f2: {  	[tilespmem:v25+s2+$0x0] =	vst.idx.msk $0xffff, v58  }
0x3f3: {  	[tilespmem:v61+s2+$0x0] =	vst.idx.msk $0xffff, v17  }
0x3f4: {  	[tilespmem:v62+s2+$0x0] =	vst.idx.msk $0xffff, v19  }
0x3f5: {  	s8 =	simm.s32 $0xD500;
	s19 =	rddreg [dreg:$0x6]  }
0x3f6: {  	s10 =	simm.s32 $0x0;
	s7 =	simm.s32 $0x0;
	[tilespmem:v63+s2+$0x0] =	vst.idx.msk $0xffff, v18;
	s5 =	sadd.s32 s13, s19  }
.LBB2_63:
0x3f7: {  	p0 =	sne.s32 s10, $0xF800  }
.Ltmp30:
0x3f8: {  	_ = 	snop;
	(pc) =	sbr.rel @p0 .LBB2_63-.Ltmp30, $4  }
0x3f9: {  	_ = 	snop  }
0x3fa: {  	s11 =	sadd.s32 s10, s5  }
0x3fb: {  	[hbm4b:s11+s7] =	stream.linear.scatter [tilespmem:s8], [sflag:$0x4], $0x200, $0x38;
	[tilespmem:$0x11600] =	vst v63  }
0x3fc: {  	s10 =	sadd.s32 $0x800, s10;
	s8 =	sadd.s32 $0x208, s8  }
0x3fd: {  	s5 =	simm.s32 $0x30;
	s7 =	simm.s32 $0x0  }
0x3fe: {  	s8 =	simm.s32 $0x10;
	s7 =	sand.u32 $0xC00, s7;
	s5 =	sand.u32 $0x70, s5  }
0x3ff: {  	s10 =	simm.s32 $0x0;
	s8 =	sand.u32 $0x50, s8;
	s5 =	sor.u32 s5, s7  }
0x400: {  	s11 =	simm.s32 $0x20;
	s18 =	sand.u32 $0x40, s10;
	s8 =	sor.u32 s8, s7;
	v17 =	vld [tilespmem:s5+$0x180]  }
0x401: {  	s19 =	sand.u32 $0x60, s11;
	s5 =	sor.u32 s18, s7;
	v18 =	vld [tilespmem:s8+$0x180]  }
0x402: {  	s7 =	sor.u32 s19, s7;
	v19 =	vld [tilespmem:s5+$0x180]  }
0x403: {  	v20 =	vld [tilespmem:s7+$0x180]  }
0x404: {  	s15 =	simm.s32 $0x50;
	s11 =	simm.s32 $0x200;
	s8 =	simm.s32 $0x70  }
0x405: {  	s7 =	simm.s32 $0x1220;
	s5 =	sand.u32 $0xC00, s11;
	s14 =	sand.u32 $0x70, s8;
	vm0 =	vlt.u32 v17, $0xF4240  }
0x406: {  	s11 =	sand.u32 $0x50, s15;
	s10 =	sor.u32 s14, s5;
	s14 =	simm.s32 $0x40;
	vm14 =	vlt.u32 v18, $0xF4240;
	v21 =	vnsel vm0, $0x0, v17  }
0x407: {  	s15 =	simm.s32 $0x60;
	s11 =	sor.u32 s11, s5;
	s18 =	sand.u32 $0x40, s14;
	v17 =	vld [tilespmem:s10+$0x180];
	vm1 =	vlt.u32 v19, $0xF4240;
	[tilespmem:s7+$0x10] =	vst v21;
	v21 =	vnsel vm14, $0x0, v18  }
0x408: {  	s19 =	sand.u32 $0x60, s15;
	s10 =	sor.u32 s18, s5;
	vm15 =	vlt.u32 v20, $0xF4240;
	v18 =	vld [tilespmem:s11+$0x180];
	v22 =	vnsel vm1, $0x0, v19;
	[tilespmem:s7+$0xFFFFFFF0] =	vst v21  }
0x409: {  	s15 =	simm.s32 $0x4;
	s5 =	sor.u32 s19, s5;
	v19 =	vld [tilespmem:s10+$0x180];
	s10 =	simm.s32 $0x1000;
	v20 =	vnsel vm15, $0x0, v20;
	[tilespmem:s7+$0xFFFFFFE0] =	vst v22  }
.LBB2_65:
0x40a: {  	s11 =	sshrl.u32 s10, $0x2  }
0x40b: {  	s15 =	sadd.s32 $0x4, s15;
	v21 =	vld [tilespmem:s5+$0x180];
	s8 =	sadd.s32 $0x40, s8;
	[tilespmem:s7+$0x0] =	vst v20;
	s7 =	sadd.s32 $0x40, s7  }
0x40c: {  	s5 =	sand.u32 $0xC00, s11;
	s11 =	sand.u32 $0x70, s8;
	p0 =	slt.u32 s15, $0x1C;
	vm0 =	vlt.u32 v17, $0xF4240  }
.Ltmp31:
0x40d: {  	s14 =	sadd.s32 $0xFFFFFFE0, s8;
	s11 =	sor.u32 s11, s5;
	v20 =	vnsel vm0, $0x0, v17;
	(pc) =	sbr.rel @p0 .LBB2_65-.Ltmp31, $4  }
0x40e: {  	s18 =	sadd.s32 $0xFFFFFFD0, s8;
	s19 =	sadd.s32 $0xFFFFFFF0, s8;
	s14 =	sand.u32 $0x50, s14;
	v17 =	vld [tilespmem:s11+$0x180];
	vm0 =	vlt.u32 v18, $0xF4240;
	[tilespmem:s7+$0x10] =	vst v20  }
0x40f: {  	s11 =	sand.u32 $0x40, s18;
	s14 =	sor.u32 s14, s5;
	s18 =	sand.u32 $0x60, s19;
	vm1 =	vlt.u32 v19, $0xF4240;
	v20 =	vnsel vm0, $0x0, v18  }
0x410: {  	s11 =	sor.u32 s11, s5;
	s5 =	sor.u32 s18, s5;
	v18 =	vld [tilespmem:s14+$0x180];
	v22 =	vnsel vm1, $0x0, v19;
	[tilespmem:s7+$0xFFFFFFF0] =	vst v20;
	vm0 =	vlt.u32 v21, $0xF4240  }
0x411: {  	s10 =	sadd.s32 $0x800, s10;
	v19 =	vld [tilespmem:s11+$0x180];
	[tilespmem:s7+$0xFFFFFFE0] =	vst v22;
	v20 =	vnsel vm0, $0x0, v21  }
0x412: {  	v21 =	vld [tilespmem:s5+$0x180];
	_ =	sdelay $0x1  }
0x413: {  	vm0 =	vlt.u32 v17, $0xF4240  }
0x414: {  	[tilespmem:s7+$0x0] =	vst v20;
	s18 =	sadd.s32 $0x40, s7;
	v17 =	vnsel vm0, $0x0, v17;
	vm14 =	vlt.u32 v18, $0xF4240  }
0x415: {  	[tilespmem:s18+$0x10] =	vst v17;
	vm1 =	vlt.u32 v19, $0xF4240;
	v17 =	vnsel vm14, $0x0, v18  }
0x416: {  	v18 =	vnsel vm1, $0x0, v19;
	[tilespmem:s18+$0xFFFFFFF0] =	vst v17;
	vm15 =	vlt.u32 v21, $0xF4240  }
0x417: {  	[tilespmem:s18+$0xFFFFFFE0] =	vst v18;
	v17 =	vnsel vm15, $0x0, v21  }
0x418: {  	[tilespmem:s18+$0x0] =	vst v17  }
0x419: {  	[tilespmem:s29], [sflag:$0x2] =	stream.indirect.gather [hbm4b:s1+s24], $0x20, s28, s24, $0xb8;
	[tilespmem:$0x11600] =	vst v63  }
0x41a: {  	s19 =	simm.s32 $0x7;
	_ =	swait.ge [sflag:s30], $0x4000  }
0x41b: {  	s7 =	simm.s32 $0x0;
	v17 =	vmov s19;
	[sflag:s30] =	ssyncset.done $0x0  }
0x41c: {  	v18 =	vmov s7;
	v17 =	vshrl.u32 v17, $0x3;
	[sflag:s30] =	ssyncadd.s32 $0xFFFFC000  }
0x41d: {  	v18 =	vshrl.u32 v18, $0x3;
	v17 =	vshll.u32 v17, v1;
	_ =	swait.ge [sflag:s22], $0x4000  }
0x41e: {  	s8 =	simm.s32 $0x1;
	s10 =	simm.s32 $0x2;
	v18 =	vshll.u32 v18, v1;
	v17 =	vbroadcast v17, $0x0;
	[sflag:s22] =	ssyncset.done $0x0  }
0x41f: {  	v22 =	vmov s10;
	v19 =	vmov s8;
	s7 =	simm.s32 $0x1480;
	v18 =	vbroadcast v18, $0x0;
	[sflag:s22] =	ssyncadd.s32 $0xFFFFC000  }
0x420: {  	v22 =	vshrl.u32 v22, $0x3;
	v19 =	vshrl.u32 v19, $0x3;
	v21 =	vadd.s32 v15, v17;
	v20 =	vld [tilespmem:s7+$0x60]  }
0x421: {  	v22 =	vshll.u32 v22, v1;
	v19 =	vshll.u32 v19, v1;
	v25 =	vadd.s32 v0, v18;
	v24 =	vld [tilespmem:s7+$0xFFFFFF80]  }
0x422: {  	s11 =	simm.s32 $0x3;
	v22 =	vbroadcast v22, $0x0;
	v19 =	vbroadcast v19, $0x0;
	v17 =	vadd.s32 v16, v17;
	v23 =	vld [tilespmem:s7+$0x70]  }
0x423: {  	v27 =	vmov s11;
	v18 =	vadd.s32 v2, v18;
	v26 =	vld [tilespmem:s7+$0xFFFFFF90]  }
0x424: {  	s14 =	simm.s32 $0x4;
	v27 =	vshrl.u32 v27, $0x3;
	v33 =	vadd.s32 v5, v22;
	v29 =	vadd.s32 v3, v19;
	v28 =	vld [tilespmem:s7+$0xFFFFFFA0]  }
0x425: {  	v31 =	vadd.s32 v4, v19;
	v19 =	vshll.u32 v27, v1;
	v27 =	vmov s14;
	v32 =	vld [tilespmem:s7+$0xFFFFFFC0];
	[tilespmem:v21+s31+$0x0] =	vst.idx.msk $0xffff, v20  }
0x426: {  	s15 =	simm.s32 $0x5;
	v34 =	vbroadcast v19, $0x0;
	v19 =	vshrl.u32 v27, $0x3;
	v30 =	vld [tilespmem:s7+$0xFFFFFFB0];
	[tilespmem:v25+s31+$0x0] =	vst.idx.msk $0xffff, v24  }
0x427: {  	v19 =	vshll.u32 v19, v1;
	v20 =	vld [tilespmem:s7+$0xFFFFFFD0];
	v25 =	vadd.s32 v6, v22;
	v22 =	vmov s15;
	[tilespmem:v17+s31+$0x0] =	vst.idx.msk $0xffff, v23  }
0x428: {  	s18 =	simm.s32 $0x6;
	v35 =	vbroadcast v19, $0x0;
	v21 =	vadd.s32 v7, v34;
	[tilespmem:v18+s31+$0x0] =	vst.idx.msk $0xffff, v26;
	v17 =	vld [tilespmem:s7+$0xFFFFFFE0];
	v18 =	vshrl.u32 v22, $0x3  }
0x429: {  	v19 =	vld [tilespmem:s7+$0xFFFFFFF0];
	[tilespmem:v29+s31+$0x0] =	vst.idx.msk $0xffff, v28;
	v23 =	vadd.s32 v8, v34;
	v22 =	vmov s18;
	v18 =	vshll.u32 v18, v1  }
0x42a: {  	s19 =	simm.s32 $0xF;
	v24 =	vld [tilespmem:s7+$0x0];
	[tilespmem:v33+s31+$0x0] =	vst.idx.msk $0xffff, v32;
	v26 =	vadd.s32 v9, v35;
	v29 =	vshrl.u32 v22, $0x3;
	v27 =	vbroadcast v18, $0x0  }
0x42b: {  	s8 =	simm.s32 $0x8;
	v28 =	vmov s19;
	s15 =	simm.s32 $0x10;
	[tilespmem:v31+s31+$0x0] =	vst.idx.msk $0xffff, v30;
	v22 =	vadd.s32 v10, v35;
	v18 =	vld [tilespmem:s7+$0x10];
	v29 =	vshll.u32 v29, v1  }
.LBB2_67:
0x42c: {  	p0 =	slt.u32 s15, $0x1F8;
	v28 =	vshrl.u32 v28, $0x3;
	[tilespmem:v25+s31+$0x0] =	vst.idx.msk $0xffff, v20;
	v20 =	vld [tilespmem:s7+$0x20];
	v25 =	vadd.s32 v11, v27;
	v29 =	vbroadcast v29, $0x0  }
0x42d: {  	v30 =	vmov s8;
	v28 =	vshll.u32 v28, v1;
	[tilespmem:v21+s31+$0x0] =	vst.idx.msk $0xffff, v17;
	v17 =	vld [tilespmem:s7+$0x30];
	v21 =	vadd.s32 v12, v27  }
0x42e: {  	s5 =	sadd.s32 $0x1, s8;
	v27 =	vshrl.u32 v30, $0x3;
	v28 =	vbroadcast v28, $0x0;
	[tilespmem:v23+s31+$0x0] =	vst.idx.msk $0xffff, v19;
	v19 =	vld [tilespmem:s7+$0x40];
	v23 =	vadd.s32 v13, v29  }
0x42f: {  	v30 =	vmov s5;
	v27 =	vshll.u32 v27, v1;
	[tilespmem:v26+s31+$0x0] =	vst.idx.msk $0xffff, v24;
	v24 =	vld [tilespmem:s7+$0x50];
	v26 =	vadd.s32 v14, v29;
	s7 =	sadd.s32 $0x100, s7  }
0x430: {  	s5 =	sadd.s32 $0x2, s8;
	v27 =	vbroadcast v27, $0x0;
	v29 =	vshrl.u32 v30, $0x3;
	v30 =	vld [tilespmem:s7+$0x60];
	v31 =	vadd.s32 v15, v28;
	[tilespmem:v22+s31+$0x0] =	vst.idx.msk $0xffff, v18  }
0x431: {  	v18 =	vshll.u32 v29, v1;
	v22 =	vmov s5;
	v28 =	vadd.s32 v16, v28;
	v29 =	vld [tilespmem:s7+$0x70];
	[tilespmem:v25+s31+$0x0] =	vst.idx.msk $0xffff, v20  }
0x432: {  	s5 =	sadd.s32 $0x3, s8;
	v25 =	vadd.s32 v0, v27;
	v18 =	vbroadcast v18, $0x0;
	v22 =	vshrl.u32 v22, $0x3;
	v20 =	vld [tilespmem:s7+$0xFFFFFF80];
	[tilespmem:v21+s31+$0x0] =	vst.idx.msk $0xffff, v17  }
0x433: {  	v21 =	vadd.s32 v2, v27;
	v22 =	vshll.u32 v22, v1;
	v27 =	vmov s5;
	v17 =	vld [tilespmem:s7+$0xFFFFFF90];
	[tilespmem:v23+s31+$0x0] =	vst.idx.msk $0xffff, v19  }
0x434: {  	s5 =	sadd.s32 $0x4, s8;
	v23 =	vadd.s32 v3, v18;
	v22 =	vbroadcast v22, $0x0;
	v27 =	vshrl.u32 v27, $0x3;
	v19 =	vld [tilespmem:s7+$0xFFFFFFA0];
	[tilespmem:v26+s31+$0x0] =	vst.idx.msk $0xffff, v24  }
0x435: {  	v18 =	vadd.s32 v4, v18;
	v26 =	vshll.u32 v27, v1;
	v27 =	vmov s5;
	v24 =	vld [tilespmem:s7+$0xFFFFFFB0];
	[tilespmem:v31+s31+$0x0] =	vst.idx.msk $0xffff, v30  }
0x436: {  	s5 =	sadd.s32 $0x5, s8;
	v31 =	vadd.s32 v5, v22;
	v26 =	vbroadcast v26, $0x0;
	v27 =	vshrl.u32 v27, $0x3;
	v30 =	vld [tilespmem:s7+$0xFFFFFFC0];
	[tilespmem:v28+s31+$0x0] =	vst.idx.msk $0xffff, v29  }
.Ltmp32:
0x437: {  	[tilespmem:v25+s31+$0x0] =	vst.idx.msk $0xffff, v20;
	v20 =	vld [tilespmem:s7+$0xFFFFFFD0];
	v25 =	vadd.s32 v6, v22;
	v22 =	vshll.u32 v27, v1;
	v27 =	vmov s5;
	(pc) =	sbr.rel @p0 .LBB2_67-.Ltmp32, $4  }
0x438: {  	s5 =	sadd.s32 $0x6, s8;
	s8 =	smov.u32 s15;
	[tilespmem:v21+s31+$0x0] =	vst.idx.msk $0xffff, v17;
	v17 =	vld [tilespmem:s7+$0xFFFFFFE0];
	v21 =	vadd.s32 v7, v26;
	v22 =	vbroadcast v22, $0x0;
	v27 =	vshrl.u32 v27, $0x3  }
0x439: {  	v28 =	vmov s5;
	[tilespmem:v23+s31+$0x0] =	vst.idx.msk $0xffff, v19;
	v19 =	vld [tilespmem:s7+$0xFFFFFFF0];
	v23 =	vadd.s32 v8, v26;
	v27 =	vshll.u32 v27, v1  }
0x43a: {  	s5 =	sadd.s32 $0x7, s15;
	v29 =	vshrl.u32 v28, $0x3;
	[tilespmem:v18+s31+$0x0] =	vst.idx.msk $0xffff, v24;
	v24 =	vld [tilespmem:s7+$0x0];
	v26 =	vadd.s32 v9, v22;
	v27 =	vbroadcast v27, $0x0  }
0x43b: {  	s15 =	sadd.s32 $0x8, s15;
	v28 =	vmov s5;
	v22 =	vadd.s32 v10, v22;
	v29 =	vshll.u32 v29, v1;
	[tilespmem:v31+s31+$0x0] =	vst.idx.msk $0xffff, v30;
	v18 =	vld [tilespmem:s7+$0x10]  }
0x43c: {  	_ =	sdelay $0x2  }
0x43d: {  	v28 =	vshrl.u32 v28, $0x3;
	v60 =	vadd.s32 v11, v27;
	v29 =	vbroadcast v29, $0x0  }
0x43e: {  	[tilespmem:v25+s31+$0x0] =	vst.idx.msk $0xffff, v20;
	v59 =	vld [tilespmem:s7+$0x20];
	v30 =	vmov s8;
	v61 =	vadd.s32 v12, v27;
	s5 =	sadd.s32 $0x1, s8;
	s10 =	sadd.s32 $0x2, s8;
	v28 =	vshll.u32 v28, v1  }
0x43f: {  	s11 =	sadd.s32 $0x3, s8;
	[tilespmem:v21+s31+$0x0] =	vst.idx.msk $0xffff, v17;
	v17 =	vld [tilespmem:s7+$0x30];
	v62 =	vshrl.u32 v30, $0x3;
	v33 =	vmov s5;
	v38 =	vmov s10  }
0x440: {  	s14 =	sadd.s32 $0x4, s8;
	v43 =	vmov s11;
	v28 =	vbroadcast v28, $0x0;
	[tilespmem:v23+s31+$0x0] =	vst.idx.msk $0xffff, v19;
	v19 =	vld [tilespmem:s7+$0x40];
	v63 =	vadd.s32 v13, v29  }
0x441: {  	v34 =	vld [tilespmem:s7+$0x50];
	s19 =	sadd.s32 $0x100, s7;
	v47 =	vmov s14;
	v27 =	vshll.u32 v62, v1;
	v35 =	vadd.s32 v14, v29;
	[tilespmem:v26+s31+$0x0] =	vst.idx.msk $0xffff, v24  }
0x442: {  	s15 =	sadd.s32 $0x5, s8;
	v37 =	vld [tilespmem:s19+$0x60];
	v36 =	vshrl.u32 v33, $0x3;
	v27 =	vbroadcast v27, $0x0;
	v31 =	vadd.s32 v15, v28;
	[tilespmem:v22+s31+$0x0] =	vst.idx.msk $0xffff, v18  }
0x443: {  	v39 =	vld [tilespmem:s19+$0x70];
	v52 =	vmov s15;
	v18 =	vshll.u32 v36, v1;
	v28 =	vadd.s32 v16, v28;
	[tilespmem:v60+s31+$0x0] =	vst.idx.msk $0xffff, v59  }
0x444: {  	v40 =	vld [tilespmem:s19+$0xFFFFFF80];
	v22 =	vshrl.u32 v38, $0x3;
	v41 =	vadd.s32 v0, v27;
	v18 =	vbroadcast v18, $0x0;
	[tilespmem:v61+s31+$0x0] =	vst.idx.msk $0xffff, v17  }
0x445: {  	v42 =	vadd.s32 v2, v27;
	v22 =	vshll.u32 v22, v1;
	v27 =	vshrl.u32 v43, $0x3;
	v17 =	vld [tilespmem:s19+$0xFFFFFF90];
	[tilespmem:v63+s31+$0x0] =	vst.idx.msk $0xffff, v19  }
0x446: {  	v22 =	vbroadcast v22, $0x0;
	v46 =	vshll.u32 v27, v1;
	v19 =	vld [tilespmem:s19+$0xFFFFFFA0];
	v44 =	vadd.s32 v3, v18;
	[tilespmem:v35+s31+$0x0] =	vst.idx.msk $0xffff, v34  }
0x447: {  	v45 =	vld [tilespmem:s19+$0xFFFFFFB0];
	v27 =	vshrl.u32 v47, $0x3;
	v18 =	vadd.s32 v4, v18;
	v26 =	vbroadcast v46, $0x0;
	[tilespmem:v31+s31+$0x0] =	vst.idx.msk $0xffff, v37  }
0x448: {  	v48 =	vld [tilespmem:s19+$0xFFFFFFC0];
	v51 =	vshll.u32 v27, v1;
	v27 =	vshrl.u32 v52, $0x3;
	v49 =	vadd.s32 v5, v22;
	[tilespmem:v28+s31+$0x0] =	vst.idx.msk $0xffff, v39  }
0x449: {  	v50 =	vld [tilespmem:s19+$0xFFFFFFD0];
	v22 =	vadd.s32 v6, v22;
	v55 =	vshll.u32 v27, v1;
	[tilespmem:v41+s31+$0x0] =	vst.idx.msk $0xffff, v40  }
0x44a: {  	s18 =	sadd.s32 $0x6, s8;
	v53 =	vadd.s32 v7, v26;
	v54 =	vadd.s32 v8, v26;
	v26 =	vbroadcast v55, $0x0;
	[tilespmem:v42+s31+$0x0] =	vst.idx.msk $0xffff, v17;
	v17 =	vld [tilespmem:s19+$0xFFFFFFE0]  }
0x44b: {  	v56 =	vmov s18;
	v25 =	vbroadcast v51, $0x0;
	[tilespmem:v44+s31+$0x0] =	vst.idx.msk $0xffff, v19;
	v19 =	vld [tilespmem:s19+$0xFFFFFFF0]  }
0x44c: {  	v59 =	vld [tilespmem:s19+$0x20];
	v27 =	vshrl.u32 v56, $0x3;
	v60 =	vadd.s32 v11, v26;
	[tilespmem:v18+s31+$0x0] =	vst.idx.msk $0xffff, v45  }
0x44d: {  	v27 =	vshll.u32 v27, v1;
	v57 =	vadd.s32 v9, v25;
	v18 =	vld [tilespmem:s19+$0x0];
	[tilespmem:v49+s31+$0x0] =	vst.idx.msk $0xffff, v48  }
0x44e: {  	v58 =	vld [tilespmem:s19+$0x10];
	v25 =	vadd.s32 v10, v25;
	v27 =	vbroadcast v27, $0x0;
	[tilespmem:v22+s31+$0x0] =	vst.idx.msk $0xffff, v50  }
0x44f: {  	v61 =	vadd.s32 v12, v26;
	[tilespmem:v53+s31+$0x0] =	vst.idx.msk $0xffff, v17;
	v17 =	vld [tilespmem:s19+$0x30]  }
0x450: {  	v62 =	vadd.s32 v13, v27;
	[tilespmem:v54+s31+$0x0] =	vst.idx.msk $0xffff, v19;
	v19 =	vld [tilespmem:s19+$0x40]  }
0x451: {  	[tilespmem:v60+s31+$0x0] =	vst.idx.msk $0xffff, v59  }
0x452: {  	v63 =	vadd.s32 v14, v27;
	[tilespmem:v57+s31+$0x0] =	vst.idx.msk $0xffff, v18;
	v18 =	vld [tilespmem:s19+$0x50]  }
0x453: {  	[tilespmem:v25+s31+$0x0] =	vst.idx.msk $0xffff, v58  }
0x454: {  	[tilespmem:v61+s31+$0x0] =	vst.idx.msk $0xffff, v17  }
0x455: {  	[tilespmem:v62+s31+$0x0] =	vst.idx.msk $0xffff, v19  }
0x456: {  	s8 =	simm.s32 $0x9400;
	s19 =	rddreg [dreg:$0x9]  }
0x457: {  	s10 =	simm.s32 $0x0;
	s7 =	simm.s32 $0x0;
	[tilespmem:v63+s31+$0x0] =	vst.idx.msk $0xffff, v18;
	s5 =	sadd.s32 s13, s19  }
.LBB2_69:
0x458: {  	p0 =	sne.s32 s10, $0xF800  }
.Ltmp33:
0x459: {  	_ = 	snop;
	(pc) =	sbr.rel @p0 .LBB2_69-.Ltmp33, $4  }
0x45a: {  	_ = 	snop  }
0x45b: {  	s11 =	sadd.s32 s10, s5  }
0x45c: {  	[hbm4b:s11+s7] =	stream.linear.scatter [tilespmem:s8], [sflag:$0x3], $0x200, $0x38;
	[tilespmem:$0x11600] =	vst v63  }
0x45d: {  	s10 =	sadd.s32 $0x800, s10;
	s8 =	sadd.s32 $0x208, s8  }
0x45e: {  	s5 =	simm.s32 $0x30;
	s7 =	simm.s32 $0x0  }
0x45f: {  	s8 =	simm.s32 $0x10;
	s7 =	sand.u32 $0xC00, s7;
	s5 =	sand.u32 $0x70, s5  }
0x460: {  	s10 =	simm.s32 $0x0;
	s8 =	sand.u32 $0x50, s8;
	s5 =	sor.u32 s5, s7  }
0x461: {  	s11 =	simm.s32 $0x20;
	s18 =	sand.u32 $0x40, s10;
	s8 =	sor.u32 s8, s7;
	v17 =	vld [tilespmem:s5+$0x200]  }
0x462: {  	s19 =	sand.u32 $0x60, s11;
	s5 =	sor.u32 s18, s7;
	v18 =	vld [tilespmem:s8+$0x200]  }
0x463: {  	s7 =	sor.u32 s19, s7;
	v19 =	vld [tilespmem:s5+$0x200]  }
0x464: {  	v20 =	vld [tilespmem:s7+$0x200]  }
0x465: {  	s15 =	simm.s32 $0x50;
	s11 =	simm.s32 $0x200;
	s8 =	simm.s32 $0x70  }
0x466: {  	s7 =	simm.s32 $0x1020;
	s5 =	sand.u32 $0xC00, s11;
	s14 =	sand.u32 $0x70, s8;
	vm0 =	vlt.u32 v17, $0xF4240  }
0x467: {  	s11 =	sand.u32 $0x50, s15;
	s10 =	sor.u32 s14, s5;
	s14 =	simm.s32 $0x40;
	vm14 =	vlt.u32 v18, $0xF4240;
	v21 =	vnsel vm0, $0x0, v17  }
0x468: {  	s15 =	simm.s32 $0x60;
	s11 =	sor.u32 s11, s5;
	s18 =	sand.u32 $0x40, s14;
	v17 =	vld [tilespmem:s10+$0x200];
	vm1 =	vlt.u32 v19, $0xF4240;
	[tilespmem:s7+$0x10] =	vst v21;
	v21 =	vnsel vm14, $0x0, v18  }
0x469: {  	s19 =	sand.u32 $0x60, s15;
	s10 =	sor.u32 s18, s5;
	vm15 =	vlt.u32 v20, $0xF4240;
	v18 =	vld [tilespmem:s11+$0x200];
	v22 =	vnsel vm1, $0x0, v19;
	[tilespmem:s7+$0xFFFFFFF0] =	vst v21  }
0x46a: {  	s15 =	simm.s32 $0x4;
	s5 =	sor.u32 s19, s5;
	v19 =	vld [tilespmem:s10+$0x200];
	s10 =	simm.s32 $0x1000;
	v20 =	vnsel vm15, $0x0, v20;
	[tilespmem:s7+$0xFFFFFFE0] =	vst v22  }
.LBB2_71:
0x46b: {  	s11 =	sshrl.u32 s10, $0x2  }
0x46c: {  	s15 =	sadd.s32 $0x4, s15;
	v21 =	vld [tilespmem:s5+$0x200];
	s8 =	sadd.s32 $0x40, s8;
	[tilespmem:s7+$0x0] =	vst v20;
	s7 =	sadd.s32 $0x40, s7  }
0x46d: {  	s5 =	sand.u32 $0xC00, s11;
	s11 =	sand.u32 $0x70, s8;
	p0 =	slt.u32 s15, $0x1C;
	vm0 =	vlt.u32 v17, $0xF4240  }
.Ltmp34:
0x46e: {  	s14 =	sadd.s32 $0xFFFFFFE0, s8;
	s11 =	sor.u32 s11, s5;
	v20 =	vnsel vm0, $0x0, v17;
	(pc) =	sbr.rel @p0 .LBB2_71-.Ltmp34, $4  }
0x46f: {  	s18 =	sadd.s32 $0xFFFFFFD0, s8;
	s19 =	sadd.s32 $0xFFFFFFF0, s8;
	s14 =	sand.u32 $0x50, s14;
	v17 =	vld [tilespmem:s11+$0x200];
	vm0 =	vlt.u32 v18, $0xF4240;
	[tilespmem:s7+$0x10] =	vst v20  }
0x470: {  	s11 =	sand.u32 $0x40, s18;
	s14 =	sor.u32 s14, s5;
	s18 =	sand.u32 $0x60, s19;
	vm1 =	vlt.u32 v19, $0xF4240;
	v20 =	vnsel vm0, $0x0, v18  }
0x471: {  	s11 =	sor.u32 s11, s5;
	s5 =	sor.u32 s18, s5;
	v18 =	vld [tilespmem:s14+$0x200];
	v22 =	vnsel vm1, $0x0, v19;
	[tilespmem:s7+$0xFFFFFFF0] =	vst v20;
	vm0 =	vlt.u32 v21, $0xF4240  }
0x472: {  	s10 =	sadd.s32 $0x800, s10;
	v19 =	vld [tilespmem:s11+$0x200];
	[tilespmem:s7+$0xFFFFFFE0] =	vst v22;
	v20 =	vnsel vm0, $0x0, v21  }
0x473: {  	v21 =	vld [tilespmem:s5+$0x200];
	_ =	sdelay $0x1  }
0x474: {  	vm0 =	vlt.u32 v17, $0xF4240  }
0x475: {  	[tilespmem:s7+$0x0] =	vst v20;
	s18 =	sadd.s32 $0x40, s7;
	v17 =	vnsel vm0, $0x0, v17;
	vm14 =	vlt.u32 v18, $0xF4240  }
0x476: {  	[tilespmem:s18+$0x10] =	vst v17;
	vm1 =	vlt.u32 v19, $0xF4240;
	v17 =	vnsel vm14, $0x0, v18  }
0x477: {  	v18 =	vnsel vm1, $0x0, v19;
	[tilespmem:s18+$0xFFFFFFF0] =	vst v17;
	vm15 =	vlt.u32 v21, $0xF4240  }
0x478: {  	[tilespmem:s18+$0xFFFFFFE0] =	vst v18;
	v17 =	vnsel vm15, $0x0, v21  }
0x479: {  	[tilespmem:s18+$0x0] =	vst v17  }
0x47a: {  	[tilespmem:s26], [sflag:$0x1] =	stream.indirect.gather [hbm4b:s1+s24], $0x20, s25, s24, $0xb8;
	[tilespmem:$0x11600] =	vst v63  }
0x47b: {  	s19 =	simm.s32 $0x7;
	_ =	swait.ge [sflag:s0], $0x4000  }
0x47c: {  	s7 =	simm.s32 $0x0;
	v17 =	vmov s19;
	[sflag:s0] =	ssyncset.done $0x0  }
0x47d: {  	v18 =	vmov s7;
	v17 =	vshrl.u32 v17, $0x3;
	[sflag:s0] =	ssyncadd.s32 $0xFFFFC000  }
0x47e: {  	v18 =	vshrl.u32 v18, $0x3;
	v17 =	vshll.u32 v17, v1;
	_ =	swait.ge [sflag:s9], $0x4000  }
0x47f: {  	s8 =	simm.s32 $0x1;
	s10 =	simm.s32 $0x2;
	v18 =	vshll.u32 v18, v1;
	v17 =	vbroadcast v17, $0x0;
	[sflag:s9] =	ssyncset.done $0x0  }
0x480: {  	v22 =	vmov s10;
	v19 =	vmov s8;
	s7 =	simm.s32 $0x5480;
	v18 =	vbroadcast v18, $0x0;
	[sflag:s9] =	ssyncadd.s32 $0xFFFFC000  }
0x481: {  	v22 =	vshrl.u32 v22, $0x3;
	v19 =	vshrl.u32 v19, $0x3;
	v21 =	vadd.s32 v15, v17;
	v20 =	vld [tilespmem:s7+$0x60]  }
0x482: {  	v22 =	vshll.u32 v22, v1;
	v19 =	vshll.u32 v19, v1;
	v25 =	vadd.s32 v0, v18;
	v24 =	vld [tilespmem:s7+$0xFFFFFF80]  }
0x483: {  	s11 =	simm.s32 $0x3;
	v22 =	vbroadcast v22, $0x0;
	v19 =	vbroadcast v19, $0x0;
	v17 =	vadd.s32 v16, v17;
	v23 =	vld [tilespmem:s7+$0x70]  }
0x484: {  	v27 =	vmov s11;
	v18 =	vadd.s32 v2, v18;
	v26 =	vld [tilespmem:s7+$0xFFFFFF90]  }
0x485: {  	s14 =	simm.s32 $0x4;
	v27 =	vshrl.u32 v27, $0x3;
	v33 =	vadd.s32 v5, v22;
	v29 =	vadd.s32 v3, v19;
	v28 =	vld [tilespmem:s7+$0xFFFFFFA0]  }
0x486: {  	v31 =	vadd.s32 v4, v19;
	v19 =	vshll.u32 v27, v1;
	v27 =	vmov s14;
	v32 =	vld [tilespmem:s7+$0xFFFFFFC0];
	[tilespmem:v21+s2+$0x0] =	vst.idx.msk $0xffff, v20  }
0x487: {  	s15 =	simm.s32 $0x5;
	v34 =	vbroadcast v19, $0x0;
	v19 =	vshrl.u32 v27, $0x3;
	v30 =	vld [tilespmem:s7+$0xFFFFFFB0];
	[tilespmem:v25+s2+$0x0] =	vst.idx.msk $0xffff, v24  }
0x488: {  	v19 =	vshll.u32 v19, v1;
	v20 =	vld [tilespmem:s7+$0xFFFFFFD0];
	v25 =	vadd.s32 v6, v22;
	v22 =	vmov s15;
	[tilespmem:v17+s2+$0x0] =	vst.idx.msk $0xffff, v23  }
0x489: {  	s18 =	simm.s32 $0x6;
	v35 =	vbroadcast v19, $0x0;
	v21 =	vadd.s32 v7, v34;
	[tilespmem:v18+s2+$0x0] =	vst.idx.msk $0xffff, v26;
	v17 =	vld [tilespmem:s7+$0xFFFFFFE0];
	v18 =	vshrl.u32 v22, $0x3  }
0x48a: {  	v19 =	vld [tilespmem:s7+$0xFFFFFFF0];
	[tilespmem:v29+s2+$0x0] =	vst.idx.msk $0xffff, v28;
	v23 =	vadd.s32 v8, v34;
	v22 =	vmov s18;
	v18 =	vshll.u32 v18, v1  }
0x48b: {  	s19 =	simm.s32 $0xF;
	v24 =	vld [tilespmem:s7+$0x0];
	[tilespmem:v33+s2+$0x0] =	vst.idx.msk $0xffff, v32;
	v26 =	vadd.s32 v9, v35;
	v29 =	vshrl.u32 v22, $0x3;
	v27 =	vbroadcast v18, $0x0  }
0x48c: {  	s8 =	simm.s32 $0x8;
	v28 =	vmov s19;
	s15 =	simm.s32 $0x10;
	[tilespmem:v31+s2+$0x0] =	vst.idx.msk $0xffff, v30;
	v22 =	vadd.s32 v10, v35;
	v18 =	vld [tilespmem:s7+$0x10];
	v29 =	vshll.u32 v29, v1  }
.LBB2_73:
0x48d: {  	p0 =	slt.u32 s15, $0x1F8;
	v28 =	vshrl.u32 v28, $0x3;
	[tilespmem:v25+s2+$0x0] =	vst.idx.msk $0xffff, v20;
	v20 =	vld [tilespmem:s7+$0x20];
	v25 =	vadd.s32 v11, v27;
	v29 =	vbroadcast v29, $0x0  }
0x48e: {  	v30 =	vmov s8;
	v28 =	vshll.u32 v28, v1;
	[tilespmem:v21+s2+$0x0] =	vst.idx.msk $0xffff, v17;
	v17 =	vld [tilespmem:s7+$0x30];
	v21 =	vadd.s32 v12, v27  }
0x48f: {  	s5 =	sadd.s32 $0x1, s8;
	v27 =	vshrl.u32 v30, $0x3;
	v28 =	vbroadcast v28, $0x0;
	[tilespmem:v23+s2+$0x0] =	vst.idx.msk $0xffff, v19;
	v19 =	vld [tilespmem:s7+$0x40];
	v23 =	vadd.s32 v13, v29  }
0x490: {  	v30 =	vmov s5;
	v27 =	vshll.u32 v27, v1;
	[tilespmem:v26+s2+$0x0] =	vst.idx.msk $0xffff, v24;
	v24 =	vld [tilespmem:s7+$0x50];
	v26 =	vadd.s32 v14, v29;
	s7 =	sadd.s32 $0x100, s7  }
0x491: {  	s5 =	sadd.s32 $0x2, s8;
	v27 =	vbroadcast v27, $0x0;
	v29 =	vshrl.u32 v30, $0x3;
	v30 =	vld [tilespmem:s7+$0x60];
	v31 =	vadd.s32 v15, v28;
	[tilespmem:v22+s2+$0x0] =	vst.idx.msk $0xffff, v18  }
0x492: {  	v18 =	vshll.u32 v29, v1;
	v22 =	vmov s5;
	v28 =	vadd.s32 v16, v28;
	v29 =	vld [tilespmem:s7+$0x70];
	[tilespmem:v25+s2+$0x0] =	vst.idx.msk $0xffff, v20  }
0x493: {  	s5 =	sadd.s32 $0x3, s8;
	v25 =	vadd.s32 v0, v27;
	v18 =	vbroadcast v18, $0x0;
	v22 =	vshrl.u32 v22, $0x3;
	v20 =	vld [tilespmem:s7+$0xFFFFFF80];
	[tilespmem:v21+s2+$0x0] =	vst.idx.msk $0xffff, v17  }
0x494: {  	v21 =	vadd.s32 v2, v27;
	v22 =	vshll.u32 v22, v1;
	v27 =	vmov s5;
	v17 =	vld [tilespmem:s7+$0xFFFFFF90];
	[tilespmem:v23+s2+$0x0] =	vst.idx.msk $0xffff, v19  }
0x495: {  	s5 =	sadd.s32 $0x4, s8;
	v23 =	vadd.s32 v3, v18;
	v22 =	vbroadcast v22, $0x0;
	v27 =	vshrl.u32 v27, $0x3;
	v19 =	vld [tilespmem:s7+$0xFFFFFFA0];
	[tilespmem:v26+s2+$0x0] =	vst.idx.msk $0xffff, v24  }
0x496: {  	v18 =	vadd.s32 v4, v18;
	v26 =	vshll.u32 v27, v1;
	v27 =	vmov s5;
	v24 =	vld [tilespmem:s7+$0xFFFFFFB0];
	[tilespmem:v31+s2+$0x0] =	vst.idx.msk $0xffff, v30  }
0x497: {  	s5 =	sadd.s32 $0x5, s8;
	v31 =	vadd.s32 v5, v22;
	v26 =	vbroadcast v26, $0x0;
	v27 =	vshrl.u32 v27, $0x3;
	v30 =	vld [tilespmem:s7+$0xFFFFFFC0];
	[tilespmem:v28+s2+$0x0] =	vst.idx.msk $0xffff, v29  }
.Ltmp35:
0x498: {  	[tilespmem:v25+s2+$0x0] =	vst.idx.msk $0xffff, v20;
	v20 =	vld [tilespmem:s7+$0xFFFFFFD0];
	v25 =	vadd.s32 v6, v22;
	v22 =	vshll.u32 v27, v1;
	v27 =	vmov s5;
	(pc) =	sbr.rel @p0 .LBB2_73-.Ltmp35, $4  }
0x499: {  	s5 =	sadd.s32 $0x6, s8;
	s8 =	smov.u32 s15;
	[tilespmem:v21+s2+$0x0] =	vst.idx.msk $0xffff, v17;
	v17 =	vld [tilespmem:s7+$0xFFFFFFE0];
	v21 =	vadd.s32 v7, v26;
	v22 =	vbroadcast v22, $0x0;
	v27 =	vshrl.u32 v27, $0x3  }
0x49a: {  	v28 =	vmov s5;
	[tilespmem:v23+s2+$0x0] =	vst.idx.msk $0xffff, v19;
	v19 =	vld [tilespmem:s7+$0xFFFFFFF0];
	v23 =	vadd.s32 v8, v26;
	v27 =	vshll.u32 v27, v1  }
0x49b: {  	s5 =	sadd.s32 $0x7, s15;
	v29 =	vshrl.u32 v28, $0x3;
	[tilespmem:v18+s2+$0x0] =	vst.idx.msk $0xffff, v24;
	v24 =	vld [tilespmem:s7+$0x0];
	v26 =	vadd.s32 v9, v22;
	v27 =	vbroadcast v27, $0x0  }
0x49c: {  	s15 =	sadd.s32 $0x8, s15;
	v28 =	vmov s5;
	v22 =	vadd.s32 v10, v22;
	v29 =	vshll.u32 v29, v1;
	[tilespmem:v31+s2+$0x0] =	vst.idx.msk $0xffff, v30;
	v18 =	vld [tilespmem:s7+$0x10]  }
0x49d: {  	_ =	sdelay $0x2  }
0x49e: {  	v28 =	vshrl.u32 v28, $0x3;
	v60 =	vadd.s32 v11, v27;
	v29 =	vbroadcast v29, $0x0  }
0x49f: {  	[tilespmem:v25+s2+$0x0] =	vst.idx.msk $0xffff, v20;
	v59 =	vld [tilespmem:s7+$0x20];
	v30 =	vmov s8;
	v61 =	vadd.s32 v12, v27;
	s5 =	sadd.s32 $0x1, s8;
	s10 =	sadd.s32 $0x2, s8;
	v28 =	vshll.u32 v28, v1  }
0x4a0: {  	s11 =	sadd.s32 $0x3, s8;
	[tilespmem:v21+s2+$0x0] =	vst.idx.msk $0xffff, v17;
	v17 =	vld [tilespmem:s7+$0x30];
	v62 =	vshrl.u32 v30, $0x3;
	v33 =	vmov s5;
	v38 =	vmov s10  }
0x4a1: {  	s14 =	sadd.s32 $0x4, s8;
	v43 =	vmov s11;
	v28 =	vbroadcast v28, $0x0;
	[tilespmem:v23+s2+$0x0] =	vst.idx.msk $0xffff, v19;
	v19 =	vld [tilespmem:s7+$0x40];
	v63 =	vadd.s32 v13, v29  }
0x4a2: {  	v34 =	vld [tilespmem:s7+$0x50];
	s19 =	sadd.s32 $0x100, s7;
	v47 =	vmov s14;
	v27 =	vshll.u32 v62, v1;
	v35 =	vadd.s32 v14, v29;
	[tilespmem:v26+s2+$0x0] =	vst.idx.msk $0xffff, v24  }
0x4a3: {  	s15 =	sadd.s32 $0x5, s8;
	v37 =	vld [tilespmem:s19+$0x60];
	v36 =	vshrl.u32 v33, $0x3;
	v27 =	vbroadcast v27, $0x0;
	v31 =	vadd.s32 v15, v28;
	[tilespmem:v22+s2+$0x0] =	vst.idx.msk $0xffff, v18  }
0x4a4: {  	v39 =	vld [tilespmem:s19+$0x70];
	v52 =	vmov s15;
	v18 =	vshll.u32 v36, v1;
	v28 =	vadd.s32 v16, v28;
	[tilespmem:v60+s2+$0x0] =	vst.idx.msk $0xffff, v59  }
0x4a5: {  	v40 =	vld [tilespmem:s19+$0xFFFFFF80];
	v22 =	vshrl.u32 v38, $0x3;
	v41 =	vadd.s32 v0, v27;
	v18 =	vbroadcast v18, $0x0;
	[tilespmem:v61+s2+$0x0] =	vst.idx.msk $0xffff, v17  }
0x4a6: {  	v42 =	vadd.s32 v2, v27;
	v22 =	vshll.u32 v22, v1;
	v27 =	vshrl.u32 v43, $0x3;
	v17 =	vld [tilespmem:s19+$0xFFFFFF90];
	[tilespmem:v63+s2+$0x0] =	vst.idx.msk $0xffff, v19  }
0x4a7: {  	v22 =	vbroadcast v22, $0x0;
	v46 =	vshll.u32 v27, v1;
	v19 =	vld [tilespmem:s19+$0xFFFFFFA0];
	v44 =	vadd.s32 v3, v18;
	[tilespmem:v35+s2+$0x0] =	vst.idx.msk $0xffff, v34  }
0x4a8: {  	v45 =	vld [tilespmem:s19+$0xFFFFFFB0];
	v27 =	vshrl.u32 v47, $0x3;
	v18 =	vadd.s32 v4, v18;
	v26 =	vbroadcast v46, $0x0;
	[tilespmem:v31+s2+$0x0] =	vst.idx.msk $0xffff, v37  }
0x4a9: {  	v48 =	vld [tilespmem:s19+$0xFFFFFFC0];
	v51 =	vshll.u32 v27, v1;
	v27 =	vshrl.u32 v52, $0x3;
	v49 =	vadd.s32 v5, v22;
	[tilespmem:v28+s2+$0x0] =	vst.idx.msk $0xffff, v39  }
0x4aa: {  	v50 =	vld [tilespmem:s19+$0xFFFFFFD0];
	v22 =	vadd.s32 v6, v22;
	v55 =	vshll.u32 v27, v1;
	[tilespmem:v41+s2+$0x0] =	vst.idx.msk $0xffff, v40  }
0x4ab: {  	s18 =	sadd.s32 $0x6, s8;
	v53 =	vadd.s32 v7, v26;
	v54 =	vadd.s32 v8, v26;
	v26 =	vbroadcast v55, $0x0;
	[tilespmem:v42+s2+$0x0] =	vst.idx.msk $0xffff, v17;
	v17 =	vld [tilespmem:s19+$0xFFFFFFE0]  }
0x4ac: {  	v56 =	vmov s18;
	v25 =	vbroadcast v51, $0x0;
	[tilespmem:v44+s2+$0x0] =	vst.idx.msk $0xffff, v19;
	v19 =	vld [tilespmem:s19+$0xFFFFFFF0]  }
0x4ad: {  	v59 =	vld [tilespmem:s19+$0x20];
	v27 =	vshrl.u32 v56, $0x3;
	v60 =	vadd.s32 v11, v26;
	[tilespmem:v18+s2+$0x0] =	vst.idx.msk $0xffff, v45  }
0x4ae: {  	v27 =	vshll.u32 v27, v1;
	v57 =	vadd.s32 v9, v25;
	v18 =	vld [tilespmem:s19+$0x0];
	[tilespmem:v49+s2+$0x0] =	vst.idx.msk $0xffff, v48  }
0x4af: {  	v58 =	vld [tilespmem:s19+$0x10];
	v25 =	vadd.s32 v10, v25;
	v27 =	vbroadcast v27, $0x0;
	[tilespmem:v22+s2+$0x0] =	vst.idx.msk $0xffff, v50  }
0x4b0: {  	v61 =	vadd.s32 v12, v26;
	[tilespmem:v53+s2+$0x0] =	vst.idx.msk $0xffff, v17;
	v17 =	vld [tilespmem:s19+$0x30]  }
0x4b1: {  	v62 =	vadd.s32 v13, v27;
	[tilespmem:v54+s2+$0x0] =	vst.idx.msk $0xffff, v19;
	v19 =	vld [tilespmem:s19+$0x40]  }
0x4b2: {  	[tilespmem:v60+s2+$0x0] =	vst.idx.msk $0xffff, v59  }
0x4b3: {  	v63 =	vadd.s32 v14, v27;
	[tilespmem:v57+s2+$0x0] =	vst.idx.msk $0xffff, v18;
	v18 =	vld [tilespmem:s19+$0x50]  }
0x4b4: {  	[tilespmem:v25+s2+$0x0] =	vst.idx.msk $0xffff, v58  }
0x4b5: {  	[tilespmem:v61+s2+$0x0] =	vst.idx.msk $0xffff, v17  }
0x4b6: {  	[tilespmem:v62+s2+$0x0] =	vst.idx.msk $0xffff, v19  }
0x4b7: {  	s8 =	simm.s32 $0xD500;
	s19 =	rddreg [dreg:$0xb]  }
0x4b8: {  	s10 =	simm.s32 $0x0;
	s7 =	simm.s32 $0x0;
	[tilespmem:v63+s2+$0x0] =	vst.idx.msk $0xffff, v18;
	s5 =	sadd.s32 s13, s19  }
.LBB2_75:
0x4b9: {  	p0 =	sne.s32 s10, $0xF800  }
.Ltmp36:
0x4ba: {  	_ = 	snop;
	(pc) =	sbr.rel @p0 .LBB2_75-.Ltmp36, $4  }
0x4bb: {  	_ = 	snop  }
0x4bc: {  	s11 =	sadd.s32 s10, s5  }
0x4bd: {  	[hbm4b:s11+s7] =	stream.linear.scatter [tilespmem:s8], [sflag:$0x4], $0x200, $0x38;
	[tilespmem:$0x11600] =	vst v63  }
0x4be: {  	s10 =	sadd.s32 $0x800, s10;
	s8 =	sadd.s32 $0x208, s8  }
0x4bf: {  	s5 =	simm.s32 $0x30;
	s7 =	simm.s32 $0x0  }
0x4c0: {  	s8 =	simm.s32 $0x10;
	s7 =	sand.u32 $0xC00, s7;
	s5 =	sand.u32 $0x70, s5  }
0x4c1: {  	s10 =	simm.s32 $0x0;
	s8 =	sand.u32 $0x50, s8;
	s5 =	sor.u32 s5, s7  }
0x4c2: {  	s11 =	simm.s32 $0x20;
	s18 =	sand.u32 $0x40, s10;
	s8 =	sor.u32 s8, s7;
	v17 =	vld [tilespmem:s5+$0x280]  }
0x4c3: {  	s19 =	sand.u32 $0x60, s11;
	s5 =	sor.u32 s18, s7;
	v18 =	vld [tilespmem:s8+$0x280]  }
0x4c4: {  	s7 =	sor.u32 s19, s7;
	v19 =	vld [tilespmem:s5+$0x280]  }
0x4c5: {  	v20 =	vld [tilespmem:s7+$0x280]  }
0x4c6: {  	s15 =	simm.s32 $0x50;
	s11 =	simm.s32 $0x200;
	s8 =	simm.s32 $0x70  }
0x4c7: {  	s7 =	simm.s32 $0x1220;
	s5 =	sand.u32 $0xC00, s11;
	s14 =	sand.u32 $0x70, s8;
	vm0 =	vlt.u32 v17, $0xF4240  }
0x4c8: {  	s11 =	sand.u32 $0x50, s15;
	s10 =	sor.u32 s14, s5;
	s14 =	simm.s32 $0x40;
	vm14 =	vlt.u32 v18, $0xF4240;
	v21 =	vnsel vm0, $0x0, v17  }
0x4c9: {  	s15 =	simm.s32 $0x60;
	s11 =	sor.u32 s11, s5;
	s18 =	sand.u32 $0x40, s14;
	v17 =	vld [tilespmem:s10+$0x280];
	vm1 =	vlt.u32 v19, $0xF4240;
	[tilespmem:s7+$0x10] =	vst v21;
	v21 =	vnsel vm14, $0x0, v18  }
0x4ca: {  	s19 =	sand.u32 $0x60, s15;
	s10 =	sor.u32 s18, s5;
	vm15 =	vlt.u32 v20, $0xF4240;
	v18 =	vld [tilespmem:s11+$0x280];
	v22 =	vnsel vm1, $0x0, v19;
	[tilespmem:s7+$0xFFFFFFF0] =	vst v21  }
0x4cb: {  	s15 =	simm.s32 $0x4;
	s5 =	sor.u32 s19, s5;
	v19 =	vld [tilespmem:s10+$0x280];
	s10 =	simm.s32 $0x1000;
	v20 =	vnsel vm15, $0x0, v20;
	[tilespmem:s7+$0xFFFFFFE0] =	vst v22  }
.LBB2_77:
0x4cc: {  	s11 =	sshrl.u32 s10, $0x2  }
0x4cd: {  	s15 =	sadd.s32 $0x4, s15;
	v21 =	vld [tilespmem:s5+$0x280];
	s8 =	sadd.s32 $0x40, s8;
	[tilespmem:s7+$0x0] =	vst v20;
	s7 =	sadd.s32 $0x40, s7  }
0x4ce: {  	s5 =	sand.u32 $0xC00, s11;
	s11 =	sand.u32 $0x70, s8;
	p0 =	slt.u32 s15, $0x1C;
	vm0 =	vlt.u32 v17, $0xF4240  }
.Ltmp37:
0x4cf: {  	s14 =	sadd.s32 $0xFFFFFFE0, s8;
	s11 =	sor.u32 s11, s5;
	v20 =	vnsel vm0, $0x0, v17;
	(pc) =	sbr.rel @p0 .LBB2_77-.Ltmp37, $4  }
0x4d0: {  	s18 =	sadd.s32 $0xFFFFFFD0, s8;
	s19 =	sadd.s32 $0xFFFFFFF0, s8;
	s14 =	sand.u32 $0x50, s14;
	v17 =	vld [tilespmem:s11+$0x280];
	vm0 =	vlt.u32 v18, $0xF4240;
	[tilespmem:s7+$0x10] =	vst v20  }
0x4d1: {  	s11 =	sand.u32 $0x40, s18;
	s14 =	sor.u32 s14, s5;
	s18 =	sand.u32 $0x60, s19;
	vm1 =	vlt.u32 v19, $0xF4240;
	v20 =	vnsel vm0, $0x0, v18  }
0x4d2: {  	s11 =	sor.u32 s11, s5;
	s5 =	sor.u32 s18, s5;
	v18 =	vld [tilespmem:s14+$0x280];
	v22 =	vnsel vm1, $0x0, v19;
	[tilespmem:s7+$0xFFFFFFF0] =	vst v20;
	vm0 =	vlt.u32 v21, $0xF4240  }
0x4d3: {  	s10 =	sadd.s32 $0x800, s10;
	v19 =	vld [tilespmem:s11+$0x280];
	[tilespmem:s7+$0xFFFFFFE0] =	vst v22;
	v20 =	vnsel vm0, $0x0, v21  }
0x4d4: {  	v21 =	vld [tilespmem:s5+$0x280];
	_ =	sdelay $0x1  }
0x4d5: {  	vm0 =	vlt.u32 v17, $0xF4240  }
0x4d6: {  	[tilespmem:s7+$0x0] =	vst v20;
	s18 =	sadd.s32 $0x40, s7;
	v17 =	vnsel vm0, $0x0, v17;
	vm14 =	vlt.u32 v18, $0xF4240  }
0x4d7: {  	[tilespmem:s18+$0x10] =	vst v17;
	vm1 =	vlt.u32 v19, $0xF4240;
	v17 =	vnsel vm14, $0x0, v18  }
0x4d8: {  	v18 =	vnsel vm1, $0x0, v19;
	[tilespmem:s18+$0xFFFFFFF0] =	vst v17;
	vm15 =	vlt.u32 v21, $0xF4240  }
0x4d9: {  	[tilespmem:s18+$0xFFFFFFE0] =	vst v18;
	v17 =	vnsel vm15, $0x0, v21  }
0x4da: {  	[tilespmem:s18+$0x0] =	vst v17  }
0x4db: {  	[tilespmem:s29], [sflag:$0x2] =	stream.indirect.gather [hbm4b:s1+s24], $0x20, s28, s24, $0xb8;
	[tilespmem:$0x11600] =	vst v63  }
0x4dc: {  	s19 =	simm.s32 $0x7;
	_ =	swait.ge [sflag:s30], $0x4000  }
0x4dd: {  	s7 =	simm.s32 $0x0;
	v17 =	vmov s19;
	[sflag:s30] =	ssyncset.done $0x0  }
0x4de: {  	v18 =	vmov s7;
	v17 =	vshrl.u32 v17, $0x3;
	[sflag:s30] =	ssyncadd.s32 $0xFFFFC000  }
0x4df: {  	v18 =	vshrl.u32 v18, $0x3;
	v17 =	vshll.u32 v17, v1;
	_ =	swait.ge [sflag:s22], $0x4000  }
0x4e0: {  	s8 =	simm.s32 $0x1;
	s10 =	simm.s32 $0x2;
	v18 =	vshll.u32 v18, v1;
	v17 =	vbroadcast v17, $0x0;
	[sflag:s22] =	ssyncset.done $0x0  }
0x4e1: {  	v22 =	vmov s10;
	v19 =	vmov s8;
	s7 =	simm.s32 $0x1480;
	v18 =	vbroadcast v18, $0x0;
	[sflag:s22] =	ssyncadd.s32 $0xFFFFC000  }
0x4e2: {  	v22 =	vshrl.u32 v22, $0x3;
	v19 =	vshrl.u32 v19, $0x3;
	v21 =	vadd.s32 v15, v17;
	v20 =	vld [tilespmem:s7+$0x60]  }
0x4e3: {  	v22 =	vshll.u32 v22, v1;
	v19 =	vshll.u32 v19, v1;
	v25 =	vadd.s32 v0, v18;
	v24 =	vld [tilespmem:s7+$0xFFFFFF80]  }
0x4e4: {  	s11 =	simm.s32 $0x3;
	v22 =	vbroadcast v22, $0x0;
	v19 =	vbroadcast v19, $0x0;
	v17 =	vadd.s32 v16, v17;
	v23 =	vld [tilespmem:s7+$0x70]  }
0x4e5: {  	v27 =	vmov s11;
	v18 =	vadd.s32 v2, v18;
	v26 =	vld [tilespmem:s7+$0xFFFFFF90]  }
0x4e6: {  	s14 =	simm.s32 $0x4;
	v27 =	vshrl.u32 v27, $0x3;
	v33 =	vadd.s32 v5, v22;
	v29 =	vadd.s32 v3, v19;
	v28 =	vld [tilespmem:s7+$0xFFFFFFA0]  }
0x4e7: {  	v31 =	vadd.s32 v4, v19;
	v19 =	vshll.u32 v27, v1;
	v27 =	vmov s14;
	v32 =	vld [tilespmem:s7+$0xFFFFFFC0];
	[tilespmem:v21+s31+$0x0] =	vst.idx.msk $0xffff, v20  }
0x4e8: {  	s15 =	simm.s32 $0x5;
	v34 =	vbroadcast v19, $0x0;
	v19 =	vshrl.u32 v27, $0x3;
	v30 =	vld [tilespmem:s7+$0xFFFFFFB0];
	[tilespmem:v25+s31+$0x0] =	vst.idx.msk $0xffff, v24  }
0x4e9: {  	v19 =	vshll.u32 v19, v1;
	v20 =	vld [tilespmem:s7+$0xFFFFFFD0];
	v25 =	vadd.s32 v6, v22;
	v22 =	vmov s15;
	[tilespmem:v17+s31+$0x0] =	vst.idx.msk $0xffff, v23  }
0x4ea: {  	s18 =	simm.s32 $0x6;
	v35 =	vbroadcast v19, $0x0;
	v21 =	vadd.s32 v7, v34;
	[tilespmem:v18+s31+$0x0] =	vst.idx.msk $0xffff, v26;
	v17 =	vld [tilespmem:s7+$0xFFFFFFE0];
	v18 =	vshrl.u32 v22, $0x3  }
0x4eb: {  	v19 =	vld [tilespmem:s7+$0xFFFFFFF0];
	[tilespmem:v29+s31+$0x0] =	vst.idx.msk $0xffff, v28;
	v23 =	vadd.s32 v8, v34;
	v22 =	vmov s18;
	v18 =	vshll.u32 v18, v1  }
0x4ec: {  	s19 =	simm.s32 $0xF;
	v24 =	vld [tilespmem:s7+$0x0];
	[tilespmem:v33+s31+$0x0] =	vst.idx.msk $0xffff, v32;
	v26 =	vadd.s32 v9, v35;
	v29 =	vshrl.u32 v22, $0x3;
	v27 =	vbroadcast v18, $0x0  }
0x4ed: {  	s8 =	simm.s32 $0x8;
	v28 =	vmov s19;
	s15 =	simm.s32 $0x10;
	[tilespmem:v31+s31+$0x0] =	vst.idx.msk $0xffff, v30;
	v22 =	vadd.s32 v10, v35;
	v18 =	vld [tilespmem:s7+$0x10];
	v29 =	vshll.u32 v29, v1  }
.LBB2_79:
0x4ee: {  	p0 =	slt.u32 s15, $0x1F8;
	v28 =	vshrl.u32 v28, $0x3;
	[tilespmem:v25+s31+$0x0] =	vst.idx.msk $0xffff, v20;
	v20 =	vld [tilespmem:s7+$0x20];
	v25 =	vadd.s32 v11, v27;
	v29 =	vbroadcast v29, $0x0  }
0x4ef: {  	v30 =	vmov s8;
	v28 =	vshll.u32 v28, v1;
	[tilespmem:v21+s31+$0x0] =	vst.idx.msk $0xffff, v17;
	v17 =	vld [tilespmem:s7+$0x30];
	v21 =	vadd.s32 v12, v27  }
0x4f0: {  	s5 =	sadd.s32 $0x1, s8;
	v27 =	vshrl.u32 v30, $0x3;
	v28 =	vbroadcast v28, $0x0;
	[tilespmem:v23+s31+$0x0] =	vst.idx.msk $0xffff, v19;
	v19 =	vld [tilespmem:s7+$0x40];
	v23 =	vadd.s32 v13, v29  }
0x4f1: {  	v30 =	vmov s5;
	v27 =	vshll.u32 v27, v1;
	[tilespmem:v26+s31+$0x0] =	vst.idx.msk $0xffff, v24;
	v24 =	vld [tilespmem:s7+$0x50];
	v26 =	vadd.s32 v14, v29;
	s7 =	sadd.s32 $0x100, s7  }
0x4f2: {  	s5 =	sadd.s32 $0x2, s8;
	v27 =	vbroadcast v27, $0x0;
	v29 =	vshrl.u32 v30, $0x3;
	v30 =	vld [tilespmem:s7+$0x60];
	v31 =	vadd.s32 v15, v28;
	[tilespmem:v22+s31+$0x0] =	vst.idx.msk $0xffff, v18  }
0x4f3: {  	v18 =	vshll.u32 v29, v1;
	v22 =	vmov s5;
	v28 =	vadd.s32 v16, v28;
	v29 =	vld [tilespmem:s7+$0x70];
	[tilespmem:v25+s31+$0x0] =	vst.idx.msk $0xffff, v20  }
0x4f4: {  	s5 =	sadd.s32 $0x3, s8;
	v25 =	vadd.s32 v0, v27;
	v18 =	vbroadcast v18, $0x0;
	v22 =	vshrl.u32 v22, $0x3;
	v20 =	vld [tilespmem:s7+$0xFFFFFF80];
	[tilespmem:v21+s31+$0x0] =	vst.idx.msk $0xffff, v17  }
0x4f5: {  	v21 =	vadd.s32 v2, v27;
	v22 =	vshll.u32 v22, v1;
	v27 =	vmov s5;
	v17 =	vld [tilespmem:s7+$0xFFFFFF90];
	[tilespmem:v23+s31+$0x0] =	vst.idx.msk $0xffff, v19  }
0x4f6: {  	s5 =	sadd.s32 $0x4, s8;
	v23 =	vadd.s32 v3, v18;
	v22 =	vbroadcast v22, $0x0;
	v27 =	vshrl.u32 v27, $0x3;
	v19 =	vld [tilespmem:s7+$0xFFFFFFA0];
	[tilespmem:v26+s31+$0x0] =	vst.idx.msk $0xffff, v24  }
0x4f7: {  	v18 =	vadd.s32 v4, v18;
	v26 =	vshll.u32 v27, v1;
	v27 =	vmov s5;
	v24 =	vld [tilespmem:s7+$0xFFFFFFB0];
	[tilespmem:v31+s31+$0x0] =	vst.idx.msk $0xffff, v30  }
0x4f8: {  	s5 =	sadd.s32 $0x5, s8;
	v31 =	vadd.s32 v5, v22;
	v26 =	vbroadcast v26, $0x0;
	v27 =	vshrl.u32 v27, $0x3;
	v30 =	vld [tilespmem:s7+$0xFFFFFFC0];
	[tilespmem:v28+s31+$0x0] =	vst.idx.msk $0xffff, v29  }
.Ltmp38:
0x4f9: {  	[tilespmem:v25+s31+$0x0] =	vst.idx.msk $0xffff, v20;
	v20 =	vld [tilespmem:s7+$0xFFFFFFD0];
	v25 =	vadd.s32 v6, v22;
	v22 =	vshll.u32 v27, v1;
	v27 =	vmov s5;
	(pc) =	sbr.rel @p0 .LBB2_79-.Ltmp38, $4  }
0x4fa: {  	s5 =	sadd.s32 $0x6, s8;
	s8 =	smov.u32 s15;
	[tilespmem:v21+s31+$0x0] =	vst.idx.msk $0xffff, v17;
	v17 =	vld [tilespmem:s7+$0xFFFFFFE0];
	v21 =	vadd.s32 v7, v26;
	v22 =	vbroadcast v22, $0x0;
	v27 =	vshrl.u32 v27, $0x3  }
0x4fb: {  	v28 =	vmov s5;
	[tilespmem:v23+s31+$0x0] =	vst.idx.msk $0xffff, v19;
	v19 =	vld [tilespmem:s7+$0xFFFFFFF0];
	v23 =	vadd.s32 v8, v26;
	v27 =	vshll.u32 v27, v1  }
0x4fc: {  	s5 =	sadd.s32 $0x7, s15;
	v29 =	vshrl.u32 v28, $0x3;
	[tilespmem:v18+s31+$0x0] =	vst.idx.msk $0xffff, v24;
	v24 =	vld [tilespmem:s7+$0x0];
	v26 =	vadd.s32 v9, v22;
	v27 =	vbroadcast v27, $0x0  }
0x4fd: {  	s15 =	sadd.s32 $0x8, s15;
	v28 =	vmov s5;
	v22 =	vadd.s32 v10, v22;
	v29 =	vshll.u32 v29, v1;
	[tilespmem:v31+s31+$0x0] =	vst.idx.msk $0xffff, v30;
	v18 =	vld [tilespmem:s7+$0x10]  }
0x4fe: {  	_ =	sdelay $0x2  }
0x4ff: {  	v28 =	vshrl.u32 v28, $0x3;
	v60 =	vadd.s32 v11, v27;
	v29 =	vbroadcast v29, $0x0  }
0x500: {  	[tilespmem:v25+s31+$0x0] =	vst.idx.msk $0xffff, v20;
	v59 =	vld [tilespmem:s7+$0x20];
	v30 =	vmov s8;
	v61 =	vadd.s32 v12, v27;
	s5 =	sadd.s32 $0x1, s8;
	s10 =	sadd.s32 $0x2, s8;
	v28 =	vshll.u32 v28, v1  }
0x501: {  	s11 =	sadd.s32 $0x3, s8;
	[tilespmem:v21+s31+$0x0] =	vst.idx.msk $0xffff, v17;
	v17 =	vld [tilespmem:s7+$0x30];
	v62 =	vshrl.u32 v30, $0x3;
	v33 =	vmov s5;
	v38 =	vmov s10  }
0x502: {  	s14 =	sadd.s32 $0x4, s8;
	v43 =	vmov s11;
	v28 =	vbroadcast v28, $0x0;
	[tilespmem:v23+s31+$0x0] =	vst.idx.msk $0xffff, v19;
	v19 =	vld [tilespmem:s7+$0x40];
	v63 =	vadd.s32 v13, v29  }
0x503: {  	v34 =	vld [tilespmem:s7+$0x50];
	s19 =	sadd.s32 $0x100, s7;
	v47 =	vmov s14;
	v27 =	vshll.u32 v62, v1;
	v35 =	vadd.s32 v14, v29;
	[tilespmem:v26+s31+$0x0] =	vst.idx.msk $0xffff, v24  }
0x504: {  	s15 =	sadd.s32 $0x5, s8;
	v37 =	vld [tilespmem:s19+$0x60];
	v36 =	vshrl.u32 v33, $0x3;
	v27 =	vbroadcast v27, $0x0;
	v31 =	vadd.s32 v15, v28;
	[tilespmem:v22+s31+$0x0] =	vst.idx.msk $0xffff, v18  }
0x505: {  	v39 =	vld [tilespmem:s19+$0x70];
	v52 =	vmov s15;
	v18 =	vshll.u32 v36, v1;
	v28 =	vadd.s32 v16, v28;
	[tilespmem:v60+s31+$0x0] =	vst.idx.msk $0xffff, v59  }
0x506: {  	v40 =	vld [tilespmem:s19+$0xFFFFFF80];
	v22 =	vshrl.u32 v38, $0x3;
	v41 =	vadd.s32 v0, v27;
	v18 =	vbroadcast v18, $0x0;
	[tilespmem:v61+s31+$0x0] =	vst.idx.msk $0xffff, v17  }
0x507: {  	v42 =	vadd.s32 v2, v27;
	v22 =	vshll.u32 v22, v1;
	v27 =	vshrl.u32 v43, $0x3;
	v17 =	vld [tilespmem:s19+$0xFFFFFF90];
	[tilespmem:v63+s31+$0x0] =	vst.idx.msk $0xffff, v19  }
0x508: {  	v22 =	vbroadcast v22, $0x0;
	v46 =	vshll.u32 v27, v1;
	v19 =	vld [tilespmem:s19+$0xFFFFFFA0];
	v44 =	vadd.s32 v3, v18;
	[tilespmem:v35+s31+$0x0] =	vst.idx.msk $0xffff, v34  }
0x509: {  	v45 =	vld [tilespmem:s19+$0xFFFFFFB0];
	v27 =	vshrl.u32 v47, $0x3;
	v18 =	vadd.s32 v4, v18;
	v26 =	vbroadcast v46, $0x0;
	[tilespmem:v31+s31+$0x0] =	vst.idx.msk $0xffff, v37  }
0x50a: {  	v48 =	vld [tilespmem:s19+$0xFFFFFFC0];
	v51 =	vshll.u32 v27, v1;
	v27 =	vshrl.u32 v52, $0x3;
	v49 =	vadd.s32 v5, v22;
	[tilespmem:v28+s31+$0x0] =	vst.idx.msk $0xffff, v39  }
0x50b: {  	v50 =	vld [tilespmem:s19+$0xFFFFFFD0];
	v22 =	vadd.s32 v6, v22;
	v55 =	vshll.u32 v27, v1;
	[tilespmem:v41+s31+$0x0] =	vst.idx.msk $0xffff, v40  }
0x50c: {  	s18 =	sadd.s32 $0x6, s8;
	v53 =	vadd.s32 v7, v26;
	v54 =	vadd.s32 v8, v26;
	v26 =	vbroadcast v55, $0x0;
	[tilespmem:v42+s31+$0x0] =	vst.idx.msk $0xffff, v17;
	v17 =	vld [tilespmem:s19+$0xFFFFFFE0]  }
0x50d: {  	v56 =	vmov s18;
	v25 =	vbroadcast v51, $0x0;
	[tilespmem:v44+s31+$0x0] =	vst.idx.msk $0xffff, v19;
	v19 =	vld [tilespmem:s19+$0xFFFFFFF0]  }
0x50e: {  	v59 =	vld [tilespmem:s19+$0x20];
	v27 =	vshrl.u32 v56, $0x3;
	v60 =	vadd.s32 v11, v26;
	[tilespmem:v18+s31+$0x0] =	vst.idx.msk $0xffff, v45  }
0x50f: {  	v27 =	vshll.u32 v27, v1;
	v57 =	vadd.s32 v9, v25;
	v18 =	vld [tilespmem:s19+$0x0];
	[tilespmem:v49+s31+$0x0] =	vst.idx.msk $0xffff, v48  }
0x510: {  	v58 =	vld [tilespmem:s19+$0x10];
	v25 =	vadd.s32 v10, v25;
	v27 =	vbroadcast v27, $0x0;
	[tilespmem:v22+s31+$0x0] =	vst.idx.msk $0xffff, v50  }
0x511: {  	v61 =	vadd.s32 v12, v26;
	[tilespmem:v53+s31+$0x0] =	vst.idx.msk $0xffff, v17;
	v17 =	vld [tilespmem:s19+$0x30]  }
0x512: {  	v62 =	vadd.s32 v13, v27;
	[tilespmem:v54+s31+$0x0] =	vst.idx.msk $0xffff, v19;
	v19 =	vld [tilespmem:s19+$0x40]  }
0x513: {  	[tilespmem:v60+s31+$0x0] =	vst.idx.msk $0xffff, v59  }
0x514: {  	v63 =	vadd.s32 v14, v27;
	[tilespmem:v57+s31+$0x0] =	vst.idx.msk $0xffff, v18;
	v18 =	vld [tilespmem:s19+$0x50]  }
0x515: {  	[tilespmem:v25+s31+$0x0] =	vst.idx.msk $0xffff, v58  }
0x516: {  	[tilespmem:v61+s31+$0x0] =	vst.idx.msk $0xffff, v17  }
0x517: {  	[tilespmem:v62+s31+$0x0] =	vst.idx.msk $0xffff, v19  }
0x518: {  	s8 =	simm.s32 $0x9400;
	s19 =	rddreg [dreg:$0xc]  }
0x519: {  	s10 =	simm.s32 $0x0;
	s7 =	simm.s32 $0x0;
	[tilespmem:v63+s31+$0x0] =	vst.idx.msk $0xffff, v18;
	s5 =	sadd.s32 s13, s19  }
.LBB2_81:
0x51a: {  	p0 =	sne.s32 s10, $0xF800  }
.Ltmp39:
0x51b: {  	_ = 	snop;
	(pc) =	sbr.rel @p0 .LBB2_81-.Ltmp39, $4  }
0x51c: {  	_ = 	snop  }
0x51d: {  	s11 =	sadd.s32 s10, s5  }
0x51e: {  	[hbm4b:s11+s7] =	stream.linear.scatter [tilespmem:s8], [sflag:$0x3], $0x200, $0x38;
	[tilespmem:$0x11600] =	vst v63  }
0x51f: {  	s10 =	sadd.s32 $0x800, s10;
	s8 =	sadd.s32 $0x208, s8  }
0x520: {  	s5 =	simm.s32 $0x30;
	s7 =	simm.s32 $0x0  }
0x521: {  	s8 =	simm.s32 $0x10;
	s7 =	sand.u32 $0xC00, s7;
	s5 =	sand.u32 $0x70, s5  }
0x522: {  	s10 =	simm.s32 $0x0;
	s8 =	sand.u32 $0x50, s8;
	s5 =	sor.u32 s5, s7  }
0x523: {  	s11 =	simm.s32 $0x20;
	s18 =	sand.u32 $0x40, s10;
	s8 =	sor.u32 s8, s7;
	v17 =	vld [tilespmem:s5+$0x300]  }
0x524: {  	s19 =	sand.u32 $0x60, s11;
	s5 =	sor.u32 s18, s7;
	v18 =	vld [tilespmem:s8+$0x300]  }
0x525: {  	s7 =	sor.u32 s19, s7;
	v19 =	vld [tilespmem:s5+$0x300]  }
0x526: {  	v20 =	vld [tilespmem:s7+$0x300]  }
0x527: {  	s15 =	simm.s32 $0x50;
	s11 =	simm.s32 $0x200;
	s8 =	simm.s32 $0x70  }
0x528: {  	s7 =	simm.s32 $0x1020;
	s5 =	sand.u32 $0xC00, s11;
	s14 =	sand.u32 $0x70, s8;
	vm0 =	vlt.u32 v17, $0xF4240  }
0x529: {  	s11 =	sand.u32 $0x50, s15;
	s10 =	sor.u32 s14, s5;
	s14 =	simm.s32 $0x40;
	vm14 =	vlt.u32 v18, $0xF4240;
	v21 =	vnsel vm0, $0x0, v17  }
0x52a: {  	s15 =	simm.s32 $0x60;
	s11 =	sor.u32 s11, s5;
	s18 =	sand.u32 $0x40, s14;
	v17 =	vld [tilespmem:s10+$0x300];
	vm1 =	vlt.u32 v19, $0xF4240;
	[tilespmem:s7+$0x10] =	vst v21;
	v21 =	vnsel vm14, $0x0, v18  }
0x52b: {  	s19 =	sand.u32 $0x60, s15;
	s10 =	sor.u32 s18, s5;
	vm15 =	vlt.u32 v20, $0xF4240;
	v18 =	vld [tilespmem:s11+$0x300];
	v22 =	vnsel vm1, $0x0, v19;
	[tilespmem:s7+$0xFFFFFFF0] =	vst v21  }
0x52c: {  	s15 =	simm.s32 $0x4;
	s5 =	sor.u32 s19, s5;
	v19 =	vld [tilespmem:s10+$0x300];
	s10 =	simm.s32 $0x1000;
	v20 =	vnsel vm15, $0x0, v20;
	[tilespmem:s7+$0xFFFFFFE0] =	vst v22  }
.LBB2_83:
0x52d: {  	s11 =	sshrl.u32 s10, $0x2  }
0x52e: {  	s15 =	sadd.s32 $0x4, s15;
	v21 =	vld [tilespmem:s5+$0x300];
	s8 =	sadd.s32 $0x40, s8;
	[tilespmem:s7+$0x0] =	vst v20;
	s7 =	sadd.s32 $0x40, s7  }
0x52f: {  	s5 =	sand.u32 $0xC00, s11;
	s11 =	sand.u32 $0x70, s8;
	p0 =	slt.u32 s15, $0x1C;
	vm0 =	vlt.u32 v17, $0xF4240  }
.Ltmp40:
0x530: {  	s14 =	sadd.s32 $0xFFFFFFE0, s8;
	s11 =	sor.u32 s11, s5;
	v20 =	vnsel vm0, $0x0, v17;
	(pc) =	sbr.rel @p0 .LBB2_83-.Ltmp40, $4  }
0x531: {  	s18 =	sadd.s32 $0xFFFFFFD0, s8;
	s19 =	sadd.s32 $0xFFFFFFF0, s8;
	s14 =	sand.u32 $0x50, s14;
	v17 =	vld [tilespmem:s11+$0x300];
	vm0 =	vlt.u32 v18, $0xF4240;
	[tilespmem:s7+$0x10] =	vst v20  }
0x532: {  	s11 =	sand.u32 $0x40, s18;
	s14 =	sor.u32 s14, s5;
	s18 =	sand.u32 $0x60, s19;
	vm1 =	vlt.u32 v19, $0xF4240;
	v20 =	vnsel vm0, $0x0, v18  }
0x533: {  	s11 =	sor.u32 s11, s5;
	s5 =	sor.u32 s18, s5;
	v18 =	vld [tilespmem:s14+$0x300];
	v22 =	vnsel vm1, $0x0, v19;
	[tilespmem:s7+$0xFFFFFFF0] =	vst v20;
	vm0 =	vlt.u32 v21, $0xF4240  }
0x534: {  	s10 =	sadd.s32 $0x800, s10;
	v19 =	vld [tilespmem:s11+$0x300];
	[tilespmem:s7+$0xFFFFFFE0] =	vst v22;
	v20 =	vnsel vm0, $0x0, v21  }
0x535: {  	v21 =	vld [tilespmem:s5+$0x300];
	_ =	sdelay $0x1  }
0x536: {  	vm0 =	vlt.u32 v17, $0xF4240  }
0x537: {  	[tilespmem:s7+$0x0] =	vst v20;
	s18 =	sadd.s32 $0x40, s7;
	v17 =	vnsel vm0, $0x0, v17;
	vm14 =	vlt.u32 v18, $0xF4240  }
0x538: {  	[tilespmem:s18+$0x10] =	vst v17;
	vm1 =	vlt.u32 v19, $0xF4240;
	v17 =	vnsel vm14, $0x0, v18  }
0x539: {  	v18 =	vnsel vm1, $0x0, v19;
	[tilespmem:s18+$0xFFFFFFF0] =	vst v17;
	vm15 =	vlt.u32 v21, $0xF4240  }
0x53a: {  	[tilespmem:s18+$0xFFFFFFE0] =	vst v18;
	v17 =	vnsel vm15, $0x0, v21  }
0x53b: {  	[tilespmem:s18+$0x0] =	vst v17  }
0x53c: {  	[tilespmem:s26], [sflag:$0x1] =	stream.indirect.gather [hbm4b:s1+s24], $0x20, s25, s24, $0xb8;
	[tilespmem:$0x11600] =	vst v63  }
0x53d: {  	s19 =	simm.s32 $0x7;
	_ =	swait.ge [sflag:s0], $0x4000  }
0x53e: {  	s7 =	simm.s32 $0x0;
	v17 =	vmov s19;
	[sflag:s0] =	ssyncset.done $0x0  }
0x53f: {  	v18 =	vmov s7;
	v17 =	vshrl.u32 v17, $0x3;
	[sflag:s0] =	ssyncadd.s32 $0xFFFFC000  }
0x540: {  	v18 =	vshrl.u32 v18, $0x3;
	v17 =	vshll.u32 v17, v1;
	_ =	swait.ge [sflag:s9], $0x4000  }
0x541: {  	s8 =	simm.s32 $0x1;
	s10 =	simm.s32 $0x2;
	v18 =	vshll.u32 v18, v1;
	v17 =	vbroadcast v17, $0x0;
	[sflag:s9] =	ssyncset.done $0x0  }
0x542: {  	v22 =	vmov s10;
	v19 =	vmov s8;
	s7 =	simm.s32 $0x5480;
	v18 =	vbroadcast v18, $0x0;
	[sflag:s9] =	ssyncadd.s32 $0xFFFFC000  }
0x543: {  	v22 =	vshrl.u32 v22, $0x3;
	v19 =	vshrl.u32 v19, $0x3;
	v21 =	vadd.s32 v15, v17;
	v20 =	vld [tilespmem:s7+$0x60]  }
0x544: {  	v22 =	vshll.u32 v22, v1;
	v19 =	vshll.u32 v19, v1;
	v25 =	vadd.s32 v0, v18;
	v24 =	vld [tilespmem:s7+$0xFFFFFF80]  }
0x545: {  	s11 =	simm.s32 $0x3;
	v22 =	vbroadcast v22, $0x0;
	v19 =	vbroadcast v19, $0x0;
	v17 =	vadd.s32 v16, v17;
	v23 =	vld [tilespmem:s7+$0x70]  }
0x546: {  	v27 =	vmov s11;
	v18 =	vadd.s32 v2, v18;
	v26 =	vld [tilespmem:s7+$0xFFFFFF90]  }
0x547: {  	s14 =	simm.s32 $0x4;
	v27 =	vshrl.u32 v27, $0x3;
	v33 =	vadd.s32 v5, v22;
	v29 =	vadd.s32 v3, v19;
	v28 =	vld [tilespmem:s7+$0xFFFFFFA0]  }
0x548: {  	v31 =	vadd.s32 v4, v19;
	v19 =	vshll.u32 v27, v1;
	v27 =	vmov s14;
	v32 =	vld [tilespmem:s7+$0xFFFFFFC0];
	[tilespmem:v21+s2+$0x0] =	vst.idx.msk $0xffff, v20  }
0x549: {  	s15 =	simm.s32 $0x5;
	v34 =	vbroadcast v19, $0x0;
	v19 =	vshrl.u32 v27, $0x3;
	v30 =	vld [tilespmem:s7+$0xFFFFFFB0];
	[tilespmem:v25+s2+$0x0] =	vst.idx.msk $0xffff, v24  }
0x54a: {  	v19 =	vshll.u32 v19, v1;
	v20 =	vld [tilespmem:s7+$0xFFFFFFD0];
	v25 =	vadd.s32 v6, v22;
	v22 =	vmov s15;
	[tilespmem:v17+s2+$0x0] =	vst.idx.msk $0xffff, v23  }
0x54b: {  	s18 =	simm.s32 $0x6;
	v35 =	vbroadcast v19, $0x0;
	v21 =	vadd.s32 v7, v34;
	[tilespmem:v18+s2+$0x0] =	vst.idx.msk $0xffff, v26;
	v17 =	vld [tilespmem:s7+$0xFFFFFFE0];
	v18 =	vshrl.u32 v22, $0x3  }
0x54c: {  	v19 =	vld [tilespmem:s7+$0xFFFFFFF0];
	[tilespmem:v29+s2+$0x0] =	vst.idx.msk $0xffff, v28;
	v23 =	vadd.s32 v8, v34;
	v22 =	vmov s18;
	v18 =	vshll.u32 v18, v1  }
0x54d: {  	s19 =	simm.s32 $0xF;
	v24 =	vld [tilespmem:s7+$0x0];
	[tilespmem:v33+s2+$0x0] =	vst.idx.msk $0xffff, v32;
	v26 =	vadd.s32 v9, v35;
	v29 =	vshrl.u32 v22, $0x3;
	v27 =	vbroadcast v18, $0x0  }
0x54e: {  	s8 =	simm.s32 $0x8;
	v28 =	vmov s19;
	s15 =	simm.s32 $0x10;
	[tilespmem:v31+s2+$0x0] =	vst.idx.msk $0xffff, v30;
	v22 =	vadd.s32 v10, v35;
	v18 =	vld [tilespmem:s7+$0x10];
	v29 =	vshll.u32 v29, v1  }
.LBB2_85:
0x54f: {  	p0 =	slt.u32 s15, $0x1F8;
	v28 =	vshrl.u32 v28, $0x3;
	[tilespmem:v25+s2+$0x0] =	vst.idx.msk $0xffff, v20;
	v20 =	vld [tilespmem:s7+$0x20];
	v25 =	vadd.s32 v11, v27;
	v29 =	vbroadcast v29, $0x0  }
0x550: {  	v30 =	vmov s8;
	v28 =	vshll.u32 v28, v1;
	[tilespmem:v21+s2+$0x0] =	vst.idx.msk $0xffff, v17;
	v17 =	vld [tilespmem:s7+$0x30];
	v21 =	vadd.s32 v12, v27  }
0x551: {  	s5 =	sadd.s32 $0x1, s8;
	v27 =	vshrl.u32 v30, $0x3;
	v28 =	vbroadcast v28, $0x0;
	[tilespmem:v23+s2+$0x0] =	vst.idx.msk $0xffff, v19;
	v19 =	vld [tilespmem:s7+$0x40];
	v23 =	vadd.s32 v13, v29  }
0x552: {  	v30 =	vmov s5;
	v27 =	vshll.u32 v27, v1;
	[tilespmem:v26+s2+$0x0] =	vst.idx.msk $0xffff, v24;
	v24 =	vld [tilespmem:s7+$0x50];
	v26 =	vadd.s32 v14, v29;
	s7 =	sadd.s32 $0x100, s7  }
0x553: {  	s5 =	sadd.s32 $0x2, s8;
	v27 =	vbroadcast v27, $0x0;
	v29 =	vshrl.u32 v30, $0x3;
	v30 =	vld [tilespmem:s7+$0x60];
	v31 =	vadd.s32 v15, v28;
	[tilespmem:v22+s2+$0x0] =	vst.idx.msk $0xffff, v18  }
0x554: {  	v18 =	vshll.u32 v29, v1;
	v22 =	vmov s5;
	v28 =	vadd.s32 v16, v28;
	v29 =	vld [tilespmem:s7+$0x70];
	[tilespmem:v25+s2+$0x0] =	vst.idx.msk $0xffff, v20  }
0x555: {  	s5 =	sadd.s32 $0x3, s8;
	v25 =	vadd.s32 v0, v27;
	v18 =	vbroadcast v18, $0x0;
	v22 =	vshrl.u32 v22, $0x3;
	v20 =	vld [tilespmem:s7+$0xFFFFFF80];
	[tilespmem:v21+s2+$0x0] =	vst.idx.msk $0xffff, v17  }
0x556: {  	v21 =	vadd.s32 v2, v27;
	v22 =	vshll.u32 v22, v1;
	v27 =	vmov s5;
	v17 =	vld [tilespmem:s7+$0xFFFFFF90];
	[tilespmem:v23+s2+$0x0] =	vst.idx.msk $0xffff, v19  }
0x557: {  	s5 =	sadd.s32 $0x4, s8;
	v23 =	vadd.s32 v3, v18;
	v22 =	vbroadcast v22, $0x0;
	v27 =	vshrl.u32 v27, $0x3;
	v19 =	vld [tilespmem:s7+$0xFFFFFFA0];
	[tilespmem:v26+s2+$0x0] =	vst.idx.msk $0xffff, v24  }
0x558: {  	v18 =	vadd.s32 v4, v18;
	v26 =	vshll.u32 v27, v1;
	v27 =	vmov s5;
	v24 =	vld [tilespmem:s7+$0xFFFFFFB0];
	[tilespmem:v31+s2+$0x0] =	vst.idx.msk $0xffff, v30  }
0x559: {  	s5 =	sadd.s32 $0x5, s8;
	v31 =	vadd.s32 v5, v22;
	v26 =	vbroadcast v26, $0x0;
	v27 =	vshrl.u32 v27, $0x3;
	v30 =	vld [tilespmem:s7+$0xFFFFFFC0];
	[tilespmem:v28+s2+$0x0] =	vst.idx.msk $0xffff, v29  }
.Ltmp41:
0x55a: {  	[tilespmem:v25+s2+$0x0] =	vst.idx.msk $0xffff, v20;
	v20 =	vld [tilespmem:s7+$0xFFFFFFD0];
	v25 =	vadd.s32 v6, v22;
	v22 =	vshll.u32 v27, v1;
	v27 =	vmov s5;
	(pc) =	sbr.rel @p0 .LBB2_85-.Ltmp41, $4  }
0x55b: {  	s5 =	sadd.s32 $0x6, s8;
	s8 =	smov.u32 s15;
	[tilespmem:v21+s2+$0x0] =	vst.idx.msk $0xffff, v17;
	v17 =	vld [tilespmem:s7+$0xFFFFFFE0];
	v21 =	vadd.s32 v7, v26;
	v22 =	vbroadcast v22, $0x0;
	v27 =	vshrl.u32 v27, $0x3  }
0x55c: {  	v28 =	vmov s5;
	[tilespmem:v23+s2+$0x0] =	vst.idx.msk $0xffff, v19;
	v19 =	vld [tilespmem:s7+$0xFFFFFFF0];
	v23 =	vadd.s32 v8, v26;
	v27 =	vshll.u32 v27, v1  }
0x55d: {  	s5 =	sadd.s32 $0x7, s15;
	v29 =	vshrl.u32 v28, $0x3;
	[tilespmem:v18+s2+$0x0] =	vst.idx.msk $0xffff, v24;
	v24 =	vld [tilespmem:s7+$0x0];
	v26 =	vadd.s32 v9, v22;
	v27 =	vbroadcast v27, $0x0  }
0x55e: {  	s15 =	sadd.s32 $0x8, s15;
	v28 =	vmov s5;
	v22 =	vadd.s32 v10, v22;
	v29 =	vshll.u32 v29, v1;
	[tilespmem:v31+s2+$0x0] =	vst.idx.msk $0xffff, v30;
	v18 =	vld [tilespmem:s7+$0x10]  }
0x55f: {  	_ =	sdelay $0x2  }
0x560: {  	v28 =	vshrl.u32 v28, $0x3  }
0x561: {  	[tilespmem:v25+s2+$0x0] =	vst.idx.msk $0xffff, v20;
	v59 =	vld [tilespmem:s7+$0x20];
	v60 =	vadd.s32 v11, v27;
	v29 =	vbroadcast v29, $0x0;
	v30 =	vmov s8  }
0x562: {  	v61 =	vadd.s32 v12, v27;
	s5 =	sadd.s32 $0x1, s8;
	v28 =	vshll.u32 v28, v1;
	[tilespmem:v21+s2+$0x0] =	vst.idx.msk $0xffff, v17;
	v17 =	vld [tilespmem:s7+$0x30];
	v62 =	vshrl.u32 v30, $0x3  }
0x563: {  	s11 =	sadd.s32 $0x2, s8;
	v33 =	vmov s5;
	v28 =	vbroadcast v28, $0x0;
	[tilespmem:v23+s2+$0x0] =	vst.idx.msk $0xffff, v19;
	v19 =	vld [tilespmem:s7+$0x40];
	v63 =	vadd.s32 v13, v29  }
0x564: {  	v34 =	vld [tilespmem:s7+$0x50];
	s10 =	sadd.s32 $0x100, s7;
	v38 =	vmov s11;
	v27 =	vshll.u32 v62, v1;
	v35 =	vadd.s32 v14, v29;
	[tilespmem:v26+s2+$0x0] =	vst.idx.msk $0xffff, v24  }
0x565: {  	s14 =	sadd.s32 $0x3, s8;
	v37 =	vld [tilespmem:s10+$0x60];
	v36 =	vshrl.u32 v33, $0x3;
	v27 =	vbroadcast v27, $0x0;
	v31 =	vadd.s32 v15, v28;
	[tilespmem:v22+s2+$0x0] =	vst.idx.msk $0xffff, v18  }
0x566: {  	v39 =	vld [tilespmem:s10+$0x70];
	v43 =	vmov s14;
	v18 =	vshll.u32 v36, v1;
	v28 =	vadd.s32 v16, v28;
	[tilespmem:v60+s2+$0x0] =	vst.idx.msk $0xffff, v59  }
0x567: {  	s15 =	sadd.s32 $0x4, s8;
	v40 =	vld [tilespmem:s10+$0xFFFFFF80];
	v22 =	vshrl.u32 v38, $0x3;
	v41 =	vadd.s32 v0, v27;
	v18 =	vbroadcast v18, $0x0;
	[tilespmem:v61+s2+$0x0] =	vst.idx.msk $0xffff, v17  }
0x568: {  	v47 =	vmov s15;
	v42 =	vadd.s32 v2, v27;
	v22 =	vshll.u32 v22, v1;
	v17 =	vld [tilespmem:s10+$0xFFFFFF90];
	[tilespmem:v63+s2+$0x0] =	vst.idx.msk $0xffff, v19  }
0x569: {  	s18 =	sadd.s32 $0x5, s8;
	v27 =	vshrl.u32 v43, $0x3;
	v22 =	vbroadcast v22, $0x0;
	v19 =	vld [tilespmem:s10+$0xFFFFFFA0];
	v44 =	vadd.s32 v3, v18;
	[tilespmem:v35+s2+$0x0] =	vst.idx.msk $0xffff, v34  }
0x56a: {  	v45 =	vld [tilespmem:s10+$0xFFFFFFB0];
	v52 =	vmov s18;
	v46 =	vshll.u32 v27, v1;
	v18 =	vadd.s32 v4, v18;
	[tilespmem:v31+s2+$0x0] =	vst.idx.msk $0xffff, v37  }
0x56b: {  	v48 =	vld [tilespmem:s10+$0xFFFFFFC0];
	v27 =	vshrl.u32 v47, $0x3;
	v26 =	vbroadcast v46, $0x0;
	v49 =	vadd.s32 v5, v22;
	[tilespmem:v28+s2+$0x0] =	vst.idx.msk $0xffff, v39  }
0x56c: {  	v50 =	vld [tilespmem:s10+$0xFFFFFFD0];
	v51 =	vshll.u32 v27, v1;
	v27 =	vshrl.u32 v52, $0x3;
	v22 =	vadd.s32 v6, v22;
	[tilespmem:v41+s2+$0x0] =	vst.idx.msk $0xffff, v40  }
0x56d: {  	s19 =	sadd.s32 $0x6, s8;
	v25 =	vbroadcast v51, $0x0;
	v55 =	vshll.u32 v27, v1;
	v53 =	vadd.s32 v7, v26;
	[tilespmem:v42+s2+$0x0] =	vst.idx.msk $0xffff, v17;
	v17 =	vld [tilespmem:s10+$0xFFFFFFE0]  }
0x56e: {  	v56 =	vmov s19;
	v54 =	vadd.s32 v8, v26;
	v26 =	vbroadcast v55, $0x0;
	[tilespmem:v44+s2+$0x0] =	vst.idx.msk $0xffff, v19;
	v19 =	vld [tilespmem:s10+$0xFFFFFFF0]  }
0x56f: {  	v27 =	vshrl.u32 v56, $0x3;
	v57 =	vadd.s32 v9, v25;
	[tilespmem:v18+s2+$0x0] =	vst.idx.msk $0xffff, v45;
	v18 =	vld [tilespmem:s10+$0x0]  }
0x570: {  	v59 =	vld [tilespmem:s10+$0x20];
	v27 =	vshll.u32 v27, v1;
	v60 =	vadd.s32 v11, v26;
	[tilespmem:v49+s2+$0x0] =	vst.idx.msk $0xffff, v48  }
0x571: {  	v58 =	vld [tilespmem:s10+$0x10];
	v25 =	vadd.s32 v10, v25;
	v27 =	vbroadcast v27, $0x0;
	[tilespmem:v22+s2+$0x0] =	vst.idx.msk $0xffff, v50  }
0x572: {  	v61 =	vadd.s32 v12, v26;
	[tilespmem:v53+s2+$0x0] =	vst.idx.msk $0xffff, v17;
	v17 =	vld [tilespmem:s10+$0x30]  }
0x573: {  	v62 =	vadd.s32 v13, v27;
	[tilespmem:v54+s2+$0x0] =	vst.idx.msk $0xffff, v19;
	v19 =	vld [tilespmem:s10+$0x40]  }
0x574: {  	v63 =	vadd.s32 v14, v27;
	[tilespmem:v57+s2+$0x0] =	vst.idx.msk $0xffff, v18;
	v18 =	vld [tilespmem:s10+$0x50]  }
0x575: {  	[tilespmem:v60+s2+$0x0] =	vst.idx.msk $0xffff, v59  }
0x576: {  	[tilespmem:v25+s2+$0x0] =	vst.idx.msk $0xffff, v58  }
0x577: {  	[tilespmem:v61+s2+$0x0] =	vst.idx.msk $0xffff, v17  }
0x578: {  	s8 =	simm.s32 $0xD500;
	[tilespmem:v62+s2+$0x0] =	vst.idx.msk $0xffff, v19  }
0x579: {  	s5 =	sadd.s32 s13, s20;
	s7 =	simm.s32 $0x0;
	s10 =	simm.s32 $0x0;
	[tilespmem:v63+s2+$0x0] =	vst.idx.msk $0xffff, v18  }
.LBB2_87:
0x57a: {  	p0 =	sne.s32 s10, $0xF800  }
.Ltmp42:
0x57b: {  	_ = 	snop;
	(pc) =	sbr.rel @p0 .LBB2_87-.Ltmp42, $4  }
0x57c: {  	_ = 	snop  }
0x57d: {  	s11 =	sadd.s32 s10, s5  }
0x57e: {  	[hbm4b:s11+s7] =	stream.linear.scatter [tilespmem:s8], [sflag:$0x4], $0x200, $0x38;
	[tilespmem:$0x11600] =	vst v63  }
0x57f: {  	s10 =	sadd.s32 $0x800, s10;
	s8 =	sadd.s32 $0x208, s8  }
0x580: {  	s5 =	simm.s32 $0x30;
	s7 =	simm.s32 $0x0  }
0x581: {  	s8 =	simm.s32 $0x10;
	s7 =	sand.u32 $0xC00, s7;
	s5 =	sand.u32 $0x70, s5  }
0x582: {  	s10 =	simm.s32 $0x0;
	s8 =	sand.u32 $0x50, s8;
	s5 =	sor.u32 s5, s7  }
0x583: {  	s11 =	simm.s32 $0x20;
	s18 =	sand.u32 $0x40, s10;
	s8 =	sor.u32 s8, s7;
	v17 =	vld [tilespmem:s5+$0x380]  }
0x584: {  	s19 =	sand.u32 $0x60, s11;
	s5 =	sor.u32 s18, s7;
	v18 =	vld [tilespmem:s8+$0x380]  }
0x585: {  	s7 =	sor.u32 s19, s7;
	v19 =	vld [tilespmem:s5+$0x380]  }
0x586: {  	v20 =	vld [tilespmem:s7+$0x380]  }
0x587: {  	s15 =	simm.s32 $0x50;
	s11 =	simm.s32 $0x200;
	s8 =	simm.s32 $0x70  }
0x588: {  	s7 =	simm.s32 $0x1220;
	s5 =	sand.u32 $0xC00, s11;
	s14 =	sand.u32 $0x70, s8;
	vm0 =	vlt.u32 v17, $0xF4240  }
0x589: {  	s11 =	sand.u32 $0x50, s15;
	s10 =	sor.u32 s14, s5;
	s14 =	simm.s32 $0x40;
	vm14 =	vlt.u32 v18, $0xF4240;
	v21 =	vnsel vm0, $0x0, v17  }
0x58a: {  	s15 =	simm.s32 $0x60;
	s11 =	sor.u32 s11, s5;
	s18 =	sand.u32 $0x40, s14;
	v17 =	vld [tilespmem:s10+$0x380];
	vm1 =	vlt.u32 v19, $0xF4240;
	[tilespmem:s7+$0x10] =	vst v21;
	v21 =	vnsel vm14, $0x0, v18  }
0x58b: {  	s19 =	sand.u32 $0x60, s15;
	s10 =	sor.u32 s18, s5;
	vm15 =	vlt.u32 v20, $0xF4240;
	v18 =	vld [tilespmem:s11+$0x380];
	v22 =	vnsel vm1, $0x0, v19;
	[tilespmem:s7+$0xFFFFFFF0] =	vst v21  }
0x58c: {  	s15 =	simm.s32 $0x4;
	s5 =	sor.u32 s19, s5;
	v19 =	vld [tilespmem:s10+$0x380];
	s10 =	simm.s32 $0x1000;
	v20 =	vnsel vm15, $0x0, v20;
	[tilespmem:s7+$0xFFFFFFE0] =	vst v22  }
.LBB2_89:
0x58d: {  	s11 =	sshrl.u32 s10, $0x2  }
0x58e: {  	s15 =	sadd.s32 $0x4, s15;
	v21 =	vld [tilespmem:s5+$0x380];
	s8 =	sadd.s32 $0x40, s8;
	[tilespmem:s7+$0x0] =	vst v20;
	s7 =	sadd.s32 $0x40, s7  }
0x58f: {  	s5 =	sand.u32 $0xC00, s11;
	s11 =	sand.u32 $0x70, s8;
	p0 =	slt.u32 s15, $0x1C;
	vm0 =	vlt.u32 v17, $0xF4240  }
.Ltmp43:
0x590: {  	s14 =	sadd.s32 $0xFFFFFFE0, s8;
	s11 =	sor.u32 s11, s5;
	v20 =	vnsel vm0, $0x0, v17;
	(pc) =	sbr.rel @p0 .LBB2_89-.Ltmp43, $4  }
0x591: {  	s18 =	sadd.s32 $0xFFFFFFD0, s8;
	s19 =	sadd.s32 $0xFFFFFFF0, s8;
	s14 =	sand.u32 $0x50, s14;
	v17 =	vld [tilespmem:s11+$0x380];
	vm0 =	vlt.u32 v18, $0xF4240;
	[tilespmem:s7+$0x10] =	vst v20  }
0x592: {  	s11 =	sand.u32 $0x40, s18;
	s14 =	sor.u32 s14, s5;
	s18 =	sand.u32 $0x60, s19;
	vm1 =	vlt.u32 v19, $0xF4240;
	v20 =	vnsel vm0, $0x0, v18  }
0x593: {  	s11 =	sor.u32 s11, s5;
	s5 =	sor.u32 s18, s5;
	v18 =	vld [tilespmem:s14+$0x380];
	v22 =	vnsel vm1, $0x0, v19;
	[tilespmem:s7+$0xFFFFFFF0] =	vst v20;
	vm0 =	vlt.u32 v21, $0xF4240  }
0x594: {  	s10 =	sadd.s32 $0x800, s10;
	v19 =	vld [tilespmem:s11+$0x380];
	[tilespmem:s7+$0xFFFFFFE0] =	vst v22;
	v20 =	vnsel vm0, $0x0, v21  }
0x595: {  	v21 =	vld [tilespmem:s5+$0x380];
	_ =	sdelay $0x1  }
0x596: {  	vm0 =	vlt.u32 v17, $0xF4240  }
0x597: {  	[tilespmem:s7+$0x0] =	vst v20;
	s18 =	sadd.s32 $0x40, s7;
	v17 =	vnsel vm0, $0x0, v17;
	vm14 =	vlt.u32 v18, $0xF4240  }
0x598: {  	[tilespmem:s18+$0x10] =	vst v17;
	vm1 =	vlt.u32 v19, $0xF4240;
	v17 =	vnsel vm14, $0x0, v18  }
0x599: {  	v18 =	vnsel vm1, $0x0, v19;
	[tilespmem:s18+$0xFFFFFFF0] =	vst v17;
	vm15 =	vlt.u32 v21, $0xF4240  }
0x59a: {  	[tilespmem:s18+$0xFFFFFFE0] =	vst v18;
	v17 =	vnsel vm15, $0x0, v21  }
0x59b: {  	[tilespmem:s18+$0x0] =	vst v17  }
0x59c: {  	[tilespmem:s29], [sflag:$0x2] =	stream.indirect.gather [hbm4b:s1+s24], $0x20, s28, s24, $0xb8;
	[tilespmem:$0x11600] =	vst v63  }
0x59d: {  	s19 =	simm.s32 $0x7;
	_ =	swait.ge [sflag:s30], $0x4000  }
0x59e: {  	s7 =	simm.s32 $0x0;
	v17 =	vmov s19;
	[sflag:s30] =	ssyncset.done $0x0  }
0x59f: {  	v18 =	vmov s7;
	v17 =	vshrl.u32 v17, $0x3;
	[sflag:s30] =	ssyncadd.s32 $0xFFFFC000  }
0x5a0: {  	v18 =	vshrl.u32 v18, $0x3;
	v17 =	vshll.u32 v17, v1;
	_ =	swait.ge [sflag:s22], $0x4000  }
0x5a1: {  	s8 =	simm.s32 $0x1;
	s10 =	simm.s32 $0x2;
	v18 =	vshll.u32 v18, v1;
	v17 =	vbroadcast v17, $0x0;
	[sflag:s22] =	ssyncset.done $0x0  }
0x5a2: {  	v22 =	vmov s10;
	v19 =	vmov s8;
	s7 =	simm.s32 $0x1480;
	v18 =	vbroadcast v18, $0x0;
	[sflag:s22] =	ssyncadd.s32 $0xFFFFC000  }
0x5a3: {  	v22 =	vshrl.u32 v22, $0x3;
	v19 =	vshrl.u32 v19, $0x3;
	v21 =	vadd.s32 v15, v17;
	v20 =	vld [tilespmem:s7+$0x60]  }
0x5a4: {  	v22 =	vshll.u32 v22, v1;
	v19 =	vshll.u32 v19, v1;
	v25 =	vadd.s32 v0, v18;
	v24 =	vld [tilespmem:s7+$0xFFFFFF80]  }
0x5a5: {  	s11 =	simm.s32 $0x3;
	v22 =	vbroadcast v22, $0x0;
	v19 =	vbroadcast v19, $0x0;
	v17 =	vadd.s32 v16, v17;
	v23 =	vld [tilespmem:s7+$0x70]  }
0x5a6: {  	v27 =	vmov s11;
	v18 =	vadd.s32 v2, v18;
	v26 =	vld [tilespmem:s7+$0xFFFFFF90]  }
0x5a7: {  	s14 =	simm.s32 $0x4;
	v27 =	vshrl.u32 v27, $0x3;
	v33 =	vadd.s32 v5, v22;
	v29 =	vadd.s32 v3, v19;
	v28 =	vld [tilespmem:s7+$0xFFFFFFA0]  }
0x5a8: {  	v31 =	vadd.s32 v4, v19;
	v19 =	vshll.u32 v27, v1;
	v27 =	vmov s14;
	v32 =	vld [tilespmem:s7+$0xFFFFFFC0];
	[tilespmem:v21+s31+$0x0] =	vst.idx.msk $0xffff, v20  }
0x5a9: {  	s15 =	simm.s32 $0x5;
	v34 =	vbroadcast v19, $0x0;
	v19 =	vshrl.u32 v27, $0x3;
	v30 =	vld [tilespmem:s7+$0xFFFFFFB0];
	[tilespmem:v25+s31+$0x0] =	vst.idx.msk $0xffff, v24  }
0x5aa: {  	v19 =	vshll.u32 v19, v1;
	v20 =	vld [tilespmem:s7+$0xFFFFFFD0];
	v25 =	vadd.s32 v6, v22;
	v22 =	vmov s15;
	[tilespmem:v17+s31+$0x0] =	vst.idx.msk $0xffff, v23  }
0x5ab: {  	s18 =	simm.s32 $0x6;
	v35 =	vbroadcast v19, $0x0;
	v21 =	vadd.s32 v7, v34;
	[tilespmem:v18+s31+$0x0] =	vst.idx.msk $0xffff, v26;
	v17 =	vld [tilespmem:s7+$0xFFFFFFE0];
	v18 =	vshrl.u32 v22, $0x3  }
0x5ac: {  	v19 =	vld [tilespmem:s7+$0xFFFFFFF0];
	[tilespmem:v29+s31+$0x0] =	vst.idx.msk $0xffff, v28;
	v23 =	vadd.s32 v8, v34;
	v22 =	vmov s18;
	v18 =	vshll.u32 v18, v1  }
0x5ad: {  	s19 =	simm.s32 $0xF;
	v24 =	vld [tilespmem:s7+$0x0];
	[tilespmem:v33+s31+$0x0] =	vst.idx.msk $0xffff, v32;
	v26 =	vadd.s32 v9, v35;
	v29 =	vshrl.u32 v22, $0x3;
	v27 =	vbroadcast v18, $0x0  }
0x5ae: {  	s8 =	simm.s32 $0x8;
	v28 =	vmov s19;
	s15 =	simm.s32 $0x10;
	[tilespmem:v31+s31+$0x0] =	vst.idx.msk $0xffff, v30;
	v22 =	vadd.s32 v10, v35;
	v18 =	vld [tilespmem:s7+$0x10];
	v29 =	vshll.u32 v29, v1  }
.LBB2_91:
0x5af: {  	p0 =	slt.u32 s15, $0x1F8;
	v28 =	vshrl.u32 v28, $0x3;
	[tilespmem:v25+s31+$0x0] =	vst.idx.msk $0xffff, v20;
	v20 =	vld [tilespmem:s7+$0x20];
	v25 =	vadd.s32 v11, v27;
	v29 =	vbroadcast v29, $0x0  }
0x5b0: {  	v30 =	vmov s8;
	v28 =	vshll.u32 v28, v1;
	[tilespmem:v21+s31+$0x0] =	vst.idx.msk $0xffff, v17;
	v17 =	vld [tilespmem:s7+$0x30];
	v21 =	vadd.s32 v12, v27  }
0x5b1: {  	s5 =	sadd.s32 $0x1, s8;
	v27 =	vshrl.u32 v30, $0x3;
	v28 =	vbroadcast v28, $0x0;
	[tilespmem:v23+s31+$0x0] =	vst.idx.msk $0xffff, v19;
	v19 =	vld [tilespmem:s7+$0x40];
	v23 =	vadd.s32 v13, v29  }
0x5b2: {  	v30 =	vmov s5;
	v27 =	vshll.u32 v27, v1;
	[tilespmem:v26+s31+$0x0] =	vst.idx.msk $0xffff, v24;
	v24 =	vld [tilespmem:s7+$0x50];
	v26 =	vadd.s32 v14, v29;
	s7 =	sadd.s32 $0x100, s7  }
0x5b3: {  	s5 =	sadd.s32 $0x2, s8;
	v27 =	vbroadcast v27, $0x0;
	v29 =	vshrl.u32 v30, $0x3;
	v30 =	vld [tilespmem:s7+$0x60];
	v31 =	vadd.s32 v15, v28;
	[tilespmem:v22+s31+$0x0] =	vst.idx.msk $0xffff, v18  }
0x5b4: {  	v18 =	vshll.u32 v29, v1;
	v22 =	vmov s5;
	v28 =	vadd.s32 v16, v28;
	v29 =	vld [tilespmem:s7+$0x70];
	[tilespmem:v25+s31+$0x0] =	vst.idx.msk $0xffff, v20  }
0x5b5: {  	s5 =	sadd.s32 $0x3, s8;
	v25 =	vadd.s32 v0, v27;
	v18 =	vbroadcast v18, $0x0;
	v22 =	vshrl.u32 v22, $0x3;
	v20 =	vld [tilespmem:s7+$0xFFFFFF80];
	[tilespmem:v21+s31+$0x0] =	vst.idx.msk $0xffff, v17  }
0x5b6: {  	v21 =	vadd.s32 v2, v27;
	v22 =	vshll.u32 v22, v1;
	v27 =	vmov s5;
	v17 =	vld [tilespmem:s7+$0xFFFFFF90];
	[tilespmem:v23+s31+$0x0] =	vst.idx.msk $0xffff, v19  }
0x5b7: {  	s5 =	sadd.s32 $0x4, s8;
	v23 =	vadd.s32 v3, v18;
	v22 =	vbroadcast v22, $0x0;
	v27 =	vshrl.u32 v27, $0x3;
	v19 =	vld [tilespmem:s7+$0xFFFFFFA0];
	[tilespmem:v26+s31+$0x0] =	vst.idx.msk $0xffff, v24  }
0x5b8: {  	v18 =	vadd.s32 v4, v18;
	v26 =	vshll.u32 v27, v1;
	v27 =	vmov s5;
	v24 =	vld [tilespmem:s7+$0xFFFFFFB0];
	[tilespmem:v31+s31+$0x0] =	vst.idx.msk $0xffff, v30  }
0x5b9: {  	s5 =	sadd.s32 $0x5, s8;
	v31 =	vadd.s32 v5, v22;
	v26 =	vbroadcast v26, $0x0;
	v27 =	vshrl.u32 v27, $0x3;
	v30 =	vld [tilespmem:s7+$0xFFFFFFC0];
	[tilespmem:v28+s31+$0x0] =	vst.idx.msk $0xffff, v29  }
.Ltmp44:
0x5ba: {  	[tilespmem:v25+s31+$0x0] =	vst.idx.msk $0xffff, v20;
	v20 =	vld [tilespmem:s7+$0xFFFFFFD0];
	v25 =	vadd.s32 v6, v22;
	v22 =	vshll.u32 v27, v1;
	v27 =	vmov s5;
	(pc) =	sbr.rel @p0 .LBB2_91-.Ltmp44, $4  }
0x5bb: {  	s5 =	sadd.s32 $0x6, s8;
	s8 =	smov.u32 s15;
	[tilespmem:v21+s31+$0x0] =	vst.idx.msk $0xffff, v17;
	v17 =	vld [tilespmem:s7+$0xFFFFFFE0];
	v21 =	vadd.s32 v7, v26;
	v22 =	vbroadcast v22, $0x0;
	v27 =	vshrl.u32 v27, $0x3  }
0x5bc: {  	v28 =	vmov s5;
	[tilespmem:v23+s31+$0x0] =	vst.idx.msk $0xffff, v19;
	v19 =	vld [tilespmem:s7+$0xFFFFFFF0];
	v23 =	vadd.s32 v8, v26;
	v27 =	vshll.u32 v27, v1  }
0x5bd: {  	s5 =	sadd.s32 $0x7, s15;
	v29 =	vshrl.u32 v28, $0x3;
	[tilespmem:v18+s31+$0x0] =	vst.idx.msk $0xffff, v24;
	v24 =	vld [tilespmem:s7+$0x0];
	v26 =	vadd.s32 v9, v22;
	v27 =	vbroadcast v27, $0x0  }
0x5be: {  	s15 =	sadd.s32 $0x8, s15;
	v28 =	vmov s5;
	v22 =	vadd.s32 v10, v22;
	v29 =	vshll.u32 v29, v1;
	[tilespmem:v31+s31+$0x0] =	vst.idx.msk $0xffff, v30;
	v18 =	vld [tilespmem:s7+$0x10]  }
0x5bf: {  	_ =	sdelay $0x2  }
0x5c0: {  	v28 =	vshrl.u32 v28, $0x3  }
0x5c1: {  	[tilespmem:v25+s31+$0x0] =	vst.idx.msk $0xffff, v20;
	v59 =	vld [tilespmem:s7+$0x20];
	v60 =	vadd.s32 v11, v27;
	v29 =	vbroadcast v29, $0x0;
	v30 =	vmov s8  }
0x5c2: {  	v61 =	vadd.s32 v12, v27;
	s5 =	sadd.s32 $0x1, s8;
	v28 =	vshll.u32 v28, v1;
	[tilespmem:v21+s31+$0x0] =	vst.idx.msk $0xffff, v17;
	v17 =	vld [tilespmem:s7+$0x30];
	v62 =	vshrl.u32 v30, $0x3  }
0x5c3: {  	s11 =	sadd.s32 $0x2, s8;
	v33 =	vmov s5;
	v28 =	vbroadcast v28, $0x0;
	[tilespmem:v23+s31+$0x0] =	vst.idx.msk $0xffff, v19;
	v19 =	vld [tilespmem:s7+$0x40];
	v63 =	vadd.s32 v13, v29  }
0x5c4: {  	v34 =	vld [tilespmem:s7+$0x50];
	s10 =	sadd.s32 $0x100, s7;
	v38 =	vmov s11;
	v27 =	vshll.u32 v62, v1;
	v35 =	vadd.s32 v14, v29;
	[tilespmem:v26+s31+$0x0] =	vst.idx.msk $0xffff, v24  }
0x5c5: {  	s14 =	sadd.s32 $0x3, s8;
	v37 =	vld [tilespmem:s10+$0x60];
	v36 =	vshrl.u32 v33, $0x3;
	v27 =	vbroadcast v27, $0x0;
	v31 =	vadd.s32 v15, v28;
	[tilespmem:v22+s31+$0x0] =	vst.idx.msk $0xffff, v18  }
0x5c6: {  	v39 =	vld [tilespmem:s10+$0x70];
	v43 =	vmov s14;
	v18 =	vshll.u32 v36, v1;
	v28 =	vadd.s32 v16, v28;
	[tilespmem:v60+s31+$0x0] =	vst.idx.msk $0xffff, v59  }
0x5c7: {  	s15 =	sadd.s32 $0x4, s8;
	v40 =	vld [tilespmem:s10+$0xFFFFFF80];
	v22 =	vshrl.u32 v38, $0x3;
	v41 =	vadd.s32 v0, v27;
	v18 =	vbroadcast v18, $0x0;
	[tilespmem:v61+s31+$0x0] =	vst.idx.msk $0xffff, v17  }
0x5c8: {  	v47 =	vmov s15;
	v42 =	vadd.s32 v2, v27;
	v22 =	vshll.u32 v22, v1;
	v17 =	vld [tilespmem:s10+$0xFFFFFF90];
	[tilespmem:v63+s31+$0x0] =	vst.idx.msk $0xffff, v19  }
0x5c9: {  	s18 =	sadd.s32 $0x5, s8;
	v27 =	vshrl.u32 v43, $0x3;
	v22 =	vbroadcast v22, $0x0;
	v19 =	vld [tilespmem:s10+$0xFFFFFFA0];
	v44 =	vadd.s32 v3, v18;
	[tilespmem:v35+s31+$0x0] =	vst.idx.msk $0xffff, v34  }
0x5ca: {  	v45 =	vld [tilespmem:s10+$0xFFFFFFB0];
	v52 =	vmov s18;
	v46 =	vshll.u32 v27, v1;
	v18 =	vadd.s32 v4, v18;
	[tilespmem:v31+s31+$0x0] =	vst.idx.msk $0xffff, v37  }
0x5cb: {  	v48 =	vld [tilespmem:s10+$0xFFFFFFC0];
	v27 =	vshrl.u32 v47, $0x3;
	v26 =	vbroadcast v46, $0x0;
	v49 =	vadd.s32 v5, v22;
	[tilespmem:v28+s31+$0x0] =	vst.idx.msk $0xffff, v39  }
0x5cc: {  	v50 =	vld [tilespmem:s10+$0xFFFFFFD0];
	v51 =	vshll.u32 v27, v1;
	v27 =	vshrl.u32 v52, $0x3;
	v22 =	vadd.s32 v6, v22;
	[tilespmem:v41+s31+$0x0] =	vst.idx.msk $0xffff, v40  }
0x5cd: {  	s19 =	sadd.s32 $0x6, s8;
	v25 =	vbroadcast v51, $0x0;
	v55 =	vshll.u32 v27, v1;
	v53 =	vadd.s32 v7, v26;
	[tilespmem:v42+s31+$0x0] =	vst.idx.msk $0xffff, v17;
	v17 =	vld [tilespmem:s10+$0xFFFFFFE0]  }
0x5ce: {  	v56 =	vmov s19;
	v54 =	vadd.s32 v8, v26;
	v26 =	vbroadcast v55, $0x0;
	[tilespmem:v44+s31+$0x0] =	vst.idx.msk $0xffff, v19;
	v19 =	vld [tilespmem:s10+$0xFFFFFFF0]  }
0x5cf: {  	v27 =	vshrl.u32 v56, $0x3;
	v57 =	vadd.s32 v9, v25;
	[tilespmem:v18+s31+$0x0] =	vst.idx.msk $0xffff, v45;
	v18 =	vld [tilespmem:s10+$0x0]  }
0x5d0: {  	v59 =	vld [tilespmem:s10+$0x20];
	v27 =	vshll.u32 v27, v1;
	v60 =	vadd.s32 v11, v26;
	[tilespmem:v49+s31+$0x0] =	vst.idx.msk $0xffff, v48  }
0x5d1: {  	v58 =	vld [tilespmem:s10+$0x10];
	v25 =	vadd.s32 v10, v25;
	v27 =	vbroadcast v27, $0x0;
	[tilespmem:v22+s31+$0x0] =	vst.idx.msk $0xffff, v50  }
0x5d2: {  	v61 =	vadd.s32 v12, v26;
	[tilespmem:v53+s31+$0x0] =	vst.idx.msk $0xffff, v17;
	v17 =	vld [tilespmem:s10+$0x30]  }
0x5d3: {  	v62 =	vadd.s32 v13, v27;
	[tilespmem:v54+s31+$0x0] =	vst.idx.msk $0xffff, v19;
	v19 =	vld [tilespmem:s10+$0x40]  }
0x5d4: {  	v63 =	vadd.s32 v14, v27;
	[tilespmem:v57+s31+$0x0] =	vst.idx.msk $0xffff, v18;
	v18 =	vld [tilespmem:s10+$0x50]  }
0x5d5: {  	[tilespmem:v60+s31+$0x0] =	vst.idx.msk $0xffff, v59  }
0x5d6: {  	[tilespmem:v25+s31+$0x0] =	vst.idx.msk $0xffff, v58  }
0x5d7: {  	[tilespmem:v61+s31+$0x0] =	vst.idx.msk $0xffff, v17  }
0x5d8: {  	s8 =	simm.s32 $0x800;
	s7 =	sadd.s32 s13, s17;
	[tilespmem:v62+s31+$0x0] =	vst.idx.msk $0xffff, v19  }
0x5d9: {  	s5 =	simm.s32 $0x9400;
	s13 =	sadd.s32 $0x0, s7;
	s10 =	simm.s32 $0x9608;
	[tilespmem:v63+s31+$0x0] =	vst.idx.msk $0xffff, v18  }
.LBB2_93:
0x5da: {  	[hbm4b:s13+s3] =	stream.linear.scatter [tilespmem:s5], [sflag:$0x3], $0x200, $0x38;
	[tilespmem:$0x11600] =	vst v63  }
0x5db: {  	s11 =	smov.u32 s8;
	s5 =	smov.u32 s10;
	p0 =	sne.s32 s8, $0xF800  }
.Ltmp45:
0x5dc: {  	s8 =	sadd.s32 $0x800, s8;
	(pc) =	sbr.rel @p0 .LBB2_93-.Ltmp45, $2  }
0x5dd: {  	_ =	sdelay $0x2  }
0x5de: {  	s10 =	sadd.s32 $0x208, s10;
	s13 =	sadd.s32 s11, s7  }
0x5df: {  	s12 =	sadd.s32 $0x1, s12  }
0x5e0: {  	p0 =	sne.s32 s12, $0x19  }
.Ltmp46:
0x5e1: {  	_ = 	snop;
	(pc) =	sbr.rel @p0 .LBB2_46-.Ltmp46, $2  }
0x5e2: {  	_ =	sdelay $0x2  }
0x5e3: {  	[hbm4b:s13+s3] =	stream.linear.scatter [tilespmem:s5], [sflag:$0x3], $0x200, $0x38;
	[tilespmem:$0x11600] =	vst v63  }
0x5e4: {  	_ =	swait.ge [sflag:s0], $0x4000;
	s5 =	simm.s32 $0x7  }
0x5e5: {  	s10 =	simm.s32 $0x0;
	[sflag:s0] =	ssyncset.done $0x0;
	v17 =	vmov s5  }
0x5e6: {  	v18 =	vmov s10;
	[sflag:s0] =	ssyncadd.s32 $0xFFFFC000;
	v17 =	vshrl.u32 v17, $0x3  }
0x5e7: {  	v18 =	vshrl.u32 v18, $0x3;
	_ =	swait.ge [sflag:s9], $0x4000;
	v17 =	vshll.u32 v17, v1  }
0x5e8: {  	s11 =	simm.s32 $0x1;
	v18 =	vshll.u32 v18, v1;
	[sflag:s9] =	ssyncset.done $0x0;
	v17 =	vbroadcast v17, $0x0  }
0x5e9: {  	s7 =	simm.s32 $0x5480;
	s12 =	simm.s32 $0x2;
	v19 =	vmov s11;
	v18 =	vbroadcast v18, $0x0;
	[sflag:s9] =	ssyncadd.s32 $0xFFFFC000  }
0x5ea: {  	v22 =	vmov s12;
	v19 =	vshrl.u32 v19, $0x3;
	v20 =	vld [tilespmem:s7+$0x60];
	v21 =	vadd.s32 v15, v17  }
0x5eb: {  	v22 =	vshrl.u32 v22, $0x3;
	v19 =	vshll.u32 v19, v1;
	v24 =	vld [tilespmem:s7+$0xFFFFFF80];
	v25 =	vadd.s32 v0, v18  }
0x5ec: {  	s13 =	simm.s32 $0x3;
	v22 =	vshll.u32 v22, v1;
	v19 =	vbroadcast v19, $0x0;
	v23 =	vld [tilespmem:s7+$0x70];
	v17 =	vadd.s32 v16, v17  }
0x5ed: {  	v27 =	vmov s13;
	v22 =	vbroadcast v22, $0x0;
	v26 =	vld [tilespmem:s7+$0xFFFFFF90];
	v18 =	vadd.s32 v2, v18  }
0x5ee: {  	s14 =	simm.s32 $0x4;
	v27 =	vshrl.u32 v27, $0x3;
	v28 =	vld [tilespmem:s7+$0xFFFFFFA0];
	v29 =	vadd.s32 v3, v19;
	v31 =	vadd.s32 v4, v19  }
0x5ef: {  	v19 =	vshll.u32 v27, v1;
	v27 =	vmov s14;
	v32 =	vld [tilespmem:s7+$0xFFFFFFC0];
	v33 =	vadd.s32 v5, v22;
	[tilespmem:v21+s2+$0x0] =	vst.idx.msk $0xffff, v20  }
0x5f0: {  	s15 =	simm.s32 $0x5;
	v30 =	vld [tilespmem:s7+$0xFFFFFFB0];
	v34 =	vbroadcast v19, $0x0;
	v19 =	vshrl.u32 v27, $0x3;
	[tilespmem:v25+s2+$0x0] =	vst.idx.msk $0xffff, v24  }
0x5f1: {  	v19 =	vshll.u32 v19, v1;
	v20 =	vld [tilespmem:s7+$0xFFFFFFD0];
	v25 =	vadd.s32 v6, v22;
	v22 =	vmov s15;
	[tilespmem:v17+s2+$0x0] =	vst.idx.msk $0xffff, v23  }
0x5f2: {  	s18 =	simm.s32 $0x6;
	v35 =	vbroadcast v19, $0x0;
	v21 =	vadd.s32 v7, v34;
	[tilespmem:v18+s2+$0x0] =	vst.idx.msk $0xffff, v26;
	v17 =	vld [tilespmem:s7+$0xFFFFFFE0];
	v18 =	vshrl.u32 v22, $0x3  }
0x5f3: {  	v19 =	vld [tilespmem:s7+$0xFFFFFFF0];
	[tilespmem:v29+s2+$0x0] =	vst.idx.msk $0xffff, v28;
	v23 =	vadd.s32 v8, v34;
	v22 =	vmov s18;
	v18 =	vshll.u32 v18, v1  }
0x5f4: {  	s19 =	simm.s32 $0xF;
	v24 =	vld [tilespmem:s7+$0x0];
	[tilespmem:v33+s2+$0x0] =	vst.idx.msk $0xffff, v32;
	v26 =	vadd.s32 v9, v35;
	v29 =	vshrl.u32 v22, $0x3;
	v27 =	vbroadcast v18, $0x0  }
0x5f5: {  	s8 =	simm.s32 $0x8;
	s12 =	simm.s32 $0x10;
	v28 =	vmov s19;
	[tilespmem:v31+s2+$0x0] =	vst.idx.msk $0xffff, v30;
	v22 =	vadd.s32 v10, v35;
	v18 =	vld [tilespmem:s7+$0x10];
	v29 =	vshll.u32 v29, v1  }
.LBB2_96:
0x5f6: {  	p0 =	slt.u32 s12, $0x1F8;
	v28 =	vshrl.u32 v28, $0x3;
	[tilespmem:v25+s2+$0x0] =	vst.idx.msk $0xffff, v20;
	v20 =	vld [tilespmem:s7+$0x20];
	v25 =	vadd.s32 v11, v27;
	v29 =	vbroadcast v29, $0x0  }
0x5f7: {  	v30 =	vmov s8;
	v28 =	vshll.u32 v28, v1;
	[tilespmem:v21+s2+$0x0] =	vst.idx.msk $0xffff, v17;
	v17 =	vld [tilespmem:s7+$0x30];
	v21 =	vadd.s32 v12, v27  }
0x5f8: {  	s5 =	sadd.s32 $0x1, s8;
	v27 =	vshrl.u32 v30, $0x3;
	v28 =	vbroadcast v28, $0x0;
	[tilespmem:v23+s2+$0x0] =	vst.idx.msk $0xffff, v19;
	v19 =	vld [tilespmem:s7+$0x40];
	v23 =	vadd.s32 v13, v29  }
0x5f9: {  	v30 =	vmov s5;
	v27 =	vshll.u32 v27, v1;
	[tilespmem:v26+s2+$0x0] =	vst.idx.msk $0xffff, v24;
	v24 =	vld [tilespmem:s7+$0x50];
	v26 =	vadd.s32 v14, v29;
	s7 =	sadd.s32 $0x100, s7  }
0x5fa: {  	s5 =	sadd.s32 $0x2, s8;
	v27 =	vbroadcast v27, $0x0;
	v29 =	vshrl.u32 v30, $0x3;
	v30 =	vld [tilespmem:s7+$0x60];
	v31 =	vadd.s32 v15, v28;
	[tilespmem:v22+s2+$0x0] =	vst.idx.msk $0xffff, v18  }
0x5fb: {  	v18 =	vshll.u32 v29, v1;
	v22 =	vmov s5;
	v28 =	vadd.s32 v16, v28;
	v29 =	vld [tilespmem:s7+$0x70];
	[tilespmem:v25+s2+$0x0] =	vst.idx.msk $0xffff, v20  }
0x5fc: {  	s5 =	sadd.s32 $0x3, s8;
	v25 =	vadd.s32 v0, v27;
	v18 =	vbroadcast v18, $0x0;
	v22 =	vshrl.u32 v22, $0x3;
	v20 =	vld [tilespmem:s7+$0xFFFFFF80];
	[tilespmem:v21+s2+$0x0] =	vst.idx.msk $0xffff, v17  }
0x5fd: {  	v21 =	vadd.s32 v2, v27;
	v22 =	vshll.u32 v22, v1;
	v27 =	vmov s5;
	v17 =	vld [tilespmem:s7+$0xFFFFFF90];
	[tilespmem:v23+s2+$0x0] =	vst.idx.msk $0xffff, v19  }
0x5fe: {  	s5 =	sadd.s32 $0x4, s8;
	v23 =	vadd.s32 v3, v18;
	v22 =	vbroadcast v22, $0x0;
	v27 =	vshrl.u32 v27, $0x3;
	v19 =	vld [tilespmem:s7+$0xFFFFFFA0];
	[tilespmem:v26+s2+$0x0] =	vst.idx.msk $0xffff, v24  }
0x5ff: {  	v18 =	vadd.s32 v4, v18;
	v26 =	vshll.u32 v27, v1;
	v27 =	vmov s5;
	v24 =	vld [tilespmem:s7+$0xFFFFFFB0];
	[tilespmem:v31+s2+$0x0] =	vst.idx.msk $0xffff, v30  }
0x600: {  	s5 =	sadd.s32 $0x5, s8;
	v31 =	vadd.s32 v5, v22;
	v26 =	vbroadcast v26, $0x0;
	v27 =	vshrl.u32 v27, $0x3;
	v30 =	vld [tilespmem:s7+$0xFFFFFFC0];
	[tilespmem:v28+s2+$0x0] =	vst.idx.msk $0xffff, v29  }
.Ltmp47:
0x601: {  	[tilespmem:v25+s2+$0x0] =	vst.idx.msk $0xffff, v20;
	v20 =	vld [tilespmem:s7+$0xFFFFFFD0];
	v25 =	vadd.s32 v6, v22;
	v22 =	vshll.u32 v27, v1;
	v27 =	vmov s5;
	(pc) =	sbr.rel @p0 .LBB2_96-.Ltmp47, $4  }
0x602: {  	s5 =	sadd.s32 $0x6, s8;
	s8 =	smov.u32 s12;
	[tilespmem:v21+s2+$0x0] =	vst.idx.msk $0xffff, v17;
	v17 =	vld [tilespmem:s7+$0xFFFFFFE0];
	v21 =	vadd.s32 v7, v26;
	v22 =	vbroadcast v22, $0x0;
	v27 =	vshrl.u32 v27, $0x3  }
0x603: {  	v28 =	vmov s5;
	[tilespmem:v23+s2+$0x0] =	vst.idx.msk $0xffff, v19;
	v19 =	vld [tilespmem:s7+$0xFFFFFFF0];
	v23 =	vadd.s32 v8, v26;
	v27 =	vshll.u32 v27, v1  }
0x604: {  	s5 =	sadd.s32 $0x7, s12;
	v29 =	vshrl.u32 v28, $0x3;
	[tilespmem:v18+s2+$0x0] =	vst.idx.msk $0xffff, v24;
	v24 =	vld [tilespmem:s7+$0x0];
	v26 =	vadd.s32 v9, v22;
	v27 =	vbroadcast v27, $0x0  }
0x605: {  	s12 =	sadd.s32 $0x8, s12;
	v28 =	vmov s5;
	v22 =	vadd.s32 v10, v22;
	v29 =	vshll.u32 v29, v1;
	[tilespmem:v31+s2+$0x0] =	vst.idx.msk $0xffff, v30;
	v18 =	vld [tilespmem:s7+$0x10]  }
0x606: {  	_ =	sdelay $0x2  }
0x607: {  	v28 =	vshrl.u32 v28, $0x3  }
0x608: {  	[tilespmem:v25+s2+$0x0] =	vst.idx.msk $0xffff, v20;
	v59 =	vld [tilespmem:s7+$0x20];
	v60 =	vadd.s32 v11, v27;
	v29 =	vbroadcast v29, $0x0;
	v30 =	vmov s8  }
0x609: {  	v61 =	vadd.s32 v12, v27;
	s5 =	sadd.s32 $0x1, s8;
	v28 =	vshll.u32 v28, v1;
	[tilespmem:v21+s2+$0x0] =	vst.idx.msk $0xffff, v17;
	v17 =	vld [tilespmem:s7+$0x30];
	v62 =	vshrl.u32 v30, $0x3  }
0x60a: {  	s13 =	sadd.s32 $0x2, s8;
	v33 =	vmov s5;
	v28 =	vbroadcast v28, $0x0;
	[tilespmem:v23+s2+$0x0] =	vst.idx.msk $0xffff, v19;
	v19 =	vld [tilespmem:s7+$0x40];
	v63 =	vadd.s32 v13, v29  }
0x60b: {  	v34 =	vld [tilespmem:s7+$0x50];
	s12 =	sadd.s32 $0x100, s7;
	v38 =	vmov s13;
	v27 =	vshll.u32 v62, v1;
	v35 =	vadd.s32 v14, v29;
	[tilespmem:v26+s2+$0x0] =	vst.idx.msk $0xffff, v24  }
0x60c: {  	s14 =	sadd.s32 $0x3, s8;
	v37 =	vld [tilespmem:s12+$0x60];
	v36 =	vshrl.u32 v33, $0x3;
	v27 =	vbroadcast v27, $0x0;
	v31 =	vadd.s32 v15, v28;
	[tilespmem:v22+s2+$0x0] =	vst.idx.msk $0xffff, v18  }
0x60d: {  	v39 =	vld [tilespmem:s12+$0x70];
	v43 =	vmov s14;
	v18 =	vshll.u32 v36, v1;
	v28 =	vadd.s32 v16, v28;
	[tilespmem:v60+s2+$0x0] =	vst.idx.msk $0xffff, v59  }
0x60e: {  	s15 =	sadd.s32 $0x4, s8;
	v40 =	vld [tilespmem:s12+$0xFFFFFF80];
	v22 =	vshrl.u32 v38, $0x3;
	v41 =	vadd.s32 v0, v27;
	v18 =	vbroadcast v18, $0x0;
	[tilespmem:v61+s2+$0x0] =	vst.idx.msk $0xffff, v17  }
0x60f: {  	v47 =	vmov s15;
	v42 =	vadd.s32 v2, v27;
	v22 =	vshll.u32 v22, v1;
	v17 =	vld [tilespmem:s12+$0xFFFFFF90];
	[tilespmem:v63+s2+$0x0] =	vst.idx.msk $0xffff, v19  }
0x610: {  	s18 =	sadd.s32 $0x5, s8;
	v27 =	vshrl.u32 v43, $0x3;
	v22 =	vbroadcast v22, $0x0;
	v19 =	vld [tilespmem:s12+$0xFFFFFFA0];
	v44 =	vadd.s32 v3, v18;
	[tilespmem:v35+s2+$0x0] =	vst.idx.msk $0xffff, v34  }
0x611: {  	v45 =	vld [tilespmem:s12+$0xFFFFFFB0];
	v52 =	vmov s18;
	v46 =	vshll.u32 v27, v1;
	v18 =	vadd.s32 v4, v18;
	[tilespmem:v31+s2+$0x0] =	vst.idx.msk $0xffff, v37  }
0x612: {  	v48 =	vld [tilespmem:s12+$0xFFFFFFC0];
	v27 =	vshrl.u32 v47, $0x3;
	v26 =	vbroadcast v46, $0x0;
	v49 =	vadd.s32 v5, v22;
	[tilespmem:v28+s2+$0x0] =	vst.idx.msk $0xffff, v39  }
0x613: {  	v50 =	vld [tilespmem:s12+$0xFFFFFFD0];
	v51 =	vshll.u32 v27, v1;
	v27 =	vshrl.u32 v52, $0x3;
	v22 =	vadd.s32 v6, v22;
	[tilespmem:v41+s2+$0x0] =	vst.idx.msk $0xffff, v40  }
0x614: {  	s19 =	sadd.s32 $0x6, s8;
	v25 =	vbroadcast v51, $0x0;
	v55 =	vshll.u32 v27, v1;
	v53 =	vadd.s32 v7, v26;
	[tilespmem:v42+s2+$0x0] =	vst.idx.msk $0xffff, v17;
	v17 =	vld [tilespmem:s12+$0xFFFFFFE0]  }
0x615: {  	v56 =	vmov s19;
	v54 =	vadd.s32 v8, v26;
	v26 =	vbroadcast v55, $0x0;
	[tilespmem:v44+s2+$0x0] =	vst.idx.msk $0xffff, v19;
	v19 =	vld [tilespmem:s12+$0xFFFFFFF0]  }
0x616: {  	v27 =	vshrl.u32 v56, $0x3;
	v57 =	vadd.s32 v9, v25;
	[tilespmem:v18+s2+$0x0] =	vst.idx.msk $0xffff, v45;
	v18 =	vld [tilespmem:s12+$0x0]  }
0x617: {  	v59 =	vld [tilespmem:s12+$0x20];
	v27 =	vshll.u32 v27, v1;
	v60 =	vadd.s32 v11, v26;
	[tilespmem:v49+s2+$0x0] =	vst.idx.msk $0xffff, v48  }
0x618: {  	v58 =	vld [tilespmem:s12+$0x10];
	v25 =	vadd.s32 v10, v25;
	v27 =	vbroadcast v27, $0x0;
	[tilespmem:v22+s2+$0x0] =	vst.idx.msk $0xffff, v50  }
0x619: {  	v61 =	vadd.s32 v12, v26;
	[tilespmem:v53+s2+$0x0] =	vst.idx.msk $0xffff, v17;
	v17 =	vld [tilespmem:s12+$0x30]  }
0x61a: {  	v62 =	vadd.s32 v13, v27;
	[tilespmem:v54+s2+$0x0] =	vst.idx.msk $0xffff, v19;
	v19 =	vld [tilespmem:s12+$0x40]  }
0x61b: {  	v63 =	vadd.s32 v14, v27;
	[tilespmem:v57+s2+$0x0] =	vst.idx.msk $0xffff, v18;
	v18 =	vld [tilespmem:s12+$0x50]  }
0x61c: {  	[tilespmem:v60+s2+$0x0] =	vst.idx.msk $0xffff, v59  }
0x61d: {  	[tilespmem:v25+s2+$0x0] =	vst.idx.msk $0xffff, v58  }
0x61e: {  	[tilespmem:v61+s2+$0x0] =	vst.idx.msk $0xffff, v17  }
0x61f: {  	s10 =	sadd.s32 $0x0, s21;
	[tilespmem:v62+s2+$0x0] =	vst.idx.msk $0xffff, v19  }
0x620: {  	s8 =	simm.s32 $0xD708;
	s5 =	simm.s32 $0xD500;
	s7 =	simm.s32 $0x800;
	[tilespmem:v63+s2+$0x0] =	vst.idx.msk $0xffff, v18  }
.LBB2_98:
0x621: {  	[hbm4b:s10+s3] =	stream.linear.scatter [tilespmem:s5], [sflag:$0x4], $0x200, $0x38;
	[tilespmem:$0x11600] =	vst v63  }
0x622: {  	s10 =	smov.u32 s7;
	s5 =	smov.u32 s8;
	p0 =	sne.s32 s7, $0xF800  }
.Ltmp48:
0x623: {  	s7 =	sadd.s32 $0x800, s7;
	(pc) =	sbr.rel @p0 .LBB2_98-.Ltmp48, $2  }
0x624: {  	_ =	sdelay $0x2  }
0x625: {  	s8 =	sadd.s32 $0x208, s8;
	s10 =	sadd.s32 s10, s21  }
0x626: {  	[hbm4b:s10+s3] =	stream.linear.scatter [tilespmem:s5], [sflag:$0x4], $0x200, $0x38;
	[tilespmem:$0x11600] =	vst v63  }
0x627: {  	_ =	swait.ge [sflag:s22], $0x4000  }
0x628: {  	[sflag:s22] =	ssyncset.done $0x0  }
0x629: {  	[sflag:s22] =	ssyncadd.s32 $0xFFFFC000  }
0x62a: {  	_ =	swait.ge [sflag:s9], $0x4000  }
0x62b: {  	s7 =	rddreg [dreg:$0x11]  }
0x62c: {  	s19 =	rddreg [dreg:$0x10];
	s7 =	sadd.s32 $0x1, s7  }
0x62d: {  	p0 =	sne.s32 s7, s19  }
.Ltmp49:
0x62e: {  	_ = 	snop;
	(pc) =	sbr.rel @p0 .LBB2_1-.Ltmp49, $3  }
0x62f: {  	_ =	sdelay $0x1  }
0x630: {  	[sflag:s9] =	ssyncset.done $0x0  }
0x631: {  	[sflag:s9] =	ssyncadd.s32 $0xFFFFC000  }
0x632: {  	_ =	sfence.sel $0x180000  }
0x633: {  	[bflag:$0x0] =	sbarrier.arrive $0xFFFF  }
0x634: {  	_ =	strace $0x90000047  }
0x635: {  	s0 =	stileid.u32;
	[bflag:$0x2] =	sbarrier.arrive $0xFFFF  }
0x636: {  	p0 =	sne.s32 s0, $0x0;
	s0 =	rddreg [dreg:$0x3]  }
0x637: {  	s0 =	sadd.s32 @!p0 $0x100000, s0  }
0x638: {  	[sflag:s0] =	ssyncadd.tile.s32 @!p0 $0x1;
	_ =	shalt  }
.Lfunc_end2:
_tile_overlayer_lowered:
.L_overlay_start_2:
0x639: {  	(tag) =	ssettag $0x2  }
0x63a: {  	s0 =	rddreg [dreg:$0x0];
	s2 =	stileid.u32  }
0x63b: {  	s1 =	rddreg [dreg:$0x1];
	p0 =	sne.s32 s2, $0x0  }
0x63c: {  	s3 =	rddreg [dreg:$0x2];
	[bflag:$0x3] =	sbarrier.arrive $0xFFFF;
	s2 =	simm.s32 @!p0 $0x1C05  }
0x63d: {  	[timem:s3], [sflag:s2] =	dma.local @!p0 [hbm:s0], s1  }
0x63e: {  	s0 =	simm.s32 @!p0 $0x5  }
0x63f: {  	_ =	swait.ge @!p0 [sflag:s0], s1  }
0x640: {  	s1 =	ssub.s32 @!p0 $0x0, s1;
	[sflag:s0] =	ssyncset.done @!p0 $0x0  }
0x641: {  	[sflag:s0] =	ssyncadd.s32 @!p0 s1  }
0x642: {  	[bflag:$0x3] =	sbarrier.arrive $0xFFFF  }
0x643: {  	_ =	shalt  }

</sc_bundles>
